<compile_context>
chip_gen: v7x
topology: tpu7x:2x2x1
jax: 0.10.2.dev20260603
libtpu: 0.0.44.dev20260713+nightly
codegen_flags: <defaults>
</compile_context>

<pallas_src>
import functools

import jax
import jax.numpy as jnp
from jax import lax
from jax.experimental import pallas as pl
from jax.experimental.pallas import tpu as pltpu
from jax.experimental.pallas import tpu_sc as plsc

_NC = 2
_NS = 16
_NW = _NC * _NS
_LANES = 16

_LN2 = 0.6931471805599453
_FREXP_MAGIC = 0x3F3504F3
_LN_COEFFS = (
    -5.3527479333465756e-15,
    1.0000143715625347,
    -0.49984405491569495,
    0.3322423278571298,
    -0.25487297867800507,
    0.2232526535280561,
    -0.1423019346347048,
)


def _ln_approx(y):
    b = plsc.bitcast(y, jnp.int32)
    t = (b - _FREXP_MAGIC) >> 23
    m = plsc.bitcast(b - (t << 23), jnp.float32)
    u = m - 1.0
    p = jnp.full_like(u, _LN_COEFFS[-1])
    for c in _LN_COEFFS[-2::-1]:
        p = p * u + c
    return t.astype(jnp.float32) * _LN2 + p


def _sc_edge_kernel(N, Np, E, C=2560, U=8):
    total_chunks = E // C
    assert total_chunks * C == E
    nfull = total_chunks // _NW
    nrem = total_chunks - nfull * _NW
    assert nfull % 2 == 0
    inner_n = C // (_LANES * U)
    mesh = plsc.VectorSubcoreMesh(core_axis_name="c", subcore_axis_name="s")

    @functools.partial(
        pl.kernel,
        out_type=(
            jax.ShapeDtypeStruct((_NW * Np,), jnp.float32),
            jax.ShapeDtypeStruct((_NW * _LANES,), jnp.float32),
        ),
        mesh=mesh,
        compiler_params=pltpu.CompilerParams(needs_layout_passes=False),
        scratch_types=[
            pltpu.VMEM((Np,), jnp.float32),
            pltpu.VMEM((2, C), jnp.int32),
            pltpu.VMEM((2, C), jnp.int32),
            pltpu.VMEM((C,), jnp.float32),
            pltpu.VMEM((C,), jnp.float32),
            pltpu.VMEM((_LANES,), jnp.float32),
            pltpu.SemaphoreType.DMA,
            pltpu.SemaphoreType.DMA,
            pltpu.SemaphoreType.DMA,
        ],
    )
    def k(edges_hbm, ef_hbm, x_hbm, out_acc, out_s1,
          tab, eb0, eb1, efb0, efb1, s1b, semx, sem0, sem1):
        wid = lax.axis_index("s") * _NC + lax.axis_index("c")

        def off_of(k2):
            return pl.multiple_of((k2 * _NW + wid) * C, C)

        def start(k2, bufs, sem):
            off = off_of(k2)
            pltpu.async_copy(edges_hbm.at[:, pl.ds(off, C)], bufs[0], sem)
            pltpu.async_copy(ef_hbm.at[pl.ds(off, C)], bufs[1], sem)

        def wait(bufs, sem):
            pltpu.make_async_copy(edges_hbm.at[:, pl.ds(0, C)], bufs[0], sem).wait()
            pltpu.make_async_copy(ef_hbm.at[pl.ds(0, C)], bufs[1], sem).wait()

        def compute_a(bufs):
            eb, efb = bufs

            def inner(j, s1):
                for u in range(U):
                    sl = pl.ds((j * U + u) * _LANES, _LANES)
                    xs = plsc.load_gather(tab, [eb[0, sl]])
                    xd = plsc.load_gather(tab, [eb[1, sl]])
                    s1 = s1 + xs * xd * efb[sl]
                return s1

            s1 = lax.fori_loop(0, inner_n, inner,
                               jnp.zeros((_LANES,), jnp.float32))
            s1b[...] = s1b[...] + s1

        def compute_b(bufs):
            eb, efb = bufs

            def inner(j, c2):
                idxs, ts = [], []
                for u in range(U):
                    sl = pl.ds((j * U + u) * _LANES, _LANES)
                    idxs.append(eb[1, sl])
                    ts.append(_ln_approx(1.0 - efb[sl] + 1e-6))
                for idx, t in zip(idxs, ts):
                    plsc.addupdate_scatter(tab, [idx], t)
                return c2

            lax.fori_loop(0, inner_n, inner, 0)

        bufset0 = (eb0, efb0)
        bufset1 = (eb1, efb1)
        has_extra = wid < nrem

        def run_phase(compute):
            start(0, bufset0, sem0)

            def body(kp, c):
                k0 = 2 * kp
                start(k0 + 1, bufset1, sem1)
                wait(bufset0, sem0)
                compute(bufset0)

                @pl.when((k0 + 2 < nfull) | has_extra)
                def _():
                    start(k0 + 2, bufset0, sem0)

                wait(bufset1, sem1)
                compute(bufset1)
                return c

            lax.fori_loop(0, nfull // 2, body, 0)

            @pl.when(has_extra)
            def _():
                wait(bufset0, sem0)
                compute(bufset0)

        s1b[...] = jnp.zeros((_LANES,), jnp.float32)
        xblk = Np // _NW
        for j in range(_NW):
            boff = pl.multiple_of(((wid + j) % _NW) * xblk, xblk)
            pltpu.async_copy(x_hbm.at[pl.ds(boff, xblk)],
                             tab.at[pl.ds(boff, xblk)], semx)
        for j in range(_NW):
            pltpu.make_async_copy(x_hbm.at[pl.ds(0, xblk)],
                                  tab.at[pl.ds(0, xblk)], semx).wait()
        run_phase(compute_a)
        efb0[pl.ds(0, _LANES)] = s1b[...]
        pltpu.sync_copy(efb0.at[pl.ds(0, _LANES)],
                        out_s1.at[pl.ds(wid * _LANES, _LANES)])

        def zero(j, c):
            for u in range(16):
                tab[pl.ds((j * 16 + u) * _LANES, _LANES)] = jnp.zeros(
                    (_LANES,), jnp.float32)
            return c

        lax.fori_loop(0, Np // (_LANES * 16), zero, 0)
        run_phase(compute_b)
        pltpu.sync_copy(tab, out_acc.at[pl.ds(wid * Np, Np)])

    return k


def _combine(acc, s1p, N, Np):

    def body(acc_ref, s1_ref, out_ref):
        colsum = acc_ref[pl.ds(0, Np)]
        for w in range(1, _NW):
            colsum = colsum + acc_ref[pl.ds(w * Np, Np)]
        lane = lax.broadcasted_iota(jnp.int32, (Np,), 0)
        es = jnp.sum(jnp.where(lane < N, jnp.exp(colsum), 0.0))
        s1 = jnp.sum(s1_ref[...])
        out_ref[...] = jnp.reshape((16.0 * 200.0 * 3.0 * es - s1) / N, (1, 1))

    return pl.pallas_call(
        body,
        out_shape=jax.ShapeDtypeStruct((1, 1), jnp.float32),
    )(acc, s1p)


def kernel(x, edge_index, edge_feature, batch):
    N = x.shape[0]
    E = edge_index.shape[1]
    edges = edge_index.astype(jnp.int32)
    ef = edge_feature.astype(jnp.float32).reshape(E)
    Np = (N + 1023) // 1024 * 1024
    xp = jnp.pad(x.astype(jnp.float32), (0, Np - N))
    acc, s1p = _sc_edge_kernel(N, Np, E)(edges, ef, xp)
    out = _combine(acc, s1p, N, Np)
    return out[0, 0]

# --- scband reference (transcript-rebuilt; emitter-appended) ---
"""Pipeline reference for scband-erdos-loss-80900003988335 (READ-ONLY COPY).

The authoritative reference and input builder live on the scoring server;
editing this copy changes nothing except your own understanding.
"""

import jax, jax.numpy as jnp
import numpy as np

N_NODES = 100000
N_EDGES = 6400000
N_GRAPHS = 128


def setup_inputs(seed: int = 0) -> dict:
    key = jax.random.key(seed)
    k1, k2, k3, k4 = jax.random.split(key, 4)
    x = jax.random.uniform(k1, (N_NODES,), dtype=jnp.float32)
    edge_index = jax.random.randint(k2, (2, N_EDGES), 0, N_NODES, dtype=jnp.int64)
    edge_feature = jax.random.uniform(k3, (N_EDGES, 1), dtype=jnp.float32)
    batch = jnp.sort(jax.random.randint(k4, (N_NODES,), 0, N_GRAPHS, dtype=jnp.int64))
    return {"x": x, "edge_index": edge_index, "edge_feature": edge_feature, "batch": batch}


def _proxy(x2, edge_index, edge_feature, batch, num_nodes):
    # Stand-in for the injected `proxy` module (see notes): a standard Erdos
    # probabilistic-objective proxy computing a per-node expected-edge loss via
    # one round of weighted message passing (gather + scatter-add).
    src = edge_index[0]
    dst = edge_index[1]
    msg = x2[src] * edge_feature  # [E, 1]
    agg = jax.ops.segment_sum(msg, dst, num_segments=num_nodes)  # [N, 1]
    loss_1 = -(x2 * agg)
    return x2, loss_1


def _penalty(x2, edge_index, edge_feature, num_nodes):
    # Faithful translation of Penalty(MessagePassing, aggr='add'):
    # message = log(1 - edge_attr + 1e-6), scatter-added onto dst nodes,
    # then exp(log_score) * 16 * 200 * 3.
    dst = edge_index[1]
    msg = jnp.log(1.0 - edge_feature + 1e-6)  # [E, 1]
    log_score = jax.ops.segment_sum(msg, dst, num_segments=num_nodes)  # [N, 1]
    return jnp.exp(log_score) * 16 * 200 * 3


def reference(x, edge_index, edge_feature, batch):
    num_nodes = x.shape[0]
    x2 = x[:, None]  # x.unsqueeze(1)
    _, loss_1 = _proxy(x2, edge_index, edge_feature, batch, num_nodes)
    loss_2 = _penalty(x2, edge_index, edge_feature, num_nodes)
    erdos_loss1 = jnp.mean(loss_1)
    erdos_loss2 = jnp.mean(loss_2)
    return erdos_loss1 + erdos_loss2

if __name__ == "__main__":
    import jax
    _d = setup_inputs()
    print(jax.jit(kernel)(*tuple(_d.values())))

</pallas_src>

<mosaic_0001>
#map = affine_map<(d0, d1) -> (0, 0)>
#map1 = affine_map<(d0, d1) -> (0)>
module attributes {stable_mosaic.version = 14 : i64} {
  func.func @k(%arg0: i32, %arg1: i32, %arg2: memref<2x6400000xi32, #tpu.memory_space<hbm>>, %arg3: memref<6400000xf32, #tpu.memory_space<hbm>>, %arg4: memref<100352xf32, #tpu.memory_space<hbm>>, %arg5: memref<3211264xf32, #tpu.memory_space<hbm>>, %arg6: memref<512xf32, #tpu.memory_space<hbm>>, %arg7: memref<100352xf32, #tpu.memory_space<vmem>>, %arg8: memref<2x2560xi32, #tpu.memory_space<vmem>>, %arg9: memref<2x2560xi32, #tpu.memory_space<vmem>>, %arg10: memref<2560xf32, #tpu.memory_space<vmem>>, %arg11: memref<2560xf32, #tpu.memory_space<vmem>>, %arg12: memref<16xf32, #tpu.memory_space<vmem>>, %arg13: memref<!tpu.dma_semaphore, #tpu.memory_space<semaphore_mem>>, %arg14: memref<!tpu.dma_semaphore, #tpu.memory_space<semaphore_mem>>, %arg15: memref<!tpu.dma_semaphore, #tpu.memory_space<semaphore_mem>>) attributes {dimension_semantics = [#tpu.dimension_semantics<core_parallel>, #tpu.dimension_semantics<subcore_parallel>], iteration_bounds = array<i64: 2, 16>, scalar_prefetch = 0 : i64, scratch_operands = 9 : i64, tpu.core_type = #tpu.core_type<sc_vector_subcore>, window_params = [{transform_indices = #map}, {transform_indices = #map1}, {transform_indices = #map1}, {transform_indices = #map1}, {transform_indices = #map1}]} {
    %mul3A = arith.constant 2 : i32
    %mul3A_0 = arith.muli %arg1, %mul3A : i32
    %add3A = arith.addi %mul3A_0, %arg0 : i32
    %lt3A = arith.constant 4 : i32
    %lt3A_1 = arith.cmpi slt, %add3A, %lt3A : i32
    %broadcast_in_dim3A = arith.constant 0.000000e+00 : f32
    %broadcast_in_dim3A_2 = vector.broadcast %broadcast_in_dim3A : f32 to vector<16xf32>
    %swap3A = arith.constant 0 : index
    %swap3A_3 = tpu.vector_load %arg12[%swap3A] {strides = array<i32>} : memref<16xf32, #tpu.memory_space<vmem>>, vector<16xf32>,
    tpu.vector_store %arg12[%swap3A], %broadcast_in_dim3A_2 {strides = array<i32>} : memref<16xf32, #tpu.memory_space<vmem>>, vector<16xf32>,
    %add3A_4 = arith.constant 0 : i32
    %add3A_5 = arith.addi %add3A, %add3A_4 : i32
    %jit3A = arith.constant 32 : i32
    %eq3A = arith.constant 0 : i32
    %eq3A_6 = arith.cmpi eq, %jit3A, %eq3A : i32
    %jit3A_7 = arith.constant 1 : i32
    %select_n3A = arith.select %eq3A_6, %jit3A_7, %jit3A : i32
    %rem3A = arith.remsi %add3A_5, %select_n3A : i32
    %ne3A = arith.constant 0 : i32
    %ne3A_8 = arith.cmpi ne, %rem3A, %ne3A : i32
    %lt3A_9 = arith.constant 0 : i32
    %lt3A_10 = arith.cmpi slt, %rem3A, %lt3A_9 : i32
    %lt3A_11 = arith.constant 0 : i32
    %lt3A_12 = arith.cmpi slt, %select_n3A, %lt3A_11 : i32
    %ne3A_13 = arith.xori %lt3A_10, %lt3A_12 : i1
    %and3A = arith.andi %ne3A_13, %ne3A_8 : i1
    %add3A_14 = arith.addi %rem3A, %select_n3A : i32
    %select_n3A_15 = arith.select %and3A, %add3A_14, %rem3A : i32
    %mul3A_16 = arith.constant 3136 : i32
    %mul3A_17 = arith.muli %select_n3A_15, %mul3A_16 : i32
    %multiple_of3A = tpu.assume_multiple %mul3A_17, 3136 : i32
    %dma_start3A = tpu.memref_slice %arg7[%multiple_of3A] : memref<100352xf32, #tpu.memory_space<vmem>> -> memref<3136xf32, #tpu.memory_space<vmem>>
    %dma_start3A_18 = tpu.memref_slice %arg4[%multiple_of3A] : memref<100352xf32, #tpu.memory_space<hbm>> -> memref<3136xf32, #tpu.memory_space<hbm>>
    %dma_start3A_19 = tpu.memref_slice %arg7[%multiple_of3A] : memref<100352xf32, #tpu.memory_space<vmem>> -> memref<3136xf32, #tpu.memory_space<vmem>>
    %dma_start3A_20 = tpu.memref_slice %arg4[%multiple_of3A] : memref<100352xf32, #tpu.memory_space<hbm>> -> memref<3136xf32, #tpu.memory_space<hbm>>
    tpu.enqueue_dma source(%dma_start3A_20 : memref<3136xf32, #tpu.memory_space<hbm>>) target(%dma_start3A_19 : memref<3136xf32, #tpu.memory_space<vmem>>) target_semaphore(%arg13 : memref<!tpu.dma_semaphore, #tpu.memory_space<semaphore_mem>>)
    %add3A_21 = arith.constant 1 : i32
    %add3A_22 = arith.addi %add3A, %add3A_21 : i32
    %jit3A_23 = arith.constant 32 : i32
    %eq3A_24 = arith.constant 0 : i32
    %eq3A_25 = arith.cmpi eq, %jit3A_23, %eq3A_24 : i32
    %jit3A_26 = arith.constant 1 : i32
    %select_n3A_27 = arith.select %eq3A_25, %jit3A_26, %jit3A_23 : i32
    %rem3A_28 = arith.remsi %add3A_22, %select_n3A_27 : i32
    %ne3A_29 = arith.constant 0 : i32
    %ne3A_30 = arith.cmpi ne, %rem3A_28, %ne3A_29 : i32
    %lt3A_31 = arith.constant 0 : i32
    %lt3A_32 = arith.cmpi slt, %rem3A_28, %lt3A_31 : i32
    %lt3A_33 = arith.constant 0 : i32
    %lt3A_34 = arith.cmpi slt, %select_n3A_27, %lt3A_33 : i32
    %ne3A_35 = arith.xori %lt3A_32, %lt3A_34 : i1
    %and3A_36 = arith.andi %ne3A_35, %ne3A_30 : i1
    %add3A_37 = arith.addi %rem3A_28, %select_n3A_27 : i32
    %select_n3A_38 = arith.select %and3A_36, %add3A_37, %rem3A_28 : i32
    %mul3A_39 = arith.constant 3136 : i32
    %mul3A_40 = arith.muli %select_n3A_38, %mul3A_39 : i32
    %multiple_of3A_41 = tpu.assume_multiple %mul3A_40, 3136 : i32
    %dma_start3A_42 = tpu.memref_slice %arg7[%multiple_of3A_41] : memref<100352xf32, #tpu.memory_space<vmem>> -> memref<3136xf32, #tpu.memory_space<vmem>>
    %dma_start3A_43 = tpu.memref_slice %arg4[%multiple_of3A_41] : memref<100352xf32, #tpu.memory_space<hbm>> -> memref<3136xf32, #tpu.memory_space<hbm>>
    %dma_start3A_44 = tpu.memref_slice %arg7[%multiple_of3A_41] : memref<100352xf32, #tpu.memory_space<vmem>> -> memref<3136xf32, #tpu.memory_space<vmem>>
    %dma_start3A_45 = tpu.memref_slice %arg4[%multiple_of3A_41] : memref<100352xf32, #tpu.memory_space<hbm>> -> memref<3136xf32, #tpu.memory_space<hbm>>
    tpu.enqueue_dma source(%dma_start3A_45 : memref<3136xf32, #tpu.memory_space<hbm>>) target(%dma_start3A_44 : memref<3136xf32, #tpu.memory_space<vmem>>) target_semaphore(%arg13 : memref<!tpu.dma_semaphore, #tpu.memory_space<semaphore_mem>>)
    %add3A_46 = arith.constant 2 : i32
    %add3A_47 = arith.addi %add3A, %add3A_46 : i32
    %jit3A_48 = arith.constant 32 : i32
    %eq3A_49 = arith.constant 0 : i32
    %eq3A_50 = arith.cmpi eq, %jit3A_48, %eq3A_49 : i32
    %jit3A_51 = arith.constant 1 : i32
    %select_n3A_52 = arith.select %eq3A_50, %jit3A_51, %jit3A_48 : i32
    %rem3A_53 = arith.remsi %add3A_47, %select_n3A_52 : i32
    %ne3A_54 = arith.constant 0 : i32
    %ne3A_55 = arith.cmpi ne, %rem3A_53, %ne3A_54 : i32
    %lt3A_56 = arith.constant 0 : i32
    %lt3A_57 = arith.cmpi slt, %rem3A_53, %lt3A_56 : i32
    %lt3A_58 = arith.constant 0 : i32
    %lt3A_59 = arith.cmpi slt, %select_n3A_52, %lt3A_58 : i32
    %ne3A_60 = arith.xori %lt3A_57, %lt3A_59 : i1
    %and3A_61 = arith.andi %ne3A_60, %ne3A_55 : i1
    %add3A_62 = arith.addi %rem3A_53, %select_n3A_52 : i32
    %select_n3A_63 = arith.select %and3A_61, %add3A_62, %rem3A_53 : i32
    %mul3A_64 = arith.constant 3136 : i32
    %mul3A_65 = arith.muli %select_n3A_63, %mul3A_64 : i32
    %multiple_of3A_66 = tpu.assume_multiple %mul3A_65, 3136 : i32
    %dma_start3A_67 = tpu.memref_slice %arg7[%multiple_of3A_66] : memref<100352xf32, #tpu.memory_space<vmem>> -> memref<3136xf32, #tpu.memory_space<vmem>>
    %dma_start3A_68 = tpu.memref_slice %arg4[%multiple_of3A_66] : memref<100352xf32, #tpu.memory_space<hbm>> -> memref<3136xf32, #tpu.memory_space<hbm>>
    %dma_start3A_69 = tpu.memref_slice %arg7[%multiple_of3A_66] : memref<100352xf32, #tpu.memory_space<vmem>> -> memref<3136xf32, #tpu.memory_space<vmem>>
    %dma_start3A_70 = tpu.memref_slice %arg4[%multiple_of3A_66] : memref<100352xf32, #tpu.memory_space<hbm>> -> memref<3136xf32, #tpu.memory_space<hbm>>
    tpu.enqueue_dma source(%dma_start3A_70 : memref<3136xf32, #tpu.memory_space<hbm>>) target(%dma_start3A_69 : memref<3136xf32, #tpu.memory_space<vmem>>) target_semaphore(%arg13 : memref<!tpu.dma_semaphore, #tpu.memory_space<semaphore_mem>>)
    %add3A_71 = arith.constant 3 : i32
    %add3A_72 = arith.addi %add3A, %add3A_71 : i32
    %jit3A_73 = arith.constant 32 : i32
    %eq3A_74 = arith.constant 0 : i32
    %eq3A_75 = arith.cmpi eq, %jit3A_73, %eq3A_74 : i32
    %jit3A_76 = arith.constant 1 : i32
    %select_n3A_77 = arith.select %eq3A_75, %jit3A_76, %jit3A_73 : i32
    %rem3A_78 = arith.remsi %add3A_72, %select_n3A_77 : i32
    %ne3A_79 = arith.constant 0 : i32
    %ne3A_80 = arith.cmpi ne, %rem3A_78, %ne3A_79 : i32
    %lt3A_81 = arith.constant 0 : i32
    %lt3A_82 = arith.cmpi slt, %rem3A_78, %lt3A_81 : i32
    %lt3A_83 = arith.constant 0 : i32
    %lt3A_84 = arith.cmpi slt, %select_n3A_77, %lt3A_83 : i32
    %ne3A_85 = arith.xori %lt3A_82, %lt3A_84 : i1
    %and3A_86 = arith.andi %ne3A_85, %ne3A_80 : i1
    %add3A_87 = arith.addi %rem3A_78, %select_n3A_77 : i32
    %select_n3A_88 = arith.select %and3A_86, %add3A_87, %rem3A_78 : i32
    %mul3A_89 = arith.constant 3136 : i32
    %mul3A_90 = arith.muli %select_n3A_88, %mul3A_89 : i32
    %multiple_of3A_91 = tpu.assume_multiple %mul3A_90, 3136 : i32
    %dma_start3A_92 = tpu.memref_slice %arg7[%multiple_of3A_91] : memref<100352xf32, #tpu.memory_space<vmem>> -> memref<3136xf32, #tpu.memory_space<vmem>>
    %dma_start3A_93 = tpu.memref_slice %arg4[%multiple_of3A_91] : memref<100352xf32, #tpu.memory_space<hbm>> -> memref<3136xf32, #tpu.memory_space<hbm>>
    %dma_start3A_94 = tpu.memref_slice %arg7[%multiple_of3A_91] : memref<100352xf32, #tpu.memory_space<vmem>> -> memref<3136xf32, #tpu.memory_space<vmem>>
    %dma_start3A_95 = tpu.memref_slice %arg4[%multiple_of3A_91] : memref<100352xf32, #tpu.memory_space<hbm>> -> memref<3136xf32, #tpu.memory_space<hbm>>
    tpu.enqueue_dma source(%dma_start3A_95 : memref<3136xf32, #tpu.memory_space<hbm>>) target(%dma_start3A_94 : memref<3136xf32, #tpu.memory_space<vmem>>) target_semaphore(%arg13 : memref<!tpu.dma_semaphore, #tpu.memory_space<semaphore_mem>>)
    %add3A_96 = arith.constant 4 : i32
    %add3A_97 = arith.addi %add3A, %add3A_96 : i32
    %jit3A_98 = arith.constant 32 : i32
    %eq3A_99 = arith.constant 0 : i32
    %eq3A_100 = arith.cmpi eq, %jit3A_98, %eq3A_99 : i32
    %jit3A_101 = arith.constant 1 : i32
    %select_n3A_102 = arith.select %eq3A_100, %jit3A_101, %jit3A_98 : i32
    %rem3A_103 = arith.remsi %add3A_97, %select_n3A_102 : i32
    %ne3A_104 = arith.constant 0 : i32
    %ne3A_105 = arith.cmpi ne, %rem3A_103, %ne3A_104 : i32
    %lt3A_106 = arith.constant 0 : i32
    %lt3A_107 = arith.cmpi slt, %rem3A_103, %lt3A_106 : i32
    %lt3A_108 = arith.constant 0 : i32
    %lt3A_109 = arith.cmpi slt, %select_n3A_102, %lt3A_108 : i32
    %ne3A_110 = arith.xori %lt3A_107, %lt3A_109 : i1
    %and3A_111 = arith.andi %ne3A_110, %ne3A_105 : i1
    %add3A_112 = arith.addi %rem3A_103, %select_n3A_102 : i32
    %select_n3A_113 = arith.select %and3A_111, %add3A_112, %rem3A_103 : i32
    %mul3A_114 = arith.constant 3136 : i32
    %mul3A_115 = arith.muli %select_n3A_113, %mul3A_114 : i32
    %multiple_of3A_116 = tpu.assume_multiple %mul3A_115, 3136 : i32
    %dma_start3A_117 = tpu.memref_slice %arg7[%multiple_of3A_116] : memref<100352xf32, #tpu.memory_space<vmem>> -> memref<3136xf32, #tpu.memory_space<vmem>>
    %dma_start3A_118 = tpu.memref_slice %arg4[%multiple_of3A_116] : memref<100352xf32, #tpu.memory_space<hbm>> -> memref<3136xf32, #tpu.memory_space<hbm>>
    %dma_start3A_119 = tpu.memref_slice %arg7[%multiple_of3A_116] : memref<100352xf32, #tpu.memory_space<vmem>> -> memref<3136xf32, #tpu.memory_space<vmem>>
    %dma_start3A_120 = tpu.memref_slice %arg4[%multiple_of3A_116] : memref<100352xf32, #tpu.memory_space<hbm>> -> memref<3136xf32, #tpu.memory_space<hbm>>
    tpu.enqueue_dma source(%dma_start3A_120 : memref<3136xf32, #tpu.memory_space<hbm>>) target(%dma_start3A_119 : memref<3136xf32, #tpu.memory_space<vmem>>) target_semaphore(%arg13 : memref<!tpu.dma_semaphore, #tpu.memory_space<semaphore_mem>>)
    %add3A_121 = arith.constant 5 : i32
    %add3A_122 = arith.addi %add3A, %add3A_121 : i32
    %jit3A_123 = arith.constant 32 : i32
    %eq3A_124 = arith.constant 0 : i32
    %eq3A_125 = arith.cmpi eq, %jit3A_123, %eq3A_124 : i32
    %jit3A_126 = arith.constant 1 : i32
    %select_n3A_127 = arith.select %eq3A_125, %jit3A_126, %jit3A_123 : i32
    %rem3A_128 = arith.remsi %add3A_122, %select_n3A_127 : i32
    %ne3A_129 = arith.constant 0 : i32
    %ne3A_130 = arith.cmpi ne, %rem3A_128, %ne3A_129 : i32
    %lt3A_131 = arith.constant 0 : i32
    %lt3A_132 = arith.cmpi slt, %rem3A_128, %lt3A_131 : i32
    %lt3A_133 = arith.constant 0 : i32
    %lt3A_134 = arith.cmpi slt, %select_n3A_127, %lt3A_133 : i32
    %ne3A_135 = arith.xori %lt3A_132, %lt3A_134 : i1
    %and3A_136 = arith.andi %ne3A_135, %ne3A_130 : i1
    %add3A_137 = arith.addi %rem3A_128, %select_n3A_127 : i32
    %select_n3A_138 = arith.select %and3A_136, %add3A_137, %rem3A_128 : i32
    %mul3A_139 = arith.constant 3136 : i32
    %mul3A_140 = arith.muli %select_n3A_138, %mul3A_139 : i32
    %multiple_of3A_141 = tpu.assume_multiple %mul3A_140, 3136 : i32
    %dma_start3A_142 = tpu.memref_slice %arg7[%multiple_of3A_141] : memref<100352xf32, #tpu.memory_space<vmem>> -> memref<3136xf32, #tpu.memory_space<vmem>>
    %dma_start3A_143 = tpu.memref_slice %arg4[%multiple_of3A_141] : memref<100352xf32, #tpu.memory_space<hbm>> -> memref<3136xf32, #tpu.memory_space<hbm>>
    %dma_start3A_144 = tpu.memref_slice %arg7[%multiple_of3A_141] : memref<100352xf32, #tpu.memory_space<vmem>> -> memref<3136xf32, #tpu.memory_space<vmem>>
    %dma_start3A_145 = tpu.memref_slice %arg4[%multiple_of3A_141] : memref<100352xf32, #tpu.memory_space<hbm>> -> memref<3136xf32, #tpu.memory_space<hbm>>
    tpu.enqueue_dma source(%dma_start3A_145 : memref<3136xf32, #tpu.memory_space<hbm>>) target(%dma_start3A_144 : memref<3136xf32, #tpu.memory_space<vmem>>) target_semaphore(%arg13 : memref<!tpu.dma_semaphore, #tpu.memory_space<semaphore_mem>>)
    %add3A_146 = arith.constant 6 : i32
    %add3A_147 = arith.addi %add3A, %add3A_146 : i32
    %jit3A_148 = arith.constant 32 : i32
    %eq3A_149 = arith.constant 0 : i32
    %eq3A_150 = arith.cmpi eq, %jit3A_148, %eq3A_149 : i32
    %jit3A_151 = arith.constant 1 : i32
    %select_n3A_152 = arith.select %eq3A_150, %jit3A_151, %jit3A_148 : i32
    %rem3A_153 = arith.remsi %add3A_147, %select_n3A_152 : i32
    %ne3A_154 = arith.constant 0 : i32
    %ne3A_155 = arith.cmpi ne, %rem3A_153, %ne3A_154 : i32
    %lt3A_156 = arith.constant 0 : i32
    %lt3A_157 = arith.cmpi slt, %rem3A_153, %lt3A_156 : i32
    %lt3A_158 = arith.constant 0 : i32
    %lt3A_159 = arith.cmpi slt, %select_n3A_152, %lt3A_158 : i32
    %ne3A_160 = arith.xori %lt3A_157, %lt3A_159 : i1
    %and3A_161 = arith.andi %ne3A_160, %ne3A_155 : i1
    %add3A_162 = arith.addi %rem3A_153, %select_n3A_152 : i32
    %select_n3A_163 = arith.select %and3A_161, %add3A_162, %rem3A_153 : i32
    %mul3A_164 = arith.constant 3136 : i32
    %mul3A_165 = arith.muli %select_n3A_163, %mul3A_164 : i32
    %multiple_of3A_166 = tpu.assume_multiple %mul3A_165, 3136 : i32
    %dma_start3A_167 = tpu.memref_slice %arg7[%multiple_of3A_166] : memref<100352xf32, #tpu.memory_space<vmem>> -> memref<3136xf32, #tpu.memory_space<vmem>>
    %dma_start3A_168 = tpu.memref_slice %arg4[%multiple_of3A_166] : memref<100352xf32, #tpu.memory_space<hbm>> -> memref<3136xf32, #tpu.memory_space<hbm>>
    %dma_start3A_169 = tpu.memref_slice %arg7[%multiple_of3A_166] : memref<100352xf32, #tpu.memory_space<vmem>> -> memref<3136xf32, #tpu.memory_space<vmem>>
    %dma_start3A_170 = tpu.memref_slice %arg4[%multiple_of3A_166] : memref<100352xf32, #tpu.memory_space<hbm>> -> memref<3136xf32, #tpu.memory_space<hbm>>
    tpu.enqueue_dma source(%dma_start3A_170 : memref<3136xf32, #tpu.memory_space<hbm>>) target(%dma_start3A_169 : memref<3136xf32, #tpu.memory_space<vmem>>) target_semaphore(%arg13 : memref<!tpu.dma_semaphore, #tpu.memory_space<semaphore_mem>>)
    %add3A_171 = arith.constant 7 : i32
    %add3A_172 = arith.addi %add3A, %add3A_171 : i32
    %jit3A_173 = arith.constant 32 : i32
    %eq3A_174 = arith.constant 0 : i32
    %eq3A_175 = arith.cmpi eq, %jit3A_173, %eq3A_174 : i32
    %jit3A_176 = arith.constant 1 : i32
    %select_n3A_177 = arith.select %eq3A_175, %jit3A_176, %jit3A_173 : i32
    %rem3A_178 = arith.remsi %add3A_172, %select_n3A_177 : i32
    %ne3A_179 = arith.constant 0 : i32
    %ne3A_180 = arith.cmpi ne, %rem3A_178, %ne3A_179 : i32
    %lt3A_181 = arith.constant 0 : i32
    %lt3A_182 = arith.cmpi slt, %rem3A_178, %lt3A_181 : i32
    %lt3A_183 = arith.constant 0 : i32
    %lt3A_184 = arith.cmpi slt, %select_n3A_177, %lt3A_183 : i32
    %ne3A_185 = arith.xori %lt3A_182, %lt3A_184 : i1
    %and3A_186 = arith.andi %ne3A_185, %ne3A_180 : i1
    %add3A_187 = arith.addi %rem3A_178, %select_n3A_177 : i32
    %select_n3A_188 = arith.select %and3A_186, %add3A_187, %rem3A_178 : i32
    %mul3A_189 = arith.constant 3136 : i32
    %mul3A_190 = arith.muli %select_n3A_188, %mul3A_189 : i32
    %multiple_of3A_191 = tpu.assume_multiple %mul3A_190, 3136 : i32
    %dma_start3A_192 = tpu.memref_slice %arg7[%multiple_of3A_191] : memref<100352xf32, #tpu.memory_space<vmem>> -> memref<3136xf32, #tpu.memory_space<vmem>>
    %dma_start3A_193 = tpu.memref_slice %arg4[%multiple_of3A_191] : memref<100352xf32, #tpu.memory_space<hbm>> -> memref<3136xf32, #tpu.memory_space<hbm>>
    %dma_start3A_194 = tpu.memref_slice %arg7[%multiple_of3A_191] : memref<100352xf32, #tpu.memory_space<vmem>> -> memref<3136xf32, #tpu.memory_space<vmem>>
    %dma_start3A_195 = tpu.memref_slice %arg4[%multiple_of3A_191] : memref<100352xf32, #tpu.memory_space<hbm>> -> memref<3136xf32, #tpu.memory_space<hbm>>
    tpu.enqueue_dma source(%dma_start3A_195 : memref<3136xf32, #tpu.memory_space<hbm>>) target(%dma_start3A_194 : memref<3136xf32, #tpu.memory_space<vmem>>) target_semaphore(%arg13 : memref<!tpu.dma_semaphore, #tpu.memory_space<semaphore_mem>>)
    %add3A_196 = arith.constant 8 : i32
    %add3A_197 = arith.addi %add3A, %add3A_196 : i32
    %jit3A_198 = arith.constant 32 : i32
    %eq3A_199 = arith.constant 0 : i32
    %eq3A_200 = arith.cmpi eq, %jit3A_198, %eq3A_199 : i32
    %jit3A_201 = arith.constant 1 : i32
    %select_n3A_202 = arith.select %eq3A_200, %jit3A_201, %jit3A_198 : i32
    %rem3A_203 = arith.remsi %add3A_197, %select_n3A_202 : i32
    %ne3A_204 = arith.constant 0 : i32
    %ne3A_205 = arith.cmpi ne, %rem3A_203, %ne3A_204 : i32
    %lt3A_206 = arith.constant 0 : i32
    %lt3A_207 = arith.cmpi slt, %rem3A_203, %lt3A_206 : i32
    %lt3A_208 = arith.constant 0 : i32
    %lt3A_209 = arith.cmpi slt, %select_n3A_202, %lt3A_208 : i32
    %ne3A_210 = arith.xori %lt3A_207, %lt3A_209 : i1
    %and3A_211 = arith.andi %ne3A_210, %ne3A_205 : i1
    %add3A_212 = arith.addi %rem3A_203, %select_n3A_202 : i32
    %select_n3A_213 = arith.select %and3A_211, %add3A_212, %rem3A_203 : i32
    %mul3A_214 = arith.constant 3136 : i32
    %mul3A_215 = arith.muli %select_n3A_213, %mul3A_214 : i32
    %multiple_of3A_216 = tpu.assume_multiple %mul3A_215, 3136 : i32
    %dma_start3A_217 = tpu.memref_slice %arg7[%multiple_of3A_216] : memref<100352xf32, #tpu.memory_space<vmem>> -> memref<3136xf32, #tpu.memory_space<vmem>>
    %dma_start3A_218 = tpu.memref_slice %arg4[%multiple_of3A_216] : memref<100352xf32, #tpu.memory_space<hbm>> -> memref<3136xf32, #tpu.memory_space<hbm>>
    %dma_start3A_219 = tpu.memref_slice %arg7[%multiple_of3A_216] : memref<100352xf32, #tpu.memory_space<vmem>> -> memref<3136xf32, #tpu.memory_space<vmem>>
    %dma_start3A_220 = tpu.memref_slice %arg4[%multiple_of3A_216] : memref<100352xf32, #tpu.memory_space<hbm>> -> memref<3136xf32, #tpu.memory_space<hbm>>
    tpu.enqueue_dma source(%dma_start3A_220 : memref<3136xf32, #tpu.memory_space<hbm>>) target(%dma_start3A_219 : memref<3136xf32, #tpu.memory_space<vmem>>) target_semaphore(%arg13 : memref<!tpu.dma_semaphore, #tpu.memory_space<semaphore_mem>>)
    %add3A_221 = arith.constant 9 : i32
    %add3A_222 = arith.addi %add3A, %add3A_221 : i32
    %jit3A_223 = arith.constant 32 : i32
    %eq3A_224 = arith.constant 0 : i32
    %eq3A_225 = arith.cmpi eq, %jit3A_223, %eq3A_224 : i32
    %jit3A_226 = arith.constant 1 : i32
    %select_n3A_227 = arith.select %eq3A_225, %jit3A_226, %jit3A_223 : i32
    %rem3A_228 = arith.remsi %add3A_222, %select_n3A_227 : i32
    %ne3A_229 = arith.constant 0 : i32
    %ne3A_230 = arith.cmpi ne, %rem3A_228, %ne3A_229 : i32
    %lt3A_231 = arith.constant 0 : i32
    %lt3A_232 = arith.cmpi slt, %rem3A_228, %lt3A_231 : i32
    %lt3A_233 = arith.constant 0 : i32
    %lt3A_234 = arith.cmpi slt, %select_n3A_227, %lt3A_233 : i32
    %ne3A_235 = arith.xori %lt3A_232, %lt3A_234 : i1
    %and3A_236 = arith.andi %ne3A_235, %ne3A_230 : i1
    %add3A_237 = arith.addi %rem3A_228, %select_n3A_227 : i32
    %select_n3A_238 = arith.select %and3A_236, %add3A_237, %rem3A_228 : i32
    %mul3A_239 = arith.constant 3136 : i32
    %mul3A_240 = arith.muli %select_n3A_238, %mul3A_239 : i32
    %multiple_of3A_241 = tpu.assume_multiple %mul3A_240, 3136 : i32
    %dma_start3A_242 = tpu.memref_slice %arg7[%multiple_of3A_241] : memref<100352xf32, #tpu.memory_space<vmem>> -> memref<3136xf32, #tpu.memory_space<vmem>>
    %dma_start3A_243 = tpu.memref_slice %arg4[%multiple_of3A_241] : memref<100352xf32, #tpu.memory_space<hbm>> -> memref<3136xf32, #tpu.memory_space<hbm>>
    %dma_start3A_244 = tpu.memref_slice %arg7[%multiple_of3A_241] : memref<100352xf32, #tpu.memory_space<vmem>> -> memref<3136xf32, #tpu.memory_space<vmem>>
    %dma_start3A_245 = tpu.memref_slice %arg4[%multiple_of3A_241] : memref<100352xf32, #tpu.memory_space<hbm>> -> memref<3136xf32, #tpu.memory_space<hbm>>
    tpu.enqueue_dma source(%dma_start3A_245 : memref<3136xf32, #tpu.memory_space<hbm>>) target(%dma_start3A_244 : memref<3136xf32, #tpu.memory_space<vmem>>) target_semaphore(%arg13 : memref<!tpu.dma_semaphore, #tpu.memory_space<semaphore_mem>>)
    %add3A_246 = arith.constant 10 : i32
    %add3A_247 = arith.addi %add3A, %add3A_246 : i32
    %jit3A_248 = arith.constant 32 : i32
    %eq3A_249 = arith.constant 0 : i32
    %eq3A_250 = arith.cmpi eq, %jit3A_248, %eq3A_249 : i32
    %jit3A_251 = arith.constant 1 : i32
    %select_n3A_252 = arith.select %eq3A_250, %jit3A_251, %jit3A_248 : i32
    %rem3A_253 = arith.remsi %add3A_247, %select_n3A_252 : i32
    %ne3A_254 = arith.constant 0 : i32
    %ne3A_255 = arith.cmpi ne, %rem3A_253, %ne3A_254 : i32
    %lt3A_256 = arith.constant 0 : i32
    %lt3A_257 = arith.cmpi slt, %rem3A_253, %lt3A_256 : i32
    %lt3A_258 = arith.constant 0 : i32
    %lt3A_259 = arith.cmpi slt, %select_n3A_252, %lt3A_258 : i32
    %ne3A_260 = arith.xori %lt3A_257, %lt3A_259 : i1
    %and3A_261 = arith.andi %ne3A_260, %ne3A_255 : i1
    %add3A_262 = arith.addi %rem3A_253, %select_n3A_252 : i32
    %select_n3A_263 = arith.select %and3A_261, %add3A_262, %rem3A_253 : i32
    %mul3A_264 = arith.constant 3136 : i32
    %mul3A_265 = arith.muli %select_n3A_263, %mul3A_264 : i32
    %multiple_of3A_266 = tpu.assume_multiple %mul3A_265, 3136 : i32
    %dma_start3A_267 = tpu.memref_slice %arg7[%multiple_of3A_266] : memref<100352xf32, #tpu.memory_space<vmem>> -> memref<3136xf32, #tpu.memory_space<vmem>>
    %dma_start3A_268 = tpu.memref_slice %arg4[%multiple_of3A_266] : memref<100352xf32, #tpu.memory_space<hbm>> -> memref<3136xf32, #tpu.memory_space<hbm>>
    %dma_start3A_269 = tpu.memref_slice %arg7[%multiple_of3A_266] : memref<100352xf32, #tpu.memory_space<vmem>> -> memref<3136xf32, #tpu.memory_space<vmem>>
    %dma_start3A_270 = tpu.memref_slice %arg4[%multiple_of3A_266] : memref<100352xf32, #tpu.memory_space<hbm>> -> memref<3136xf32, #tpu.memory_space<hbm>>
    tpu.enqueue_dma source(%dma_start3A_270 : memref<3136xf32, #tpu.memory_space<hbm>>) target(%dma_start3A_269 : memref<3136xf32, #tpu.memory_space<vmem>>) target_semaphore(%arg13 : memref<!tpu.dma_semaphore, #tpu.memory_space<semaphore_mem>>)
    %add3A_271 = arith.constant 11 : i32
    %add3A_272 = arith.addi %add3A, %add3A_271 : i32
    %jit3A_273 = arith.constant 32 : i32
    %eq3A_274 = arith.constant 0 : i32
    %eq3A_275 = arith.cmpi eq, %jit3A_273, %eq3A_274 : i32
    %jit3A_276 = arith.constant 1 : i32
    %select_n3A_277 = arith.select %eq3A_275, %jit3A_276, %jit3A_273 : i32
    %rem3A_278 = arith.remsi %add3A_272, %select_n3A_277 : i32
    %ne3A_279 = arith.constant 0 : i32
    %ne3A_280 = arith.cmpi ne, %rem3A_278, %ne3A_279 : i32
    %lt3A_281 = arith.constant 0 : i32
    %lt3A_282 = arith.cmpi slt, %rem3A_278, %lt3A_281 : i32
    %lt3A_283 = arith.constant 0 : i32
    %lt3A_284 = arith.cmpi slt, %select_n3A_277, %lt3A_283 : i32
    %ne3A_285 = arith.xori %lt3A_282, %lt3A_284 : i1
    %and3A_286 = arith.andi %ne3A_285, %ne3A_280 : i1
    %add3A_287 = arith.addi %rem3A_278, %select_n3A_277 : i32
    %select_n3A_288 = arith.select %and3A_286, %add3A_287, %rem3A_278 : i32
    %mul3A_289 = arith.constant 3136 : i32
    %mul3A_290 = arith.muli %select_n3A_288, %mul3A_289 : i32
    %multiple_of3A_291 = tpu.assume_multiple %mul3A_290, 3136 : i32
    %dma_start3A_292 = tpu.memref_slice %arg7[%multiple_of3A_291] : memref<100352xf32, #tpu.memory_space<vmem>> -> memref<3136xf32, #tpu.memory_space<vmem>>
    %dma_start3A_293 = tpu.memref_slice %arg4[%multiple_of3A_291] : memref<100352xf32, #tpu.memory_space<hbm>> -> memref<3136xf32, #tpu.memory_space<hbm>>
    %dma_start3A_294 = tpu.memref_slice %arg7[%multiple_of3A_291] : memref<100352xf32, #tpu.memory_space<vmem>> -> memref<3136xf32, #tpu.memory_space<vmem>>
    %dma_start3A_295 = tpu.memref_slice %arg4[%multiple_of3A_291] : memref<100352xf32, #tpu.memory_space<hbm>> -> memref<3136xf32, #tpu.memory_space<hbm>>
    tpu.enqueue_dma source(%dma_start3A_295 : memref<3136xf32, #tpu.memory_space<hbm>>) target(%dma_start3A_294 : memref<3136xf32, #tpu.memory_space<vmem>>) target_semaphore(%arg13 : memref<!tpu.dma_semaphore, #tpu.memory_space<semaphore_mem>>)
    %add3A_296 = arith.constant 12 : i32
    %add3A_297 = arith.addi %add3A, %add3A_296 : i32
    %jit3A_298 = arith.constant 32 : i32
    %eq3A_299 = arith.constant 0 : i32
    %eq3A_300 = arith.cmpi eq, %jit3A_298, %eq3A_299 : i32
    %jit3A_301 = arith.constant 1 : i32
    %select_n3A_302 = arith.select %eq3A_300, %jit3A_301, %jit3A_298 : i32
    %rem3A_303 = arith.remsi %add3A_297, %select_n3A_302 : i32
    %ne3A_304 = arith.constant 0 : i32
    %ne3A_305 = arith.cmpi ne, %rem3A_303, %ne3A_304 : i32
    %lt3A_306 = arith.constant 0 : i32
    %lt3A_307 = arith.cmpi slt, %rem3A_303, %lt3A_306 : i32
    %lt3A_308 = arith.constant 0 : i32
    %lt3A_309 = arith.cmpi slt, %select_n3A_302, %lt3A_308 : i32
    %ne3A_310 = arith.xori %lt3A_307, %lt3A_309 : i1
    %and3A_311 = arith.andi %ne3A_310, %ne3A_305 : i1
    %add3A_312 = arith.addi %rem3A_303, %select_n3A_302 : i32
    %select_n3A_313 = arith.select %and3A_311, %add3A_312, %rem3A_303 : i32
    %mul3A_314 = arith.constant 3136 : i32
    %mul3A_315 = arith.muli %select_n3A_313, %mul3A_314 : i32
    %multiple_of3A_316 = tpu.assume_multiple %mul3A_315, 3136 : i32
    %dma_start3A_317 = tpu.memref_slice %arg7[%multiple_of3A_316] : memref<100352xf32, #tpu.memory_space<vmem>> -> memref<3136xf32, #tpu.memory_space<vmem>>
    %dma_start3A_318 = tpu.memref_slice %arg4[%multiple_of3A_316] : memref<100352xf32, #tpu.memory_space<hbm>> -> memref<3136xf32, #tpu.memory_space<hbm>>
    %dma_start3A_319 = tpu.memref_slice %arg7[%multiple_of3A_316] : memref<100352xf32, #tpu.memory_space<vmem>> -> memref<3136xf32, #tpu.memory_space<vmem>>
    %dma_start3A_320 = tpu.memref_slice %arg4[%multiple_of3A_316] : memref<100352xf32, #tpu.memory_space<hbm>> -> memref<3136xf32, #tpu.memory_space<hbm>>
    tpu.enqueue_dma source(%dma_start3A_320 : memref<3136xf32, #tpu.memory_space<hbm>>) target(%dma_start3A_319 : memref<3136xf32, #tpu.memory_space<vmem>>) target_semaphore(%arg13 : memref<!tpu.dma_semaphore, #tpu.memory_space<semaphore_mem>>)
    %add3A_321 = arith.constant 13 : i32
    %add3A_322 = arith.addi %add3A, %add3A_321 : i32
    %jit3A_323 = arith.constant 32 : i32
    %eq3A_324 = arith.constant 0 : i32
    %eq3A_325 = arith.cmpi eq, %jit3A_323, %eq3A_324 : i32
    %jit3A_326 = arith.constant 1 : i32
    %select_n3A_327 = arith.select %eq3A_325, %jit3A_326, %jit3A_323 : i32
    %rem3A_328 = arith.remsi %add3A_322, %select_n3A_327 : i32
    %ne3A_329 = arith.constant 0 : i32
    %ne3A_330 = arith.cmpi ne, %rem3A_328, %ne3A_329 : i32
    %lt3A_331 = arith.constant 0 : i32
    %lt3A_332 = arith.cmpi slt, %rem3A_328, %lt3A_331 : i32
    %lt3A_333 = arith.constant 0 : i32
    %lt3A_334 = arith.cmpi slt, %select_n3A_327, %lt3A_333 : i32
    %ne3A_335 = arith.xori %lt3A_332, %lt3A_334 : i1
    %and3A_336 = arith.andi %ne3A_335, %ne3A_330 : i1
    %add3A_337 = arith.addi %rem3A_328, %select_n3A_327 : i32
    %select_n3A_338 = arith.select %and3A_336, %add3A_337, %rem3A_328 : i32
    %mul3A_339 = arith.constant 3136 : i32
    %mul3A_340 = arith.muli %select_n3A_338, %mul3A_339 : i32
    %multiple_of3A_341 = tpu.assume_multiple %mul3A_340, 3136 : i32
    %dma_start3A_342 = tpu.memref_slice %arg7[%multiple_of3A_341] : memref<100352xf32, #tpu.memory_space<vmem>> -> memref<3136xf32, #tpu.memory_space<vmem>>
    %dma_start3A_343 = tpu.memref_slice %arg4[%multiple_of3A_341] : memref<100352xf32, #tpu.memory_space<hbm>> -> memref<3136xf32, #tpu.memory_space<hbm>>
    %dma_start3A_344 = tpu.memref_slice %arg7[%multiple_of3A_341] : memref<100352xf32, #tpu.memory_space<vmem>> -> memref<3136xf32, #tpu.memory_space<vmem>>
    %dma_start3A_345 = tpu.memref_slice %arg4[%multiple_of3A_341] : memref<100352xf32, #tpu.memory_space<hbm>> -> memref<3136xf32, #tpu.memory_space<hbm>>
    tpu.enqueue_dma source(%dma_start3A_345 : memref<3136xf32, #tpu.memory_space<hbm>>) target(%dma_start3A_344 : memref<3136xf32, #tpu.memory_space<vmem>>) target_semaphore(%arg13 : memref<!tpu.dma_semaphore, #tpu.memory_space<semaphore_mem>>)
    %add3A_346 = arith.constant 14 : i32
    %add3A_347 = arith.addi %add3A, %add3A_346 : i32
    %jit3A_348 = arith.constant 32 : i32
    %eq3A_349 = arith.constant 0 : i32
    %eq3A_350 = arith.cmpi eq, %jit3A_348, %eq3A_349 : i32
    %jit3A_351 = arith.constant 1 : i32
    %select_n3A_352 = arith.select %eq3A_350, %jit3A_351, %jit3A_348 : i32
    %rem3A_353 = arith.remsi %add3A_347, %select_n3A_352 : i32
    %ne3A_354 = arith.constant 0 : i32
    %ne3A_355 = arith.cmpi ne, %rem3A_353, %ne3A_354 : i32
    %lt3A_356 = arith.constant 0 : i32
    %lt3A_357 = arith.cmpi slt, %rem3A_353, %lt3A_356 : i32
    %lt3A_358 = arith.constant 0 : i32
    %lt3A_359 = arith.cmpi slt, %select_n3A_352, %lt3A_358 : i32
    %ne3A_360 = arith.xori %lt3A_357, %lt3A_359 : i1
    %and3A_361 = arith.andi %ne3A_360, %ne3A_355 : i1
    %add3A_362 = arith.addi %rem3A_353, %select_n3A_352 : i32
    %select_n3A_363 = arith.select %and3A_361, %add3A_362, %rem3A_353 : i32
    %mul3A_364 = arith.constant 3136 : i32
    %mul3A_365 = arith.muli %select_n3A_363, %mul3A_364 : i32
    %multiple_of3A_366 = tpu.assume_multiple %mul3A_365, 3136 : i32
    %dma_start3A_367 = tpu.memref_slice %arg7[%multiple_of3A_366] : memref<100352xf32, #tpu.memory_space<vmem>> -> memref<3136xf32, #tpu.memory_space<vmem>>
    %dma_start3A_368 = tpu.memref_slice %arg4[%multiple_of3A_366] : memref<100352xf32, #tpu.memory_space<hbm>> -> memref<3136xf32, #tpu.memory_space<hbm>>
    %dma_start3A_369 = tpu.memref_slice %arg7[%multiple_of3A_366] : memref<100352xf32, #tpu.memory_space<vmem>> -> memref<3136xf32, #tpu.memory_space<vmem>>
    %dma_start3A_370 = tpu.memref_slice %arg4[%multiple_of3A_366] : memref<100352xf32, #tpu.memory_space<hbm>> -> memref<3136xf32, #tpu.memory_space<hbm>>
    tpu.enqueue_dma source(%dma_start3A_370 : memref<3136xf32, #tpu.memory_space<hbm>>) target(%dma_start3A_369 : memref<3136xf32, #tpu.memory_space<vmem>>) target_semaphore(%arg13 : memref<!tpu.dma_semaphore, #tpu.memory_space<semaphore_mem>>)
    %add3A_371 = arith.constant 15 : i32
    %add3A_372 = arith.addi %add3A, %add3A_371 : i32
    %jit3A_373 = arith.constant 32 : i32
    %eq3A_374 = arith.constant 0 : i32
    %eq3A_375 = arith.cmpi eq, %jit3A_373, %eq3A_374 : i32
    %jit3A_376 = arith.constant 1 : i32
    %select_n3A_377 = arith.select %eq3A_375, %jit3A_376, %jit3A_373 : i32
    %rem3A_378 = arith.remsi %add3A_372, %select_n3A_377 : i32
    %ne3A_379 = arith.constant 0 : i32
    %ne3A_380 = arith.cmpi ne, %rem3A_378, %ne3A_379 : i32
    %lt3A_381 = arith.constant 0 : i32
    %lt3A_382 = arith.cmpi slt, %rem3A_378, %lt3A_381 : i32
    %lt3A_383 = arith.constant 0 : i32
    %lt3A_384 = arith.cmpi slt, %select_n3A_377, %lt3A_383 : i32
    %ne3A_385 = arith.xori %lt3A_382, %lt3A_384 : i1
    %and3A_386 = arith.andi %ne3A_385, %ne3A_380 : i1
    %add3A_387 = arith.addi %rem3A_378, %select_n3A_377 : i32
    %select_n3A_388 = arith.select %and3A_386, %add3A_387, %rem3A_378 : i32
    %mul3A_389 = arith.constant 3136 : i32
    %mul3A_390 = arith.muli %select_n3A_388, %mul3A_389 : i32
    %multiple_of3A_391 = tpu.assume_multiple %mul3A_390, 3136 : i32
    %dma_start3A_392 = tpu.memref_slice %arg7[%multiple_of3A_391] : memref<100352xf32, #tpu.memory_space<vmem>> -> memref<3136xf32, #tpu.memory_space<vmem>>
    %dma_start3A_393 = tpu.memref_slice %arg4[%multiple_of3A_391] : memref<100352xf32, #tpu.memory_space<hbm>> -> memref<3136xf32, #tpu.memory_space<hbm>>
    %dma_start3A_394 = tpu.memref_slice %arg7[%multiple_of3A_391] : memref<100352xf32, #tpu.memory_space<vmem>> -> memref<3136xf32, #tpu.memory_space<vmem>>
    %dma_start3A_395 = tpu.memref_slice %arg4[%multiple_of3A_391] : memref<100352xf32, #tpu.memory_space<hbm>> -> memref<3136xf32, #tpu.memory_space<hbm>>
    tpu.enqueue_dma source(%dma_start3A_395 : memref<3136xf32, #tpu.memory_space<hbm>>) target(%dma_start3A_394 : memref<3136xf32, #tpu.memory_space<vmem>>) target_semaphore(%arg13 : memref<!tpu.dma_semaphore, #tpu.memory_space<semaphore_mem>>)
    %add3A_396 = arith.constant 16 : i32
    %add3A_397 = arith.addi %add3A, %add3A_396 : i32
    %jit3A_398 = arith.constant 32 : i32
    %eq3A_399 = arith.constant 0 : i32
    %eq3A_400 = arith.cmpi eq, %jit3A_398, %eq3A_399 : i32
    %jit3A_401 = arith.constant 1 : i32
    %select_n3A_402 = arith.select %eq3A_400, %jit3A_401, %jit3A_398 : i32
    %rem3A_403 = arith.remsi %add3A_397, %select_n3A_402 : i32
    %ne3A_404 = arith.constant 0 : i32
    %ne3A_405 = arith.cmpi ne, %rem3A_403, %ne3A_404 : i32
    %lt3A_406 = arith.constant 0 : i32
    %lt3A_407 = arith.cmpi slt, %rem3A_403, %lt3A_406 : i32
    %lt3A_408 = arith.constant 0 : i32
    %lt3A_409 = arith.cmpi slt, %select_n3A_402, %lt3A_408 : i32
    %ne3A_410 = arith.xori %lt3A_407, %lt3A_409 : i1
    %and3A_411 = arith.andi %ne3A_410, %ne3A_405 : i1
    %add3A_412 = arith.addi %rem3A_403, %select_n3A_402 : i32
    %select_n3A_413 = arith.select %and3A_411, %add3A_412, %rem3A_403 : i32
    %mul3A_414 = arith.constant 3136 : i32
    %mul3A_415 = arith.muli %select_n3A_413, %mul3A_414 : i32
    %multiple_of3A_416 = tpu.assume_multiple %mul3A_415, 3136 : i32
    %dma_start3A_417 = tpu.memref_slice %arg7[%multiple_of3A_416] : memref<100352xf32, #tpu.memory_space<vmem>> -> memref<3136xf32, #tpu.memory_space<vmem>>
    %dma_start3A_418 = tpu.memref_slice %arg4[%multiple_of3A_416] : memref<100352xf32, #tpu.memory_space<hbm>> -> memref<3136xf32, #tpu.memory_space<hbm>>
    %dma_start3A_419 = tpu.memref_slice %arg7[%multiple_of3A_416] : memref<100352xf32, #tpu.memory_space<vmem>> -> memref<3136xf32, #tpu.memory_space<vmem>>
    %dma_start3A_420 = tpu.memref_slice %arg4[%multiple_of3A_416] : memref<100352xf32, #tpu.memory_space<hbm>> -> memref<3136xf32, #tpu.memory_space<hbm>>
    tpu.enqueue_dma source(%dma_start3A_420 : memref<3136xf32, #tpu.memory_space<hbm>>) target(%dma_start3A_419 : memref<3136xf32, #tpu.memory_space<vmem>>) target_semaphore(%arg13 : memref<!tpu.dma_semaphore, #tpu.memory_space<semaphore_mem>>)
    %add3A_421 = arith.constant 17 : i32
    %add3A_422 = arith.addi %add3A, %add3A_421 : i32
    %jit3A_423 = arith.constant 32 : i32
    %eq3A_424 = arith.constant 0 : i32
    %eq3A_425 = arith.cmpi eq, %jit3A_423, %eq3A_424 : i32
    %jit3A_426 = arith.constant 1 : i32
    %select_n3A_427 = arith.select %eq3A_425, %jit3A_426, %jit3A_423 : i32
    %rem3A_428 = arith.remsi %add3A_422, %select_n3A_427 : i32
    %ne3A_429 = arith.constant 0 : i32
    %ne3A_430 = arith.cmpi ne, %rem3A_428, %ne3A_429 : i32
    %lt3A_431 = arith.constant 0 : i32
    %lt3A_432 = arith.cmpi slt, %rem3A_428, %lt3A_431 : i32
    %lt3A_433 = arith.constant 0 : i32
    %lt3A_434 = arith.cmpi slt, %select_n3A_427, %lt3A_433 : i32
    %ne3A_435 = arith.xori %lt3A_432, %lt3A_434 : i1
    %and3A_436 = arith.andi %ne3A_435, %ne3A_430 : i1
    %add3A_437 = arith.addi %rem3A_428, %select_n3A_427 : i32
    %select_n3A_438 = arith.select %and3A_436, %add3A_437, %rem3A_428 : i32
    %mul3A_439 = arith.constant 3136 : i32
    %mul3A_440 = arith.muli %select_n3A_438, %mul3A_439 : i32
    %multiple_of3A_441 = tpu.assume_multiple %mul3A_440, 3136 : i32
    %dma_start3A_442 = tpu.memref_slice %arg7[%multiple_of3A_441] : memref<100352xf32, #tpu.memory_space<vmem>> -> memref<3136xf32, #tpu.memory_space<vmem>>
    %dma_start3A_443 = tpu.memref_slice %arg4[%multiple_of3A_441] : memref<100352xf32, #tpu.memory_space<hbm>> -> memref<3136xf32, #tpu.memory_space<hbm>>
    %dma_start3A_444 = tpu.memref_slice %arg7[%multiple_of3A_441] : memref<100352xf32, #tpu.memory_space<vmem>> -> memref<3136xf32, #tpu.memory_space<vmem>>
    %dma_start3A_445 = tpu.memref_slice %arg4[%multiple_of3A_441] : memref<100352xf32, #tpu.memory_space<hbm>> -> memref<3136xf32, #tpu.memory_space<hbm>>
    tpu.enqueue_dma source(%dma_start3A_445 : memref<3136xf32, #tpu.memory_space<hbm>>) target(%dma_start3A_444 : memref<3136xf32, #tpu.memory_space<vmem>>) target_semaphore(%arg13 : memref<!tpu.dma_semaphore, #tpu.memory_space<semaphore_mem>>)
    %add3A_446 = arith.constant 18 : i32
    %add3A_447 = arith.addi %add3A, %add3A_446 : i32
    %jit3A_448 = arith.constant 32 : i32
    %eq3A_449 = arith.constant 0 : i32
    %eq3A_450 = arith.cmpi eq, %jit3A_448, %eq3A_449 : i32
    %jit3A_451 = arith.constant 1 : i32
    %select_n3A_452 = arith.select %eq3A_450, %jit3A_451, %jit3A_448 : i32
    %rem3A_453 = arith.remsi %add3A_447, %select_n3A_452 : i32
    %ne3A_454 = arith.constant 0 : i32
    %ne3A_455 = arith.cmpi ne, %rem3A_453, %ne3A_454 : i32
    %lt3A_456 = arith.constant 0 : i32
    %lt3A_457 = arith.cmpi slt, %rem3A_453, %lt3A_456 : i32
    %lt3A_458 = arith.constant 0 : i32
    %lt3A_459 = arith.cmpi slt, %select_n3A_452, %lt3A_458 : i32
    %ne3A_460 = arith.xori %lt3A_457, %lt3A_459 : i1
    %and3A_461 = arith.andi %ne3A_460, %ne3A_455 : i1
    %add3A_462 = arith.addi %rem3A_453, %select_n3A_452 : i32
    %select_n3A_463 = arith.select %and3A_461, %add3A_462, %rem3A_453 : i32
    %mul3A_464 = arith.constant 3136 : i32
    %mul3A_465 = arith.muli %select_n3A_463, %mul3A_464 : i32
    %multiple_of3A_466 = tpu.assume_multiple %mul3A_465, 3136 : i32
    %dma_start3A_467 = tpu.memref_slice %arg7[%multiple_of3A_466] : memref<100352xf32, #tpu.memory_space<vmem>> -> memref<3136xf32, #tpu.memory_space<vmem>>
    %dma_start3A_468 = tpu.memref_slice %arg4[%multiple_of3A_466] : memref<100352xf32, #tpu.memory_space<hbm>> -> memref<3136xf32, #tpu.memory_space<hbm>>
    %dma_start3A_469 = tpu.memref_slice %arg7[%multiple_of3A_466] : memref<100352xf32, #tpu.memory_space<vmem>> -> memref<3136xf32, #tpu.memory_space<vmem>>
    %dma_start3A_470 = tpu.memref_slice %arg4[%multiple_of3A_466] : memref<100352xf32, #tpu.memory_space<hbm>> -> memref<3136xf32, #tpu.memory_space<hbm>>
    tpu.enqueue_dma source(%dma_start3A_470 : memref<3136xf32, #tpu.memory_space<hbm>>) target(%dma_start3A_469 : memref<3136xf32, #tpu.memory_space<vmem>>) target_semaphore(%arg13 : memref<!tpu.dma_semaphore, #tpu.memory_space<semaphore_mem>>)
    %add3A_471 = arith.constant 19 : i32
    %add3A_472 = arith.addi %add3A, %add3A_471 : i32
    %jit3A_473 = arith.constant 32 : i32
    %eq3A_474 = arith.constant 0 : i32
    %eq3A_475 = arith.cmpi eq, %jit3A_473, %eq3A_474 : i32
    %jit3A_476 = arith.constant 1 : i32
    %select_n3A_477 = arith.select %eq3A_475, %jit3A_476, %jit3A_473 : i32
    %rem3A_478 = arith.remsi %add3A_472, %select_n3A_477 : i32
    %ne3A_479 = arith.constant 0 : i32
    %ne3A_480 = arith.cmpi ne, %rem3A_478, %ne3A_479 : i32
    %lt3A_481 = arith.constant 0 : i32
    %lt3A_482 = arith.cmpi slt, %rem3A_478, %lt3A_481 : i32
    %lt3A_483 = arith.constant 0 : i32
    %lt3A_484 = arith.cmpi slt, %select_n3A_477, %lt3A_483 : i32
    %ne3A_485 = arith.xori %lt3A_482, %lt3A_484 : i1
    %and3A_486 = arith.andi %ne3A_485, %ne3A_480 : i1
    %add3A_487 = arith.addi %rem3A_478, %select_n3A_477 : i32
    %select_n3A_488 = arith.select %and3A_486, %add3A_487, %rem3A_478 : i32
    %mul3A_489 = arith.constant 3136 : i32
    %mul3A_490 = arith.muli %select_n3A_488, %mul3A_489 : i32
    %multiple_of3A_491 = tpu.assume_multiple %mul3A_490, 3136 : i32
    %dma_start3A_492 = tpu.memref_slice %arg7[%multiple_of3A_491] : memref<100352xf32, #tpu.memory_space<vmem>> -> memref<3136xf32, #tpu.memory_space<vmem>>
    %dma_start3A_493 = tpu.memref_slice %arg4[%multiple_of3A_491] : memref<100352xf32, #tpu.memory_space<hbm>> -> memref<3136xf32, #tpu.memory_space<hbm>>
    %dma_start3A_494 = tpu.memref_slice %arg7[%multiple_of3A_491] : memref<100352xf32, #tpu.memory_space<vmem>> -> memref<3136xf32, #tpu.memory_space<vmem>>
    %dma_start3A_495 = tpu.memref_slice %arg4[%multiple_of3A_491] : memref<100352xf32, #tpu.memory_space<hbm>> -> memref<3136xf32, #tpu.memory_space<hbm>>
    tpu.enqueue_dma source(%dma_start3A_495 : memref<3136xf32, #tpu.memory_space<hbm>>) target(%dma_start3A_494 : memref<3136xf32, #tpu.memory_space<vmem>>) target_semaphore(%arg13 : memref<!tpu.dma_semaphore, #tpu.memory_space<semaphore_mem>>)
    %add3A_496 = arith.constant 20 : i32
    %add3A_497 = arith.addi %add3A, %add3A_496 : i32
    %jit3A_498 = arith.constant 32 : i32
    %eq3A_499 = arith.constant 0 : i32
    %eq3A_500 = arith.cmpi eq, %jit3A_498, %eq3A_499 : i32
    %jit3A_501 = arith.constant 1 : i32
    %select_n3A_502 = arith.select %eq3A_500, %jit3A_501, %jit3A_498 : i32
    %rem3A_503 = arith.remsi %add3A_497, %select_n3A_502 : i32
    %ne3A_504 = arith.constant 0 : i32
    %ne3A_505 = arith.cmpi ne, %rem3A_503, %ne3A_504 : i32
    %lt3A_506 = arith.constant 0 : i32
    %lt3A_507 = arith.cmpi slt, %rem3A_503, %lt3A_506 : i32
    %lt3A_508 = arith.constant 0 : i32
    %lt3A_509 = arith.cmpi slt, %select_n3A_502, %lt3A_508 : i32
    %ne3A_510 = arith.xori %lt3A_507, %lt3A_509 : i1
    %and3A_511 = arith.andi %ne3A_510, %ne3A_505 : i1
    %add3A_512 = arith.addi %rem3A_503, %select_n3A_502 : i32
    %select_n3A_513 = arith.select %and3A_511, %add3A_512, %rem3A_503 : i32
    %mul3A_514 = arith.constant 3136 : i32
    %mul3A_515 = arith.muli %select_n3A_513, %mul3A_514 : i32
    %multiple_of3A_516 = tpu.assume_multiple %mul3A_515, 3136 : i32
    %dma_start3A_517 = tpu.memref_slice %arg7[%multiple_of3A_516] : memref<100352xf32, #tpu.memory_space<vmem>> -> memref<3136xf32, #tpu.memory_space<vmem>>
    %dma_start3A_518 = tpu.memref_slice %arg4[%multiple_of3A_516] : memref<100352xf32, #tpu.memory_space<hbm>> -> memref<3136xf32, #tpu.memory_space<hbm>>
    %dma_start3A_519 = tpu.memref_slice %arg7[%multiple_of3A_516] : memref<100352xf32, #tpu.memory_space<vmem>> -> memref<3136xf32, #tpu.memory_space<vmem>>
    %dma_start3A_520 = tpu.memref_slice %arg4[%multiple_of3A_516] : memref<100352xf32, #tpu.memory_space<hbm>> -> memref<3136xf32, #tpu.memory_space<hbm>>
    tpu.enqueue_dma source(%dma_start3A_520 : memref<3136xf32, #tpu.memory_space<hbm>>) target(%dma_start3A_519 : memref<3136xf32, #tpu.memory_space<vmem>>) target_semaphore(%arg13 : memref<!tpu.dma_semaphore, #tpu.memory_space<semaphore_mem>>)
    %add3A_521 = arith.constant 21 : i32
    %add3A_522 = arith.addi %add3A, %add3A_521 : i32
    %jit3A_523 = arith.constant 32 : i32
    %eq3A_524 = arith.constant 0 : i32
    %eq3A_525 = arith.cmpi eq, %jit3A_523, %eq3A_524 : i32
    %jit3A_526 = arith.constant 1 : i32
    %select_n3A_527 = arith.select %eq3A_525, %jit3A_526, %jit3A_523 : i32
    %rem3A_528 = arith.remsi %add3A_522, %select_n3A_527 : i32
    %ne3A_529 = arith.constant 0 : i32
    %ne3A_530 = arith.cmpi ne, %rem3A_528, %ne3A_529 : i32
    %lt3A_531 = arith.constant 0 : i32
    %lt3A_532 = arith.cmpi slt, %rem3A_528, %lt3A_531 : i32
    %lt3A_533 = arith.constant 0 : i32
    %lt3A_534 = arith.cmpi slt, %select_n3A_527, %lt3A_533 : i32
    %ne3A_535 = arith.xori %lt3A_532, %lt3A_534 : i1
    %and3A_536 = arith.andi %ne3A_535, %ne3A_530 : i1
    %add3A_537 = arith.addi %rem3A_528, %select_n3A_527 : i32
    %select_n3A_538 = arith.select %and3A_536, %add3A_537, %rem3A_528 : i32
    %mul3A_539 = arith.constant 3136 : i32
    %mul3A_540 = arith.muli %select_n3A_538, %mul3A_539 : i32
    %multiple_of3A_541 = tpu.assume_multiple %mul3A_540, 3136 : i32
    %dma_start3A_542 = tpu.memref_slice %arg7[%multiple_of3A_541] : memref<100352xf32, #tpu.memory_space<vmem>> -> memref<3136xf32, #tpu.memory_space<vmem>>
    %dma_start3A_543 = tpu.memref_slice %arg4[%multiple_of3A_541] : memref<100352xf32, #tpu.memory_space<hbm>> -> memref<3136xf32, #tpu.memory_space<hbm>>
    %dma_start3A_544 = tpu.memref_slice %arg7[%multiple_of3A_541] : memref<100352xf32, #tpu.memory_space<vmem>> -> memref<3136xf32, #tpu.memory_space<vmem>>
    %dma_start3A_545 = tpu.memref_slice %arg4[%multiple_of3A_541] : memref<100352xf32, #tpu.memory_space<hbm>> -> memref<3136xf32, #tpu.memory_space<hbm>>
    tpu.enqueue_dma source(%dma_start3A_545 : memref<3136xf32, #tpu.memory_space<hbm>>) target(%dma_start3A_544 : memref<3136xf32, #tpu.memory_space<vmem>>) target_semaphore(%arg13 : memref<!tpu.dma_semaphore, #tpu.memory_space<semaphore_mem>>)
    %add3A_546 = arith.constant 22 : i32
    %add3A_547 = arith.addi %add3A, %add3A_546 : i32
    %jit3A_548 = arith.constant 32 : i32
    %eq3A_549 = arith.constant 0 : i32
    %eq3A_550 = arith.cmpi eq, %jit3A_548, %eq3A_549 : i32
    %jit3A_551 = arith.constant 1 : i32
    %select_n3A_552 = arith.select %eq3A_550, %jit3A_551, %jit3A_548 : i32
    %rem3A_553 = arith.remsi %add3A_547, %select_n3A_552 : i32
    %ne3A_554 = arith.constant 0 : i32
    %ne3A_555 = arith.cmpi ne, %rem3A_553, %ne3A_554 : i32
    %lt3A_556 = arith.constant 0 : i32
    %lt3A_557 = arith.cmpi slt, %rem3A_553, %lt3A_556 : i32
    %lt3A_558 = arith.constant 0 : i32
    %lt3A_559 = arith.cmpi slt, %select_n3A_552, %lt3A_558 : i32
    %ne3A_560 = arith.xori %lt3A_557, %lt3A_559 : i1
    %and3A_561 = arith.andi %ne3A_560, %ne3A_555 : i1
    %add3A_562 = arith.addi %rem3A_553, %select_n3A_552 : i32
    %select_n3A_563 = arith.select %and3A_561, %add3A_562, %rem3A_553 : i32
    %mul3A_564 = arith.constant 3136 : i32
    %mul3A_565 = arith.muli %select_n3A_563, %mul3A_564 : i32
    %multiple_of3A_566 = tpu.assume_multiple %mul3A_565, 3136 : i32
    %dma_start3A_567 = tpu.memref_slice %arg7[%multiple_of3A_566] : memref<100352xf32, #tpu.memory_space<vmem>> -> memref<3136xf32, #tpu.memory_space<vmem>>
    %dma_start3A_568 = tpu.memref_slice %arg4[%multiple_of3A_566] : memref<100352xf32, #tpu.memory_space<hbm>> -> memref<3136xf32, #tpu.memory_space<hbm>>
    %dma_start3A_569 = tpu.memref_slice %arg7[%multiple_of3A_566] : memref<100352xf32, #tpu.memory_space<vmem>> -> memref<3136xf32, #tpu.memory_space<vmem>>
    %dma_start3A_570 = tpu.memref_slice %arg4[%multiple_of3A_566] : memref<100352xf32, #tpu.memory_space<hbm>> -> memref<3136xf32, #tpu.memory_space<hbm>>
    tpu.enqueue_dma source(%dma_start3A_570 : memref<3136xf32, #tpu.memory_space<hbm>>) target(%dma_start3A_569 : memref<3136xf32, #tpu.memory_space<vmem>>) target_semaphore(%arg13 : memref<!tpu.dma_semaphore, #tpu.memory_space<semaphore_mem>>)
    %add3A_571 = arith.constant 23 : i32
    %add3A_572 = arith.addi %add3A, %add3A_571 : i32
    %jit3A_573 = arith.constant 32 : i32
    %eq3A_574 = arith.constant 0 : i32
    %eq3A_575 = arith.cmpi eq, %jit3A_573, %eq3A_574 : i32
    %jit3A_576 = arith.constant 1 : i32
    %select_n3A_577 = arith.select %eq3A_575, %jit3A_576, %jit3A_573 : i32
    %rem3A_578 = arith.remsi %add3A_572, %select_n3A_577 : i32
    %ne3A_579 = arith.constant 0 : i32
    %ne3A_580 = arith.cmpi ne, %rem3A_578, %ne3A_579 : i32
    %lt3A_581 = arith.constant 0 : i32
    %lt3A_582 = arith.cmpi slt, %rem3A_578, %lt3A_581 : i32
    %lt3A_583 = arith.constant 0 : i32
    %lt3A_584 = arith.cmpi slt, %select_n3A_577, %lt3A_583 : i32
    %ne3A_585 = arith.xori %lt3A_582, %lt3A_584 : i1
    %and3A_586 = arith.andi %ne3A_585, %ne3A_580 : i1
    %add3A_587 = arith.addi %rem3A_578, %select_n3A_577 : i32
    %select_n3A_588 = arith.select %and3A_586, %add3A_587, %rem3A_578 : i32
    %mul3A_589 = arith.constant 3136 : i32
    %mul3A_590 = arith.muli %select_n3A_588, %mul3A_589 : i32
    %multiple_of3A_591 = tpu.assume_multiple %mul3A_590, 3136 : i32
    %dma_start3A_592 = tpu.memref_slice %arg7[%multiple_of3A_591] : memref<100352xf32, #tpu.memory_space<vmem>> -> memref<3136xf32, #tpu.memory_space<vmem>>
    %dma_start3A_593 = tpu.memref_slice %arg4[%multiple_of3A_591] : memref<100352xf32, #tpu.memory_space<hbm>> -> memref<3136xf32, #tpu.memory_space<hbm>>
    %dma_start3A_594 = tpu.memref_slice %arg7[%multiple_of3A_591] : memref<100352xf32, #tpu.memory_space<vmem>> -> memref<3136xf32, #tpu.memory_space<vmem>>
    %dma_start3A_595 = tpu.memref_slice %arg4[%multiple_of3A_591] : memref<100352xf32, #tpu.memory_space<hbm>> -> memref<3136xf32, #tpu.memory_space<hbm>>
    tpu.enqueue_dma source(%dma_start3A_595 : memref<3136xf32, #tpu.memory_space<hbm>>) target(%dma_start3A_594 : memref<3136xf32, #tpu.memory_space<vmem>>) target_semaphore(%arg13 : memref<!tpu.dma_semaphore, #tpu.memory_space<semaphore_mem>>)
    %add3A_596 = arith.constant 24 : i32
    %add3A_597 = arith.addi %add3A, %add3A_596 : i32
    %jit3A_598 = arith.constant 32 : i32
    %eq3A_599 = arith.constant 0 : i32
    %eq3A_600 = arith.cmpi eq, %jit3A_598, %eq3A_599 : i32
    %jit3A_601 = arith.constant 1 : i32
    %select_n3A_602 = arith.select %eq3A_600, %jit3A_601, %jit3A_598 : i32
    %rem3A_603 = arith.remsi %add3A_597, %select_n3A_602 : i32
    %ne3A_604 = arith.constant 0 : i32
    %ne3A_605 = arith.cmpi ne, %rem3A_603, %ne3A_604 : i32
    %lt3A_606 = arith.constant 0 : i32
    %lt3A_607 = arith.cmpi slt, %rem3A_603, %lt3A_606 : i32
    %lt3A_608 = arith.constant 0 : i32
    %lt3A_609 = arith.cmpi slt, %select_n3A_602, %lt3A_608 : i32
    %ne3A_610 = arith.xori %lt3A_607, %lt3A_609 : i1
    %and3A_611 = arith.andi %ne3A_610, %ne3A_605 : i1
    %add3A_612 = arith.addi %rem3A_603, %select_n3A_602 : i32
    %select_n3A_613 = arith.select %and3A_611, %add3A_612, %rem3A_603 : i32
    %mul3A_614 = arith.constant 3136 : i32
    %mul3A_615 = arith.muli %select_n3A_613, %mul3A_614 : i32
    %multiple_of3A_616 = tpu.assume_multiple %mul3A_615, 3136 : i32
    %dma_start3A_617 = tpu.memref_slice %arg7[%multiple_of3A_616] : memref<100352xf32, #tpu.memory_space<vmem>> -> memref<3136xf32, #tpu.memory_space<vmem>>
    %dma_start3A_618 = tpu.memref_slice %arg4[%multiple_of3A_616] : memref<100352xf32, #tpu.memory_space<hbm>> -> memref<3136xf32, #tpu.memory_space<hbm>>
    %dma_start3A_619 = tpu.memref_slice %arg7[%multiple_of3A_616] : memref<100352xf32, #tpu.memory_space<vmem>> -> memref<3136xf32, #tpu.memory_space<vmem>>
    %dma_start3A_620 = tpu.memref_slice %arg4[%multiple_of3A_616] : memref<100352xf32, #tpu.memory_space<hbm>> -> memref<3136xf32, #tpu.memory_space<hbm>>
    tpu.enqueue_dma source(%dma_start3A_620 : memref<3136xf32, #tpu.memory_space<hbm>>) target(%dma_start3A_619 : memref<3136xf32, #tpu.memory_space<vmem>>) target_semaphore(%arg13 : memref<!tpu.dma_semaphore, #tpu.memory_space<semaphore_mem>>)
    %add3A_621 = arith.constant 25 : i32
    %add3A_622 = arith.addi %add3A, %add3A_621 : i32
    %jit3A_623 = arith.constant 32 : i32
    %eq3A_624 = arith.constant 0 : i32
    %eq3A_625 = arith.cmpi eq, %jit3A_623, %eq3A_624 : i32
    %jit3A_626 = arith.constant 1 : i32
    %select_n3A_627 = arith.select %eq3A_625, %jit3A_626, %jit3A_623 : i32
    %rem3A_628 = arith.remsi %add3A_622, %select_n3A_627 : i32
    %ne3A_629 = arith.constant 0 : i32
    %ne3A_630 = arith.cmpi ne, %rem3A_628, %ne3A_629 : i32
    %lt3A_631 = arith.constant 0 : i32
    %lt3A_632 = arith.cmpi slt, %rem3A_628, %lt3A_631 : i32
    %lt3A_633 = arith.constant 0 : i32
    %lt3A_634 = arith.cmpi slt, %select_n3A_627, %lt3A_633 : i32
    %ne3A_635 = arith.xori %lt3A_632, %lt3A_634 : i1
    %and3A_636 = arith.andi %ne3A_635, %ne3A_630 : i1
    %add3A_637 = arith.addi %rem3A_628, %select_n3A_627 : i32
    %select_n3A_638 = arith.select %and3A_636, %add3A_637, %rem3A_628 : i32
    %mul3A_639 = arith.constant 3136 : i32
    %mul3A_640 = arith.muli %select_n3A_638, %mul3A_639 : i32
    %multiple_of3A_641 = tpu.assume_multiple %mul3A_640, 3136 : i32
    %dma_start3A_642 = tpu.memref_slice %arg7[%multiple_of3A_641] : memref<100352xf32, #tpu.memory_space<vmem>> -> memref<3136xf32, #tpu.memory_space<vmem>>
    %dma_start3A_643 = tpu.memref_slice %arg4[%multiple_of3A_641] : memref<100352xf32, #tpu.memory_space<hbm>> -> memref<3136xf32, #tpu.memory_space<hbm>>
    %dma_start3A_644 = tpu.memref_slice %arg7[%multiple_of3A_641] : memref<100352xf32, #tpu.memory_space<vmem>> -> memref<3136xf32, #tpu.memory_space<vmem>>
    %dma_start3A_645 = tpu.memref_slice %arg4[%multiple_of3A_641] : memref<100352xf32, #tpu.memory_space<hbm>> -> memref<3136xf32, #tpu.memory_space<hbm>>
    tpu.enqueue_dma source(%dma_start3A_645 : memref<3136xf32, #tpu.memory_space<hbm>>) target(%dma_start3A_644 : memref<3136xf32, #tpu.memory_space<vmem>>) target_semaphore(%arg13 : memref<!tpu.dma_semaphore, #tpu.memory_space<semaphore_mem>>)
    %add3A_646 = arith.constant 26 : i32
    %add3A_647 = arith.addi %add3A, %add3A_646 : i32
    %jit3A_648 = arith.constant 32 : i32
    %eq3A_649 = arith.constant 0 : i32
    %eq3A_650 = arith.cmpi eq, %jit3A_648, %eq3A_649 : i32
    %jit3A_651 = arith.constant 1 : i32
    %select_n3A_652 = arith.select %eq3A_650, %jit3A_651, %jit3A_648 : i32
    %rem3A_653 = arith.remsi %add3A_647, %select_n3A_652 : i32
    %ne3A_654 = arith.constant 0 : i32
    %ne3A_655 = arith.cmpi ne, %rem3A_653, %ne3A_654 : i32
    %lt3A_656 = arith.constant 0 : i32
    %lt3A_657 = arith.cmpi slt, %rem3A_653, %lt3A_656 : i32
    %lt3A_658 = arith.constant 0 : i32
    %lt3A_659 = arith.cmpi slt, %select_n3A_652, %lt3A_658 : i32
    %ne3A_660 = arith.xori %lt3A_657, %lt3A_659 : i1
    %and3A_661 = arith.andi %ne3A_660, %ne3A_655 : i1
    %add3A_662 = arith.addi %rem3A_653, %select_n3A_652 : i32
    %select_n3A_663 = arith.select %and3A_661, %add3A_662, %rem3A_653 : i32
    %mul3A_664 = arith.constant 3136 : i32
    %mul3A_665 = arith.muli %select_n3A_663, %mul3A_664 : i32
    %multiple_of3A_666 = tpu.assume_multiple %mul3A_665, 3136 : i32
    %dma_start3A_667 = tpu.memref_slice %arg7[%multiple_of3A_666] : memref<100352xf32, #tpu.memory_space<vmem>> -> memref<3136xf32, #tpu.memory_space<vmem>>
    %dma_start3A_668 = tpu.memref_slice %arg4[%multiple_of3A_666] : memref<100352xf32, #tpu.memory_space<hbm>> -> memref<3136xf32, #tpu.memory_space<hbm>>
    %dma_start3A_669 = tpu.memref_slice %arg7[%multiple_of3A_666] : memref<100352xf32, #tpu.memory_space<vmem>> -> memref<3136xf32, #tpu.memory_space<vmem>>
    %dma_start3A_670 = tpu.memref_slice %arg4[%multiple_of3A_666] : memref<100352xf32, #tpu.memory_space<hbm>> -> memref<3136xf32, #tpu.memory_space<hbm>>
    tpu.enqueue_dma source(%dma_start3A_670 : memref<3136xf32, #tpu.memory_space<hbm>>) target(%dma_start3A_669 : memref<3136xf32, #tpu.memory_space<vmem>>) target_semaphore(%arg13 : memref<!tpu.dma_semaphore, #tpu.memory_space<semaphore_mem>>)
    %add3A_671 = arith.constant 27 : i32
    %add3A_672 = arith.addi %add3A, %add3A_671 : i32
    %jit3A_673 = arith.constant 32 : i32
    %eq3A_674 = arith.constant 0 : i32
    %eq3A_675 = arith.cmpi eq, %jit3A_673, %eq3A_674 : i32
    %jit3A_676 = arith.constant 1 : i32
    %select_n3A_677 = arith.select %eq3A_675, %jit3A_676, %jit3A_673 : i32
    %rem3A_678 = arith.remsi %add3A_672, %select_n3A_677 : i32
    %ne3A_679 = arith.constant 0 : i32
    %ne3A_680 = arith.cmpi ne, %rem3A_678, %ne3A_679 : i32
    %lt3A_681 = arith.constant 0 : i32
    %lt3A_682 = arith.cmpi slt, %rem3A_678, %lt3A_681 : i32
    %lt3A_683 = arith.constant 0 : i32
    %lt3A_684 = arith.cmpi slt, %select_n3A_677, %lt3A_683 : i32
    %ne3A_685 = arith.xori %lt3A_682, %lt3A_684 : i1
    %and3A_686 = arith.andi %ne3A_685, %ne3A_680 : i1
    %add3A_687 = arith.addi %rem3A_678, %select_n3A_677 : i32
    %select_n3A_688 = arith.select %and3A_686, %add3A_687, %rem3A_678 : i32
    %mul3A_689 = arith.constant 3136 : i32
    %mul3A_690 = arith.muli %select_n3A_688, %mul3A_689 : i32
    %multiple_of3A_691 = tpu.assume_multiple %mul3A_690, 3136 : i32
    %dma_start3A_692 = tpu.memref_slice %arg7[%multiple_of3A_691] : memref<100352xf32, #tpu.memory_space<vmem>> -> memref<3136xf32, #tpu.memory_space<vmem>>
    %dma_start3A_693 = tpu.memref_slice %arg4[%multiple_of3A_691] : memref<100352xf32, #tpu.memory_space<hbm>> -> memref<3136xf32, #tpu.memory_space<hbm>>
    %dma_start3A_694 = tpu.memref_slice %arg7[%multiple_of3A_691] : memref<100352xf32, #tpu.memory_space<vmem>> -> memref<3136xf32, #tpu.memory_space<vmem>>
    %dma_start3A_695 = tpu.memref_slice %arg4[%multiple_of3A_691] : memref<100352xf32, #tpu.memory_space<hbm>> -> memref<3136xf32, #tpu.memory_space<hbm>>
    tpu.enqueue_dma source(%dma_start3A_695 : memref<3136xf32, #tpu.memory_space<hbm>>) target(%dma_start3A_694 : memref<3136xf32, #tpu.memory_space<vmem>>) target_semaphore(%arg13 : memref<!tpu.dma_semaphore, #tpu.memory_space<semaphore_mem>>)
    %add3A_696 = arith.constant 28 : i32
    %add3A_697 = arith.addi %add3A, %add3A_696 : i32
    %jit3A_698 = arith.constant 32 : i32
    %eq3A_699 = arith.constant 0 : i32
    %eq3A_700 = arith.cmpi eq, %jit3A_698, %eq3A_699 : i32
    %jit3A_701 = arith.constant 1 : i32
    %select_n3A_702 = arith.select %eq3A_700, %jit3A_701, %jit3A_698 : i32
    %rem3A_703 = arith.remsi %add3A_697, %select_n3A_702 : i32
    %ne3A_704 = arith.constant 0 : i32
    %ne3A_705 = arith.cmpi ne, %rem3A_703, %ne3A_704 : i32
    %lt3A_706 = arith.constant 0 : i32
    %lt3A_707 = arith.cmpi slt, %rem3A_703, %lt3A_706 : i32
    %lt3A_708 = arith.constant 0 : i32
    %lt3A_709 = arith.cmpi slt, %select_n3A_702, %lt3A_708 : i32
    %ne3A_710 = arith.xori %lt3A_707, %lt3A_709 : i1
    %and3A_711 = arith.andi %ne3A_710, %ne3A_705 : i1
    %add3A_712 = arith.addi %rem3A_703, %select_n3A_702 : i32
    %select_n3A_713 = arith.select %and3A_711, %add3A_712, %rem3A_703 : i32
    %mul3A_714 = arith.constant 3136 : i32
    %mul3A_715 = arith.muli %select_n3A_713, %mul3A_714 : i32
    %multiple_of3A_716 = tpu.assume_multiple %mul3A_715, 3136 : i32
    %dma_start3A_717 = tpu.memref_slice %arg7[%multiple_of3A_716] : memref<100352xf32, #tpu.memory_space<vmem>> -> memref<3136xf32, #tpu.memory_space<vmem>>
    %dma_start3A_718 = tpu.memref_slice %arg4[%multiple_of3A_716] : memref<100352xf32, #tpu.memory_space<hbm>> -> memref<3136xf32, #tpu.memory_space<hbm>>
    %dma_start3A_719 = tpu.memref_slice %arg7[%multiple_of3A_716] : memref<100352xf32, #tpu.memory_space<vmem>> -> memref<3136xf32, #tpu.memory_space<vmem>>
    %dma_start3A_720 = tpu.memref_slice %arg4[%multiple_of3A_716] : memref<100352xf32, #tpu.memory_space<hbm>> -> memref<3136xf32, #tpu.memory_space<hbm>>
    tpu.enqueue_dma source(%dma_start3A_720 : memref<3136xf32, #tpu.memory_space<hbm>>) target(%dma_start3A_719 : memref<3136xf32, #tpu.memory_space<vmem>>) target_semaphore(%arg13 : memref<!tpu.dma_semaphore, #tpu.memory_space<semaphore_mem>>)
    %add3A_721 = arith.constant 29 : i32
    %add3A_722 = arith.addi %add3A, %add3A_721 : i32
    %jit3A_723 = arith.constant 32 : i32
    %eq3A_724 = arith.constant 0 : i32
    %eq3A_725 = arith.cmpi eq, %jit3A_723, %eq3A_724 : i32
    %jit3A_726 = arith.constant 1 : i32
    %select_n3A_727 = arith.select %eq3A_725, %jit3A_726, %jit3A_723 : i32
    %rem3A_728 = arith.remsi %add3A_722, %select_n3A_727 : i32
    %ne3A_729 = arith.constant 0 : i32
    %ne3A_730 = arith.cmpi ne, %rem3A_728, %ne3A_729 : i32
    %lt3A_731 = arith.constant 0 : i32
    %lt3A_732 = arith.cmpi slt, %rem3A_728, %lt3A_731 : i32
    %lt3A_733 = arith.constant 0 : i32
    %lt3A_734 = arith.cmpi slt, %select_n3A_727, %lt3A_733 : i32
    %ne3A_735 = arith.xori %lt3A_732, %lt3A_734 : i1
    %and3A_736 = arith.andi %ne3A_735, %ne3A_730 : i1
    %add3A_737 = arith.addi %rem3A_728, %select_n3A_727 : i32
    %select_n3A_738 = arith.select %and3A_736, %add3A_737, %rem3A_728 : i32
    %mul3A_739 = arith.constant 3136 : i32
    %mul3A_740 = arith.muli %select_n3A_738, %mul3A_739 : i32
    %multiple_of3A_741 = tpu.assume_multiple %mul3A_740, 3136 : i32
    %dma_start3A_742 = tpu.memref_slice %arg7[%multiple_of3A_741] : memref<100352xf32, #tpu.memory_space<vmem>> -> memref<3136xf32, #tpu.memory_space<vmem>>
    %dma_start3A_743 = tpu.memref_slice %arg4[%multiple_of3A_741] : memref<100352xf32, #tpu.memory_space<hbm>> -> memref<3136xf32, #tpu.memory_space<hbm>>
    %dma_start3A_744 = tpu.memref_slice %arg7[%multiple_of3A_741] : memref<100352xf32, #tpu.memory_space<vmem>> -> memref<3136xf32, #tpu.memory_space<vmem>>
    %dma_start3A_745 = tpu.memref_slice %arg4[%multiple_of3A_741] : memref<100352xf32, #tpu.memory_space<hbm>> -> memref<3136xf32, #tpu.memory_space<hbm>>
    tpu.enqueue_dma source(%dma_start3A_745 : memref<3136xf32, #tpu.memory_space<hbm>>) target(%dma_start3A_744 : memref<3136xf32, #tpu.memory_space<vmem>>) target_semaphore(%arg13 : memref<!tpu.dma_semaphore, #tpu.memory_space<semaphore_mem>>)
    %add3A_746 = arith.constant 30 : i32
    %add3A_747 = arith.addi %add3A, %add3A_746 : i32
    %jit3A_748 = arith.constant 32 : i32
    %eq3A_749 = arith.constant 0 : i32
    %eq3A_750 = arith.cmpi eq, %jit3A_748, %eq3A_749 : i32
    %jit3A_751 = arith.constant 1 : i32
    %select_n3A_752 = arith.select %eq3A_750, %jit3A_751, %jit3A_748 : i32
    %rem3A_753 = arith.remsi %add3A_747, %select_n3A_752 : i32
    %ne3A_754 = arith.constant 0 : i32
    %ne3A_755 = arith.cmpi ne, %rem3A_753, %ne3A_754 : i32
    %lt3A_756 = arith.constant 0 : i32
    %lt3A_757 = arith.cmpi slt, %rem3A_753, %lt3A_756 : i32
    %lt3A_758 = arith.constant 0 : i32
    %lt3A_759 = arith.cmpi slt, %select_n3A_752, %lt3A_758 : i32
    %ne3A_760 = arith.xori %lt3A_757, %lt3A_759 : i1
    %and3A_761 = arith.andi %ne3A_760, %ne3A_755 : i1
    %add3A_762 = arith.addi %rem3A_753, %select_n3A_752 : i32
    %select_n3A_763 = arith.select %and3A_761, %add3A_762, %rem3A_753 : i32
    %mul3A_764 = arith.constant 3136 : i32
    %mul3A_765 = arith.muli %select_n3A_763, %mul3A_764 : i32
    %multiple_of3A_766 = tpu.assume_multiple %mul3A_765, 3136 : i32
    %dma_start3A_767 = tpu.memref_slice %arg7[%multiple_of3A_766] : memref<100352xf32, #tpu.memory_space<vmem>> -> memref<3136xf32, #tpu.memory_space<vmem>>
    %dma_start3A_768 = tpu.memref_slice %arg4[%multiple_of3A_766] : memref<100352xf32, #tpu.memory_space<hbm>> -> memref<3136xf32, #tpu.memory_space<hbm>>
    %dma_start3A_769 = tpu.memref_slice %arg7[%multiple_of3A_766] : memref<100352xf32, #tpu.memory_space<vmem>> -> memref<3136xf32, #tpu.memory_space<vmem>>
    %dma_start3A_770 = tpu.memref_slice %arg4[%multiple_of3A_766] : memref<100352xf32, #tpu.memory_space<hbm>> -> memref<3136xf32, #tpu.memory_space<hbm>>
    tpu.enqueue_dma source(%dma_start3A_770 : memref<3136xf32, #tpu.memory_space<hbm>>) target(%dma_start3A_769 : memref<3136xf32, #tpu.memory_space<vmem>>) target_semaphore(%arg13 : memref<!tpu.dma_semaphore, #tpu.memory_space<semaphore_mem>>)
    %add3A_771 = arith.constant 31 : i32
    %add3A_772 = arith.addi %add3A, %add3A_771 : i32
    %jit3A_773 = arith.constant 32 : i32
    %eq3A_774 = arith.constant 0 : i32
    %eq3A_775 = arith.cmpi eq, %jit3A_773, %eq3A_774 : i32
    %jit3A_776 = arith.constant 1 : i32
    %select_n3A_777 = arith.select %eq3A_775, %jit3A_776, %jit3A_773 : i32
    %rem3A_778 = arith.remsi %add3A_772, %select_n3A_777 : i32
    %ne3A_779 = arith.constant 0 : i32
    %ne3A_780 = arith.cmpi ne, %rem3A_778, %ne3A_779 : i32
    %lt3A_781 = arith.constant 0 : i32
    %lt3A_782 = arith.cmpi slt, %rem3A_778, %lt3A_781 : i32
    %lt3A_783 = arith.constant 0 : i32
    %lt3A_784 = arith.cmpi slt, %select_n3A_777, %lt3A_783 : i32
    %ne3A_785 = arith.xori %lt3A_782, %lt3A_784 : i1
    %and3A_786 = arith.andi %ne3A_785, %ne3A_780 : i1
    %add3A_787 = arith.addi %rem3A_778, %select_n3A_777 : i32
    %select_n3A_788 = arith.select %and3A_786, %add3A_787, %rem3A_778 : i32
    %mul3A_789 = arith.constant 3136 : i32
    %mul3A_790 = arith.muli %select_n3A_788, %mul3A_789 : i32
    %multiple_of3A_791 = tpu.assume_multiple %mul3A_790, 3136 : i32
    %dma_start3A_792 = tpu.memref_slice %arg7[%multiple_of3A_791] : memref<100352xf32, #tpu.memory_space<vmem>> -> memref<3136xf32, #tpu.memory_space<vmem>>
    %dma_start3A_793 = tpu.memref_slice %arg4[%multiple_of3A_791] : memref<100352xf32, #tpu.memory_space<hbm>> -> memref<3136xf32, #tpu.memory_space<hbm>>
    %dma_start3A_794 = tpu.memref_slice %arg7[%multiple_of3A_791] : memref<100352xf32, #tpu.memory_space<vmem>> -> memref<3136xf32, #tpu.memory_space<vmem>>
    %dma_start3A_795 = tpu.memref_slice %arg4[%multiple_of3A_791] : memref<100352xf32, #tpu.memory_space<hbm>> -> memref<3136xf32, #tpu.memory_space<hbm>>
    tpu.enqueue_dma source(%dma_start3A_795 : memref<3136xf32, #tpu.memory_space<hbm>>) target(%dma_start3A_794 : memref<3136xf32, #tpu.memory_space<vmem>>) target_semaphore(%arg13 : memref<!tpu.dma_semaphore, #tpu.memory_space<semaphore_mem>>)
    %dma_wait3A = arith.constant 0 : i32
    %dma_wait3A_796 = tpu.memref_slice %arg7[%dma_wait3A] : memref<100352xf32, #tpu.memory_space<vmem>> -> memref<3136xf32, #tpu.memory_space<vmem>>
    %dma_wait3A_797 = arith.constant 0 : i32
    %dma_wait3A_798 = tpu.memref_slice %arg4[%dma_wait3A_797] : memref<100352xf32, #tpu.memory_space<hbm>> -> memref<3136xf32, #tpu.memory_space<hbm>>
    %dma_wait3A_799 = arith.constant 0 : i32
    %dma_wait3A_800 = tpu.memref_slice %arg7[%dma_wait3A_799] : memref<100352xf32, #tpu.memory_space<vmem>> -> memref<3136xf32, #tpu.memory_space<vmem>>
    %dma_wait3A_801 = arith.constant 0 : i32
    %dma_wait3A_802 = tpu.memref_slice %arg4[%dma_wait3A_801] : memref<100352xf32, #tpu.memory_space<hbm>> -> memref<3136xf32, #tpu.memory_space<hbm>>
    tpu.wait_dma2 semaphore(%arg13 : memref<!tpu.dma_semaphore, #tpu.memory_space<semaphore_mem>>) src(%dma_wait3A_802 : memref<3136xf32, #tpu.memory_space<hbm>>) dst(%dma_wait3A_800 : memref<3136xf32, #tpu.memory_space<vmem>>)
    %dma_wait3A_803 = arith.constant 0 : i32
    %dma_wait3A_804 = tpu.memref_slice %arg7[%dma_wait3A_803] : memref<100352xf32, #tpu.memory_space<vmem>> -> memref<3136xf32, #tpu.memory_space<vmem>>
    %dma_wait3A_805 = arith.constant 0 : i32
    %dma_wait3A_806 = tpu.memref_slice %arg4[%dma_wait3A_805] : memref<100352xf32, #tpu.memory_space<hbm>> -> memref<3136xf32, #tpu.memory_space<hbm>>
    %dma_wait3A_807 = arith.constant 0 : i32
    %dma_wait3A_808 = tpu.memref_slice %arg7[%dma_wait3A_807] : memref<100352xf32, #tpu.memory_space<vmem>> -> memref<3136xf32, #tpu.memory_space<vmem>>
    %dma_wait3A_809 = arith.constant 0 : i32
    %dma_wait3A_810 = tpu.memref_slice %arg4[%dma_wait3A_809] : memref<100352xf32, #tpu.memory_space<hbm>> -> memref<3136xf32, #tpu.memory_space<hbm>>
    tpu.wait_dma2 semaphore(%arg13 : memref<!tpu.dma_semaphore, #tpu.memory_space<semaphore_mem>>) src(%dma_wait3A_810 : memref<3136xf32, #tpu.memory_space<hbm>>) dst(%dma_wait3A_808 : memref<3136xf32, #tpu.memory_space<vmem>>)
    %dma_wait3A_811 = arith.constant 0 : i32
    %dma_wait3A_812 = tpu.memref_slice %arg7[%dma_wait3A_811] : memref<100352xf32, #tpu.memory_space<vmem>> -> memref<3136xf32, #tpu.memory_space<vmem>>
    %dma_wait3A_813 = arith.constant 0 : i32
    %dma_wait3A_814 = tpu.memref_slice %arg4[%dma_wait3A_813] : memref<100352xf32, #tpu.memory_space<hbm>> -> memref<3136xf32, #tpu.memory_space<hbm>>
    %dma_wait3A_815 = arith.constant 0 : i32
    %dma_wait3A_816 = tpu.memref_slice %arg7[%dma_wait3A_815] : memref<100352xf32, #tpu.memory_space<vmem>> -> memref<3136xf32, #tpu.memory_space<vmem>>
    %dma_wait3A_817 = arith.constant 0 : i32
    %dma_wait3A_818 = tpu.memref_slice %arg4[%dma_wait3A_817] : memref<100352xf32, #tpu.memory_space<hbm>> -> memref<3136xf32, #tpu.memory_space<hbm>>
    tpu.wait_dma2 semaphore(%arg13 : memref<!tpu.dma_semaphore, #tpu.memory_space<semaphore_mem>>) src(%dma_wait3A_818 : memref<3136xf32, #tpu.memory_space<hbm>>) dst(%dma_wait3A_816 : memref<3136xf32, #tpu.memory_space<vmem>>)
    %dma_wait3A_819 = arith.constant 0 : i32
    %dma_wait3A_820 = tpu.memref_slice %arg7[%dma_wait3A_819] : memref<100352xf32, #tpu.memory_space<vmem>> -> memref<3136xf32, #tpu.memory_space<vmem>>
    %dma_wait3A_821 = arith.constant 0 : i32
    %dma_wait3A_822 = tpu.memref_slice %arg4[%dma_wait3A_821] : memref<100352xf32, #tpu.memory_space<hbm>> -> memref<3136xf32, #tpu.memory_space<hbm>>
    %dma_wait3A_823 = arith.constant 0 : i32
    %dma_wait3A_824 = tpu.memref_slice %arg7[%dma_wait3A_823] : memref<100352xf32, #tpu.memory_space<vmem>> -> memref<3136xf32, #tpu.memory_space<vmem>>
    %dma_wait3A_825 = arith.constant 0 : i32
    %dma_wait3A_826 = tpu.memref_slice %arg4[%dma_wait3A_825] : memref<100352xf32, #tpu.memory_space<hbm>> -> memref<3136xf32, #tpu.memory_space<hbm>>
    tpu.wait_dma2 semaphore(%arg13 : memref<!tpu.dma_semaphore, #tpu.memory_space<semaphore_mem>>) src(%dma_wait3A_826 : memref<3136xf32, #tpu.memory_space<hbm>>) dst(%dma_wait3A_824 : memref<3136xf32, #tpu.memory_space<vmem>>)
    %dma_wait3A_827 = arith.constant 0 : i32
    %dma_wait3A_828 = tpu.memref_slice %arg7[%dma_wait3A_827] : memref<100352xf32, #tpu.memory_space<vmem>> -> memref<3136xf32, #tpu.memory_space<vmem>>
    %dma_wait3A_829 = arith.constant 0 : i32
    %dma_wait3A_830 = tpu.memref_slice %arg4[%dma_wait3A_829] : memref<100352xf32, #tpu.memory_space<hbm>> -> memref<3136xf32, #tpu.memory_space<hbm>>
    %dma_wait3A_831 = arith.constant 0 : i32
    %dma_wait3A_832 = tpu.memref_slice %arg7[%dma_wait3A_831] : memref<100352xf32, #tpu.memory_space<vmem>> -> memref<3136xf32, #tpu.memory_space<vmem>>
    %dma_wait3A_833 = arith.constant 0 : i32
    %dma_wait3A_834 = tpu.memref_slice %arg4[%dma_wait3A_833] : memref<100352xf32, #tpu.memory_space<hbm>> -> memref<3136xf32, #tpu.memory_space<hbm>>
    tpu.wait_dma2 semaphore(%arg13 : memref<!tpu.dma_semaphore, #tpu.memory_space<semaphore_mem>>) src(%dma_wait3A_834 : memref<3136xf32, #tpu.memory_space<hbm>>) dst(%dma_wait3A_832 : memref<3136xf32, #tpu.memory_space<vmem>>)
    %dma_wait3A_835 = arith.constant 0 : i32
    %dma_wait3A_836 = tpu.memref_slice %arg7[%dma_wait3A_835] : memref<100352xf32, #tpu.memory_space<vmem>> -> memref<3136xf32, #tpu.memory_space<vmem>>
    %dma_wait3A_837 = arith.constant 0 : i32
    %dma_wait3A_838 = tpu.memref_slice %arg4[%dma_wait3A_837] : memref<100352xf32, #tpu.memory_space<hbm>> -> memref<3136xf32, #tpu.memory_space<hbm>>
    %dma_wait3A_839 = arith.constant 0 : i32
    %dma_wait3A_840 = tpu.memref_slice %arg7[%dma_wait3A_839] : memref<100352xf32, #tpu.memory_space<vmem>> -> memref<3136xf32, #tpu.memory_space<vmem>>
    %dma_wait3A_841 = arith.constant 0 : i32
    %dma_wait3A_842 = tpu.memref_slice %arg4[%dma_wait3A_841] : memref<100352xf32, #tpu.memory_space<hbm>> -> memref<3136xf32, #tpu.memory_space<hbm>>
    tpu.wait_dma2 semaphore(%arg13 : memref<!tpu.dma_semaphore, #tpu.memory_space<semaphore_mem>>) src(%dma_wait3A_842 : memref<3136xf32, #tpu.memory_space<hbm>>) dst(%dma_wait3A_840 : memref<3136xf32, #tpu.memory_space<vmem>>)
    %dma_wait3A_843 = arith.constant 0 : i32
    %dma_wait3A_844 = tpu.memref_slice %arg7[%dma_wait3A_843] : memref<100352xf32, #tpu.memory_space<vmem>> -> memref<3136xf32, #tpu.memory_space<vmem>>
    %dma_wait3A_845 = arith.constant 0 : i32
    %dma_wait3A_846 = tpu.memref_slice %arg4[%dma_wait3A_845] : memref<100352xf32, #tpu.memory_space<hbm>> -> memref<3136xf32, #tpu.memory_space<hbm>>
    %dma_wait3A_847 = arith.constant 0 : i32
    %dma_wait3A_848 = tpu.memref_slice %arg7[%dma_wait3A_847] : memref<100352xf32, #tpu.memory_space<vmem>> -> memref<3136xf32, #tpu.memory_space<vmem>>
    %dma_wait3A_849 = arith.constant 0 : i32
    %dma_wait3A_850 = tpu.memref_slice %arg4[%dma_wait3A_849] : memref<100352xf32, #tpu.memory_space<hbm>> -> memref<3136xf32, #tpu.memory_space<hbm>>
    tpu.wait_dma2 semaphore(%arg13 : memref<!tpu.dma_semaphore, #tpu.memory_space<semaphore_mem>>) src(%dma_wait3A_850 : memref<3136xf32, #tpu.memory_space<hbm>>) dst(%dma_wait3A_848 : memref<3136xf32, #tpu.memory_space<vmem>>)
    %dma_wait3A_851 = arith.constant 0 : i32
    %dma_wait3A_852 = tpu.memref_slice %arg7[%dma_wait3A_851] : memref<100352xf32, #tpu.memory_space<vmem>> -> memref<3136xf32, #tpu.memory_space<vmem>>
    %dma_wait3A_853 = arith.constant 0 : i32
    %dma_wait3A_854 = tpu.memref_slice %arg4[%dma_wait3A_853] : memref<100352xf32, #tpu.memory_space<hbm>> -> memref<3136xf32, #tpu.memory_space<hbm>>
    %dma_wait3A_855 = arith.constant 0 : i32
    %dma_wait3A_856 = tpu.memref_slice %arg7[%dma_wait3A_855] : memref<100352xf32, #tpu.memory_space<vmem>> -> memref<3136xf32, #tpu.memory_space<vmem>>
    %dma_wait3A_857 = arith.constant 0 : i32
    %dma_wait3A_858 = tpu.memref_slice %arg4[%dma_wait3A_857] : memref<100352xf32, #tpu.memory_space<hbm>> -> memref<3136xf32, #tpu.memory_space<hbm>>
    tpu.wait_dma2 semaphore(%arg13 : memref<!tpu.dma_semaphore, #tpu.memory_space<semaphore_mem>>) src(%dma_wait3A_858 : memref<3136xf32, #tpu.memory_space<hbm>>) dst(%dma_wait3A_856 : memref<3136xf32, #tpu.memory_space<vmem>>)
    %dma_wait3A_859 = arith.constant 0 : i32
    %dma_wait3A_860 = tpu.memref_slice %arg7[%dma_wait3A_859] : memref<100352xf32, #tpu.memory_space<vmem>> -> memref<3136xf32, #tpu.memory_space<vmem>>
    %dma_wait3A_861 = arith.constant 0 : i32
    %dma_wait3A_862 = tpu.memref_slice %arg4[%dma_wait3A_861] : memref<100352xf32, #tpu.memory_space<hbm>> -> memref<3136xf32, #tpu.memory_space<hbm>>
    %dma_wait3A_863 = arith.constant 0 : i32
    %dma_wait3A_864 = tpu.memref_slice %arg7[%dma_wait3A_863] : memref<100352xf32, #tpu.memory_space<vmem>> -> memref<3136xf32, #tpu.memory_space<vmem>>
    %dma_wait3A_865 = arith.constant 0 : i32
    %dma_wait3A_866 = tpu.memref_slice %arg4[%dma_wait3A_865] : memref<100352xf32, #tpu.memory_space<hbm>> -> memref<3136xf32, #tpu.memory_space<hbm>>
    tpu.wait_dma2 semaphore(%arg13 : memref<!tpu.dma_semaphore, #tpu.memory_space<semaphore_mem>>) src(%dma_wait3A_866 : memref<3136xf32, #tpu.memory_space<hbm>>) dst(%dma_wait3A_864 : memref<3136xf32, #tpu.memory_space<vmem>>)
    %dma_wait3A_867 = arith.constant 0 : i32
    %dma_wait3A_868 = tpu.memref_slice %arg7[%dma_wait3A_867] : memref<100352xf32, #tpu.memory_space<vmem>> -> memref<3136xf32, #tpu.memory_space<vmem>>
    %dma_wait3A_869 = arith.constant 0 : i32
    %dma_wait3A_870 = tpu.memref_slice %arg4[%dma_wait3A_869] : memref<100352xf32, #tpu.memory_space<hbm>> -> memref<3136xf32, #tpu.memory_space<hbm>>
    %dma_wait3A_871 = arith.constant 0 : i32
    %dma_wait3A_872 = tpu.memref_slice %arg7[%dma_wait3A_871] : memref<100352xf32, #tpu.memory_space<vmem>> -> memref<3136xf32, #tpu.memory_space<vmem>>
    %dma_wait3A_873 = arith.constant 0 : i32
    %dma_wait3A_874 = tpu.memref_slice %arg4[%dma_wait3A_873] : memref<100352xf32, #tpu.memory_space<hbm>> -> memref<3136xf32, #tpu.memory_space<hbm>>
    tpu.wait_dma2 semaphore(%arg13 : memref<!tpu.dma_semaphore, #tpu.memory_space<semaphore_mem>>) src(%dma_wait3A_874 : memref<3136xf32, #tpu.memory_space<hbm>>) dst(%dma_wait3A_872 : memref<3136xf32, #tpu.memory_space<vmem>>)
    %dma_wait3A_875 = arith.constant 0 : i32
    %dma_wait3A_876 = tpu.memref_slice %arg7[%dma_wait3A_875] : memref<100352xf32, #tpu.memory_space<vmem>> -> memref<3136xf32, #tpu.memory_space<vmem>>
    %dma_wait3A_877 = arith.constant 0 : i32
    %dma_wait3A_878 = tpu.memref_slice %arg4[%dma_wait3A_877] : memref<100352xf32, #tpu.memory_space<hbm>> -> memref<3136xf32, #tpu.memory_space<hbm>>
    %dma_wait3A_879 = arith.constant 0 : i32
    %dma_wait3A_880 = tpu.memref_slice %arg7[%dma_wait3A_879] : memref<100352xf32, #tpu.memory_space<vmem>> -> memref<3136xf32, #tpu.memory_space<vmem>>
    %dma_wait3A_881 = arith.constant 0 : i32
    %dma_wait3A_882 = tpu.memref_slice %arg4[%dma_wait3A_881] : memref<100352xf32, #tpu.memory_space<hbm>> -> memref<3136xf32, #tpu.memory_space<hbm>>
    tpu.wait_dma2 semaphore(%arg13 : memref<!tpu.dma_semaphore, #tpu.memory_space<semaphore_mem>>) src(%dma_wait3A_882 : memref<3136xf32, #tpu.memory_space<hbm>>) dst(%dma_wait3A_880 : memref<3136xf32, #tpu.memory_space<vmem>>)
    %dma_wait3A_883 = arith.constant 0 : i32
    %dma_wait3A_884 = tpu.memref_slice %arg7[%dma_wait3A_883] : memref<100352xf32, #tpu.memory_space<vmem>> -> memref<3136xf32, #tpu.memory_space<vmem>>
    %dma_wait3A_885 = arith.constant 0 : i32
    %dma_wait3A_886 = tpu.memref_slice %arg4[%dma_wait3A_885] : memref<100352xf32, #tpu.memory_space<hbm>> -> memref<3136xf32, #tpu.memory_space<hbm>>
    %dma_wait3A_887 = arith.constant 0 : i32
    %dma_wait3A_888 = tpu.memref_slice %arg7[%dma_wait3A_887] : memref<100352xf32, #tpu.memory_space<vmem>> -> memref<3136xf32, #tpu.memory_space<vmem>>
    %dma_wait3A_889 = arith.constant 0 : i32
    %dma_wait3A_890 = tpu.memref_slice %arg4[%dma_wait3A_889] : memref<100352xf32, #tpu.memory_space<hbm>> -> memref<3136xf32, #tpu.memory_space<hbm>>
    tpu.wait_dma2 semaphore(%arg13 : memref<!tpu.dma_semaphore, #tpu.memory_space<semaphore_mem>>) src(%dma_wait3A_890 : memref<3136xf32, #tpu.memory_space<hbm>>) dst(%dma_wait3A_888 : memref<3136xf32, #tpu.memory_space<vmem>>)
    %dma_wait3A_891 = arith.constant 0 : i32
    %dma_wait3A_892 = tpu.memref_slice %arg7[%dma_wait3A_891] : memref<100352xf32, #tpu.memory_space<vmem>> -> memref<3136xf32, #tpu.memory_space<vmem>>
    %dma_wait3A_893 = arith.constant 0 : i32
    %dma_wait3A_894 = tpu.memref_slice %arg4[%dma_wait3A_893] : memref<100352xf32, #tpu.memory_space<hbm>> -> memref<3136xf32, #tpu.memory_space<hbm>>
    %dma_wait3A_895 = arith.constant 0 : i32
    %dma_wait3A_896 = tpu.memref_slice %arg7[%dma_wait3A_895] : memref<100352xf32, #tpu.memory_space<vmem>> -> memref<3136xf32, #tpu.memory_space<vmem>>
    %dma_wait3A_897 = arith.constant 0 : i32
    %dma_wait3A_898 = tpu.memref_slice %arg4[%dma_wait3A_897] : memref<100352xf32, #tpu.memory_space<hbm>> -> memref<3136xf32, #tpu.memory_space<hbm>>
    tpu.wait_dma2 semaphore(%arg13 : memref<!tpu.dma_semaphore, #tpu.memory_space<semaphore_mem>>) src(%dma_wait3A_898 : memref<3136xf32, #tpu.memory_space<hbm>>) dst(%dma_wait3A_896 : memref<3136xf32, #tpu.memory_space<vmem>>)
    %dma_wait3A_899 = arith.constant 0 : i32
    %dma_wait3A_900 = tpu.memref_slice %arg7[%dma_wait3A_899] : memref<100352xf32, #tpu.memory_space<vmem>> -> memref<3136xf32, #tpu.memory_space<vmem>>
    %dma_wait3A_901 = arith.constant 0 : i32
    %dma_wait3A_902 = tpu.memref_slice %arg4[%dma_wait3A_901] : memref<100352xf32, #tpu.memory_space<hbm>> -> memref<3136xf32, #tpu.memory_space<hbm>>
    %dma_wait3A_903 = arith.constant 0 : i32
    %dma_wait3A_904 = tpu.memref_slice %arg7[%dma_wait3A_903] : memref<100352xf32, #tpu.memory_space<vmem>> -> memref<3136xf32, #tpu.memory_space<vmem>>
    %dma_wait3A_905 = arith.constant 0 : i32
    %dma_wait3A_906 = tpu.memref_slice %arg4[%dma_wait3A_905] : memref<100352xf32, #tpu.memory_space<hbm>> -> memref<3136xf32, #tpu.memory_space<hbm>>
    tpu.wait_dma2 semaphore(%arg13 : memref<!tpu.dma_semaphore, #tpu.memory_space<semaphore_mem>>) src(%dma_wait3A_906 : memref<3136xf32, #tpu.memory_space<hbm>>) dst(%dma_wait3A_904 : memref<3136xf32, #tpu.memory_space<vmem>>)
    %dma_wait3A_907 = arith.constant 0 : i32
    %dma_wait3A_908 = tpu.memref_slice %arg7[%dma_wait3A_907] : memref<100352xf32, #tpu.memory_space<vmem>> -> memref<3136xf32, #tpu.memory_space<vmem>>
    %dma_wait3A_909 = arith.constant 0 : i32
    %dma_wait3A_910 = tpu.memref_slice %arg4[%dma_wait3A_909] : memref<100352xf32, #tpu.memory_space<hbm>> -> memref<3136xf32, #tpu.memory_space<hbm>>
    %dma_wait3A_911 = arith.constant 0 : i32
    %dma_wait3A_912 = tpu.memref_slice %arg7[%dma_wait3A_911] : memref<100352xf32, #tpu.memory_space<vmem>> -> memref<3136xf32, #tpu.memory_space<vmem>>
    %dma_wait3A_913 = arith.constant 0 : i32
    %dma_wait3A_914 = tpu.memref_slice %arg4[%dma_wait3A_913] : memref<100352xf32, #tpu.memory_space<hbm>> -> memref<3136xf32, #tpu.memory_space<hbm>>
    tpu.wait_dma2 semaphore(%arg13 : memref<!tpu.dma_semaphore, #tpu.memory_space<semaphore_mem>>) src(%dma_wait3A_914 : memref<3136xf32, #tpu.memory_space<hbm>>) dst(%dma_wait3A_912 : memref<3136xf32, #tpu.memory_space<vmem>>)
    %dma_wait3A_915 = arith.constant 0 : i32
    %dma_wait3A_916 = tpu.memref_slice %arg7[%dma_wait3A_915] : memref<100352xf32, #tpu.memory_space<vmem>> -> memref<3136xf32, #tpu.memory_space<vmem>>
    %dma_wait3A_917 = arith.constant 0 : i32
    %dma_wait3A_918 = tpu.memref_slice %arg4[%dma_wait3A_917] : memref<100352xf32, #tpu.memory_space<hbm>> -> memref<3136xf32, #tpu.memory_space<hbm>>
    %dma_wait3A_919 = arith.constant 0 : i32
    %dma_wait3A_920 = tpu.memref_slice %arg7[%dma_wait3A_919] : memref<100352xf32, #tpu.memory_space<vmem>> -> memref<3136xf32, #tpu.memory_space<vmem>>
    %dma_wait3A_921 = arith.constant 0 : i32
    %dma_wait3A_922 = tpu.memref_slice %arg4[%dma_wait3A_921] : memref<100352xf32, #tpu.memory_space<hbm>> -> memref<3136xf32, #tpu.memory_space<hbm>>
    tpu.wait_dma2 semaphore(%arg13 : memref<!tpu.dma_semaphore, #tpu.memory_space<semaphore_mem>>) src(%dma_wait3A_922 : memref<3136xf32, #tpu.memory_space<hbm>>) dst(%dma_wait3A_920 : memref<3136xf32, #tpu.memory_space<vmem>>)
    %dma_wait3A_923 = arith.constant 0 : i32
    %dma_wait3A_924 = tpu.memref_slice %arg7[%dma_wait3A_923] : memref<100352xf32, #tpu.memory_space<vmem>> -> memref<3136xf32, #tpu.memory_space<vmem>>
    %dma_wait3A_925 = arith.constant 0 : i32
    %dma_wait3A_926 = tpu.memref_slice %arg4[%dma_wait3A_925] : memref<100352xf32, #tpu.memory_space<hbm>> -> memref<3136xf32, #tpu.memory_space<hbm>>
    %dma_wait3A_927 = arith.constant 0 : i32
    %dma_wait3A_928 = tpu.memref_slice %arg7[%dma_wait3A_927] : memref<100352xf32, #tpu.memory_space<vmem>> -> memref<3136xf32, #tpu.memory_space<vmem>>
    %dma_wait3A_929 = arith.constant 0 : i32
    %dma_wait3A_930 = tpu.memref_slice %arg4[%dma_wait3A_929] : memref<100352xf32, #tpu.memory_space<hbm>> -> memref<3136xf32, #tpu.memory_space<hbm>>
    tpu.wait_dma2 semaphore(%arg13 : memref<!tpu.dma_semaphore, #tpu.memory_space<semaphore_mem>>) src(%dma_wait3A_930 : memref<3136xf32, #tpu.memory_space<hbm>>) dst(%dma_wait3A_928 : memref<3136xf32, #tpu.memory_space<vmem>>)
    %dma_wait3A_931 = arith.constant 0 : i32
    %dma_wait3A_932 = tpu.memref_slice %arg7[%dma_wait3A_931] : memref<100352xf32, #tpu.memory_space<vmem>> -> memref<3136xf32, #tpu.memory_space<vmem>>
    %dma_wait3A_933 = arith.constant 0 : i32
    %dma_wait3A_934 = tpu.memref_slice %arg4[%dma_wait3A_933] : memref<100352xf32, #tpu.memory_space<hbm>> -> memref<3136xf32, #tpu.memory_space<hbm>>
    %dma_wait3A_935 = arith.constant 0 : i32
    %dma_wait3A_936 = tpu.memref_slice %arg7[%dma_wait3A_935] : memref<100352xf32, #tpu.memory_space<vmem>> -> memref<3136xf32, #tpu.memory_space<vmem>>
    %dma_wait3A_937 = arith.constant 0 : i32
    %dma_wait3A_938 = tpu.memref_slice %arg4[%dma_wait3A_937] : memref<100352xf32, #tpu.memory_space<hbm>> -> memref<3136xf32, #tpu.memory_space<hbm>>
    tpu.wait_dma2 semaphore(%arg13 : memref<!tpu.dma_semaphore, #tpu.memory_space<semaphore_mem>>) src(%dma_wait3A_938 : memref<3136xf32, #tpu.memory_space<hbm>>) dst(%dma_wait3A_936 : memref<3136xf32, #tpu.memory_space<vmem>>)
    %dma_wait3A_939 = arith.constant 0 : i32
    %dma_wait3A_940 = tpu.memref_slice %arg7[%dma_wait3A_939] : memref<100352xf32, #tpu.memory_space<vmem>> -> memref<3136xf32, #tpu.memory_space<vmem>>
    %dma_wait3A_941 = arith.constant 0 : i32
    %dma_wait3A_942 = tpu.memref_slice %arg4[%dma_wait3A_941] : memref<100352xf32, #tpu.memory_space<hbm>> -> memref<3136xf32, #tpu.memory_space<hbm>>
    %dma_wait3A_943 = arith.constant 0 : i32
    %dma_wait3A_944 = tpu.memref_slice %arg7[%dma_wait3A_943] : memref<100352xf32, #tpu.memory_space<vmem>> -> memref<3136xf32, #tpu.memory_space<vmem>>
    %dma_wait3A_945 = arith.constant 0 : i32
    %dma_wait3A_946 = tpu.memref_slice %arg4[%dma_wait3A_945] : memref<100352xf32, #tpu.memory_space<hbm>> -> memref<3136xf32, #tpu.memory_space<hbm>>
    tpu.wait_dma2 semaphore(%arg13 : memref<!tpu.dma_semaphore, #tpu.memory_space<semaphore_mem>>) src(%dma_wait3A_946 : memref<3136xf32, #tpu.memory_space<hbm>>) dst(%dma_wait3A_944 : memref<3136xf32, #tpu.memory_space<vmem>>)
    %dma_wait3A_947 = arith.constant 0 : i32
    %dma_wait3A_948 = tpu.memref_slice %arg7[%dma_wait3A_947] : memref<100352xf32, #tpu.memory_space<vmem>> -> memref<3136xf32, #tpu.memory_space<vmem>>
    %dma_wait3A_949 = arith.constant 0 : i32
    %dma_wait3A_950 = tpu.memref_slice %arg4[%dma_wait3A_949] : memref<100352xf32, #tpu.memory_space<hbm>> -> memref<3136xf32, #tpu.memory_space<hbm>>
    %dma_wait3A_951 = arith.constant 0 : i32
    %dma_wait3A_952 = tpu.memref_slice %arg7[%dma_wait3A_951] : memref<100352xf32, #tpu.memory_space<vmem>> -> memref<3136xf32, #tpu.memory_space<vmem>>
    %dma_wait3A_953 = arith.constant 0 : i32
    %dma_wait3A_954 = tpu.memref_slice %arg4[%dma_wait3A_953] : memref<100352xf32, #tpu.memory_space<hbm>> -> memref<3136xf32, #tpu.memory_space<hbm>>
    tpu.wait_dma2 semaphore(%arg13 : memref<!tpu.dma_semaphore, #tpu.memory_space<semaphore_mem>>) src(%dma_wait3A_954 : memref<3136xf32, #tpu.memory_space<hbm>>) dst(%dma_wait3A_952 : memref<3136xf32, #tpu.memory_space<vmem>>)
    %dma_wait3A_955 = arith.constant 0 : i32
    %dma_wait3A_956 = tpu.memref_slice %arg7[%dma_wait3A_955] : memref<100352xf32, #tpu.memory_space<vmem>> -> memref<3136xf32, #tpu.memory_space<vmem>>
    %dma_wait3A_957 = arith.constant 0 : i32
    %dma_wait3A_958 = tpu.memref_slice %arg4[%dma_wait3A_957] : memref<100352xf32, #tpu.memory_space<hbm>> -> memref<3136xf32, #tpu.memory_space<hbm>>
    %dma_wait3A_959 = arith.constant 0 : i32
    %dma_wait3A_960 = tpu.memref_slice %arg7[%dma_wait3A_959] : memref<100352xf32, #tpu.memory_space<vmem>> -> memref<3136xf32, #tpu.memory_space<vmem>>
    %dma_wait3A_961 = arith.constant 0 : i32
    %dma_wait3A_962 = tpu.memref_slice %arg4[%dma_wait3A_961] : memref<100352xf32, #tpu.memory_space<hbm>> -> memref<3136xf32, #tpu.memory_space<hbm>>
    tpu.wait_dma2 semaphore(%arg13 : memref<!tpu.dma_semaphore, #tpu.memory_space<semaphore_mem>>) src(%dma_wait3A_962 : memref<3136xf32, #tpu.memory_space<hbm>>) dst(%dma_wait3A_960 : memref<3136xf32, #tpu.memory_space<vmem>>)
    %dma_wait3A_963 = arith.constant 0 : i32
    %dma_wait3A_964 = tpu.memref_slice %arg7[%dma_wait3A_963] : memref<100352xf32, #tpu.memory_space<vmem>> -> memref<3136xf32, #tpu.memory_space<vmem>>
    %dma_wait3A_965 = arith.constant 0 : i32
    %dma_wait3A_966 = tpu.memref_slice %arg4[%dma_wait3A_965] : memref<100352xf32, #tpu.memory_space<hbm>> -> memref<3136xf32, #tpu.memory_space<hbm>>
    %dma_wait3A_967 = arith.constant 0 : i32
    %dma_wait3A_968 = tpu.memref_slice %arg7[%dma_wait3A_967] : memref<100352xf32, #tpu.memory_space<vmem>> -> memref<3136xf32, #tpu.memory_space<vmem>>
    %dma_wait3A_969 = arith.constant 0 : i32
    %dma_wait3A_970 = tpu.memref_slice %arg4[%dma_wait3A_969] : memref<100352xf32, #tpu.memory_space<hbm>> -> memref<3136xf32, #tpu.memory_space<hbm>>
    tpu.wait_dma2 semaphore(%arg13 : memref<!tpu.dma_semaphore, #tpu.memory_space<semaphore_mem>>) src(%dma_wait3A_970 : memref<3136xf32, #tpu.memory_space<hbm>>) dst(%dma_wait3A_968 : memref<3136xf32, #tpu.memory_space<vmem>>)
    %dma_wait3A_971 = arith.constant 0 : i32
    %dma_wait3A_972 = tpu.memref_slice %arg7[%dma_wait3A_971] : memref<100352xf32, #tpu.memory_space<vmem>> -> memref<3136xf32, #tpu.memory_space<vmem>>
    %dma_wait3A_973 = arith.constant 0 : i32
    %dma_wait3A_974 = tpu.memref_slice %arg4[%dma_wait3A_973] : memref<100352xf32, #tpu.memory_space<hbm>> -> memref<3136xf32, #tpu.memory_space<hbm>>
    %dma_wait3A_975 = arith.constant 0 : i32
    %dma_wait3A_976 = tpu.memref_slice %arg7[%dma_wait3A_975] : memref<100352xf32, #tpu.memory_space<vmem>> -> memref<3136xf32, #tpu.memory_space<vmem>>
    %dma_wait3A_977 = arith.constant 0 : i32
    %dma_wait3A_978 = tpu.memref_slice %arg4[%dma_wait3A_977] : memref<100352xf32, #tpu.memory_space<hbm>> -> memref<3136xf32, #tpu.memory_space<hbm>>
    tpu.wait_dma2 semaphore(%arg13 : memref<!tpu.dma_semaphore, #tpu.memory_space<semaphore_mem>>) src(%dma_wait3A_978 : memref<3136xf32, #tpu.memory_space<hbm>>) dst(%dma_wait3A_976 : memref<3136xf32, #tpu.memory_space<vmem>>)
    %dma_wait3A_979 = arith.constant 0 : i32
    %dma_wait3A_980 = tpu.memref_slice %arg7[%dma_wait3A_979] : memref<100352xf32, #tpu.memory_space<vmem>> -> memref<3136xf32, #tpu.memory_space<vmem>>
    %dma_wait3A_981 = arith.constant 0 : i32
    %dma_wait3A_982 = tpu.memref_slice %arg4[%dma_wait3A_981] : memref<100352xf32, #tpu.memory_space<hbm>> -> memref<3136xf32, #tpu.memory_space<hbm>>
    %dma_wait3A_983 = arith.constant 0 : i32
    %dma_wait3A_984 = tpu.memref_slice %arg7[%dma_wait3A_983] : memref<100352xf32, #tpu.memory_space<vmem>> -> memref<3136xf32, #tpu.memory_space<vmem>>
    %dma_wait3A_985 = arith.constant 0 : i32
    %dma_wait3A_986 = tpu.memref_slice %arg4[%dma_wait3A_985] : memref<100352xf32, #tpu.memory_space<hbm>> -> memref<3136xf32, #tpu.memory_space<hbm>>
    tpu.wait_dma2 semaphore(%arg13 : memref<!tpu.dma_semaphore, #tpu.memory_space<semaphore_mem>>) src(%dma_wait3A_986 : memref<3136xf32, #tpu.memory_space<hbm>>) dst(%dma_wait3A_984 : memref<3136xf32, #tpu.memory_space<vmem>>)
    %dma_wait3A_987 = arith.constant 0 : i32
    %dma_wait3A_988 = tpu.memref_slice %arg7[%dma_wait3A_987] : memref<100352xf32, #tpu.memory_space<vmem>> -> memref<3136xf32, #tpu.memory_space<vmem>>
    %dma_wait3A_989 = arith.constant 0 : i32
    %dma_wait3A_990 = tpu.memref_slice %arg4[%dma_wait3A_989] : memref<100352xf32, #tpu.memory_space<hbm>> -> memref<3136xf32, #tpu.memory_space<hbm>>
    %dma_wait3A_991 = arith.constant 0 : i32
    %dma_wait3A_992 = tpu.memref_slice %arg7[%dma_wait3A_991] : memref<100352xf32, #tpu.memory_space<vmem>> -> memref<3136xf32, #tpu.memory_space<vmem>>
    %dma_wait3A_993 = arith.constant 0 : i32
    %dma_wait3A_994 = tpu.memref_slice %arg4[%dma_wait3A_993] : memref<100352xf32, #tpu.memory_space<hbm>> -> memref<3136xf32, #tpu.memory_space<hbm>>
    tpu.wait_dma2 semaphore(%arg13 : memref<!tpu.dma_semaphore, #tpu.memory_space<semaphore_mem>>) src(%dma_wait3A_994 : memref<3136xf32, #tpu.memory_space<hbm>>) dst(%dma_wait3A_992 : memref<3136xf32, #tpu.memory_space<vmem>>)
    %dma_wait3A_995 = arith.constant 0 : i32
    %dma_wait3A_996 = tpu.memref_slice %arg7[%dma_wait3A_995] : memref<100352xf32, #tpu.memory_space<vmem>> -> memref<3136xf32, #tpu.memory_space<vmem>>
    %dma_wait3A_997 = arith.constant 0 : i32
    %dma_wait3A_998 = tpu.memref_slice %arg4[%dma_wait3A_997] : memref<100352xf32, #tpu.memory_space<hbm>> -> memref<3136xf32, #tpu.memory_space<hbm>>
    %dma_wait3A_999 = arith.constant 0 : i32
    %dma_wait3A_1000 = tpu.memref_slice %arg7[%dma_wait3A_999] : memref<100352xf32, #tpu.memory_space<vmem>> -> memref<3136xf32, #tpu.memory_space<vmem>>
    %dma_wait3A_1001 = arith.constant 0 : i32
    %dma_wait3A_1002 = tpu.memref_slice %arg4[%dma_wait3A_1001] : memref<100352xf32, #tpu.memory_space<hbm>> -> memref<3136xf32, #tpu.memory_space<hbm>>
    tpu.wait_dma2 semaphore(%arg13 : memref<!tpu.dma_semaphore, #tpu.memory_space<semaphore_mem>>) src(%dma_wait3A_1002 : memref<3136xf32, #tpu.memory_space<hbm>>) dst(%dma_wait3A_1000 : memref<3136xf32, #tpu.memory_space<vmem>>)
    %dma_wait3A_1003 = arith.constant 0 : i32
    %dma_wait3A_1004 = tpu.memref_slice %arg7[%dma_wait3A_1003] : memref<100352xf32, #tpu.memory_space<vmem>> -> memref<3136xf32, #tpu.memory_space<vmem>>
    %dma_wait3A_1005 = arith.constant 0 : i32
    %dma_wait3A_1006 = tpu.memref_slice %arg4[%dma_wait3A_1005] : memref<100352xf32, #tpu.memory_space<hbm>> -> memref<3136xf32, #tpu.memory_space<hbm>>
    %dma_wait3A_1007 = arith.constant 0 : i32
    %dma_wait3A_1008 = tpu.memref_slice %arg7[%dma_wait3A_1007] : memref<100352xf32, #tpu.memory_space<vmem>> -> memref<3136xf32, #tpu.memory_space<vmem>>
    %dma_wait3A_1009 = arith.constant 0 : i32
    %dma_wait3A_1010 = tpu.memref_slice %arg4[%dma_wait3A_1009] : memref<100352xf32, #tpu.memory_space<hbm>> -> memref<3136xf32, #tpu.memory_space<hbm>>
    tpu.wait_dma2 semaphore(%arg13 : memref<!tpu.dma_semaphore, #tpu.memory_space<semaphore_mem>>) src(%dma_wait3A_1010 : memref<3136xf32, #tpu.memory_space<hbm>>) dst(%dma_wait3A_1008 : memref<3136xf32, #tpu.memory_space<vmem>>)
    %dma_wait3A_1011 = arith.constant 0 : i32
    %dma_wait3A_1012 = tpu.memref_slice %arg7[%dma_wait3A_1011] : memref<100352xf32, #tpu.memory_space<vmem>> -> memref<3136xf32, #tpu.memory_space<vmem>>
    %dma_wait3A_1013 = arith.constant 0 : i32
    %dma_wait3A_1014 = tpu.memref_slice %arg4[%dma_wait3A_1013] : memref<100352xf32, #tpu.memory_space<hbm>> -> memref<3136xf32, #tpu.memory_space<hbm>>
    %dma_wait3A_1015 = arith.constant 0 : i32
    %dma_wait3A_1016 = tpu.memref_slice %arg7[%dma_wait3A_1015] : memref<100352xf32, #tpu.memory_space<vmem>> -> memref<3136xf32, #tpu.memory_space<vmem>>
    %dma_wait3A_1017 = arith.constant 0 : i32
    %dma_wait3A_1018 = tpu.memref_slice %arg4[%dma_wait3A_1017] : memref<100352xf32, #tpu.memory_space<hbm>> -> memref<3136xf32, #tpu.memory_space<hbm>>
    tpu.wait_dma2 semaphore(%arg13 : memref<!tpu.dma_semaphore, #tpu.memory_space<semaphore_mem>>) src(%dma_wait3A_1018 : memref<3136xf32, #tpu.memory_space<hbm>>) dst(%dma_wait3A_1016 : memref<3136xf32, #tpu.memory_space<vmem>>)
    %dma_wait3A_1019 = arith.constant 0 : i32
    %dma_wait3A_1020 = tpu.memref_slice %arg7[%dma_wait3A_1019] : memref<100352xf32, #tpu.memory_space<vmem>> -> memref<3136xf32, #tpu.memory_space<vmem>>
    %dma_wait3A_1021 = arith.constant 0 : i32
    %dma_wait3A_1022 = tpu.memref_slice %arg4[%dma_wait3A_1021] : memref<100352xf32, #tpu.memory_space<hbm>> -> memref<3136xf32, #tpu.memory_space<hbm>>
    %dma_wait3A_1023 = arith.constant 0 : i32
    %dma_wait3A_1024 = tpu.memref_slice %arg7[%dma_wait3A_1023] : memref<100352xf32, #tpu.memory_space<vmem>> -> memref<3136xf32, #tpu.memory_space<vmem>>
    %dma_wait3A_1025 = arith.constant 0 : i32
    %dma_wait3A_1026 = tpu.memref_slice %arg4[%dma_wait3A_1025] : memref<100352xf32, #tpu.memory_space<hbm>> -> memref<3136xf32, #tpu.memory_space<hbm>>
    tpu.wait_dma2 semaphore(%arg13 : memref<!tpu.dma_semaphore, #tpu.memory_space<semaphore_mem>>) src(%dma_wait3A_1026 : memref<3136xf32, #tpu.memory_space<hbm>>) dst(%dma_wait3A_1024 : memref<3136xf32, #tpu.memory_space<vmem>>)
    %dma_wait3A_1027 = arith.constant 0 : i32
    %dma_wait3A_1028 = tpu.memref_slice %arg7[%dma_wait3A_1027] : memref<100352xf32, #tpu.memory_space<vmem>> -> memref<3136xf32, #tpu.memory_space<vmem>>
    %dma_wait3A_1029 = arith.constant 0 : i32
    %dma_wait3A_1030 = tpu.memref_slice %arg4[%dma_wait3A_1029] : memref<100352xf32, #tpu.memory_space<hbm>> -> memref<3136xf32, #tpu.memory_space<hbm>>
    %dma_wait3A_1031 = arith.constant 0 : i32
    %dma_wait3A_1032 = tpu.memref_slice %arg7[%dma_wait3A_1031] : memref<100352xf32, #tpu.memory_space<vmem>> -> memref<3136xf32, #tpu.memory_space<vmem>>
    %dma_wait3A_1033 = arith.constant 0 : i32
    %dma_wait3A_1034 = tpu.memref_slice %arg4[%dma_wait3A_1033] : memref<100352xf32, #tpu.memory_space<hbm>> -> memref<3136xf32, #tpu.memory_space<hbm>>
    tpu.wait_dma2 semaphore(%arg13 : memref<!tpu.dma_semaphore, #tpu.memory_space<semaphore_mem>>) src(%dma_wait3A_1034 : memref<3136xf32, #tpu.memory_space<hbm>>) dst(%dma_wait3A_1032 : memref<3136xf32, #tpu.memory_space<vmem>>)
    %dma_wait3A_1035 = arith.constant 0 : i32
    %dma_wait3A_1036 = tpu.memref_slice %arg7[%dma_wait3A_1035] : memref<100352xf32, #tpu.memory_space<vmem>> -> memref<3136xf32, #tpu.memory_space<vmem>>
    %dma_wait3A_1037 = arith.constant 0 : i32
    %dma_wait3A_1038 = tpu.memref_slice %arg4[%dma_wait3A_1037] : memref<100352xf32, #tpu.memory_space<hbm>> -> memref<3136xf32, #tpu.memory_space<hbm>>
    %dma_wait3A_1039 = arith.constant 0 : i32
    %dma_wait3A_1040 = tpu.memref_slice %arg7[%dma_wait3A_1039] : memref<100352xf32, #tpu.memory_space<vmem>> -> memref<3136xf32, #tpu.memory_space<vmem>>
    %dma_wait3A_1041 = arith.constant 0 : i32
    %dma_wait3A_1042 = tpu.memref_slice %arg4[%dma_wait3A_1041] : memref<100352xf32, #tpu.memory_space<hbm>> -> memref<3136xf32, #tpu.memory_space<hbm>>
    tpu.wait_dma2 semaphore(%arg13 : memref<!tpu.dma_semaphore, #tpu.memory_space<semaphore_mem>>) src(%dma_wait3A_1042 : memref<3136xf32, #tpu.memory_space<hbm>>) dst(%dma_wait3A_1040 : memref<3136xf32, #tpu.memory_space<vmem>>)
    %dma_wait3A_1043 = arith.constant 0 : i32
    %dma_wait3A_1044 = tpu.memref_slice %arg7[%dma_wait3A_1043] : memref<100352xf32, #tpu.memory_space<vmem>> -> memref<3136xf32, #tpu.memory_space<vmem>>
    %dma_wait3A_1045 = arith.constant 0 : i32
    %dma_wait3A_1046 = tpu.memref_slice %arg4[%dma_wait3A_1045] : memref<100352xf32, #tpu.memory_space<hbm>> -> memref<3136xf32, #tpu.memory_space<hbm>>
    %dma_wait3A_1047 = arith.constant 0 : i32
    %dma_wait3A_1048 = tpu.memref_slice %arg7[%dma_wait3A_1047] : memref<100352xf32, #tpu.memory_space<vmem>> -> memref<3136xf32, #tpu.memory_space<vmem>>
    %dma_wait3A_1049 = arith.constant 0 : i32
    %dma_wait3A_1050 = tpu.memref_slice %arg4[%dma_wait3A_1049] : memref<100352xf32, #tpu.memory_space<hbm>> -> memref<3136xf32, #tpu.memory_space<hbm>>
    tpu.wait_dma2 semaphore(%arg13 : memref<!tpu.dma_semaphore, #tpu.memory_space<semaphore_mem>>) src(%dma_wait3A_1050 : memref<3136xf32, #tpu.memory_space<hbm>>) dst(%dma_wait3A_1048 : memref<3136xf32, #tpu.memory_space<vmem>>)
    %add3A_1051 = arith.constant 0 : i32
    %add3A_1052 = arith.addi %add3A_1051, %add3A : i32
    %mul3A_1053 = arith.constant 2560 : i32
    %mul3A_1054 = arith.muli %add3A_1052, %mul3A_1053 : i32
    %multiple_of3A_1055 = tpu.assume_multiple %mul3A_1054, 2560 : i32
    %dma_start3A_1056 = arith.constant 0 : i32
    %dma_start3A_1057 = tpu.memref_slice %arg2[%dma_start3A_1056, %multiple_of3A_1055] : memref<2x6400000xi32, #tpu.memory_space<hbm>> -> memref<2x2560xi32, #tpu.memory_space<hbm>>
    %dma_start3A_1058 = arith.constant 0 : i32
    %dma_start3A_1059 = tpu.memref_slice %arg2[%dma_start3A_1058, %multiple_of3A_1055] : memref<2x6400000xi32, #tpu.memory_space<hbm>> -> memref<2x2560xi32, #tpu.memory_space<hbm>>
    tpu.enqueue_dma source(%dma_start3A_1059 : memref<2x2560xi32, #tpu.memory_space<hbm>>) target(%arg8 : memref<2x2560xi32, #tpu.memory_space<vmem>>) target_semaphore(%arg14 : memref<!tpu.dma_semaphore, #tpu.memory_space<semaphore_mem>>)
    %dma_start3A_1060 = tpu.memref_slice %arg3[%multiple_of3A_1055] : memref<6400000xf32, #tpu.memory_space<hbm>> -> memref<2560xf32, #tpu.memory_space<hbm>>
    %dma_start3A_1061 = tpu.memref_slice %arg3[%multiple_of3A_1055] : memref<6400000xf32, #tpu.memory_space<hbm>> -> memref<2560xf32, #tpu.memory_space<hbm>>
    tpu.enqueue_dma source(%dma_start3A_1061 : memref<2560xf32, #tpu.memory_space<hbm>>) target(%arg10 : memref<2560xf32, #tpu.memory_space<vmem>>) target_semaphore(%arg14 : memref<!tpu.dma_semaphore, #tpu.memory_space<semaphore_mem>>)
    %scan3A = arith.constant 0 : i32
    %scan3A_1062 = arith.constant 0 : i32
    %scan3A_1063 = arith.constant 39 : i32
    %scan3A_1064 = arith.addi %scan3A_1062, %scan3A_1063 : i32
    %scan3A_1065 = arith.constant 1 : i32
    scf.for %scan3A_1101 = %scan3A_1062 to %scan3A_1064 step %scan3A_1065  : i32 {
      %mul3A_1102 = arith.constant 2 : i32
      %mul3A_1103 = arith.muli %mul3A_1102, %scan3A_1101 : i32
      %add3A_1104 = arith.constant 1 : i32
      %add3A_1105 = arith.addi %mul3A_1103, %add3A_1104 : i32
      %mul3A_1106 = arith.constant 32 : i32
      %mul3A_1107 = arith.muli %add3A_1105, %mul3A_1106 : i32
      %add3A_1108 = arith.addi %mul3A_1107, %add3A : i32
      %mul3A_1109 = arith.constant 2560 : i32
      %mul3A_1110 = arith.muli %add3A_1108, %mul3A_1109 : i32
      %multiple_of3A_1111 = tpu.assume_multiple %mul3A_1110, 2560 : i32
      %dma_start3A_1112 = arith.constant 0 : i32
      %dma_start3A_1113 = tpu.memref_slice %arg2[%dma_start3A_1112, %multiple_of3A_1111] : memref<2x6400000xi32, #tpu.memory_space<hbm>> -> memref<2x2560xi32, #tpu.memory_space<hbm>>
      %dma_start3A_1114 = arith.constant 0 : i32
      %dma_start3A_1115 = tpu.memref_slice %arg2[%dma_start3A_1114, %multiple_of3A_1111] : memref<2x6400000xi32, #tpu.memory_space<hbm>> -> memref<2x2560xi32, #tpu.memory_space<hbm>>
      tpu.enqueue_dma source(%dma_start3A_1115 : memref<2x2560xi32, #tpu.memory_space<hbm>>) target(%arg9 : memref<2x2560xi32, #tpu.memory_space<vmem>>) target_semaphore(%arg15 : memref<!tpu.dma_semaphore, #tpu.memory_space<semaphore_mem>>)
      %dma_start3A_1116 = tpu.memref_slice %arg3[%multiple_of3A_1111] : memref<6400000xf32, #tpu.memory_space<hbm>> -> memref<2560xf32, #tpu.memory_space<hbm>>
      %dma_start3A_1117 = tpu.memref_slice %arg3[%multiple_of3A_1111] : memref<6400000xf32, #tpu.memory_space<hbm>> -> memref<2560xf32, #tpu.memory_space<hbm>>
      tpu.enqueue_dma source(%dma_start3A_1117 : memref<2560xf32, #tpu.memory_space<hbm>>) target(%arg11 : memref<2560xf32, #tpu.memory_space<vmem>>) target_semaphore(%arg15 : memref<!tpu.dma_semaphore, #tpu.memory_space<semaphore_mem>>)
      %dma_wait3A_1118 = arith.constant 0 : i32
      %dma_wait3A_1119 = arith.constant 0 : i32
      %dma_wait3A_1120 = tpu.memref_slice %arg2[%dma_wait3A_1118, %dma_wait3A_1119] : memref<2x6400000xi32, #tpu.memory_space<hbm>> -> memref<2x2560xi32, #tpu.memory_space<hbm>>
      %dma_wait3A_1121 = arith.constant 0 : i32
      %dma_wait3A_1122 = arith.constant 0 : i32
      %dma_wait3A_1123 = tpu.memref_slice %arg2[%dma_wait3A_1121, %dma_wait3A_1122] : memref<2x6400000xi32, #tpu.memory_space<hbm>> -> memref<2x2560xi32, #tpu.memory_space<hbm>>
      tpu.wait_dma2 semaphore(%arg14 : memref<!tpu.dma_semaphore, #tpu.memory_space<semaphore_mem>>) src(%dma_wait3A_1123 : memref<2x2560xi32, #tpu.memory_space<hbm>>) dst(%arg8 : memref<2x2560xi32, #tpu.memory_space<vmem>>)
      %dma_wait3A_1124 = arith.constant 0 : i32
      %dma_wait3A_1125 = tpu.memref_slice %arg3[%dma_wait3A_1124] : memref<6400000xf32, #tpu.memory_space<hbm>> -> memref<2560xf32, #tpu.memory_space<hbm>>
      %dma_wait3A_1126 = arith.constant 0 : i32
      %dma_wait3A_1127 = tpu.memref_slice %arg3[%dma_wait3A_1126] : memref<6400000xf32, #tpu.memory_space<hbm>> -> memref<2560xf32, #tpu.memory_space<hbm>>
      tpu.wait_dma2 semaphore(%arg14 : memref<!tpu.dma_semaphore, #tpu.memory_space<semaphore_mem>>) src(%dma_wait3A_1127 : memref<2560xf32, #tpu.memory_space<hbm>>) dst(%arg10 : memref<2560xf32, #tpu.memory_space<vmem>>)
      %broadcast_in_dim3A_1128 = arith.constant 0.000000e+00 : f32
      %broadcast_in_dim3A_1129 = vector.broadcast %broadcast_in_dim3A_1128 : f32 to vector<16xf32>
      %scan3A_1130 = arith.constant 0 : i32
      %scan3A_1131 = arith.constant 20 : i32
      %scan3A_1132 = arith.addi %scan3A_1130, %scan3A_1131 : i32
      %scan3A_1133 = arith.constant 1 : i32
      %scan3A_1134 = scf.for %scan3A_1171 = %scan3A_1130 to %scan3A_1132 step %scan3A_1133 iter_args(%scan3A_1172 = %broadcast_in_dim3A_1129) -> (vector<16xf32>)  : i32 {
        %mul3A_1173 = arith.constant 8 : i32
        %mul3A_1174 = arith.muli %scan3A_1171, %mul3A_1173 : i32
        %add3A_1175 = arith.constant 0 : i32
        %add3A_1176 = arith.addi %mul3A_1174, %add3A_1175 : i32
        %mul3A_1177 = arith.constant 16 : i32
        %mul3A_1178 = arith.muli %add3A_1176, %mul3A_1177 : i32
        %get3A_1179 = arith.constant 0 : i32
        %get3A_1180 = arith.index_cast %get3A_1179 : i32 to index
        %get3A_1181 = arith.index_cast %mul3A_1178 : i32 to index
        %get3A_1182 = tpu.vector_load %arg8[%get3A_1180, %get3A_1181] {strides = array<i32>} : memref<2x2560xi32, #tpu.memory_space<vmem>>, vector<16xi32>,
        %gather3A = tpu.vector_load_idx %arg7[%get3A_1182] : memref<100352xf32, #tpu.memory_space<vmem>>[vector<16xi32>], vector<16xf32>,
        %get3A_1183 = arith.constant 1 : i32
        %get3A_1184 = arith.index_cast %get3A_1183 : i32 to index
        %get3A_1185 = arith.index_cast %mul3A_1178 : i32 to index
        %get3A_1186 = tpu.vector_load %arg8[%get3A_1184, %get3A_1185] {strides = array<i32>} : memref<2x2560xi32, #tpu.memory_space<vmem>>, vector<16xi32>,
        %gather3A_1187 = tpu.vector_load_idx %arg7[%get3A_1186] : memref<100352xf32, #tpu.memory_space<vmem>>[vector<16xi32>], vector<16xf32>,
        %mul3A_1188 = arith.mulf %gather3A, %gather3A_1187 : vector<16xf32>
        %get3A_1189 = arith.index_cast %mul3A_1178 : i32 to index
        %get3A_1190 = tpu.vector_load %arg10[%get3A_1189] {strides = array<i32>} : memref<2560xf32, #tpu.memory_space<vmem>>, vector<16xf32>,
        %mul3A_1191 = arith.mulf %mul3A_1188, %get3A_1190 : vector<16xf32>
        %add3A_1192 = arith.addf %scan3A_1172, %mul3A_1191 : vector<16xf32>
        %mul3A_1193 = arith.constant 8 : i32
        %mul3A_1194 = arith.muli %scan3A_1171, %mul3A_1193 : i32
        %add3A_1195 = arith.constant 1 : i32
        %add3A_1196 = arith.addi %mul3A_1194, %add3A_1195 : i32
        %mul3A_1197 = arith.constant 16 : i32
        %mul3A_1198 = arith.muli %add3A_1196, %mul3A_1197 : i32
        %get3A_1199 = arith.constant 0 : i32
        %get3A_1200 = arith.index_cast %get3A_1199 : i32 to index
        %get3A_1201 = arith.index_cast %mul3A_1198 : i32 to index
        %get3A_1202 = tpu.vector_load %arg8[%get3A_1200, %get3A_1201] {strides = array<i32>} : memref<2x2560xi32, #tpu.memory_space<vmem>>, vector<16xi32>,
        %gather3A_1203 = tpu.vector_load_idx %arg7[%get3A_1202] : memref<100352xf32, #tpu.memory_space<vmem>>[vector<16xi32>], vector<16xf32>,
        %get3A_1204 = arith.constant 1 : i32
        %get3A_1205 = arith.index_cast %get3A_1204 : i32 to index
        %get3A_1206 = arith.index_cast %mul3A_1198 : i32 to index
        %get3A_1207 = tpu.vector_load %arg8[%get3A_1205, %get3A_1206] {strides = array<i32>} : memref<2x2560xi32, #tpu.memory_space<vmem>>, vector<16xi32>,
        %gather3A_1208 = tpu.vector_load_idx %arg7[%get3A_1207] : memref<100352xf32, #tpu.memory_space<vmem>>[vector<16xi32>], vector<16xf32>,
        %mul3A_1209 = arith.mulf %gather3A_1203, %gather3A_1208 : vector<16xf32>
        %get3A_1210 = arith.index_cast %mul3A_1198 : i32 to index
        %get3A_1211 = tpu.vector_load %arg10[%get3A_1210] {strides = array<i32>} : memref<2560xf32, #tpu.memory_space<vmem>>, vector<16xf32>,
        %mul3A_1212 = arith.mulf %mul3A_1209, %get3A_1211 : vector<16xf32>
        %add3A_1213 = arith.addf %add3A_1192, %mul3A_1212 : vector<16xf32>
        %mul3A_1214 = arith.constant 8 : i32
        %mul3A_1215 = arith.muli %scan3A_1171, %mul3A_1214 : i32
        %add3A_1216 = arith.constant 2 : i32
        %add3A_1217 = arith.addi %mul3A_1215, %add3A_1216 : i32
        %mul3A_1218 = arith.constant 16 : i32
        %mul3A_1219 = arith.muli %add3A_1217, %mul3A_1218 : i32
        %get3A_1220 = arith.constant 0 : i32
        %get3A_1221 = arith.index_cast %get3A_1220 : i32 to index
        %get3A_1222 = arith.index_cast %mul3A_1219 : i32 to index
        %get3A_1223 = tpu.vector_load %arg8[%get3A_1221, %get3A_1222] {strides = array<i32>} : memref<2x2560xi32, #tpu.memory_space<vmem>>, vector<16xi32>,
        %gather3A_1224 = tpu.vector_load_idx %arg7[%get3A_1223] : memref<100352xf32, #tpu.memory_space<vmem>>[vector<16xi32>], vector<16xf32>,
        %get3A_1225 = arith.constant 1 : i32
        %get3A_1226 = arith.index_cast %get3A_1225 : i32 to index
        %get3A_1227 = arith.index_cast %mul3A_1219 : i32 to index
        %get3A_1228 = tpu.vector_load %arg8[%get3A_1226, %get3A_1227] {strides = array<i32>} : memref<2x2560xi32, #tpu.memory_space<vmem>>, vector<16xi32>,
        %gather3A_1229 = tpu.vector_load_idx %arg7[%get3A_1228] : memref<100352xf32, #tpu.memory_space<vmem>>[vector<16xi32>], vector<16xf32>,
        %mul3A_1230 = arith.mulf %gather3A_1224, %gather3A_1229 : vector<16xf32>
        %get3A_1231 = arith.index_cast %mul3A_1219 : i32 to index
        %get3A_1232 = tpu.vector_load %arg10[%get3A_1231] {strides = array<i32>} : memref<2560xf32, #tpu.memory_space<vmem>>, vector<16xf32>,
        %mul3A_1233 = arith.mulf %mul3A_1230, %get3A_1232 : vector<16xf32>
        %add3A_1234 = arith.addf %add3A_1213, %mul3A_1233 : vector<16xf32>
        %mul3A_1235 = arith.constant 8 : i32
        %mul3A_1236 = arith.muli %scan3A_1171, %mul3A_1235 : i32
        %add3A_1237 = arith.constant 3 : i32
        %add3A_1238 = arith.addi %mul3A_1236, %add3A_1237 : i32
        %mul3A_1239 = arith.constant 16 : i32
        %mul3A_1240 = arith.muli %add3A_1238, %mul3A_1239 : i32
        %get3A_1241 = arith.constant 0 : i32
        %get3A_1242 = arith.index_cast %get3A_1241 : i32 to index
        %get3A_1243 = arith.index_cast %mul3A_1240 : i32 to index
        %get3A_1244 = tpu.vector_load %arg8[%get3A_1242, %get3A_1243] {strides = array<i32>} : memref<2x2560xi32, #tpu.memory_space<vmem>>, vector<16xi32>,
        %gather3A_1245 = tpu.vector_load_idx %arg7[%get3A_1244] : memref<100352xf32, #tpu.memory_space<vmem>>[vector<16xi32>], vector<16xf32>,
        %get3A_1246 = arith.constant 1 : i32
        %get3A_1247 = arith.index_cast %get3A_1246 : i32 to index
        %get3A_1248 = arith.index_cast %mul3A_1240 : i32 to index
        %get3A_1249 = tpu.vector_load %arg8[%get3A_1247, %get3A_1248] {strides = array<i32>} : memref<2x2560xi32, #tpu.memory_space<vmem>>, vector<16xi32>,
        %gather3A_1250 = tpu.vector_load_idx %arg7[%get3A_1249] : memref<100352xf32, #tpu.memory_space<vmem>>[vector<16xi32>], vector<16xf32>,
        %mul3A_1251 = arith.mulf %gather3A_1245, %gather3A_1250 : vector<16xf32>
        %get3A_1252 = arith.index_cast %mul3A_1240 : i32 to index
        %get3A_1253 = tpu.vector_load %arg10[%get3A_1252] {strides = array<i32>} : memref<2560xf32, #tpu.memory_space<vmem>>, vector<16xf32>,
        %mul3A_1254 = arith.mulf %mul3A_1251, %get3A_1253 : vector<16xf32>
        %add3A_1255 = arith.addf %add3A_1234, %mul3A_1254 : vector<16xf32>
        %mul3A_1256 = arith.constant 8 : i32
        %mul3A_1257 = arith.muli %scan3A_1171, %mul3A_1256 : i32
        %add3A_1258 = arith.constant 4 : i32
        %add3A_1259 = arith.addi %mul3A_1257, %add3A_1258 : i32
        %mul3A_1260 = arith.constant 16 : i32
        %mul3A_1261 = arith.muli %add3A_1259, %mul3A_1260 : i32
        %get3A_1262 = arith.constant 0 : i32
        %get3A_1263 = arith.index_cast %get3A_1262 : i32 to index
        %get3A_1264 = arith.index_cast %mul3A_1261 : i32 to index
        %get3A_1265 = tpu.vector_load %arg8[%get3A_1263, %get3A_1264] {strides = array<i32>} : memref<2x2560xi32, #tpu.memory_space<vmem>>, vector<16xi32>,
        %gather3A_1266 = tpu.vector_load_idx %arg7[%get3A_1265] : memref<100352xf32, #tpu.memory_space<vmem>>[vector<16xi32>], vector<16xf32>,
        %get3A_1267 = arith.constant 1 : i32
        %get3A_1268 = arith.index_cast %get3A_1267 : i32 to index
        %get3A_1269 = arith.index_cast %mul3A_1261 : i32 to index
        %get3A_1270 = tpu.vector_load %arg8[%get3A_1268, %get3A_1269] {strides = array<i32>} : memref<2x2560xi32, #tpu.memory_space<vmem>>, vector<16xi32>,
        %gather3A_1271 = tpu.vector_load_idx %arg7[%get3A_1270] : memref<100352xf32, #tpu.memory_space<vmem>>[vector<16xi32>], vector<16xf32>,
        %mul3A_1272 = arith.mulf %gather3A_1266, %gather3A_1271 : vector<16xf32>
        %get3A_1273 = arith.index_cast %mul3A_1261 : i32 to index
        %get3A_1274 = tpu.vector_load %arg10[%get3A_1273] {strides = array<i32>} : memref<2560xf32, #tpu.memory_space<vmem>>, vector<16xf32>,
        %mul3A_1275 = arith.mulf %mul3A_1272, %get3A_1274 : vector<16xf32>
        %add3A_1276 = arith.addf %add3A_1255, %mul3A_1275 : vector<16xf32>
        %mul3A_1277 = arith.constant 8 : i32
        %mul3A_1278 = arith.muli %scan3A_1171, %mul3A_1277 : i32
        %add3A_1279 = arith.constant 5 : i32
        %add3A_1280 = arith.addi %mul3A_1278, %add3A_1279 : i32
        %mul3A_1281 = arith.constant 16 : i32
        %mul3A_1282 = arith.muli %add3A_1280, %mul3A_1281 : i32
        %get3A_1283 = arith.constant 0 : i32
        %get3A_1284 = arith.index_cast %get3A_1283 : i32 to index
        %get3A_1285 = arith.index_cast %mul3A_1282 : i32 to index
        %get3A_1286 = tpu.vector_load %arg8[%get3A_1284, %get3A_1285] {strides = array<i32>} : memref<2x2560xi32, #tpu.memory_space<vmem>>, vector<16xi32>,
        %gather3A_1287 = tpu.vector_load_idx %arg7[%get3A_1286] : memref<100352xf32, #tpu.memory_space<vmem>>[vector<16xi32>], vector<16xf32>,
        %get3A_1288 = arith.constant 1 : i32
        %get3A_1289 = arith.index_cast %get3A_1288 : i32 to index
        %get3A_1290 = arith.index_cast %mul3A_1282 : i32 to index
        %get3A_1291 = tpu.vector_load %arg8[%get3A_1289, %get3A_1290] {strides = array<i32>} : memref<2x2560xi32, #tpu.memory_space<vmem>>, vector<16xi32>,
        %gather3A_1292 = tpu.vector_load_idx %arg7[%get3A_1291] : memref<100352xf32, #tpu.memory_space<vmem>>[vector<16xi32>], vector<16xf32>,
        %mul3A_1293 = arith.mulf %gather3A_1287, %gather3A_1292 : vector<16xf32>
        %get3A_1294 = arith.index_cast %mul3A_1282 : i32 to index
        %get3A_1295 = tpu.vector_load %arg10[%get3A_1294] {strides = array<i32>} : memref<2560xf32, #tpu.memory_space<vmem>>, vector<16xf32>,
        %mul3A_1296 = arith.mulf %mul3A_1293, %get3A_1295 : vector<16xf32>
        %add3A_1297 = arith.addf %add3A_1276, %mul3A_1296 : vector<16xf32>
        %mul3A_1298 = arith.constant 8 : i32
        %mul3A_1299 = arith.muli %scan3A_1171, %mul3A_1298 : i32
        %add3A_1300 = arith.constant 6 : i32
        %add3A_1301 = arith.addi %mul3A_1299, %add3A_1300 : i32
        %mul3A_1302 = arith.constant 16 : i32
        %mul3A_1303 = arith.muli %add3A_1301, %mul3A_1302 : i32
        %get3A_1304 = arith.constant 0 : i32
        %get3A_1305 = arith.index_cast %get3A_1304 : i32 to index
        %get3A_1306 = arith.index_cast %mul3A_1303 : i32 to index
        %get3A_1307 = tpu.vector_load %arg8[%get3A_1305, %get3A_1306] {strides = array<i32>} : memref<2x2560xi32, #tpu.memory_space<vmem>>, vector<16xi32>,
        %gather3A_1308 = tpu.vector_load_idx %arg7[%get3A_1307] : memref<100352xf32, #tpu.memory_space<vmem>>[vector<16xi32>], vector<16xf32>,
        %get3A_1309 = arith.constant 1 : i32
        %get3A_1310 = arith.index_cast %get3A_1309 : i32 to index
        %get3A_1311 = arith.index_cast %mul3A_1303 : i32 to index
        %get3A_1312 = tpu.vector_load %arg8[%get3A_1310, %get3A_1311] {strides = array<i32>} : memref<2x2560xi32, #tpu.memory_space<vmem>>, vector<16xi32>,
        %gather3A_1313 = tpu.vector_load_idx %arg7[%get3A_1312] : memref<100352xf32, #tpu.memory_space<vmem>>[vector<16xi32>], vector<16xf32>,
        %mul3A_1314 = arith.mulf %gather3A_1308, %gather3A_1313 : vector<16xf32>
        %get3A_1315 = arith.index_cast %mul3A_1303 : i32 to index
        %get3A_1316 = tpu.vector_load %arg10[%get3A_1315] {strides = array<i32>} : memref<2560xf32, #tpu.memory_space<vmem>>, vector<16xf32>,
        %mul3A_1317 = arith.mulf %mul3A_1314, %get3A_1316 : vector<16xf32>
        %add3A_1318 = arith.addf %add3A_1297, %mul3A_1317 : vector<16xf32>
        %mul3A_1319 = arith.constant 8 : i32
        %mul3A_1320 = arith.muli %scan3A_1171, %mul3A_1319 : i32
        %add3A_1321 = arith.constant 7 : i32
        %add3A_1322 = arith.addi %mul3A_1320, %add3A_1321 : i32
        %mul3A_1323 = arith.constant 16 : i32
        %mul3A_1324 = arith.muli %add3A_1322, %mul3A_1323 : i32
        %get3A_1325 = arith.constant 0 : i32
        %get3A_1326 = arith.index_cast %get3A_1325 : i32 to index
        %get3A_1327 = arith.index_cast %mul3A_1324 : i32 to index
        %get3A_1328 = tpu.vector_load %arg8[%get3A_1326, %get3A_1327] {strides = array<i32>} : memref<2x2560xi32, #tpu.memory_space<vmem>>, vector<16xi32>,
        %gather3A_1329 = tpu.vector_load_idx %arg7[%get3A_1328] : memref<100352xf32, #tpu.memory_space<vmem>>[vector<16xi32>], vector<16xf32>,
        %get3A_1330 = arith.constant 1 : i32
        %get3A_1331 = arith.index_cast %get3A_1330 : i32 to index
        %get3A_1332 = arith.index_cast %mul3A_1324 : i32 to index
        %get3A_1333 = tpu.vector_load %arg8[%get3A_1331, %get3A_1332] {strides = array<i32>} : memref<2x2560xi32, #tpu.memory_space<vmem>>, vector<16xi32>,
        %gather3A_1334 = tpu.vector_load_idx %arg7[%get3A_1333] : memref<100352xf32, #tpu.memory_space<vmem>>[vector<16xi32>], vector<16xf32>,
        %mul3A_1335 = arith.mulf %gather3A_1329, %gather3A_1334 : vector<16xf32>
        %get3A_1336 = arith.index_cast %mul3A_1324 : i32 to index
        %get3A_1337 = tpu.vector_load %arg10[%get3A_1336] {strides = array<i32>} : memref<2560xf32, #tpu.memory_space<vmem>>, vector<16xf32>,
        %mul3A_1338 = arith.mulf %mul3A_1335, %get3A_1337 : vector<16xf32>
        %add3A_1339 = arith.addf %add3A_1318, %mul3A_1338 : vector<16xf32>
        scf.yield %add3A_1339 : vector<16xf32>
      }
      %scan3A_1135 = arith.constant 20 : i32
      %get3A_1136 = arith.constant 0 : index
      %get3A_1137 = tpu.vector_load %arg12[%get3A_1136] {strides = array<i32>} : memref<16xf32, #tpu.memory_space<vmem>>, vector<16xf32>,
      %add3A_1138 = arith.addf %get3A_1137, %scan3A_1134 : vector<16xf32>
      %swap3A_1139 = arith.constant 0 : index
      %swap3A_1140 = tpu.vector_load %arg12[%swap3A_1139] {strides = array<i32>} : memref<16xf32, #tpu.memory_space<vmem>>, vector<16xf32>,
      tpu.vector_store %arg12[%swap3A_1139], %add3A_1138 {strides = array<i32>} : memref<16xf32, #tpu.memory_space<vmem>>, vector<16xf32>,
      %add3A_1141 = arith.constant 2 : i32
      %add3A_1142 = arith.addi %mul3A_1103, %add3A_1141 : i32
      %lt3A_1143 = arith.constant 78 : i32
      %lt3A_1144 = arith.cmpi slt, %add3A_1142, %lt3A_1143 : i32
      %or3A = arith.ori %lt3A_1144, %lt3A_1 : i1
      %convert_element_type3A_1145 = arith.extui %or3A : i1 to i32
      %cond3A_1146 = arith.constant 0 : i32
      %cond3A_1147 = arith.cmpi ne, %convert_element_type3A_1145, %cond3A_1146 : i32
      scf.if %cond3A_1147 {
        %add3A_1171 = arith.constant 2 : i32
        %add3A_1172 = arith.addi %mul3A_1103, %add3A_1171 : i32
        %mul3A_1173 = arith.constant 32 : i32
        %mul3A_1174 = arith.muli %add3A_1172, %mul3A_1173 : i32
        %add3A_1175 = arith.addi %mul3A_1174, %add3A : i32
        %mul3A_1176 = arith.constant 2560 : i32
        %mul3A_1177 = arith.muli %add3A_1175, %mul3A_1176 : i32
        %multiple_of3A_1178 = tpu.assume_multiple %mul3A_1177, 2560 : i32
        %dma_start3A_1179 = arith.constant 0 : i32
        %dma_start3A_1180 = tpu.memref_slice %arg2[%dma_start3A_1179, %multiple_of3A_1178] : memref<2x6400000xi32, #tpu.memory_space<hbm>> -> memref<2x2560xi32, #tpu.memory_space<hbm>>
        %dma_start3A_1181 = arith.constant 0 : i32
        %dma_start3A_1182 = tpu.memref_slice %arg2[%dma_start3A_1181, %multiple_of3A_1178] : memref<2x6400000xi32, #tpu.memory_space<hbm>> -> memref<2x2560xi32, #tpu.memory_space<hbm>>
        tpu.enqueue_dma source(%dma_start3A_1182 : memref<2x2560xi32, #tpu.memory_space<hbm>>) target(%arg8 : memref<2x2560xi32, #tpu.memory_space<vmem>>) target_semaphore(%arg14 : memref<!tpu.dma_semaphore, #tpu.memory_space<semaphore_mem>>)
        %dma_start3A_1183 = tpu.memref_slice %arg3[%multiple_of3A_1178] : memref<6400000xf32, #tpu.memory_space<hbm>> -> memref<2560xf32, #tpu.memory_space<hbm>>
        %dma_start3A_1184 = tpu.memref_slice %arg3[%multiple_of3A_1178] : memref<6400000xf32, #tpu.memory_space<hbm>> -> memref<2560xf32, #tpu.memory_space<hbm>>
        tpu.enqueue_dma source(%dma_start3A_1184 : memref<2560xf32, #tpu.memory_space<hbm>>) target(%arg10 : memref<2560xf32, #tpu.memory_space<vmem>>) target_semaphore(%arg14 : memref<!tpu.dma_semaphore, #tpu.memory_space<semaphore_mem>>)
      } else {
      }
      %dma_wait3A_1148 = arith.constant 0 : i32
      %dma_wait3A_1149 = arith.constant 0 : i32
      %dma_wait3A_1150 = tpu.memref_slice %arg2[%dma_wait3A_1148, %dma_wait3A_1149] : memref<2x6400000xi32, #tpu.memory_space<hbm>> -> memref<2x2560xi32, #tpu.memory_space<hbm>>
      %dma_wait3A_1151 = arith.constant 0 : i32
      %dma_wait3A_1152 = arith.constant 0 : i32
      %dma_wait3A_1153 = tpu.memref_slice %arg2[%dma_wait3A_1151, %dma_wait3A_1152] : memref<2x6400000xi32, #tpu.memory_space<hbm>> -> memref<2x2560xi32, #tpu.memory_space<hbm>>
      tpu.wait_dma2 semaphore(%arg15 : memref<!tpu.dma_semaphore, #tpu.memory_space<semaphore_mem>>) src(%dma_wait3A_1153 : memref<2x2560xi32, #tpu.memory_space<hbm>>) dst(%arg9 : memref<2x2560xi32, #tpu.memory_space<vmem>>)
      %dma_wait3A_1154 = arith.constant 0 : i32
      %dma_wait3A_1155 = tpu.memref_slice %arg3[%dma_wait3A_1154] : memref<6400000xf32, #tpu.memory_space<hbm>> -> memref<2560xf32, #tpu.memory_space<hbm>>
      %dma_wait3A_1156 = arith.constant 0 : i32
      %dma_wait3A_1157 = tpu.memref_slice %arg3[%dma_wait3A_1156] : memref<6400000xf32, #tpu.memory_space<hbm>> -> memref<2560xf32, #tpu.memory_space<hbm>>
      tpu.wait_dma2 semaphore(%arg15 : memref<!tpu.dma_semaphore, #tpu.memory_space<semaphore_mem>>) src(%dma_wait3A_1157 : memref<2560xf32, #tpu.memory_space<hbm>>) dst(%arg11 : memref<2560xf32, #tpu.memory_space<vmem>>)
      %broadcast_in_dim3A_1158 = arith.constant 0.000000e+00 : f32
      %broadcast_in_dim3A_1159 = vector.broadcast %broadcast_in_dim3A_1158 : f32 to vector<16xf32>
      %scan3A_1160 = arith.constant 0 : i32
      %scan3A_1161 = arith.constant 20 : i32
      %scan3A_1162 = arith.addi %scan3A_1160, %scan3A_1161 : i32
      %scan3A_1163 = arith.constant 1 : i32
      %scan3A_1164 = scf.for %scan3A_1171 = %scan3A_1160 to %scan3A_1162 step %scan3A_1163 iter_args(%scan3A_1172 = %broadcast_in_dim3A_1159) -> (vector<16xf32>)  : i32 {
        %mul3A_1173 = arith.constant 8 : i32
        %mul3A_1174 = arith.muli %scan3A_1171, %mul3A_1173 : i32
        %add3A_1175 = arith.constant 0 : i32
        %add3A_1176 = arith.addi %mul3A_1174, %add3A_1175 : i32
        %mul3A_1177 = arith.constant 16 : i32
        %mul3A_1178 = arith.muli %add3A_1176, %mul3A_1177 : i32
        %get3A_1179 = arith.constant 0 : i32
        %get3A_1180 = arith.index_cast %get3A_1179 : i32 to index
        %get3A_1181 = arith.index_cast %mul3A_1178 : i32 to index
        %get3A_1182 = tpu.vector_load %arg9[%get3A_1180, %get3A_1181] {strides = array<i32>} : memref<2x2560xi32, #tpu.memory_space<vmem>>, vector<16xi32>,
        %gather3A = tpu.vector_load_idx %arg7[%get3A_1182] : memref<100352xf32, #tpu.memory_space<vmem>>[vector<16xi32>], vector<16xf32>,
        %get3A_1183 = arith.constant 1 : i32
        %get3A_1184 = arith.index_cast %get3A_1183 : i32 to index
        %get3A_1185 = arith.index_cast %mul3A_1178 : i32 to index
        %get3A_1186 = tpu.vector_load %arg9[%get3A_1184, %get3A_1185] {strides = array<i32>} : memref<2x2560xi32, #tpu.memory_space<vmem>>, vector<16xi32>,
        %gather3A_1187 = tpu.vector_load_idx %arg7[%get3A_1186] : memref<100352xf32, #tpu.memory_space<vmem>>[vector<16xi32>], vector<16xf32>,
        %mul3A_1188 = arith.mulf %gather3A, %gather3A_1187 : vector<16xf32>
        %get3A_1189 = arith.index_cast %mul3A_1178 : i32 to index
        %get3A_1190 = tpu.vector_load %arg11[%get3A_1189] {strides = array<i32>} : memref<2560xf32, #tpu.memory_space<vmem>>, vector<16xf32>,
        %mul3A_1191 = arith.mulf %mul3A_1188, %get3A_1190 : vector<16xf32>
        %add3A_1192 = arith.addf %scan3A_1172, %mul3A_1191 : vector<16xf32>
        %mul3A_1193 = arith.constant 8 : i32
        %mul3A_1194 = arith.muli %scan3A_1171, %mul3A_1193 : i32
        %add3A_1195 = arith.constant 1 : i32
        %add3A_1196 = arith.addi %mul3A_1194, %add3A_1195 : i32
        %mul3A_1197 = arith.constant 16 : i32
        %mul3A_1198 = arith.muli %add3A_1196, %mul3A_1197 : i32
        %get3A_1199 = arith.constant 0 : i32
        %get3A_1200 = arith.index_cast %get3A_1199 : i32 to index
        %get3A_1201 = arith.index_cast %mul3A_1198 : i32 to index
        %get3A_1202 = tpu.vector_load %arg9[%get3A_1200, %get3A_1201] {strides = array<i32>} : memref<2x2560xi32, #tpu.memory_space<vmem>>, vector<16xi32>,
        %gather3A_1203 = tpu.vector_load_idx %arg7[%get3A_1202] : memref<100352xf32, #tpu.memory_space<vmem>>[vector<16xi32>], vector<16xf32>,
        %get3A_1204 = arith.constant 1 : i32
        %get3A_1205 = arith.index_cast %get3A_1204 : i32 to index
        %get3A_1206 = arith.index_cast %mul3A_1198 : i32 to index
        %get3A_1207 = tpu.vector_load %arg9[%get3A_1205, %get3A_1206] {strides = array<i32>} : memref<2x2560xi32, #tpu.memory_space<vmem>>, vector<16xi32>,
        %gather3A_1208 = tpu.vector_load_idx %arg7[%get3A_1207] : memref<100352xf32, #tpu.memory_space<vmem>>[vector<16xi32>], vector<16xf32>,
        %mul3A_1209 = arith.mulf %gather3A_1203, %gather3A_1208 : vector<16xf32>
        %get3A_1210 = arith.index_cast %mul3A_1198 : i32 to index
        %get3A_1211 = tpu.vector_load %arg11[%get3A_1210] {strides = array<i32>} : memref<2560xf32, #tpu.memory_space<vmem>>, vector<16xf32>,
        %mul3A_1212 = arith.mulf %mul3A_1209, %get3A_1211 : vector<16xf32>
        %add3A_1213 = arith.addf %add3A_1192, %mul3A_1212 : vector<16xf32>
        %mul3A_1214 = arith.constant 8 : i32
        %mul3A_1215 = arith.muli %scan3A_1171, %mul3A_1214 : i32
        %add3A_1216 = arith.constant 2 : i32
        %add3A_1217 = arith.addi %mul3A_1215, %add3A_1216 : i32
        %mul3A_1218 = arith.constant 16 : i32
        %mul3A_1219 = arith.muli %add3A_1217, %mul3A_1218 : i32
        %get3A_1220 = arith.constant 0 : i32
        %get3A_1221 = arith.index_cast %get3A_1220 : i32 to index
        %get3A_1222 = arith.index_cast %mul3A_1219 : i32 to index
        %get3A_1223 = tpu.vector_load %arg9[%get3A_1221, %get3A_1222] {strides = array<i32>} : memref<2x2560xi32, #tpu.memory_space<vmem>>, vector<16xi32>,
        %gather3A_1224 = tpu.vector_load_idx %arg7[%get3A_1223] : memref<100352xf32, #tpu.memory_space<vmem>>[vector<16xi32>], vector<16xf32>,
        %get3A_1225 = arith.constant 1 : i32
        %get3A_1226 = arith.index_cast %get3A_1225 : i32 to index
        %get3A_1227 = arith.index_cast %mul3A_1219 : i32 to index
        %get3A_1228 = tpu.vector_load %arg9[%get3A_1226, %get3A_1227] {strides = array<i32>} : memref<2x2560xi32, #tpu.memory_space<vmem>>, vector<16xi32>,
        %gather3A_1229 = tpu.vector_load_idx %arg7[%get3A_1228] : memref<100352xf32, #tpu.memory_space<vmem>>[vector<16xi32>], vector<16xf32>,
        %mul3A_1230 = arith.mulf %gather3A_1224, %gather3A_1229 : vector<16xf32>
        %get3A_1231 = arith.index_cast %mul3A_1219 : i32 to index
        %get3A_1232 = tpu.vector_load %arg11[%get3A_1231] {strides = array<i32>} : memref<2560xf32, #tpu.memory_space<vmem>>, vector<16xf32>,
        %mul3A_1233 = arith.mulf %mul3A_1230, %get3A_1232 : vector<16xf32>
        %add3A_1234 = arith.addf %add3A_1213, %mul3A_1233 : vector<16xf32>
        %mul3A_1235 = arith.constant 8 : i32
        %mul3A_1236 = arith.muli %scan3A_1171, %mul3A_1235 : i32
        %add3A_1237 = arith.constant 3 : i32
        %add3A_1238 = arith.addi %mul3A_1236, %add3A_1237 : i32
        %mul3A_1239 = arith.constant 16 : i32
        %mul3A_1240 = arith.muli %add3A_1238, %mul3A_1239 : i32
        %get3A_1241 = arith.constant 0 : i32
        %get3A_1242 = arith.index_cast %get3A_1241 : i32 to index
        %get3A_1243 = arith.index_cast %mul3A_1240 : i32 to index
        %get3A_1244 = tpu.vector_load %arg9[%get3A_1242, %get3A_1243] {strides = array<i32>} : memref<2x2560xi32, #tpu.memory_space<vmem>>, vector<16xi32>,
        %gather3A_1245 = tpu.vector_load_idx %arg7[%get3A_1244] : memref<100352xf32, #tpu.memory_space<vmem>>[vector<16xi32>], vector<16xf32>,
        %get3A_1246 = arith.constant 1 : i32
        %get3A_1247 = arith.index_cast %get3A_1246 : i32 to index
        %get3A_1248 = arith.index_cast %mul3A_1240 : i32 to index
        %get3A_1249 = tpu.vector_load %arg9[%get3A_1247, %get3A_1248] {strides = array<i32>} : memref<2x2560xi32, #tpu.memory_space<vmem>>, vector<16xi32>,
        %gather3A_1250 = tpu.vector_load_idx %arg7[%get3A_1249] : memref<100352xf32, #tpu.memory_space<vmem>>[vector<16xi32>], vector<16xf32>,
        %mul3A_1251 = arith.mulf %gather3A_1245, %gather3A_1250 : vector<16xf32>
        %get3A_1252 = arith.index_cast %mul3A_1240 : i32 to index
        %get3A_1253 = tpu.vector_load %arg11[%get3A_1252] {strides = array<i32>} : memref<2560xf32, #tpu.memory_space<vmem>>, vector<16xf32>,
        %mul3A_1254 = arith.mulf %mul3A_1251, %get3A_1253 : vector<16xf32>
        %add3A_1255 = arith.addf %add3A_1234, %mul3A_1254 : vector<16xf32>
        %mul3A_1256 = arith.constant 8 : i32
        %mul3A_1257 = arith.muli %scan3A_1171, %mul3A_1256 : i32
        %add3A_1258 = arith.constant 4 : i32
        %add3A_1259 = arith.addi %mul3A_1257, %add3A_1258 : i32
        %mul3A_1260 = arith.constant 16 : i32
        %mul3A_1261 = arith.muli %add3A_1259, %mul3A_1260 : i32
        %get3A_1262 = arith.constant 0 : i32
        %get3A_1263 = arith.index_cast %get3A_1262 : i32 to index
        %get3A_1264 = arith.index_cast %mul3A_1261 : i32 to index
        %get3A_1265 = tpu.vector_load %arg9[%get3A_1263, %get3A_1264] {strides = array<i32>} : memref<2x2560xi32, #tpu.memory_space<vmem>>, vector<16xi32>,
        %gather3A_1266 = tpu.vector_load_idx %arg7[%get3A_1265] : memref<100352xf32, #tpu.memory_space<vmem>>[vector<16xi32>], vector<16xf32>,
        %get3A_1267 = arith.constant 1 : i32
        %get3A_1268 = arith.index_cast %get3A_1267 : i32 to index
        %get3A_1269 = arith.index_cast %mul3A_1261 : i32 to index
        %get3A_1270 = tpu.vector_load %arg9[%get3A_1268, %get3A_1269] {strides = array<i32>} : memref<2x2560xi32, #tpu.memory_space<vmem>>, vector<16xi32>,
        %gather3A_1271 = tpu.vector_load_idx %arg7[%get3A_1270] : memref<100352xf32, #tpu.memory_space<vmem>>[vector<16xi32>], vector<16xf32>,
        %mul3A_1272 = arith.mulf %gather3A_1266, %gather3A_1271 : vector<16xf32>
        %get3A_1273 = arith.index_cast %mul3A_1261 : i32 to index
        %get3A_1274 = tpu.vector_load %arg11[%get3A_1273] {strides = array<i32>} : memref<2560xf32, #tpu.memory_space<vmem>>, vector<16xf32>,
        %mul3A_1275 = arith.mulf %mul3A_1272, %get3A_1274 : vector<16xf32>
        %add3A_1276 = arith.addf %add3A_1255, %mul3A_1275 : vector<16xf32>
        %mul3A_1277 = arith.constant 8 : i32
        %mul3A_1278 = arith.muli %scan3A_1171, %mul3A_1277 : i32
        %add3A_1279 = arith.constant 5 : i32
        %add3A_1280 = arith.addi %mul3A_1278, %add3A_1279 : i32
        %mul3A_1281 = arith.constant 16 : i32
        %mul3A_1282 = arith.muli %add3A_1280, %mul3A_1281 : i32
        %get3A_1283 = arith.constant 0 : i32
        %get3A_1284 = arith.index_cast %get3A_1283 : i32 to index
        %get3A_1285 = arith.index_cast %mul3A_1282 : i32 to index
        %get3A_1286 = tpu.vector_load %arg9[%get3A_1284, %get3A_1285] {strides = array<i32>} : memref<2x2560xi32, #tpu.memory_space<vmem>>, vector<16xi32>,
        %gather3A_1287 = tpu.vector_load_idx %arg7[%get3A_1286] : memref<100352xf32, #tpu.memory_space<vmem>>[vector<16xi32>], vector<16xf32>,
        %get3A_1288 = arith.constant 1 : i32
        %get3A_1289 = arith.index_cast %get3A_1288 : i32 to index
        %get3A_1290 = arith.index_cast %mul3A_1282 : i32 to index
        %get3A_1291 = tpu.vector_load %arg9[%get3A_1289, %get3A_1290] {strides = array<i32>} : memref<2x2560xi32, #tpu.memory_space<vmem>>, vector<16xi32>,
        %gather3A_1292 = tpu.vector_load_idx %arg7[%get3A_1291] : memref<100352xf32, #tpu.memory_space<vmem>>[vector<16xi32>], vector<16xf32>,
        %mul3A_1293 = arith.mulf %gather3A_1287, %gather3A_1292 : vector<16xf32>
        %get3A_1294 = arith.index_cast %mul3A_1282 : i32 to index
        %get3A_1295 = tpu.vector_load %arg11[%get3A_1294] {strides = array<i32>} : memref<2560xf32, #tpu.memory_space<vmem>>, vector<16xf32>,
        %mul3A_1296 = arith.mulf %mul3A_1293, %get3A_1295 : vector<16xf32>
        %add3A_1297 = arith.addf %add3A_1276, %mul3A_1296 : vector<16xf32>
        %mul3A_1298 = arith.constant 8 : i32
        %mul3A_1299 = arith.muli %scan3A_1171, %mul3A_1298 : i32
        %add3A_1300 = arith.constant 6 : i32
        %add3A_1301 = arith.addi %mul3A_1299, %add3A_1300 : i32
        %mul3A_1302 = arith.constant 16 : i32
        %mul3A_1303 = arith.muli %add3A_1301, %mul3A_1302 : i32
        %get3A_1304 = arith.constant 0 : i32
        %get3A_1305 = arith.index_cast %get3A_1304 : i32 to index
        %get3A_1306 = arith.index_cast %mul3A_1303 : i32 to index
        %get3A_1307 = tpu.vector_load %arg9[%get3A_1305, %get3A_1306] {strides = array<i32>} : memref<2x2560xi32, #tpu.memory_space<vmem>>, vector<16xi32>,
        %gather3A_1308 = tpu.vector_load_idx %arg7[%get3A_1307] : memref<100352xf32, #tpu.memory_space<vmem>>[vector<16xi32>], vector<16xf32>,
        %get3A_1309 = arith.constant 1 : i32
        %get3A_1310 = arith.index_cast %get3A_1309 : i32 to index
        %get3A_1311 = arith.index_cast %mul3A_1303 : i32 to index
        %get3A_1312 = tpu.vector_load %arg9[%get3A_1310, %get3A_1311] {strides = array<i32>} : memref<2x2560xi32, #tpu.memory_space<vmem>>, vector<16xi32>,
        %gather3A_1313 = tpu.vector_load_idx %arg7[%get3A_1312] : memref<100352xf32, #tpu.memory_space<vmem>>[vector<16xi32>], vector<16xf32>,
        %mul3A_1314 = arith.mulf %gather3A_1308, %gather3A_1313 : vector<16xf32>
        %get3A_1315 = arith.index_cast %mul3A_1303 : i32 to index
        %get3A_1316 = tpu.vector_load %arg11[%get3A_1315] {strides = array<i32>} : memref<2560xf32, #tpu.memory_space<vmem>>, vector<16xf32>,
        %mul3A_1317 = arith.mulf %mul3A_1314, %get3A_1316 : vector<16xf32>
        %add3A_1318 = arith.addf %add3A_1297, %mul3A_1317 : vector<16xf32>
        %mul3A_1319 = arith.constant 8 : i32
        %mul3A_1320 = arith.muli %scan3A_1171, %mul3A_1319 : i32
        %add3A_1321 = arith.constant 7 : i32
        %add3A_1322 = arith.addi %mul3A_1320, %add3A_1321 : i32
        %mul3A_1323 = arith.constant 16 : i32
        %mul3A_1324 = arith.muli %add3A_1322, %mul3A_1323 : i32
        %get3A_1325 = arith.constant 0 : i32
        %get3A_1326 = arith.index_cast %get3A_1325 : i32 to index
        %get3A_1327 = arith.index_cast %mul3A_1324 : i32 to index
        %get3A_1328 = tpu.vector_load %arg9[%get3A_1326, %get3A_1327] {strides = array<i32>} : memref<2x2560xi32, #tpu.memory_space<vmem>>, vector<16xi32>,
        %gather3A_1329 = tpu.vector_load_idx %arg7[%get3A_1328] : memref<100352xf32, #tpu.memory_space<vmem>>[vector<16xi32>], vector<16xf32>,
        %get3A_1330 = arith.constant 1 : i32
        %get3A_1331 = arith.index_cast %get3A_1330 : i32 to index
        %get3A_1332 = arith.index_cast %mul3A_1324 : i32 to index
        %get3A_1333 = tpu.vector_load %arg9[%get3A_1331, %get3A_1332] {strides = array<i32>} : memref<2x2560xi32, #tpu.memory_space<vmem>>, vector<16xi32>,
        %gather3A_1334 = tpu.vector_load_idx %arg7[%get3A_1333] : memref<100352xf32, #tpu.memory_space<vmem>>[vector<16xi32>], vector<16xf32>,
        %mul3A_1335 = arith.mulf %gather3A_1329, %gather3A_1334 : vector<16xf32>
        %get3A_1336 = arith.index_cast %mul3A_1324 : i32 to index
        %get3A_1337 = tpu.vector_load %arg11[%get3A_1336] {strides = array<i32>} : memref<2560xf32, #tpu.memory_space<vmem>>, vector<16xf32>,
        %mul3A_1338 = arith.mulf %mul3A_1335, %get3A_1337 : vector<16xf32>
        %add3A_1339 = arith.addf %add3A_1318, %mul3A_1338 : vector<16xf32>
        scf.yield %add3A_1339 : vector<16xf32>
      }
      %scan3A_1165 = arith.constant 20 : i32
      %get3A_1166 = arith.constant 0 : index
      %get3A_1167 = tpu.vector_load %arg12[%get3A_1166] {strides = array<i32>} : memref<16xf32, #tpu.memory_space<vmem>>, vector<16xf32>,
      %add3A_1168 = arith.addf %get3A_1167, %scan3A_1164 : vector<16xf32>
      %swap3A_1169 = arith.constant 0 : index
      %swap3A_1170 = tpu.vector_load %arg12[%swap3A_1169] {strides = array<i32>} : memref<16xf32, #tpu.memory_space<vmem>>, vector<16xf32>,
      tpu.vector_store %arg12[%swap3A_1169], %add3A_1168 {strides = array<i32>} : memref<16xf32, #tpu.memory_space<vmem>>, vector<16xf32>,
    }
    %scan3A_1066 = arith.constant 39 : i32
    %convert_element_type3A = arith.extui %lt3A_1 : i1 to i32
    %cond3A = arith.constant 0 : i32
    %cond3A_1067 = arith.cmpi ne, %convert_element_type3A, %cond3A : i32
    scf.if %cond3A_1067 {
      %dma_wait3A_1101 = arith.constant 0 : i32
      %dma_wait3A_1102 = arith.constant 0 : i32
      %dma_wait3A_1103 = tpu.memref_slice %arg2[%dma_wait3A_1101, %dma_wait3A_1102] : memref<2x6400000xi32, #tpu.memory_space<hbm>> -> memref<2x2560xi32, #tpu.memory_space<hbm>>
      %dma_wait3A_1104 = arith.constant 0 : i32
      %dma_wait3A_1105 = arith.constant 0 : i32
      %dma_wait3A_1106 = tpu.memref_slice %arg2[%dma_wait3A_1104, %dma_wait3A_1105] : memref<2x6400000xi32, #tpu.memory_space<hbm>> -> memref<2x2560xi32, #tpu.memory_space<hbm>>
      tpu.wait_dma2 semaphore(%arg14 : memref<!tpu.dma_semaphore, #tpu.memory_space<semaphore_mem>>) src(%dma_wait3A_1106 : memref<2x2560xi32, #tpu.memory_space<hbm>>) dst(%arg8 : memref<2x2560xi32, #tpu.memory_space<vmem>>)
      %dma_wait3A_1107 = arith.constant 0 : i32
      %dma_wait3A_1108 = tpu.memref_slice %arg3[%dma_wait3A_1107] : memref<6400000xf32, #tpu.memory_space<hbm>> -> memref<2560xf32, #tpu.memory_space<hbm>>
      %dma_wait3A_1109 = arith.constant 0 : i32
      %dma_wait3A_1110 = tpu.memref_slice %arg3[%dma_wait3A_1109] : memref<6400000xf32, #tpu.memory_space<hbm>> -> memref<2560xf32, #tpu.memory_space<hbm>>
      tpu.wait_dma2 semaphore(%arg14 : memref<!tpu.dma_semaphore, #tpu.memory_space<semaphore_mem>>) src(%dma_wait3A_1110 : memref<2560xf32, #tpu.memory_space<hbm>>) dst(%arg10 : memref<2560xf32, #tpu.memory_space<vmem>>)
      %broadcast_in_dim3A_1111 = arith.constant 0.000000e+00 : f32
      %broadcast_in_dim3A_1112 = vector.broadcast %broadcast_in_dim3A_1111 : f32 to vector<16xf32>
      %scan3A_1113 = arith.constant 0 : i32
      %scan3A_1114 = arith.constant 20 : i32
      %scan3A_1115 = arith.addi %scan3A_1113, %scan3A_1114 : i32
      %scan3A_1116 = arith.constant 1 : i32
      %scan3A_1117 = scf.for %scan3A_1124 = %scan3A_1113 to %scan3A_1115 step %scan3A_1116 iter_args(%scan3A_1125 = %broadcast_in_dim3A_1112) -> (vector<16xf32>)  : i32 {
        %mul3A_1126 = arith.constant 8 : i32
        %mul3A_1127 = arith.muli %scan3A_1124, %mul3A_1126 : i32
        %add3A_1128 = arith.constant 0 : i32
        %add3A_1129 = arith.addi %mul3A_1127, %add3A_1128 : i32
        %mul3A_1130 = arith.constant 16 : i32
        %mul3A_1131 = arith.muli %add3A_1129, %mul3A_1130 : i32
        %get3A_1132 = arith.constant 0 : i32
        %get3A_1133 = arith.index_cast %get3A_1132 : i32 to index
        %get3A_1134 = arith.index_cast %mul3A_1131 : i32 to index
        %get3A_1135 = tpu.vector_load %arg8[%get3A_1133, %get3A_1134] {strides = array<i32>} : memref<2x2560xi32, #tpu.memory_space<vmem>>, vector<16xi32>,
        %gather3A = tpu.vector_load_idx %arg7[%get3A_1135] : memref<100352xf32, #tpu.memory_space<vmem>>[vector<16xi32>], vector<16xf32>,
        %get3A_1136 = arith.constant 1 : i32
        %get3A_1137 = arith.index_cast %get3A_1136 : i32 to index
        %get3A_1138 = arith.index_cast %mul3A_1131 : i32 to index
        %get3A_1139 = tpu.vector_load %arg8[%get3A_1137, %get3A_1138] {strides = array<i32>} : memref<2x2560xi32, #tpu.memory_space<vmem>>, vector<16xi32>,
        %gather3A_1140 = tpu.vector_load_idx %arg7[%get3A_1139] : memref<100352xf32, #tpu.memory_space<vmem>>[vector<16xi32>], vector<16xf32>,
        %mul3A_1141 = arith.mulf %gather3A, %gather3A_1140 : vector<16xf32>
        %get3A_1142 = arith.index_cast %mul3A_1131 : i32 to index
        %get3A_1143 = tpu.vector_load %arg10[%get3A_1142] {strides = array<i32>} : memref<2560xf32, #tpu.memory_space<vmem>>, vector<16xf32>,
        %mul3A_1144 = arith.mulf %mul3A_1141, %get3A_1143 : vector<16xf32>
        %add3A_1145 = arith.addf %scan3A_1125, %mul3A_1144 : vector<16xf32>
        %mul3A_1146 = arith.constant 8 : i32
        %mul3A_1147 = arith.muli %scan3A_1124, %mul3A_1146 : i32
        %add3A_1148 = arith.constant 1 : i32
        %add3A_1149 = arith.addi %mul3A_1147, %add3A_1148 : i32
        %mul3A_1150 = arith.constant 16 : i32
        %mul3A_1151 = arith.muli %add3A_1149, %mul3A_1150 : i32
        %get3A_1152 = arith.constant 0 : i32
        %get3A_1153 = arith.index_cast %get3A_1152 : i32 to index
        %get3A_1154 = arith.index_cast %mul3A_1151 : i32 to index
        %get3A_1155 = tpu.vector_load %arg8[%get3A_1153, %get3A_1154] {strides = array<i32>} : memref<2x2560xi32, #tpu.memory_space<vmem>>, vector<16xi32>,
        %gather3A_1156 = tpu.vector_load_idx %arg7[%get3A_1155] : memref<100352xf32, #tpu.memory_space<vmem>>[vector<16xi32>], vector<16xf32>,
        %get3A_1157 = arith.constant 1 : i32
        %get3A_1158 = arith.index_cast %get3A_1157 : i32 to index
        %get3A_1159 = arith.index_cast %mul3A_1151 : i32 to index
        %get3A_1160 = tpu.vector_load %arg8[%get3A_1158, %get3A_1159] {strides = array<i32>} : memref<2x2560xi32, #tpu.memory_space<vmem>>, vector<16xi32>,
        %gather3A_1161 = tpu.vector_load_idx %arg7[%get3A_1160] : memref<100352xf32, #tpu.memory_space<vmem>>[vector<16xi32>], vector<16xf32>,
        %mul3A_1162 = arith.mulf %gather3A_1156, %gather3A_1161 : vector<16xf32>
        %get3A_1163 = arith.index_cast %mul3A_1151 : i32 to index
        %get3A_1164 = tpu.vector_load %arg10[%get3A_1163] {strides = array<i32>} : memref<2560xf32, #tpu.memory_space<vmem>>, vector<16xf32>,
        %mul3A_1165 = arith.mulf %mul3A_1162, %get3A_1164 : vector<16xf32>
        %add3A_1166 = arith.addf %add3A_1145, %mul3A_1165 : vector<16xf32>
        %mul3A_1167 = arith.constant 8 : i32
        %mul3A_1168 = arith.muli %scan3A_1124, %mul3A_1167 : i32
        %add3A_1169 = arith.constant 2 : i32
        %add3A_1170 = arith.addi %mul3A_1168, %add3A_1169 : i32
        %mul3A_1171 = arith.constant 16 : i32
        %mul3A_1172 = arith.muli %add3A_1170, %mul3A_1171 : i32
        %get3A_1173 = arith.constant 0 : i32
        %get3A_1174 = arith.index_cast %get3A_1173 : i32 to index
        %get3A_1175 = arith.index_cast %mul3A_1172 : i32 to index
        %get3A_1176 = tpu.vector_load %arg8[%get3A_1174, %get3A_1175] {strides = array<i32>} : memref<2x2560xi32, #tpu.memory_space<vmem>>, vector<16xi32>,
        %gather3A_1177 = tpu.vector_load_idx %arg7[%get3A_1176] : memref<100352xf32, #tpu.memory_space<vmem>>[vector<16xi32>], vector<16xf32>,
        %get3A_1178 = arith.constant 1 : i32
        %get3A_1179 = arith.index_cast %get3A_1178 : i32 to index
        %get3A_1180 = arith.index_cast %mul3A_1172 : i32 to index
        %get3A_1181 = tpu.vector_load %arg8[%get3A_1179, %get3A_1180] {strides = array<i32>} : memref<2x2560xi32, #tpu.memory_space<vmem>>, vector<16xi32>,
        %gather3A_1182 = tpu.vector_load_idx %arg7[%get3A_1181] : memref<100352xf32, #tpu.memory_space<vmem>>[vector<16xi32>], vector<16xf32>,
        %mul3A_1183 = arith.mulf %gather3A_1177, %gather3A_1182 : vector<16xf32>
        %get3A_1184 = arith.index_cast %mul3A_1172 : i32 to index
        %get3A_1185 = tpu.vector_load %arg10[%get3A_1184] {strides = array<i32>} : memref<2560xf32, #tpu.memory_space<vmem>>, vector<16xf32>,
        %mul3A_1186 = arith.mulf %mul3A_1183, %get3A_1185 : vector<16xf32>
        %add3A_1187 = arith.addf %add3A_1166, %mul3A_1186 : vector<16xf32>
        %mul3A_1188 = arith.constant 8 : i32
        %mul3A_1189 = arith.muli %scan3A_1124, %mul3A_1188 : i32
        %add3A_1190 = arith.constant 3 : i32
        %add3A_1191 = arith.addi %mul3A_1189, %add3A_1190 : i32
        %mul3A_1192 = arith.constant 16 : i32
        %mul3A_1193 = arith.muli %add3A_1191, %mul3A_1192 : i32
        %get3A_1194 = arith.constant 0 : i32
        %get3A_1195 = arith.index_cast %get3A_1194 : i32 to index
        %get3A_1196 = arith.index_cast %mul3A_1193 : i32 to index
        %get3A_1197 = tpu.vector_load %arg8[%get3A_1195, %get3A_1196] {strides = array<i32>} : memref<2x2560xi32, #tpu.memory_space<vmem>>, vector<16xi32>,
        %gather3A_1198 = tpu.vector_load_idx %arg7[%get3A_1197] : memref<100352xf32, #tpu.memory_space<vmem>>[vector<16xi32>], vector<16xf32>,
        %get3A_1199 = arith.constant 1 : i32
        %get3A_1200 = arith.index_cast %get3A_1199 : i32 to index
        %get3A_1201 = arith.index_cast %mul3A_1193 : i32 to index
        %get3A_1202 = tpu.vector_load %arg8[%get3A_1200, %get3A_1201] {strides = array<i32>} : memref<2x2560xi32, #tpu.memory_space<vmem>>, vector<16xi32>,
        %gather3A_1203 = tpu.vector_load_idx %arg7[%get3A_1202] : memref<100352xf32, #tpu.memory_space<vmem>>[vector<16xi32>], vector<16xf32>,
        %mul3A_1204 = arith.mulf %gather3A_1198, %gather3A_1203 : vector<16xf32>
        %get3A_1205 = arith.index_cast %mul3A_1193 : i32 to index
        %get3A_1206 = tpu.vector_load %arg10[%get3A_1205] {strides = array<i32>} : memref<2560xf32, #tpu.memory_space<vmem>>, vector<16xf32>,
        %mul3A_1207 = arith.mulf %mul3A_1204, %get3A_1206 : vector<16xf32>
        %add3A_1208 = arith.addf %add3A_1187, %mul3A_1207 : vector<16xf32>
        %mul3A_1209 = arith.constant 8 : i32
        %mul3A_1210 = arith.muli %scan3A_1124, %mul3A_1209 : i32
        %add3A_1211 = arith.constant 4 : i32
        %add3A_1212 = arith.addi %mul3A_1210, %add3A_1211 : i32
        %mul3A_1213 = arith.constant 16 : i32
        %mul3A_1214 = arith.muli %add3A_1212, %mul3A_1213 : i32
        %get3A_1215 = arith.constant 0 : i32
        %get3A_1216 = arith.index_cast %get3A_1215 : i32 to index
        %get3A_1217 = arith.index_cast %mul3A_1214 : i32 to index
        %get3A_1218 = tpu.vector_load %arg8[%get3A_1216, %get3A_1217] {strides = array<i32>} : memref<2x2560xi32, #tpu.memory_space<vmem>>, vector<16xi32>,
        %gather3A_1219 = tpu.vector_load_idx %arg7[%get3A_1218] : memref<100352xf32, #tpu.memory_space<vmem>>[vector<16xi32>], vector<16xf32>,
        %get3A_1220 = arith.constant 1 : i32
        %get3A_1221 = arith.index_cast %get3A_1220 : i32 to index
        %get3A_1222 = arith.index_cast %mul3A_1214 : i32 to index
        %get3A_1223 = tpu.vector_load %arg8[%get3A_1221, %get3A_1222] {strides = array<i32>} : memref<2x2560xi32, #tpu.memory_space<vmem>>, vector<16xi32>,
        %gather3A_1224 = tpu.vector_load_idx %arg7[%get3A_1223] : memref<100352xf32, #tpu.memory_space<vmem>>[vector<16xi32>], vector<16xf32>,
        %mul3A_1225 = arith.mulf %gather3A_1219, %gather3A_1224 : vector<16xf32>
        %get3A_1226 = arith.index_cast %mul3A_1214 : i32 to index
        %get3A_1227 = tpu.vector_load %arg10[%get3A_1226] {strides = array<i32>} : memref<2560xf32, #tpu.memory_space<vmem>>, vector<16xf32>,
        %mul3A_1228 = arith.mulf %mul3A_1225, %get3A_1227 : vector<16xf32>
        %add3A_1229 = arith.addf %add3A_1208, %mul3A_1228 : vector<16xf32>
        %mul3A_1230 = arith.constant 8 : i32
        %mul3A_1231 = arith.muli %scan3A_1124, %mul3A_1230 : i32
        %add3A_1232 = arith.constant 5 : i32
        %add3A_1233 = arith.addi %mul3A_1231, %add3A_1232 : i32
        %mul3A_1234 = arith.constant 16 : i32
        %mul3A_1235 = arith.muli %add3A_1233, %mul3A_1234 : i32
        %get3A_1236 = arith.constant 0 : i32
        %get3A_1237 = arith.index_cast %get3A_1236 : i32 to index
        %get3A_1238 = arith.index_cast %mul3A_1235 : i32 to index
        %get3A_1239 = tpu.vector_load %arg8[%get3A_1237, %get3A_1238] {strides = array<i32>} : memref<2x2560xi32, #tpu.memory_space<vmem>>, vector<16xi32>,
        %gather3A_1240 = tpu.vector_load_idx %arg7[%get3A_1239] : memref<100352xf32, #tpu.memory_space<vmem>>[vector<16xi32>], vector<16xf32>,
        %get3A_1241 = arith.constant 1 : i32
        %get3A_1242 = arith.index_cast %get3A_1241 : i32 to index
        %get3A_1243 = arith.index_cast %mul3A_1235 : i32 to index
        %get3A_1244 = tpu.vector_load %arg8[%get3A_1242, %get3A_1243] {strides = array<i32>} : memref<2x2560xi32, #tpu.memory_space<vmem>>, vector<16xi32>,
        %gather3A_1245 = tpu.vector_load_idx %arg7[%get3A_1244] : memref<100352xf32, #tpu.memory_space<vmem>>[vector<16xi32>], vector<16xf32>,
        %mul3A_1246 = arith.mulf %gather3A_1240, %gather3A_1245 : vector<16xf32>
        %get3A_1247 = arith.index_cast %mul3A_1235 : i32 to index
        %get3A_1248 = tpu.vector_load %arg10[%get3A_1247] {strides = array<i32>} : memref<2560xf32, #tpu.memory_space<vmem>>, vector<16xf32>,
        %mul3A_1249 = arith.mulf %mul3A_1246, %get3A_1248 : vector<16xf32>
        %add3A_1250 = arith.addf %add3A_1229, %mul3A_1249 : vector<16xf32>
        %mul3A_1251 = arith.constant 8 : i32
        %mul3A_1252 = arith.muli %scan3A_1124, %mul3A_1251 : i32
        %add3A_1253 = arith.constant 6 : i32
        %add3A_1254 = arith.addi %mul3A_1252, %add3A_1253 : i32
        %mul3A_1255 = arith.constant 16 : i32
        %mul3A_1256 = arith.muli %add3A_1254, %mul3A_1255 : i32
        %get3A_1257 = arith.constant 0 : i32
        %get3A_1258 = arith.index_cast %get3A_1257 : i32 to index
        %get3A_1259 = arith.index_cast %mul3A_1256 : i32 to index
        %get3A_1260 = tpu.vector_load %arg8[%get3A_1258, %get3A_1259] {strides = array<i32>} : memref<2x2560xi32, #tpu.memory_space<vmem>>, vector<16xi32>,
        %gather3A_1261 = tpu.vector_load_idx %arg7[%get3A_1260] : memref<100352xf32, #tpu.memory_space<vmem>>[vector<16xi32>], vector<16xf32>,
        %get3A_1262 = arith.constant 1 : i32
        %get3A_1263 = arith.index_cast %get3A_1262 : i32 to index
        %get3A_1264 = arith.index_cast %mul3A_1256 : i32 to index
        %get3A_1265 = tpu.vector_load %arg8[%get3A_1263, %get3A_1264] {strides = array<i32>} : memref<2x2560xi32, #tpu.memory_space<vmem>>, vector<16xi32>,
        %gather3A_1266 = tpu.vector_load_idx %arg7[%get3A_1265] : memref<100352xf32, #tpu.memory_space<vmem>>[vector<16xi32>], vector<16xf32>,
        %mul3A_1267 = arith.mulf %gather3A_1261, %gather3A_1266 : vector<16xf32>
        %get3A_1268 = arith.index_cast %mul3A_1256 : i32 to index
        %get3A_1269 = tpu.vector_load %arg10[%get3A_1268] {strides = array<i32>} : memref<2560xf32, #tpu.memory_space<vmem>>, vector<16xf32>,
        %mul3A_1270 = arith.mulf %mul3A_1267, %get3A_1269 : vector<16xf32>
        %add3A_1271 = arith.addf %add3A_1250, %mul3A_1270 : vector<16xf32>
        %mul3A_1272 = arith.constant 8 : i32
        %mul3A_1273 = arith.muli %scan3A_1124, %mul3A_1272 : i32
        %add3A_1274 = arith.constant 7 : i32
        %add3A_1275 = arith.addi %mul3A_1273, %add3A_1274 : i32
        %mul3A_1276 = arith.constant 16 : i32
        %mul3A_1277 = arith.muli %add3A_1275, %mul3A_1276 : i32
        %get3A_1278 = arith.constant 0 : i32
        %get3A_1279 = arith.index_cast %get3A_1278 : i32 to index
        %get3A_1280 = arith.index_cast %mul3A_1277 : i32 to index
        %get3A_1281 = tpu.vector_load %arg8[%get3A_1279, %get3A_1280] {strides = array<i32>} : memref<2x2560xi32, #tpu.memory_space<vmem>>, vector<16xi32>,
        %gather3A_1282 = tpu.vector_load_idx %arg7[%get3A_1281] : memref<100352xf32, #tpu.memory_space<vmem>>[vector<16xi32>], vector<16xf32>,
        %get3A_1283 = arith.constant 1 : i32
        %get3A_1284 = arith.index_cast %get3A_1283 : i32 to index
        %get3A_1285 = arith.index_cast %mul3A_1277 : i32 to index
        %get3A_1286 = tpu.vector_load %arg8[%get3A_1284, %get3A_1285] {strides = array<i32>} : memref<2x2560xi32, #tpu.memory_space<vmem>>, vector<16xi32>,
        %gather3A_1287 = tpu.vector_load_idx %arg7[%get3A_1286] : memref<100352xf32, #tpu.memory_space<vmem>>[vector<16xi32>], vector<16xf32>,
        %mul3A_1288 = arith.mulf %gather3A_1282, %gather3A_1287 : vector<16xf32>
        %get3A_1289 = arith.index_cast %mul3A_1277 : i32 to index
        %get3A_1290 = tpu.vector_load %arg10[%get3A_1289] {strides = array<i32>} : memref<2560xf32, #tpu.memory_space<vmem>>, vector<16xf32>,
        %mul3A_1291 = arith.mulf %mul3A_1288, %get3A_1290 : vector<16xf32>
        %add3A_1292 = arith.addf %add3A_1271, %mul3A_1291 : vector<16xf32>
        scf.yield %add3A_1292 : vector<16xf32>
      }
      %scan3A_1118 = arith.constant 20 : i32
      %get3A_1119 = arith.constant 0 : index
      %get3A_1120 = tpu.vector_load %arg12[%get3A_1119] {strides = array<i32>} : memref<16xf32, #tpu.memory_space<vmem>>, vector<16xf32>,
      %add3A_1121 = arith.addf %get3A_1120, %scan3A_1117 : vector<16xf32>
      %swap3A_1122 = arith.constant 0 : index
      %swap3A_1123 = tpu.vector_load %arg12[%swap3A_1122] {strides = array<i32>} : memref<16xf32, #tpu.memory_space<vmem>>, vector<16xf32>,
      tpu.vector_store %arg12[%swap3A_1122], %add3A_1121 {strides = array<i32>} : memref<16xf32, #tpu.memory_space<vmem>>, vector<16xf32>,
    } else {
    }
    %get3A = arith.constant 0 : index
    %get3A_1068 = tpu.vector_load %arg12[%get3A] {strides = array<i32>} : memref<16xf32, #tpu.memory_space<vmem>>, vector<16xf32>,
    %swap3A_1069 = arith.constant 0 : index
    %swap3A_1070 = tpu.vector_load %arg10[%swap3A_1069] {strides = array<i32>} : memref<2560xf32, #tpu.memory_space<vmem>>, vector<16xf32>,
    tpu.vector_store %arg10[%swap3A_1069], %get3A_1068 {strides = array<i32>} : memref<2560xf32, #tpu.memory_space<vmem>>, vector<16xf32>,
    %mul3A_1071 = arith.constant 16 : i32
    %mul3A_1072 = arith.muli %add3A, %mul3A_1071 : i32
    "tpu.region"() ({
      %run_scoped3A = tpu.sem_alloc : memref<!tpu.dma_semaphore, #tpu.memory_space<semaphore_mem>>
      %dma_start3A_1101 = arith.constant 0 : i32
      %dma_start3A_1102 = tpu.memref_slice %arg10[%dma_start3A_1101] : memref<2560xf32, #tpu.memory_space<vmem>> -> memref<16xf32, #tpu.memory_space<vmem>>
      %dma_start3A_1103 = tpu.memref_slice %arg6[%mul3A_1072] : memref<512xf32, #tpu.memory_space<hbm>> -> memref<16xf32, #tpu.memory_space<hbm>>
      %dma_start3A_1104 = tpu.memref_slice %arg6[%mul3A_1072] : memref<512xf32, #tpu.memory_space<hbm>> -> memref<16xf32, #tpu.memory_space<hbm>>
      %dma_start3A_1105 = arith.constant 0 : i32
      %dma_start3A_1106 = tpu.memref_slice %arg10[%dma_start3A_1105] : memref<2560xf32, #tpu.memory_space<vmem>> -> memref<16xf32, #tpu.memory_space<vmem>>
      tpu.enqueue_dma source(%dma_start3A_1106 : memref<16xf32, #tpu.memory_space<vmem>>) target(%dma_start3A_1104 : memref<16xf32, #tpu.memory_space<hbm>>) target_semaphore(%run_scoped3A : memref<!tpu.dma_semaphore, #tpu.memory_space<semaphore_mem>>)
      %dma_wait3A_1107 = arith.constant 0 : i32
      %dma_wait3A_1108 = tpu.memref_slice %arg10[%dma_wait3A_1107] : memref<2560xf32, #tpu.memory_space<vmem>> -> memref<16xf32, #tpu.memory_space<vmem>>
      %dma_wait3A_1109 = tpu.memref_slice %arg6[%mul3A_1072] : memref<512xf32, #tpu.memory_space<hbm>> -> memref<16xf32, #tpu.memory_space<hbm>>
      %dma_wait3A_1110 = tpu.memref_slice %arg6[%mul3A_1072] : memref<512xf32, #tpu.memory_space<hbm>> -> memref<16xf32, #tpu.memory_space<hbm>>
      %dma_wait3A_1111 = arith.constant 0 : i32
      %dma_wait3A_1112 = tpu.memref_slice %arg10[%dma_wait3A_1111] : memref<2560xf32, #tpu.memory_space<vmem>> -> memref<16xf32, #tpu.memory_space<vmem>>
      tpu.wait_dma2 semaphore(%run_scoped3A : memref<!tpu.dma_semaphore, #tpu.memory_space<semaphore_mem>>) src(%dma_wait3A_1112 : memref<16xf32, #tpu.memory_space<vmem>>) dst(%dma_wait3A_1110 : memref<16xf32, #tpu.memory_space<hbm>>)
      tpu.yield
    }) : () -> ()
    %scan3A_1073 = arith.constant 0 : i32
    %scan3A_1074 = arith.constant 0 : i32
    %scan3A_1075 = arith.constant 392 : i32
    %scan3A_1076 = arith.addi %scan3A_1074, %scan3A_1075 : i32
    %scan3A_1077 = arith.constant 1 : i32
    scf.for %scan3A_1101 = %scan3A_1074 to %scan3A_1076 step %scan3A_1077  : i32 {
      %broadcast_in_dim3A_1102 = arith.constant 0.000000e+00 : f32
      %broadcast_in_dim3A_1103 = vector.broadcast %broadcast_in_dim3A_1102 : f32 to vector<16xf32>
      %mul3A_1104 = arith.constant 16 : i32
      %mul3A_1105 = arith.muli %scan3A_1101, %mul3A_1104 : i32
      %add3A_1106 = arith.constant 0 : i32
      %add3A_1107 = arith.addi %mul3A_1105, %add3A_1106 : i32
      %mul3A_1108 = arith.constant 16 : i32
      %mul3A_1109 = arith.muli %add3A_1107, %mul3A_1108 : i32
      %swap3A_1110 = arith.index_cast %mul3A_1109 : i32 to index
      %swap3A_1111 = tpu.vector_load %arg7[%swap3A_1110] {strides = array<i32>} : memref<100352xf32, #tpu.memory_space<vmem>>, vector<16xf32>,
      tpu.vector_store %arg7[%swap3A_1110], %broadcast_in_dim3A_1103 {strides = array<i32>} : memref<100352xf32, #tpu.memory_space<vmem>>, vector<16xf32>,
      %broadcast_in_dim3A_1112 = arith.constant 0.000000e+00 : f32
      %broadcast_in_dim3A_1113 = vector.broadcast %broadcast_in_dim3A_1112 : f32 to vector<16xf32>
      %mul3A_1114 = arith.constant 16 : i32
      %mul3A_1115 = arith.muli %scan3A_1101, %mul3A_1114 : i32
      %add3A_1116 = arith.constant 1 : i32
      %add3A_1117 = arith.addi %mul3A_1115, %add3A_1116 : i32
      %mul3A_1118 = arith.constant 16 : i32
      %mul3A_1119 = arith.muli %add3A_1117, %mul3A_1118 : i32
      %swap3A_1120 = arith.index_cast %mul3A_1119 : i32 to index
      %swap3A_1121 = tpu.vector_load %arg7[%swap3A_1120] {strides = array<i32>} : memref<100352xf32, #tpu.memory_space<vmem>>, vector<16xf32>,
      tpu.vector_store %arg7[%swap3A_1120], %broadcast_in_dim3A_1113 {strides = array<i32>} : memref<100352xf32, #tpu.memory_space<vmem>>, vector<16xf32>,
      %broadcast_in_dim3A_1122 = arith.constant 0.000000e+00 : f32
      %broadcast_in_dim3A_1123 = vector.broadcast %broadcast_in_dim3A_1122 : f32 to vector<16xf32>
      %mul3A_1124 = arith.constant 16 : i32
      %mul3A_1125 = arith.muli %scan3A_1101, %mul3A_1124 : i32
      %add3A_1126 = arith.constant 2 : i32
      %add3A_1127 = arith.addi %mul3A_1125, %add3A_1126 : i32
      %mul3A_1128 = arith.constant 16 : i32
      %mul3A_1129 = arith.muli %add3A_1127, %mul3A_1128 : i32
      %swap3A_1130 = arith.index_cast %mul3A_1129 : i32 to index
      %swap3A_1131 = tpu.vector_load %arg7[%swap3A_1130] {strides = array<i32>} : memref<100352xf32, #tpu.memory_space<vmem>>, vector<16xf32>,
      tpu.vector_store %arg7[%swap3A_1130], %broadcast_in_dim3A_1123 {strides = array<i32>} : memref<100352xf32, #tpu.memory_space<vmem>>, vector<16xf32>,
      %broadcast_in_dim3A_1132 = arith.constant 0.000000e+00 : f32
      %broadcast_in_dim3A_1133 = vector.broadcast %broadcast_in_dim3A_1132 : f32 to vector<16xf32>
      %mul3A_1134 = arith.constant 16 : i32
      %mul3A_1135 = arith.muli %scan3A_1101, %mul3A_1134 : i32
      %add3A_1136 = arith.constant 3 : i32
      %add3A_1137 = arith.addi %mul3A_1135, %add3A_1136 : i32
      %mul3A_1138 = arith.constant 16 : i32
      %mul3A_1139 = arith.muli %add3A_1137, %mul3A_1138 : i32
      %swap3A_1140 = arith.index_cast %mul3A_1139 : i32 to index
      %swap3A_1141 = tpu.vector_load %arg7[%swap3A_1140] {strides = array<i32>} : memref<100352xf32, #tpu.memory_space<vmem>>, vector<16xf32>,
      tpu.vector_store %arg7[%swap3A_1140], %broadcast_in_dim3A_1133 {strides = array<i32>} : memref<100352xf32, #tpu.memory_space<vmem>>, vector<16xf32>,
      %broadcast_in_dim3A_1142 = arith.constant 0.000000e+00 : f32
      %broadcast_in_dim3A_1143 = vector.broadcast %broadcast_in_dim3A_1142 : f32 to vector<16xf32>
      %mul3A_1144 = arith.constant 16 : i32
      %mul3A_1145 = arith.muli %scan3A_1101, %mul3A_1144 : i32
      %add3A_1146 = arith.constant 4 : i32
      %add3A_1147 = arith.addi %mul3A_1145, %add3A_1146 : i32
      %mul3A_1148 = arith.constant 16 : i32
      %mul3A_1149 = arith.muli %add3A_1147, %mul3A_1148 : i32
      %swap3A_1150 = arith.index_cast %mul3A_1149 : i32 to index
      %swap3A_1151 = tpu.vector_load %arg7[%swap3A_1150] {strides = array<i32>} : memref<100352xf32, #tpu.memory_space<vmem>>, vector<16xf32>,
      tpu.vector_store %arg7[%swap3A_1150], %broadcast_in_dim3A_1143 {strides = array<i32>} : memref<100352xf32, #tpu.memory_space<vmem>>, vector<16xf32>,
      %broadcast_in_dim3A_1152 = arith.constant 0.000000e+00 : f32
      %broadcast_in_dim3A_1153 = vector.broadcast %broadcast_in_dim3A_1152 : f32 to vector<16xf32>
      %mul3A_1154 = arith.constant 16 : i32
      %mul3A_1155 = arith.muli %scan3A_1101, %mul3A_1154 : i32
      %add3A_1156 = arith.constant 5 : i32
      %add3A_1157 = arith.addi %mul3A_1155, %add3A_1156 : i32
      %mul3A_1158 = arith.constant 16 : i32
      %mul3A_1159 = arith.muli %add3A_1157, %mul3A_1158 : i32
      %swap3A_1160 = arith.index_cast %mul3A_1159 : i32 to index
      %swap3A_1161 = tpu.vector_load %arg7[%swap3A_1160] {strides = array<i32>} : memref<100352xf32, #tpu.memory_space<vmem>>, vector<16xf32>,
      tpu.vector_store %arg7[%swap3A_1160], %broadcast_in_dim3A_1153 {strides = array<i32>} : memref<100352xf32, #tpu.memory_space<vmem>>, vector<16xf32>,
      %broadcast_in_dim3A_1162 = arith.constant 0.000000e+00 : f32
      %broadcast_in_dim3A_1163 = vector.broadcast %broadcast_in_dim3A_1162 : f32 to vector<16xf32>
      %mul3A_1164 = arith.constant 16 : i32
      %mul3A_1165 = arith.muli %scan3A_1101, %mul3A_1164 : i32
      %add3A_1166 = arith.constant 6 : i32
      %add3A_1167 = arith.addi %mul3A_1165, %add3A_1166 : i32
      %mul3A_1168 = arith.constant 16 : i32
      %mul3A_1169 = arith.muli %add3A_1167, %mul3A_1168 : i32
      %swap3A_1170 = arith.index_cast %mul3A_1169 : i32 to index
      %swap3A_1171 = tpu.vector_load %arg7[%swap3A_1170] {strides = array<i32>} : memref<100352xf32, #tpu.memory_space<vmem>>, vector<16xf32>,
      tpu.vector_store %arg7[%swap3A_1170], %broadcast_in_dim3A_1163 {strides = array<i32>} : memref<100352xf32, #tpu.memory_space<vmem>>, vector<16xf32>,
      %broadcast_in_dim3A_1172 = arith.constant 0.000000e+00 : f32
      %broadcast_in_dim3A_1173 = vector.broadcast %broadcast_in_dim3A_1172 : f32 to vector<16xf32>
      %mul3A_1174 = arith.constant 16 : i32
      %mul3A_1175 = arith.muli %scan3A_1101, %mul3A_1174 : i32
      %add3A_1176 = arith.constant 7 : i32
      %add3A_1177 = arith.addi %mul3A_1175, %add3A_1176 : i32
      %mul3A_1178 = arith.constant 16 : i32
      %mul3A_1179 = arith.muli %add3A_1177, %mul3A_1178 : i32
      %swap3A_1180 = arith.index_cast %mul3A_1179 : i32 to index
      %swap3A_1181 = tpu.vector_load %arg7[%swap3A_1180] {strides = array<i32>} : memref<100352xf32, #tpu.memory_space<vmem>>, vector<16xf32>,
      tpu.vector_store %arg7[%swap3A_1180], %broadcast_in_dim3A_1173 {strides = array<i32>} : memref<100352xf32, #tpu.memory_space<vmem>>, vector<16xf32>,
      %broadcast_in_dim3A_1182 = arith.constant 0.000000e+00 : f32
      %broadcast_in_dim3A_1183 = vector.broadcast %broadcast_in_dim3A_1182 : f32 to vector<16xf32>
      %mul3A_1184 = arith.constant 16 : i32
      %mul3A_1185 = arith.muli %scan3A_1101, %mul3A_1184 : i32
      %add3A_1186 = arith.constant 8 : i32
      %add3A_1187 = arith.addi %mul3A_1185, %add3A_1186 : i32
      %mul3A_1188 = arith.constant 16 : i32
      %mul3A_1189 = arith.muli %add3A_1187, %mul3A_1188 : i32
      %swap3A_1190 = arith.index_cast %mul3A_1189 : i32 to index
      %swap3A_1191 = tpu.vector_load %arg7[%swap3A_1190] {strides = array<i32>} : memref<100352xf32, #tpu.memory_space<vmem>>, vector<16xf32>,
      tpu.vector_store %arg7[%swap3A_1190], %broadcast_in_dim3A_1183 {strides = array<i32>} : memref<100352xf32, #tpu.memory_space<vmem>>, vector<16xf32>,
      %broadcast_in_dim3A_1192 = arith.constant 0.000000e+00 : f32
      %broadcast_in_dim3A_1193 = vector.broadcast %broadcast_in_dim3A_1192 : f32 to vector<16xf32>
      %mul3A_1194 = arith.constant 16 : i32
      %mul3A_1195 = arith.muli %scan3A_1101, %mul3A_1194 : i32
      %add3A_1196 = arith.constant 9 : i32
      %add3A_1197 = arith.addi %mul3A_1195, %add3A_1196 : i32
      %mul3A_1198 = arith.constant 16 : i32
      %mul3A_1199 = arith.muli %add3A_1197, %mul3A_1198 : i32
      %swap3A_1200 = arith.index_cast %mul3A_1199 : i32 to index
      %swap3A_1201 = tpu.vector_load %arg7[%swap3A_1200] {strides = array<i32>} : memref<100352xf32, #tpu.memory_space<vmem>>, vector<16xf32>,
      tpu.vector_store %arg7[%swap3A_1200], %broadcast_in_dim3A_1193 {strides = array<i32>} : memref<100352xf32, #tpu.memory_space<vmem>>, vector<16xf32>,
      %broadcast_in_dim3A_1202 = arith.constant 0.000000e+00 : f32
      %broadcast_in_dim3A_1203 = vector.broadcast %broadcast_in_dim3A_1202 : f32 to vector<16xf32>
      %mul3A_1204 = arith.constant 16 : i32
      %mul3A_1205 = arith.muli %scan3A_1101, %mul3A_1204 : i32
      %add3A_1206 = arith.constant 10 : i32
      %add3A_1207 = arith.addi %mul3A_1205, %add3A_1206 : i32
      %mul3A_1208 = arith.constant 16 : i32
      %mul3A_1209 = arith.muli %add3A_1207, %mul3A_1208 : i32
      %swap3A_1210 = arith.index_cast %mul3A_1209 : i32 to index
      %swap3A_1211 = tpu.vector_load %arg7[%swap3A_1210] {strides = array<i32>} : memref<100352xf32, #tpu.memory_space<vmem>>, vector<16xf32>,
      tpu.vector_store %arg7[%swap3A_1210], %broadcast_in_dim3A_1203 {strides = array<i32>} : memref<100352xf32, #tpu.memory_space<vmem>>, vector<16xf32>,
      %broadcast_in_dim3A_1212 = arith.constant 0.000000e+00 : f32
      %broadcast_in_dim3A_1213 = vector.broadcast %broadcast_in_dim3A_1212 : f32 to vector<16xf32>
      %mul3A_1214 = arith.constant 16 : i32
      %mul3A_1215 = arith.muli %scan3A_1101, %mul3A_1214 : i32
      %add3A_1216 = arith.constant 11 : i32
      %add3A_1217 = arith.addi %mul3A_1215, %add3A_1216 : i32
      %mul3A_1218 = arith.constant 16 : i32
      %mul3A_1219 = arith.muli %add3A_1217, %mul3A_1218 : i32
      %swap3A_1220 = arith.index_cast %mul3A_1219 : i32 to index
      %swap3A_1221 = tpu.vector_load %arg7[%swap3A_1220] {strides = array<i32>} : memref<100352xf32, #tpu.memory_space<vmem>>, vector<16xf32>,
      tpu.vector_store %arg7[%swap3A_1220], %broadcast_in_dim3A_1213 {strides = array<i32>} : memref<100352xf32, #tpu.memory_space<vmem>>, vector<16xf32>,
      %broadcast_in_dim3A_1222 = arith.constant 0.000000e+00 : f32
      %broadcast_in_dim3A_1223 = vector.broadcast %broadcast_in_dim3A_1222 : f32 to vector<16xf32>
      %mul3A_1224 = arith.constant 16 : i32
      %mul3A_1225 = arith.muli %scan3A_1101, %mul3A_1224 : i32
      %add3A_1226 = arith.constant 12 : i32
      %add3A_1227 = arith.addi %mul3A_1225, %add3A_1226 : i32
      %mul3A_1228 = arith.constant 16 : i32
      %mul3A_1229 = arith.muli %add3A_1227, %mul3A_1228 : i32
      %swap3A_1230 = arith.index_cast %mul3A_1229 : i32 to index
      %swap3A_1231 = tpu.vector_load %arg7[%swap3A_1230] {strides = array<i32>} : memref<100352xf32, #tpu.memory_space<vmem>>, vector<16xf32>,
      tpu.vector_store %arg7[%swap3A_1230], %broadcast_in_dim3A_1223 {strides = array<i32>} : memref<100352xf32, #tpu.memory_space<vmem>>, vector<16xf32>,
      %broadcast_in_dim3A_1232 = arith.constant 0.000000e+00 : f32
      %broadcast_in_dim3A_1233 = vector.broadcast %broadcast_in_dim3A_1232 : f32 to vector<16xf32>
      %mul3A_1234 = arith.constant 16 : i32
      %mul3A_1235 = arith.muli %scan3A_1101, %mul3A_1234 : i32
      %add3A_1236 = arith.constant 13 : i32
      %add3A_1237 = arith.addi %mul3A_1235, %add3A_1236 : i32
      %mul3A_1238 = arith.constant 16 : i32
      %mul3A_1239 = arith.muli %add3A_1237, %mul3A_1238 : i32
      %swap3A_1240 = arith.index_cast %mul3A_1239 : i32 to index
      %swap3A_1241 = tpu.vector_load %arg7[%swap3A_1240] {strides = array<i32>} : memref<100352xf32, #tpu.memory_space<vmem>>, vector<16xf32>,
      tpu.vector_store %arg7[%swap3A_1240], %broadcast_in_dim3A_1233 {strides = array<i32>} : memref<100352xf32, #tpu.memory_space<vmem>>, vector<16xf32>,
      %broadcast_in_dim3A_1242 = arith.constant 0.000000e+00 : f32
      %broadcast_in_dim3A_1243 = vector.broadcast %broadcast_in_dim3A_1242 : f32 to vector<16xf32>
      %mul3A_1244 = arith.constant 16 : i32
      %mul3A_1245 = arith.muli %scan3A_1101, %mul3A_1244 : i32
      %add3A_1246 = arith.constant 14 : i32
      %add3A_1247 = arith.addi %mul3A_1245, %add3A_1246 : i32
      %mul3A_1248 = arith.constant 16 : i32
      %mul3A_1249 = arith.muli %add3A_1247, %mul3A_1248 : i32
      %swap3A_1250 = arith.index_cast %mul3A_1249 : i32 to index
      %swap3A_1251 = tpu.vector_load %arg7[%swap3A_1250] {strides = array<i32>} : memref<100352xf32, #tpu.memory_space<vmem>>, vector<16xf32>,
      tpu.vector_store %arg7[%swap3A_1250], %broadcast_in_dim3A_1243 {strides = array<i32>} : memref<100352xf32, #tpu.memory_space<vmem>>, vector<16xf32>,
      %broadcast_in_dim3A_1252 = arith.constant 0.000000e+00 : f32
      %broadcast_in_dim3A_1253 = vector.broadcast %broadcast_in_dim3A_1252 : f32 to vector<16xf32>
      %mul3A_1254 = arith.constant 16 : i32
      %mul3A_1255 = arith.muli %scan3A_1101, %mul3A_1254 : i32
      %add3A_1256 = arith.constant 15 : i32
      %add3A_1257 = arith.addi %mul3A_1255, %add3A_1256 : i32
      %mul3A_1258 = arith.constant 16 : i32
      %mul3A_1259 = arith.muli %add3A_1257, %mul3A_1258 : i32
      %swap3A_1260 = arith.index_cast %mul3A_1259 : i32 to index
      %swap3A_1261 = tpu.vector_load %arg7[%swap3A_1260] {strides = array<i32>} : memref<100352xf32, #tpu.memory_space<vmem>>, vector<16xf32>,
      tpu.vector_store %arg7[%swap3A_1260], %broadcast_in_dim3A_1253 {strides = array<i32>} : memref<100352xf32, #tpu.memory_space<vmem>>, vector<16xf32>,
    }
    %scan3A_1078 = arith.constant 392 : i32
    %add3A_1079 = arith.constant 0 : i32
    %add3A_1080 = arith.addi %add3A_1079, %add3A : i32
    %mul3A_1081 = arith.constant 2560 : i32
    %mul3A_1082 = arith.muli %add3A_1080, %mul3A_1081 : i32
    %multiple_of3A_1083 = tpu.assume_multiple %mul3A_1082, 2560 : i32
    %dma_start3A_1084 = arith.constant 0 : i32
    %dma_start3A_1085 = tpu.memref_slice %arg2[%dma_start3A_1084, %multiple_of3A_1083] : memref<2x6400000xi32, #tpu.memory_space<hbm>> -> memref<2x2560xi32, #tpu.memory_space<hbm>>
    %dma_start3A_1086 = arith.constant 0 : i32
    %dma_start3A_1087 = tpu.memref_slice %arg2[%dma_start3A_1086, %multiple_of3A_1083] : memref<2x6400000xi32, #tpu.memory_space<hbm>> -> memref<2x2560xi32, #tpu.memory_space<hbm>>
    tpu.enqueue_dma source(%dma_start3A_1087 : memref<2x2560xi32, #tpu.memory_space<hbm>>) target(%arg8 : memref<2x2560xi32, #tpu.memory_space<vmem>>) target_semaphore(%arg14 : memref<!tpu.dma_semaphore, #tpu.memory_space<semaphore_mem>>)
    %dma_start3A_1088 = tpu.memref_slice %arg3[%multiple_of3A_1083] : memref<6400000xf32, #tpu.memory_space<hbm>> -> memref<2560xf32, #tpu.memory_space<hbm>>
    %dma_start3A_1089 = tpu.memref_slice %arg3[%multiple_of3A_1083] : memref<6400000xf32, #tpu.memory_space<hbm>> -> memref<2560xf32, #tpu.memory_space<hbm>>
    tpu.enqueue_dma source(%dma_start3A_1089 : memref<2560xf32, #tpu.memory_space<hbm>>) target(%arg10 : memref<2560xf32, #tpu.memory_space<vmem>>) target_semaphore(%arg14 : memref<!tpu.dma_semaphore, #tpu.memory_space<semaphore_mem>>)
    %scan3A_1090 = arith.constant 0 : i32
    %scan3A_1091 = arith.constant 0 : i32
    %scan3A_1092 = arith.constant 39 : i32
    %scan3A_1093 = arith.addi %scan3A_1091, %scan3A_1092 : i32
    %scan3A_1094 = arith.constant 1 : i32
    scf.for %scan3A_1101 = %scan3A_1091 to %scan3A_1093 step %scan3A_1094  : i32 {
      %mul3A_1102 = arith.constant 2 : i32
      %mul3A_1103 = arith.muli %mul3A_1102, %scan3A_1101 : i32
      %add3A_1104 = arith.constant 1 : i32
      %add3A_1105 = arith.addi %mul3A_1103, %add3A_1104 : i32
      %mul3A_1106 = arith.constant 32 : i32
      %mul3A_1107 = arith.muli %add3A_1105, %mul3A_1106 : i32
      %add3A_1108 = arith.addi %mul3A_1107, %add3A : i32
      %mul3A_1109 = arith.constant 2560 : i32
      %mul3A_1110 = arith.muli %add3A_1108, %mul3A_1109 : i32
      %multiple_of3A_1111 = tpu.assume_multiple %mul3A_1110, 2560 : i32
      %dma_start3A_1112 = arith.constant 0 : i32
      %dma_start3A_1113 = tpu.memref_slice %arg2[%dma_start3A_1112, %multiple_of3A_1111] : memref<2x6400000xi32, #tpu.memory_space<hbm>> -> memref<2x2560xi32, #tpu.memory_space<hbm>>
      %dma_start3A_1114 = arith.constant 0 : i32
      %dma_start3A_1115 = tpu.memref_slice %arg2[%dma_start3A_1114, %multiple_of3A_1111] : memref<2x6400000xi32, #tpu.memory_space<hbm>> -> memref<2x2560xi32, #tpu.memory_space<hbm>>
      tpu.enqueue_dma source(%dma_start3A_1115 : memref<2x2560xi32, #tpu.memory_space<hbm>>) target(%arg9 : memref<2x2560xi32, #tpu.memory_space<vmem>>) target_semaphore(%arg15 : memref<!tpu.dma_semaphore, #tpu.memory_space<semaphore_mem>>)
      %dma_start3A_1116 = tpu.memref_slice %arg3[%multiple_of3A_1111] : memref<6400000xf32, #tpu.memory_space<hbm>> -> memref<2560xf32, #tpu.memory_space<hbm>>
      %dma_start3A_1117 = tpu.memref_slice %arg3[%multiple_of3A_1111] : memref<6400000xf32, #tpu.memory_space<hbm>> -> memref<2560xf32, #tpu.memory_space<hbm>>
      tpu.enqueue_dma source(%dma_start3A_1117 : memref<2560xf32, #tpu.memory_space<hbm>>) target(%arg11 : memref<2560xf32, #tpu.memory_space<vmem>>) target_semaphore(%arg15 : memref<!tpu.dma_semaphore, #tpu.memory_space<semaphore_mem>>)
      %dma_wait3A_1118 = arith.constant 0 : i32
      %dma_wait3A_1119 = arith.constant 0 : i32
      %dma_wait3A_1120 = tpu.memref_slice %arg2[%dma_wait3A_1118, %dma_wait3A_1119] : memref<2x6400000xi32, #tpu.memory_space<hbm>> -> memref<2x2560xi32, #tpu.memory_space<hbm>>
      %dma_wait3A_1121 = arith.constant 0 : i32
      %dma_wait3A_1122 = arith.constant 0 : i32
      %dma_wait3A_1123 = tpu.memref_slice %arg2[%dma_wait3A_1121, %dma_wait3A_1122] : memref<2x6400000xi32, #tpu.memory_space<hbm>> -> memref<2x2560xi32, #tpu.memory_space<hbm>>
      tpu.wait_dma2 semaphore(%arg14 : memref<!tpu.dma_semaphore, #tpu.memory_space<semaphore_mem>>) src(%dma_wait3A_1123 : memref<2x2560xi32, #tpu.memory_space<hbm>>) dst(%arg8 : memref<2x2560xi32, #tpu.memory_space<vmem>>)
      %dma_wait3A_1124 = arith.constant 0 : i32
      %dma_wait3A_1125 = tpu.memref_slice %arg3[%dma_wait3A_1124] : memref<6400000xf32, #tpu.memory_space<hbm>> -> memref<2560xf32, #tpu.memory_space<hbm>>
      %dma_wait3A_1126 = arith.constant 0 : i32
      %dma_wait3A_1127 = tpu.memref_slice %arg3[%dma_wait3A_1126] : memref<6400000xf32, #tpu.memory_space<hbm>> -> memref<2560xf32, #tpu.memory_space<hbm>>
      tpu.wait_dma2 semaphore(%arg14 : memref<!tpu.dma_semaphore, #tpu.memory_space<semaphore_mem>>) src(%dma_wait3A_1127 : memref<2560xf32, #tpu.memory_space<hbm>>) dst(%arg10 : memref<2560xf32, #tpu.memory_space<vmem>>)
      %scan3A_1128 = arith.constant 0 : i32
      %scan3A_1129 = arith.constant 0 : i32
      %scan3A_1130 = arith.constant 20 : i32
      %scan3A_1131 = arith.addi %scan3A_1129, %scan3A_1130 : i32
      %scan3A_1132 = arith.constant 1 : i32
      scf.for %scan3A_1157 = %scan3A_1129 to %scan3A_1131 step %scan3A_1132  : i32 {
        %mul3A_1158 = arith.constant 8 : i32
        %mul3A_1159 = arith.muli %scan3A_1157, %mul3A_1158 : i32
        %add3A_1160 = arith.constant 0 : i32
        %add3A_1161 = arith.addi %mul3A_1159, %add3A_1160 : i32
        %mul3A_1162 = arith.constant 16 : i32
        %mul3A_1163 = arith.muli %add3A_1161, %mul3A_1162 : i32
        %get3A_1164 = arith.constant 1 : i32
        %get3A_1165 = arith.index_cast %get3A_1164 : i32 to index
        %get3A_1166 = arith.index_cast %mul3A_1163 : i32 to index
        %get3A_1167 = tpu.vector_load %arg8[%get3A_1165, %get3A_1166] {strides = array<i32>} : memref<2x2560xi32, #tpu.memory_space<vmem>>, vector<16xi32>,
        %get3A_1168 = arith.index_cast %mul3A_1163 : i32 to index
        %get3A_1169 = tpu.vector_load %arg10[%get3A_1168] {strides = array<i32>} : memref<2560xf32, #tpu.memory_space<vmem>>, vector<16xf32>,
        %sub3A = arith.constant 1.000000e+00 : f32
        %sub3A_1170 = vector.broadcast %sub3A : f32 to vector<16xf32>
        %sub3A_1171 = arith.subf %sub3A_1170, %get3A_1169 : vector<16xf32>
        %add3A_1172 = arith.constant 9.99999997E-7 : f32
        %add3A_1173 = vector.broadcast %add3A_1172 : f32 to vector<16xf32>
        %add3A_1174 = arith.addf %sub3A_1171, %add3A_1173 : vector<16xf32>
        %bitcast3A = vector.bitcast %add3A_1174 : vector<16xf32> to vector<16xi32>
        %sub3A_1175 = arith.constant 1060439283 : i32
        %sub3A_1176 = vector.broadcast %sub3A_1175 : i32 to vector<16xi32>
        %sub3A_1177 = arith.subi %bitcast3A, %sub3A_1176 : vector<16xi32>
        %shift_right_arithmetic3A = arith.constant 23 : i32
        %shift_right_arithmetic3A_1178 = vector.broadcast %shift_right_arithmetic3A : i32 to vector<16xi32>
        %shift_right_arithmetic3A_1179 = arith.shrsi %sub3A_1177, %shift_right_arithmetic3A_1178 : vector<16xi32>
        %shift_left3A = arith.constant 23 : i32
        %shift_left3A_1180 = vector.broadcast %shift_left3A : i32 to vector<16xi32>
        %shift_left3A_1181 = arith.shli %shift_right_arithmetic3A_1179, %shift_left3A_1180 : vector<16xi32>
        %sub3A_1182 = arith.subi %bitcast3A, %shift_left3A_1181 : vector<16xi32>
        %bitcast3A_1183 = vector.bitcast %sub3A_1182 : vector<16xi32> to vector<16xf32>
        %sub3A_1184 = arith.constant 1.000000e+00 : f32
        %sub3A_1185 = vector.broadcast %sub3A_1184 : f32 to vector<16xf32>
        %sub3A_1186 = arith.subf %bitcast3A_1183, %sub3A_1185 : vector<16xf32>
        %broadcast_in_dim3A_1187 = arith.constant -0.142301932 : f32
        %broadcast_in_dim3A_1188 = vector.broadcast %broadcast_in_dim3A_1187 : f32 to vector<16xf32>
        %mul3A_1189 = arith.mulf %broadcast_in_dim3A_1188, %sub3A_1186 : vector<16xf32>
        %add3A_1190 = arith.constant 0.223252654 : f32
        %add3A_1191 = vector.broadcast %add3A_1190 : f32 to vector<16xf32>
        %add3A_1192 = arith.addf %mul3A_1189, %add3A_1191 : vector<16xf32>
        %mul3A_1193 = arith.mulf %add3A_1192, %sub3A_1186 : vector<16xf32>
        %add3A_1194 = arith.constant -0.254872978 : f32
        %add3A_1195 = vector.broadcast %add3A_1194 : f32 to vector<16xf32>
        %add3A_1196 = arith.addf %mul3A_1193, %add3A_1195 : vector<16xf32>
        %mul3A_1197 = arith.mulf %add3A_1196, %sub3A_1186 : vector<16xf32>
        %add3A_1198 = arith.constant 0.33224234 : f32
        %add3A_1199 = vector.broadcast %add3A_1198 : f32 to vector<16xf32>
        %add3A_1200 = arith.addf %mul3A_1197, %add3A_1199 : vector<16xf32>
        %mul3A_1201 = arith.mulf %add3A_1200, %sub3A_1186 : vector<16xf32>
        %add3A_1202 = arith.constant -0.499844044 : f32
        %add3A_1203 = vector.broadcast %add3A_1202 : f32 to vector<16xf32>
        %add3A_1204 = arith.addf %mul3A_1201, %add3A_1203 : vector<16xf32>
        %mul3A_1205 = arith.mulf %add3A_1204, %sub3A_1186 : vector<16xf32>
        %add3A_1206 = arith.constant 1.00001442 : f32
        %add3A_1207 = vector.broadcast %add3A_1206 : f32 to vector<16xf32>
        %add3A_1208 = arith.addf %mul3A_1205, %add3A_1207 : vector<16xf32>
        %mul3A_1209 = arith.mulf %add3A_1208, %sub3A_1186 : vector<16xf32>
        %add3A_1210 = arith.constant -5.35274805E-15 : f32
        %add3A_1211 = vector.broadcast %add3A_1210 : f32 to vector<16xf32>
        %add3A_1212 = arith.addf %mul3A_1209, %add3A_1211 : vector<16xf32>
        %convert_element_type3A_1213 = arith.sitofp %shift_right_arithmetic3A_1179 : vector<16xi32> to vector<16xf32>
        %mul3A_1214 = arith.constant 0.693147182 : f32
        %mul3A_1215 = vector.broadcast %mul3A_1214 : f32 to vector<16xf32>
        %mul3A_1216 = arith.mulf %convert_element_type3A_1213, %mul3A_1215 : vector<16xf32>
        %add3A_1217 = arith.addf %mul3A_1216, %add3A_1212 : vector<16xf32>
        %mul3A_1218 = arith.constant 8 : i32
        %mul3A_1219 = arith.muli %scan3A_1157, %mul3A_1218 : i32
        %add3A_1220 = arith.constant 1 : i32
        %add3A_1221 = arith.addi %mul3A_1219, %add3A_1220 : i32
        %mul3A_1222 = arith.constant 16 : i32
        %mul3A_1223 = arith.muli %add3A_1221, %mul3A_1222 : i32
        %get3A_1224 = arith.constant 1 : i32
        %get3A_1225 = arith.index_cast %get3A_1224 : i32 to index
        %get3A_1226 = arith.index_cast %mul3A_1223 : i32 to index
        %get3A_1227 = tpu.vector_load %arg8[%get3A_1225, %get3A_1226] {strides = array<i32>} : memref<2x2560xi32, #tpu.memory_space<vmem>>, vector<16xi32>,
        %get3A_1228 = arith.index_cast %mul3A_1223 : i32 to index
        %get3A_1229 = tpu.vector_load %arg10[%get3A_1228] {strides = array<i32>} : memref<2560xf32, #tpu.memory_space<vmem>>, vector<16xf32>,
        %sub3A_1230 = arith.constant 1.000000e+00 : f32
        %sub3A_1231 = vector.broadcast %sub3A_1230 : f32 to vector<16xf32>
        %sub3A_1232 = arith.subf %sub3A_1231, %get3A_1229 : vector<16xf32>
        %add3A_1233 = arith.constant 9.99999997E-7 : f32
        %add3A_1234 = vector.broadcast %add3A_1233 : f32 to vector<16xf32>
        %add3A_1235 = arith.addf %sub3A_1232, %add3A_1234 : vector<16xf32>
        %bitcast3A_1236 = vector.bitcast %add3A_1235 : vector<16xf32> to vector<16xi32>
        %sub3A_1237 = arith.constant 1060439283 : i32
        %sub3A_1238 = vector.broadcast %sub3A_1237 : i32 to vector<16xi32>
        %sub3A_1239 = arith.subi %bitcast3A_1236, %sub3A_1238 : vector<16xi32>
        %shift_right_arithmetic3A_1240 = arith.constant 23 : i32
        %shift_right_arithmetic3A_1241 = vector.broadcast %shift_right_arithmetic3A_1240 : i32 to vector<16xi32>
        %shift_right_arithmetic3A_1242 = arith.shrsi %sub3A_1239, %shift_right_arithmetic3A_1241 : vector<16xi32>
        %shift_left3A_1243 = arith.constant 23 : i32
        %shift_left3A_1244 = vector.broadcast %shift_left3A_1243 : i32 to vector<16xi32>
        %shift_left3A_1245 = arith.shli %shift_right_arithmetic3A_1242, %shift_left3A_1244 : vector<16xi32>
        %sub3A_1246 = arith.subi %bitcast3A_1236, %shift_left3A_1245 : vector<16xi32>
        %bitcast3A_1247 = vector.bitcast %sub3A_1246 : vector<16xi32> to vector<16xf32>
        %sub3A_1248 = arith.constant 1.000000e+00 : f32
        %sub3A_1249 = vector.broadcast %sub3A_1248 : f32 to vector<16xf32>
        %sub3A_1250 = arith.subf %bitcast3A_1247, %sub3A_1249 : vector<16xf32>
        %broadcast_in_dim3A_1251 = arith.constant -0.142301932 : f32
        %broadcast_in_dim3A_1252 = vector.broadcast %broadcast_in_dim3A_1251 : f32 to vector<16xf32>
        %mul3A_1253 = arith.mulf %broadcast_in_dim3A_1252, %sub3A_1250 : vector<16xf32>
        %add3A_1254 = arith.constant 0.223252654 : f32
        %add3A_1255 = vector.broadcast %add3A_1254 : f32 to vector<16xf32>
        %add3A_1256 = arith.addf %mul3A_1253, %add3A_1255 : vector<16xf32>
        %mul3A_1257 = arith.mulf %add3A_1256, %sub3A_1250 : vector<16xf32>
        %add3A_1258 = arith.constant -0.254872978 : f32
        %add3A_1259 = vector.broadcast %add3A_1258 : f32 to vector<16xf32>
        %add3A_1260 = arith.addf %mul3A_1257, %add3A_1259 : vector<16xf32>
        %mul3A_1261 = arith.mulf %add3A_1260, %sub3A_1250 : vector<16xf32>
        %add3A_1262 = arith.constant 0.33224234 : f32
        %add3A_1263 = vector.broadcast %add3A_1262 : f32 to vector<16xf32>
        %add3A_1264 = arith.addf %mul3A_1261, %add3A_1263 : vector<16xf32>
        %mul3A_1265 = arith.mulf %add3A_1264, %sub3A_1250 : vector<16xf32>
        %add3A_1266 = arith.constant -0.499844044 : f32
        %add3A_1267 = vector.broadcast %add3A_1266 : f32 to vector<16xf32>
        %add3A_1268 = arith.addf %mul3A_1265, %add3A_1267 : vector<16xf32>
        %mul3A_1269 = arith.mulf %add3A_1268, %sub3A_1250 : vector<16xf32>
        %add3A_1270 = arith.constant 1.00001442 : f32
        %add3A_1271 = vector.broadcast %add3A_1270 : f32 to vector<16xf32>
        %add3A_1272 = arith.addf %mul3A_1269, %add3A_1271 : vector<16xf32>
        %mul3A_1273 = arith.mulf %add3A_1272, %sub3A_1250 : vector<16xf32>
        %add3A_1274 = arith.constant -5.35274805E-15 : f32
        %add3A_1275 = vector.broadcast %add3A_1274 : f32 to vector<16xf32>
        %add3A_1276 = arith.addf %mul3A_1273, %add3A_1275 : vector<16xf32>
        %convert_element_type3A_1277 = arith.sitofp %shift_right_arithmetic3A_1242 : vector<16xi32> to vector<16xf32>
        %mul3A_1278 = arith.constant 0.693147182 : f32
        %mul3A_1279 = vector.broadcast %mul3A_1278 : f32 to vector<16xf32>
        %mul3A_1280 = arith.mulf %convert_element_type3A_1277, %mul3A_1279 : vector<16xf32>
        %add3A_1281 = arith.addf %mul3A_1280, %add3A_1276 : vector<16xf32>
        %mul3A_1282 = arith.constant 8 : i32
        %mul3A_1283 = arith.muli %scan3A_1157, %mul3A_1282 : i32
        %add3A_1284 = arith.constant 2 : i32
        %add3A_1285 = arith.addi %mul3A_1283, %add3A_1284 : i32
        %mul3A_1286 = arith.constant 16 : i32
        %mul3A_1287 = arith.muli %add3A_1285, %mul3A_1286 : i32
        %get3A_1288 = arith.constant 1 : i32
        %get3A_1289 = arith.index_cast %get3A_1288 : i32 to index
        %get3A_1290 = arith.index_cast %mul3A_1287 : i32 to index
        %get3A_1291 = tpu.vector_load %arg8[%get3A_1289, %get3A_1290] {strides = array<i32>} : memref<2x2560xi32, #tpu.memory_space<vmem>>, vector<16xi32>,
        %get3A_1292 = arith.index_cast %mul3A_1287 : i32 to index
        %get3A_1293 = tpu.vector_load %arg10[%get3A_1292] {strides = array<i32>} : memref<2560xf32, #tpu.memory_space<vmem>>, vector<16xf32>,
        %sub3A_1294 = arith.constant 1.000000e+00 : f32
        %sub3A_1295 = vector.broadcast %sub3A_1294 : f32 to vector<16xf32>
        %sub3A_1296 = arith.subf %sub3A_1295, %get3A_1293 : vector<16xf32>
        %add3A_1297 = arith.constant 9.99999997E-7 : f32
        %add3A_1298 = vector.broadcast %add3A_1297 : f32 to vector<16xf32>
        %add3A_1299 = arith.addf %sub3A_1296, %add3A_1298 : vector<16xf32>
        %bitcast3A_1300 = vector.bitcast %add3A_1299 : vector<16xf32> to vector<16xi32>
        %sub3A_1301 = arith.constant 1060439283 : i32
        %sub3A_1302 = vector.broadcast %sub3A_1301 : i32 to vector<16xi32>
        %sub3A_1303 = arith.subi %bitcast3A_1300, %sub3A_1302 : vector<16xi32>
        %shift_right_arithmetic3A_1304 = arith.constant 23 : i32
        %shift_right_arithmetic3A_1305 = vector.broadcast %shift_right_arithmetic3A_1304 : i32 to vector<16xi32>
        %shift_right_arithmetic3A_1306 = arith.shrsi %sub3A_1303, %shift_right_arithmetic3A_1305 : vector<16xi32>
        %shift_left3A_1307 = arith.constant 23 : i32
        %shift_left3A_1308 = vector.broadcast %shift_left3A_1307 : i32 to vector<16xi32>
        %shift_left3A_1309 = arith.shli %shift_right_arithmetic3A_1306, %shift_left3A_1308 : vector<16xi32>
        %sub3A_1310 = arith.subi %bitcast3A_1300, %shift_left3A_1309 : vector<16xi32>
        %bitcast3A_1311 = vector.bitcast %sub3A_1310 : vector<16xi32> to vector<16xf32>
        %sub3A_1312 = arith.constant 1.000000e+00 : f32
        %sub3A_1313 = vector.broadcast %sub3A_1312 : f32 to vector<16xf32>
        %sub3A_1314 = arith.subf %bitcast3A_1311, %sub3A_1313 : vector<16xf32>
        %broadcast_in_dim3A_1315 = arith.constant -0.142301932 : f32
        %broadcast_in_dim3A_1316 = vector.broadcast %broadcast_in_dim3A_1315 : f32 to vector<16xf32>
        %mul3A_1317 = arith.mulf %broadcast_in_dim3A_1316, %sub3A_1314 : vector<16xf32>
        %add3A_1318 = arith.constant 0.223252654 : f32
        %add3A_1319 = vector.broadcast %add3A_1318 : f32 to vector<16xf32>
        %add3A_1320 = arith.addf %mul3A_1317, %add3A_1319 : vector<16xf32>
        %mul3A_1321 = arith.mulf %add3A_1320, %sub3A_1314 : vector<16xf32>
        %add3A_1322 = arith.constant -0.254872978 : f32
        %add3A_1323 = vector.broadcast %add3A_1322 : f32 to vector<16xf32>
        %add3A_1324 = arith.addf %mul3A_1321, %add3A_1323 : vector<16xf32>
        %mul3A_1325 = arith.mulf %add3A_1324, %sub3A_1314 : vector<16xf32>
        %add3A_1326 = arith.constant 0.33224234 : f32
        %add3A_1327 = vector.broadcast %add3A_1326 : f32 to vector<16xf32>
        %add3A_1328 = arith.addf %mul3A_1325, %add3A_1327 : vector<16xf32>
        %mul3A_1329 = arith.mulf %add3A_1328, %sub3A_1314 : vector<16xf32>
        %add3A_1330 = arith.constant -0.499844044 : f32
        %add3A_1331 = vector.broadcast %add3A_1330 : f32 to vector<16xf32>
        %add3A_1332 = arith.addf %mul3A_1329, %add3A_1331 : vector<16xf32>
        %mul3A_1333 = arith.mulf %add3A_1332, %sub3A_1314 : vector<16xf32>
        %add3A_1334 = arith.constant 1.00001442 : f32
        %add3A_1335 = vector.broadcast %add3A_1334 : f32 to vector<16xf32>
        %add3A_1336 = arith.addf %mul3A_1333, %add3A_1335 : vector<16xf32>
        %mul3A_1337 = arith.mulf %add3A_1336, %sub3A_1314 : vector<16xf32>
        %add3A_1338 = arith.constant -5.35274805E-15 : f32
        %add3A_1339 = vector.broadcast %add3A_1338 : f32 to vector<16xf32>
        %add3A_1340 = arith.addf %mul3A_1337, %add3A_1339 : vector<16xf32>
        %convert_element_type3A_1341 = arith.sitofp %shift_right_arithmetic3A_1306 : vector<16xi32> to vector<16xf32>
        %mul3A_1342 = arith.constant 0.693147182 : f32
        %mul3A_1343 = vector.broadcast %mul3A_1342 : f32 to vector<16xf32>
        %mul3A_1344 = arith.mulf %convert_element_type3A_1341, %mul3A_1343 : vector<16xf32>
        %add3A_1345 = arith.addf %mul3A_1344, %add3A_1340 : vector<16xf32>
        %mul3A_1346 = arith.constant 8 : i32
        %mul3A_1347 = arith.muli %scan3A_1157, %mul3A_1346 : i32
        %add3A_1348 = arith.constant 3 : i32
        %add3A_1349 = arith.addi %mul3A_1347, %add3A_1348 : i32
        %mul3A_1350 = arith.constant 16 : i32
        %mul3A_1351 = arith.muli %add3A_1349, %mul3A_1350 : i32
        %get3A_1352 = arith.constant 1 : i32
        %get3A_1353 = arith.index_cast %get3A_1352 : i32 to index
        %get3A_1354 = arith.index_cast %mul3A_1351 : i32 to index
        %get3A_1355 = tpu.vector_load %arg8[%get3A_1353, %get3A_1354] {strides = array<i32>} : memref<2x2560xi32, #tpu.memory_space<vmem>>, vector<16xi32>,
        %get3A_1356 = arith.index_cast %mul3A_1351 : i32 to index
        %get3A_1357 = tpu.vector_load %arg10[%get3A_1356] {strides = array<i32>} : memref<2560xf32, #tpu.memory_space<vmem>>, vector<16xf32>,
        %sub3A_1358 = arith.constant 1.000000e+00 : f32
        %sub3A_1359 = vector.broadcast %sub3A_1358 : f32 to vector<16xf32>
        %sub3A_1360 = arith.subf %sub3A_1359, %get3A_1357 : vector<16xf32>
        %add3A_1361 = arith.constant 9.99999997E-7 : f32
        %add3A_1362 = vector.broadcast %add3A_1361 : f32 to vector<16xf32>
        %add3A_1363 = arith.addf %sub3A_1360, %add3A_1362 : vector<16xf32>
        %bitcast3A_1364 = vector.bitcast %add3A_1363 : vector<16xf32> to vector<16xi32>
        %sub3A_1365 = arith.constant 1060439283 : i32
        %sub3A_1366 = vector.broadcast %sub3A_1365 : i32 to vector<16xi32>
        %sub3A_1367 = arith.subi %bitcast3A_1364, %sub3A_1366 : vector<16xi32>
        %shift_right_arithmetic3A_1368 = arith.constant 23 : i32
        %shift_right_arithmetic3A_1369 = vector.broadcast %shift_right_arithmetic3A_1368 : i32 to vector<16xi32>
        %shift_right_arithmetic3A_1370 = arith.shrsi %sub3A_1367, %shift_right_arithmetic3A_1369 : vector<16xi32>
        %shift_left3A_1371 = arith.constant 23 : i32
        %shift_left3A_1372 = vector.broadcast %shift_left3A_1371 : i32 to vector<16xi32>
        %shift_left3A_1373 = arith.shli %shift_right_arithmetic3A_1370, %shift_left3A_1372 : vector<16xi32>
        %sub3A_1374 = arith.subi %bitcast3A_1364, %shift_left3A_1373 : vector<16xi32>
        %bitcast3A_1375 = vector.bitcast %sub3A_1374 : vector<16xi32> to vector<16xf32>
        %sub3A_1376 = arith.constant 1.000000e+00 : f32
        %sub3A_1377 = vector.broadcast %sub3A_1376 : f32 to vector<16xf32>
        %sub3A_1378 = arith.subf %bitcast3A_1375, %sub3A_1377 : vector<16xf32>
        %broadcast_in_dim3A_1379 = arith.constant -0.142301932 : f32
        %broadcast_in_dim3A_1380 = vector.broadcast %broadcast_in_dim3A_1379 : f32 to vector<16xf32>
        %mul3A_1381 = arith.mulf %broadcast_in_dim3A_1380, %sub3A_1378 : vector<16xf32>
        %add3A_1382 = arith.constant 0.223252654 : f32
        %add3A_1383 = vector.broadcast %add3A_1382 : f32 to vector<16xf32>
        %add3A_1384 = arith.addf %mul3A_1381, %add3A_1383 : vector<16xf32>
        %mul3A_1385 = arith.mulf %add3A_1384, %sub3A_1378 : vector<16xf32>
        %add3A_1386 = arith.constant -0.254872978 : f32
        %add3A_1387 = vector.broadcast %add3A_1386 : f32 to vector<16xf32>
        %add3A_1388 = arith.addf %mul3A_1385, %add3A_1387 : vector<16xf32>
        %mul3A_1389 = arith.mulf %add3A_1388, %sub3A_1378 : vector<16xf32>
        %add3A_1390 = arith.constant 0.33224234 : f32
        %add3A_1391 = vector.broadcast %add3A_1390 : f32 to vector<16xf32>
        %add3A_1392 = arith.addf %mul3A_1389, %add3A_1391 : vector<16xf32>
        %mul3A_1393 = arith.mulf %add3A_1392, %sub3A_1378 : vector<16xf32>
        %add3A_1394 = arith.constant -0.499844044 : f32
        %add3A_1395 = vector.broadcast %add3A_1394 : f32 to vector<16xf32>
        %add3A_1396 = arith.addf %mul3A_1393, %add3A_1395 : vector<16xf32>
        %mul3A_1397 = arith.mulf %add3A_1396, %sub3A_1378 : vector<16xf32>
        %add3A_1398 = arith.constant 1.00001442 : f32
        %add3A_1399 = vector.broadcast %add3A_1398 : f32 to vector<16xf32>
        %add3A_1400 = arith.addf %mul3A_1397, %add3A_1399 : vector<16xf32>
        %mul3A_1401 = arith.mulf %add3A_1400, %sub3A_1378 : vector<16xf32>
        %add3A_1402 = arith.constant -5.35274805E-15 : f32
        %add3A_1403 = vector.broadcast %add3A_1402 : f32 to vector<16xf32>
        %add3A_1404 = arith.addf %mul3A_1401, %add3A_1403 : vector<16xf32>
        %convert_element_type3A_1405 = arith.sitofp %shift_right_arithmetic3A_1370 : vector<16xi32> to vector<16xf32>
        %mul3A_1406 = arith.constant 0.693147182 : f32
        %mul3A_1407 = vector.broadcast %mul3A_1406 : f32 to vector<16xf32>
        %mul3A_1408 = arith.mulf %convert_element_type3A_1405, %mul3A_1407 : vector<16xf32>
        %add3A_1409 = arith.addf %mul3A_1408, %add3A_1404 : vector<16xf32>
        %mul3A_1410 = arith.constant 8 : i32
        %mul3A_1411 = arith.muli %scan3A_1157, %mul3A_1410 : i32
        %add3A_1412 = arith.constant 4 : i32
        %add3A_1413 = arith.addi %mul3A_1411, %add3A_1412 : i32
        %mul3A_1414 = arith.constant 16 : i32
        %mul3A_1415 = arith.muli %add3A_1413, %mul3A_1414 : i32
        %get3A_1416 = arith.constant 1 : i32
        %get3A_1417 = arith.index_cast %get3A_1416 : i32 to index
        %get3A_1418 = arith.index_cast %mul3A_1415 : i32 to index
        %get3A_1419 = tpu.vector_load %arg8[%get3A_1417, %get3A_1418] {strides = array<i32>} : memref<2x2560xi32, #tpu.memory_space<vmem>>, vector<16xi32>,
        %get3A_1420 = arith.index_cast %mul3A_1415 : i32 to index
        %get3A_1421 = tpu.vector_load %arg10[%get3A_1420] {strides = array<i32>} : memref<2560xf32, #tpu.memory_space<vmem>>, vector<16xf32>,
        %sub3A_1422 = arith.constant 1.000000e+00 : f32
        %sub3A_1423 = vector.broadcast %sub3A_1422 : f32 to vector<16xf32>
        %sub3A_1424 = arith.subf %sub3A_1423, %get3A_1421 : vector<16xf32>
        %add3A_1425 = arith.constant 9.99999997E-7 : f32
        %add3A_1426 = vector.broadcast %add3A_1425 : f32 to vector<16xf32>
        %add3A_1427 = arith.addf %sub3A_1424, %add3A_1426 : vector<16xf32>
        %bitcast3A_1428 = vector.bitcast %add3A_1427 : vector<16xf32> to vector<16xi32>
        %sub3A_1429 = arith.constant 1060439283 : i32
        %sub3A_1430 = vector.broadcast %sub3A_1429 : i32 to vector<16xi32>
        %sub3A_1431 = arith.subi %bitcast3A_1428, %sub3A_1430 : vector<16xi32>
        %shift_right_arithmetic3A_1432 = arith.constant 23 : i32
        %shift_right_arithmetic3A_1433 = vector.broadcast %shift_right_arithmetic3A_1432 : i32 to vector<16xi32>
        %shift_right_arithmetic3A_1434 = arith.shrsi %sub3A_1431, %shift_right_arithmetic3A_1433 : vector<16xi32>
        %shift_left3A_1435 = arith.constant 23 : i32
        %shift_left3A_1436 = vector.broadcast %shift_left3A_1435 : i32 to vector<16xi32>
        %shift_left3A_1437 = arith.shli %shift_right_arithmetic3A_1434, %shift_left3A_1436 : vector<16xi32>
        %sub3A_1438 = arith.subi %bitcast3A_1428, %shift_left3A_1437 : vector<16xi32>
        %bitcast3A_1439 = vector.bitcast %sub3A_1438 : vector<16xi32> to vector<16xf32>
        %sub3A_1440 = arith.constant 1.000000e+00 : f32
        %sub3A_1441 = vector.broadcast %sub3A_1440 : f32 to vector<16xf32>
        %sub3A_1442 = arith.subf %bitcast3A_1439, %sub3A_1441 : vector<16xf32>
        %broadcast_in_dim3A_1443 = arith.constant -0.142301932 : f32
        %broadcast_in_dim3A_1444 = vector.broadcast %broadcast_in_dim3A_1443 : f32 to vector<16xf32>
        %mul3A_1445 = arith.mulf %broadcast_in_dim3A_1444, %sub3A_1442 : vector<16xf32>
        %add3A_1446 = arith.constant 0.223252654 : f32
        %add3A_1447 = vector.broadcast %add3A_1446 : f32 to vector<16xf32>
        %add3A_1448 = arith.addf %mul3A_1445, %add3A_1447 : vector<16xf32>
        %mul3A_1449 = arith.mulf %add3A_1448, %sub3A_1442 : vector<16xf32>
        %add3A_1450 = arith.constant -0.254872978 : f32
        %add3A_1451 = vector.broadcast %add3A_1450 : f32 to vector<16xf32>
        %add3A_1452 = arith.addf %mul3A_1449, %add3A_1451 : vector<16xf32>
        %mul3A_1453 = arith.mulf %add3A_1452, %sub3A_1442 : vector<16xf32>
        %add3A_1454 = arith.constant 0.33224234 : f32
        %add3A_1455 = vector.broadcast %add3A_1454 : f32 to vector<16xf32>
        %add3A_1456 = arith.addf %mul3A_1453, %add3A_1455 : vector<16xf32>
        %mul3A_1457 = arith.mulf %add3A_1456, %sub3A_1442 : vector<16xf32>
        %add3A_1458 = arith.constant -0.499844044 : f32
        %add3A_1459 = vector.broadcast %add3A_1458 : f32 to vector<16xf32>
        %add3A_1460 = arith.addf %mul3A_1457, %add3A_1459 : vector<16xf32>
        %mul3A_1461 = arith.mulf %add3A_1460, %sub3A_1442 : vector<16xf32>
        %add3A_1462 = arith.constant 1.00001442 : f32
        %add3A_1463 = vector.broadcast %add3A_1462 : f32 to vector<16xf32>
        %add3A_1464 = arith.addf %mul3A_1461, %add3A_1463 : vector<16xf32>
        %mul3A_1465 = arith.mulf %add3A_1464, %sub3A_1442 : vector<16xf32>
        %add3A_1466 = arith.constant -5.35274805E-15 : f32
        %add3A_1467 = vector.broadcast %add3A_1466 : f32 to vector<16xf32>
        %add3A_1468 = arith.addf %mul3A_1465, %add3A_1467 : vector<16xf32>
        %convert_element_type3A_1469 = arith.sitofp %shift_right_arithmetic3A_1434 : vector<16xi32> to vector<16xf32>
        %mul3A_1470 = arith.constant 0.693147182 : f32
        %mul3A_1471 = vector.broadcast %mul3A_1470 : f32 to vector<16xf32>
        %mul3A_1472 = arith.mulf %convert_element_type3A_1469, %mul3A_1471 : vector<16xf32>
        %add3A_1473 = arith.addf %mul3A_1472, %add3A_1468 : vector<16xf32>
        %mul3A_1474 = arith.constant 8 : i32
        %mul3A_1475 = arith.muli %scan3A_1157, %mul3A_1474 : i32
        %add3A_1476 = arith.constant 5 : i32
        %add3A_1477 = arith.addi %mul3A_1475, %add3A_1476 : i32
        %mul3A_1478 = arith.constant 16 : i32
        %mul3A_1479 = arith.muli %add3A_1477, %mul3A_1478 : i32
        %get3A_1480 = arith.constant 1 : i32
        %get3A_1481 = arith.index_cast %get3A_1480 : i32 to index
        %get3A_1482 = arith.index_cast %mul3A_1479 : i32 to index
        %get3A_1483 = tpu.vector_load %arg8[%get3A_1481, %get3A_1482] {strides = array<i32>} : memref<2x2560xi32, #tpu.memory_space<vmem>>, vector<16xi32>,
        %get3A_1484 = arith.index_cast %mul3A_1479 : i32 to index
        %get3A_1485 = tpu.vector_load %arg10[%get3A_1484] {strides = array<i32>} : memref<2560xf32, #tpu.memory_space<vmem>>, vector<16xf32>,
        %sub3A_1486 = arith.constant 1.000000e+00 : f32
        %sub3A_1487 = vector.broadcast %sub3A_1486 : f32 to vector<16xf32>
        %sub3A_1488 = arith.subf %sub3A_1487, %get3A_1485 : vector<16xf32>
        %add3A_1489 = arith.constant 9.99999997E-7 : f32
        %add3A_1490 = vector.broadcast %add3A_1489 : f32 to vector<16xf32>
        %add3A_1491 = arith.addf %sub3A_1488, %add3A_1490 : vector<16xf32>
        %bitcast3A_1492 = vector.bitcast %add3A_1491 : vector<16xf32> to vector<16xi32>
        %sub3A_1493 = arith.constant 1060439283 : i32
        %sub3A_1494 = vector.broadcast %sub3A_1493 : i32 to vector<16xi32>
        %sub3A_1495 = arith.subi %bitcast3A_1492, %sub3A_1494 : vector<16xi32>
        %shift_right_arithmetic3A_1496 = arith.constant 23 : i32
        %shift_right_arithmetic3A_1497 = vector.broadcast %shift_right_arithmetic3A_1496 : i32 to vector<16xi32>
        %shift_right_arithmetic3A_1498 = arith.shrsi %sub3A_1495, %shift_right_arithmetic3A_1497 : vector<16xi32>
        %shift_left3A_1499 = arith.constant 23 : i32
        %shift_left3A_1500 = vector.broadcast %shift_left3A_1499 : i32 to vector<16xi32>
        %shift_left3A_1501 = arith.shli %shift_right_arithmetic3A_1498, %shift_left3A_1500 : vector<16xi32>
        %sub3A_1502 = arith.subi %bitcast3A_1492, %shift_left3A_1501 : vector<16xi32>
        %bitcast3A_1503 = vector.bitcast %sub3A_1502 : vector<16xi32> to vector<16xf32>
        %sub3A_1504 = arith.constant 1.000000e+00 : f32
        %sub3A_1505 = vector.broadcast %sub3A_1504 : f32 to vector<16xf32>
        %sub3A_1506 = arith.subf %bitcast3A_1503, %sub3A_1505 : vector<16xf32>
        %broadcast_in_dim3A_1507 = arith.constant -0.142301932 : f32
        %broadcast_in_dim3A_1508 = vector.broadcast %broadcast_in_dim3A_1507 : f32 to vector<16xf32>
        %mul3A_1509 = arith.mulf %broadcast_in_dim3A_1508, %sub3A_1506 : vector<16xf32>
        %add3A_1510 = arith.constant 0.223252654 : f32
        %add3A_1511 = vector.broadcast %add3A_1510 : f32 to vector<16xf32>
        %add3A_1512 = arith.addf %mul3A_1509, %add3A_1511 : vector<16xf32>
        %mul3A_1513 = arith.mulf %add3A_1512, %sub3A_1506 : vector<16xf32>
        %add3A_1514 = arith.constant -0.254872978 : f32
        %add3A_1515 = vector.broadcast %add3A_1514 : f32 to vector<16xf32>
        %add3A_1516 = arith.addf %mul3A_1513, %add3A_1515 : vector<16xf32>
        %mul3A_1517 = arith.mulf %add3A_1516, %sub3A_1506 : vector<16xf32>
        %add3A_1518 = arith.constant 0.33224234 : f32
        %add3A_1519 = vector.broadcast %add3A_1518 : f32 to vector<16xf32>
        %add3A_1520 = arith.addf %mul3A_1517, %add3A_1519 : vector<16xf32>
        %mul3A_1521 = arith.mulf %add3A_1520, %sub3A_1506 : vector<16xf32>
        %add3A_1522 = arith.constant -0.499844044 : f32
        %add3A_1523 = vector.broadcast %add3A_1522 : f32 to vector<16xf32>
        %add3A_1524 = arith.addf %mul3A_1521, %add3A_1523 : vector<16xf32>
        %mul3A_1525 = arith.mulf %add3A_1524, %sub3A_1506 : vector<16xf32>
        %add3A_1526 = arith.constant 1.00001442 : f32
        %add3A_1527 = vector.broadcast %add3A_1526 : f32 to vector<16xf32>
        %add3A_1528 = arith.addf %mul3A_1525, %add3A_1527 : vector<16xf32>
        %mul3A_1529 = arith.mulf %add3A_1528, %sub3A_1506 : vector<16xf32>
        %add3A_1530 = arith.constant -5.35274805E-15 : f32
        %add3A_1531 = vector.broadcast %add3A_1530 : f32 to vector<16xf32>
        %add3A_1532 = arith.addf %mul3A_1529, %add3A_1531 : vector<16xf32>
        %convert_element_type3A_1533 = arith.sitofp %shift_right_arithmetic3A_1498 : vector<16xi32> to vector<16xf32>
        %mul3A_1534 = arith.constant 0.693147182 : f32
        %mul3A_1535 = vector.broadcast %mul3A_1534 : f32 to vector<16xf32>
        %mul3A_1536 = arith.mulf %convert_element_type3A_1533, %mul3A_1535 : vector<16xf32>
        %add3A_1537 = arith.addf %mul3A_1536, %add3A_1532 : vector<16xf32>
        %mul3A_1538 = arith.constant 8 : i32
        %mul3A_1539 = arith.muli %scan3A_1157, %mul3A_1538 : i32
        %add3A_1540 = arith.constant 6 : i32
        %add3A_1541 = arith.addi %mul3A_1539, %add3A_1540 : i32
        %mul3A_1542 = arith.constant 16 : i32
        %mul3A_1543 = arith.muli %add3A_1541, %mul3A_1542 : i32
        %get3A_1544 = arith.constant 1 : i32
        %get3A_1545 = arith.index_cast %get3A_1544 : i32 to index
        %get3A_1546 = arith.index_cast %mul3A_1543 : i32 to index
        %get3A_1547 = tpu.vector_load %arg8[%get3A_1545, %get3A_1546] {strides = array<i32>} : memref<2x2560xi32, #tpu.memory_space<vmem>>, vector<16xi32>,
        %get3A_1548 = arith.index_cast %mul3A_1543 : i32 to index
        %get3A_1549 = tpu.vector_load %arg10[%get3A_1548] {strides = array<i32>} : memref<2560xf32, #tpu.memory_space<vmem>>, vector<16xf32>,
        %sub3A_1550 = arith.constant 1.000000e+00 : f32
        %sub3A_1551 = vector.broadcast %sub3A_1550 : f32 to vector<16xf32>
        %sub3A_1552 = arith.subf %sub3A_1551, %get3A_1549 : vector<16xf32>
        %add3A_1553 = arith.constant 9.99999997E-7 : f32
        %add3A_1554 = vector.broadcast %add3A_1553 : f32 to vector<16xf32>
        %add3A_1555 = arith.addf %sub3A_1552, %add3A_1554 : vector<16xf32>
        %bitcast3A_1556 = vector.bitcast %add3A_1555 : vector<16xf32> to vector<16xi32>
        %sub3A_1557 = arith.constant 1060439283 : i32
        %sub3A_1558 = vector.broadcast %sub3A_1557 : i32 to vector<16xi32>
        %sub3A_1559 = arith.subi %bitcast3A_1556, %sub3A_1558 : vector<16xi32>
        %shift_right_arithmetic3A_1560 = arith.constant 23 : i32
        %shift_right_arithmetic3A_1561 = vector.broadcast %shift_right_arithmetic3A_1560 : i32 to vector<16xi32>
        %shift_right_arithmetic3A_1562 = arith.shrsi %sub3A_1559, %shift_right_arithmetic3A_1561 : vector<16xi32>
        %shift_left3A_1563 = arith.constant 23 : i32
        %shift_left3A_1564 = vector.broadcast %shift_left3A_1563 : i32 to vector<16xi32>
        %shift_left3A_1565 = arith.shli %shift_right_arithmetic3A_1562, %shift_left3A_1564 : vector<16xi32>
        %sub3A_1566 = arith.subi %bitcast3A_1556, %shift_left3A_1565 : vector<16xi32>
        %bitcast3A_1567 = vector.bitcast %sub3A_1566 : vector<16xi32> to vector<16xf32>
        %sub3A_1568 = arith.constant 1.000000e+00 : f32
        %sub3A_1569 = vector.broadcast %sub3A_1568 : f32 to vector<16xf32>
        %sub3A_1570 = arith.subf %bitcast3A_1567, %sub3A_1569 : vector<16xf32>
        %broadcast_in_dim3A_1571 = arith.constant -0.142301932 : f32
        %broadcast_in_dim3A_1572 = vector.broadcast %broadcast_in_dim3A_1571 : f32 to vector<16xf32>
        %mul3A_1573 = arith.mulf %broadcast_in_dim3A_1572, %sub3A_1570 : vector<16xf32>
        %add3A_1574 = arith.constant 0.223252654 : f32
        %add3A_1575 = vector.broadcast %add3A_1574 : f32 to vector<16xf32>
        %add3A_1576 = arith.addf %mul3A_1573, %add3A_1575 : vector<16xf32>
        %mul3A_1577 = arith.mulf %add3A_1576, %sub3A_1570 : vector<16xf32>
        %add3A_1578 = arith.constant -0.254872978 : f32
        %add3A_1579 = vector.broadcast %add3A_1578 : f32 to vector<16xf32>
        %add3A_1580 = arith.addf %mul3A_1577, %add3A_1579 : vector<16xf32>
        %mul3A_1581 = arith.mulf %add3A_1580, %sub3A_1570 : vector<16xf32>
        %add3A_1582 = arith.constant 0.33224234 : f32
        %add3A_1583 = vector.broadcast %add3A_1582 : f32 to vector<16xf32>
        %add3A_1584 = arith.addf %mul3A_1581, %add3A_1583 : vector<16xf32>
        %mul3A_1585 = arith.mulf %add3A_1584, %sub3A_1570 : vector<16xf32>
        %add3A_1586 = arith.constant -0.499844044 : f32
        %add3A_1587 = vector.broadcast %add3A_1586 : f32 to vector<16xf32>
        %add3A_1588 = arith.addf %mul3A_1585, %add3A_1587 : vector<16xf32>
        %mul3A_1589 = arith.mulf %add3A_1588, %sub3A_1570 : vector<16xf32>
        %add3A_1590 = arith.constant 1.00001442 : f32
        %add3A_1591 = vector.broadcast %add3A_1590 : f32 to vector<16xf32>
        %add3A_1592 = arith.addf %mul3A_1589, %add3A_1591 : vector<16xf32>
        %mul3A_1593 = arith.mulf %add3A_1592, %sub3A_1570 : vector<16xf32>
        %add3A_1594 = arith.constant -5.35274805E-15 : f32
        %add3A_1595 = vector.broadcast %add3A_1594 : f32 to vector<16xf32>
        %add3A_1596 = arith.addf %mul3A_1593, %add3A_1595 : vector<16xf32>
        %convert_element_type3A_1597 = arith.sitofp %shift_right_arithmetic3A_1562 : vector<16xi32> to vector<16xf32>
        %mul3A_1598 = arith.constant 0.693147182 : f32
        %mul3A_1599 = vector.broadcast %mul3A_1598 : f32 to vector<16xf32>
        %mul3A_1600 = arith.mulf %convert_element_type3A_1597, %mul3A_1599 : vector<16xf32>
        %add3A_1601 = arith.addf %mul3A_1600, %add3A_1596 : vector<16xf32>
        %mul3A_1602 = arith.constant 8 : i32
        %mul3A_1603 = arith.muli %scan3A_1157, %mul3A_1602 : i32
        %add3A_1604 = arith.constant 7 : i32
        %add3A_1605 = arith.addi %mul3A_1603, %add3A_1604 : i32
        %mul3A_1606 = arith.constant 16 : i32
        %mul3A_1607 = arith.muli %add3A_1605, %mul3A_1606 : i32
        %get3A_1608 = arith.constant 1 : i32
        %get3A_1609 = arith.index_cast %get3A_1608 : i32 to index
        %get3A_1610 = arith.index_cast %mul3A_1607 : i32 to index
        %get3A_1611 = tpu.vector_load %arg8[%get3A_1609, %get3A_1610] {strides = array<i32>} : memref<2x2560xi32, #tpu.memory_space<vmem>>, vector<16xi32>,
        %get3A_1612 = arith.index_cast %mul3A_1607 : i32 to index
        %get3A_1613 = tpu.vector_load %arg10[%get3A_1612] {strides = array<i32>} : memref<2560xf32, #tpu.memory_space<vmem>>, vector<16xf32>,
        %sub3A_1614 = arith.constant 1.000000e+00 : f32
        %sub3A_1615 = vector.broadcast %sub3A_1614 : f32 to vector<16xf32>
        %sub3A_1616 = arith.subf %sub3A_1615, %get3A_1613 : vector<16xf32>
        %add3A_1617 = arith.constant 9.99999997E-7 : f32
        %add3A_1618 = vector.broadcast %add3A_1617 : f32 to vector<16xf32>
        %add3A_1619 = arith.addf %sub3A_1616, %add3A_1618 : vector<16xf32>
        %bitcast3A_1620 = vector.bitcast %add3A_1619 : vector<16xf32> to vector<16xi32>
        %sub3A_1621 = arith.constant 1060439283 : i32
        %sub3A_1622 = vector.broadcast %sub3A_1621 : i32 to vector<16xi32>
        %sub3A_1623 = arith.subi %bitcast3A_1620, %sub3A_1622 : vector<16xi32>
        %shift_right_arithmetic3A_1624 = arith.constant 23 : i32
        %shift_right_arithmetic3A_1625 = vector.broadcast %shift_right_arithmetic3A_1624 : i32 to vector<16xi32>
        %shift_right_arithmetic3A_1626 = arith.shrsi %sub3A_1623, %shift_right_arithmetic3A_1625 : vector<16xi32>
        %shift_left3A_1627 = arith.constant 23 : i32
        %shift_left3A_1628 = vector.broadcast %shift_left3A_1627 : i32 to vector<16xi32>
        %shift_left3A_1629 = arith.shli %shift_right_arithmetic3A_1626, %shift_left3A_1628 : vector<16xi32>
        %sub3A_1630 = arith.subi %bitcast3A_1620, %shift_left3A_1629 : vector<16xi32>
        %bitcast3A_1631 = vector.bitcast %sub3A_1630 : vector<16xi32> to vector<16xf32>
        %sub3A_1632 = arith.constant 1.000000e+00 : f32
        %sub3A_1633 = vector.broadcast %sub3A_1632 : f32 to vector<16xf32>
        %sub3A_1634 = arith.subf %bitcast3A_1631, %sub3A_1633 : vector<16xf32>
        %broadcast_in_dim3A_1635 = arith.constant -0.142301932 : f32
        %broadcast_in_dim3A_1636 = vector.broadcast %broadcast_in_dim3A_1635 : f32 to vector<16xf32>
        %mul3A_1637 = arith.mulf %broadcast_in_dim3A_1636, %sub3A_1634 : vector<16xf32>
        %add3A_1638 = arith.constant 0.223252654 : f32
        %add3A_1639 = vector.broadcast %add3A_1638 : f32 to vector<16xf32>
        %add3A_1640 = arith.addf %mul3A_1637, %add3A_1639 : vector<16xf32>
        %mul3A_1641 = arith.mulf %add3A_1640, %sub3A_1634 : vector<16xf32>
        %add3A_1642 = arith.constant -0.254872978 : f32
        %add3A_1643 = vector.broadcast %add3A_1642 : f32 to vector<16xf32>
        %add3A_1644 = arith.addf %mul3A_1641, %add3A_1643 : vector<16xf32>
        %mul3A_1645 = arith.mulf %add3A_1644, %sub3A_1634 : vector<16xf32>
        %add3A_1646 = arith.constant 0.33224234 : f32
        %add3A_1647 = vector.broadcast %add3A_1646 : f32 to vector<16xf32>
        %add3A_1648 = arith.addf %mul3A_1645, %add3A_1647 : vector<16xf32>
        %mul3A_1649 = arith.mulf %add3A_1648, %sub3A_1634 : vector<16xf32>
        %add3A_1650 = arith.constant -0.499844044 : f32
        %add3A_1651 = vector.broadcast %add3A_1650 : f32 to vector<16xf32>
        %add3A_1652 = arith.addf %mul3A_1649, %add3A_1651 : vector<16xf32>
        %mul3A_1653 = arith.mulf %add3A_1652, %sub3A_1634 : vector<16xf32>
        %add3A_1654 = arith.constant 1.00001442 : f32
        %add3A_1655 = vector.broadcast %add3A_1654 : f32 to vector<16xf32>
        %add3A_1656 = arith.addf %mul3A_1653, %add3A_1655 : vector<16xf32>
        %mul3A_1657 = arith.mulf %add3A_1656, %sub3A_1634 : vector<16xf32>
        %add3A_1658 = arith.constant -5.35274805E-15 : f32
        %add3A_1659 = vector.broadcast %add3A_1658 : f32 to vector<16xf32>
        %add3A_1660 = arith.addf %mul3A_1657, %add3A_1659 : vector<16xf32>
        %convert_element_type3A_1661 = arith.sitofp %shift_right_arithmetic3A_1626 : vector<16xi32> to vector<16xf32>
        %mul3A_1662 = arith.constant 0.693147182 : f32
        %mul3A_1663 = vector.broadcast %mul3A_1662 : f32 to vector<16xf32>
        %mul3A_1664 = arith.mulf %convert_element_type3A_1661, %mul3A_1663 : vector<16xf32>
        %add3A_1665 = arith.addf %mul3A_1664, %add3A_1660 : vector<16xf32>
        tpu.vector_store_idx %arg7[%get3A_1167], %add3A_1217 {add = true} : memref<100352xf32, #tpu.memory_space<vmem>>[vector<16xi32>], vector<16xf32>,
        tpu.vector_store_idx %arg7[%get3A_1227], %add3A_1281 {add = true} : memref<100352xf32, #tpu.memory_space<vmem>>[vector<16xi32>], vector<16xf32>,
        tpu.vector_store_idx %arg7[%get3A_1291], %add3A_1345 {add = true} : memref<100352xf32, #tpu.memory_space<vmem>>[vector<16xi32>], vector<16xf32>,
        tpu.vector_store_idx %arg7[%get3A_1355], %add3A_1409 {add = true} : memref<100352xf32, #tpu.memory_space<vmem>>[vector<16xi32>], vector<16xf32>,
        tpu.vector_store_idx %arg7[%get3A_1419], %add3A_1473 {add = true} : memref<100352xf32, #tpu.memory_space<vmem>>[vector<16xi32>], vector<16xf32>,
        tpu.vector_store_idx %arg7[%get3A_1483], %add3A_1537 {add = true} : memref<100352xf32, #tpu.memory_space<vmem>>[vector<16xi32>], vector<16xf32>,
        tpu.vector_store_idx %arg7[%get3A_1547], %add3A_1601 {add = true} : memref<100352xf32, #tpu.memory_space<vmem>>[vector<16xi32>], vector<16xf32>,
        tpu.vector_store_idx %arg7[%get3A_1611], %add3A_1665 {add = true} : memref<100352xf32, #tpu.memory_space<vmem>>[vector<16xi32>], vector<16xf32>,
      }
      %scan3A_1133 = arith.constant 20 : i32
      %add3A_1134 = arith.constant 2 : i32
      %add3A_1135 = arith.addi %mul3A_1103, %add3A_1134 : i32
      %lt3A_1136 = arith.constant 78 : i32
      %lt3A_1137 = arith.cmpi slt, %add3A_1135, %lt3A_1136 : i32
      %or3A = arith.ori %lt3A_1137, %lt3A_1 : i1
      %convert_element_type3A_1138 = arith.extui %or3A : i1 to i32
      %cond3A_1139 = arith.constant 0 : i32
      %cond3A_1140 = arith.cmpi ne, %convert_element_type3A_1138, %cond3A_1139 : i32
      scf.if %cond3A_1140 {
        %add3A_1157 = arith.constant 2 : i32
        %add3A_1158 = arith.addi %mul3A_1103, %add3A_1157 : i32
        %mul3A_1159 = arith.constant 32 : i32
        %mul3A_1160 = arith.muli %add3A_1158, %mul3A_1159 : i32
        %add3A_1161 = arith.addi %mul3A_1160, %add3A : i32
        %mul3A_1162 = arith.constant 2560 : i32
        %mul3A_1163 = arith.muli %add3A_1161, %mul3A_1162 : i32
        %multiple_of3A_1164 = tpu.assume_multiple %mul3A_1163, 2560 : i32
        %dma_start3A_1165 = arith.constant 0 : i32
        %dma_start3A_1166 = tpu.memref_slice %arg2[%dma_start3A_1165, %multiple_of3A_1164] : memref<2x6400000xi32, #tpu.memory_space<hbm>> -> memref<2x2560xi32, #tpu.memory_space<hbm>>
        %dma_start3A_1167 = arith.constant 0 : i32
        %dma_start3A_1168 = tpu.memref_slice %arg2[%dma_start3A_1167, %multiple_of3A_1164] : memref<2x6400000xi32, #tpu.memory_space<hbm>> -> memref<2x2560xi32, #tpu.memory_space<hbm>>
        tpu.enqueue_dma source(%dma_start3A_1168 : memref<2x2560xi32, #tpu.memory_space<hbm>>) target(%arg8 : memref<2x2560xi32, #tpu.memory_space<vmem>>) target_semaphore(%arg14 : memref<!tpu.dma_semaphore, #tpu.memory_space<semaphore_mem>>)
        %dma_start3A_1169 = tpu.memref_slice %arg3[%multiple_of3A_1164] : memref<6400000xf32, #tpu.memory_space<hbm>> -> memref<2560xf32, #tpu.memory_space<hbm>>
        %dma_start3A_1170 = tpu.memref_slice %arg3[%multiple_of3A_1164] : memref<6400000xf32, #tpu.memory_space<hbm>> -> memref<2560xf32, #tpu.memory_space<hbm>>
        tpu.enqueue_dma source(%dma_start3A_1170 : memref<2560xf32, #tpu.memory_space<hbm>>) target(%arg10 : memref<2560xf32, #tpu.memory_space<vmem>>) target_semaphore(%arg14 : memref<!tpu.dma_semaphore, #tpu.memory_space<semaphore_mem>>)
      } else {
      }
      %dma_wait3A_1141 = arith.constant 0 : i32
      %dma_wait3A_1142 = arith.constant 0 : i32
      %dma_wait3A_1143 = tpu.memref_slice %arg2[%dma_wait3A_1141, %dma_wait3A_1142] : memref<2x6400000xi32, #tpu.memory_space<hbm>> -> memref<2x2560xi32, #tpu.memory_space<hbm>>
      %dma_wait3A_1144 = arith.constant 0 : i32
      %dma_wait3A_1145 = arith.constant 0 : i32
      %dma_wait3A_1146 = tpu.memref_slice %arg2[%dma_wait3A_1144, %dma_wait3A_1145] : memref<2x6400000xi32, #tpu.memory_space<hbm>> -> memref<2x2560xi32, #tpu.memory_space<hbm>>
      tpu.wait_dma2 semaphore(%arg15 : memref<!tpu.dma_semaphore, #tpu.memory_space<semaphore_mem>>) src(%dma_wait3A_1146 : memref<2x2560xi32, #tpu.memory_space<hbm>>) dst(%arg9 : memref<2x2560xi32, #tpu.memory_space<vmem>>)
      %dma_wait3A_1147 = arith.constant 0 : i32
      %dma_wait3A_1148 = tpu.memref_slice %arg3[%dma_wait3A_1147] : memref<6400000xf32, #tpu.memory_space<hbm>> -> memref<2560xf32, #tpu.memory_space<hbm>>
      %dma_wait3A_1149 = arith.constant 0 : i32
      %dma_wait3A_1150 = tpu.memref_slice %arg3[%dma_wait3A_1149] : memref<6400000xf32, #tpu.memory_space<hbm>> -> memref<2560xf32, #tpu.memory_space<hbm>>
      tpu.wait_dma2 semaphore(%arg15 : memref<!tpu.dma_semaphore, #tpu.memory_space<semaphore_mem>>) src(%dma_wait3A_1150 : memref<2560xf32, #tpu.memory_space<hbm>>) dst(%arg11 : memref<2560xf32, #tpu.memory_space<vmem>>)
      %scan3A_1151 = arith.constant 0 : i32
      %scan3A_1152 = arith.constant 0 : i32
      %scan3A_1153 = arith.constant 20 : i32
      %scan3A_1154 = arith.addi %scan3A_1152, %scan3A_1153 : i32
      %scan3A_1155 = arith.constant 1 : i32
      scf.for %scan3A_1157 = %scan3A_1152 to %scan3A_1154 step %scan3A_1155  : i32 {
        %mul3A_1158 = arith.constant 8 : i32
        %mul3A_1159 = arith.muli %scan3A_1157, %mul3A_1158 : i32
        %add3A_1160 = arith.constant 0 : i32
        %add3A_1161 = arith.addi %mul3A_1159, %add3A_1160 : i32
        %mul3A_1162 = arith.constant 16 : i32
        %mul3A_1163 = arith.muli %add3A_1161, %mul3A_1162 : i32
        %get3A_1164 = arith.constant 1 : i32
        %get3A_1165 = arith.index_cast %get3A_1164 : i32 to index
        %get3A_1166 = arith.index_cast %mul3A_1163 : i32 to index
        %get3A_1167 = tpu.vector_load %arg9[%get3A_1165, %get3A_1166] {strides = array<i32>} : memref<2x2560xi32, #tpu.memory_space<vmem>>, vector<16xi32>,
        %get3A_1168 = arith.index_cast %mul3A_1163 : i32 to index
        %get3A_1169 = tpu.vector_load %arg11[%get3A_1168] {strides = array<i32>} : memref<2560xf32, #tpu.memory_space<vmem>>, vector<16xf32>,
        %sub3A = arith.constant 1.000000e+00 : f32
        %sub3A_1170 = vector.broadcast %sub3A : f32 to vector<16xf32>
        %sub3A_1171 = arith.subf %sub3A_1170, %get3A_1169 : vector<16xf32>
        %add3A_1172 = arith.constant 9.99999997E-7 : f32
        %add3A_1173 = vector.broadcast %add3A_1172 : f32 to vector<16xf32>
        %add3A_1174 = arith.addf %sub3A_1171, %add3A_1173 : vector<16xf32>
        %bitcast3A = vector.bitcast %add3A_1174 : vector<16xf32> to vector<16xi32>
        %sub3A_1175 = arith.constant 1060439283 : i32
        %sub3A_1176 = vector.broadcast %sub3A_1175 : i32 to vector<16xi32>
        %sub3A_1177 = arith.subi %bitcast3A, %sub3A_1176 : vector<16xi32>
        %shift_right_arithmetic3A = arith.constant 23 : i32
        %shift_right_arithmetic3A_1178 = vector.broadcast %shift_right_arithmetic3A : i32 to vector<16xi32>
        %shift_right_arithmetic3A_1179 = arith.shrsi %sub3A_1177, %shift_right_arithmetic3A_1178 : vector<16xi32>
        %shift_left3A = arith.constant 23 : i32
        %shift_left3A_1180 = vector.broadcast %shift_left3A : i32 to vector<16xi32>
        %shift_left3A_1181 = arith.shli %shift_right_arithmetic3A_1179, %shift_left3A_1180 : vector<16xi32>
        %sub3A_1182 = arith.subi %bitcast3A, %shift_left3A_1181 : vector<16xi32>
        %bitcast3A_1183 = vector.bitcast %sub3A_1182 : vector<16xi32> to vector<16xf32>
        %sub3A_1184 = arith.constant 1.000000e+00 : f32
        %sub3A_1185 = vector.broadcast %sub3A_1184 : f32 to vector<16xf32>
        %sub3A_1186 = arith.subf %bitcast3A_1183, %sub3A_1185 : vector<16xf32>
        %broadcast_in_dim3A_1187 = arith.constant -0.142301932 : f32
        %broadcast_in_dim3A_1188 = vector.broadcast %broadcast_in_dim3A_1187 : f32 to vector<16xf32>
        %mul3A_1189 = arith.mulf %broadcast_in_dim3A_1188, %sub3A_1186 : vector<16xf32>
        %add3A_1190 = arith.constant 0.223252654 : f32
        %add3A_1191 = vector.broadcast %add3A_1190 : f32 to vector<16xf32>
        %add3A_1192 = arith.addf %mul3A_1189, %add3A_1191 : vector<16xf32>
        %mul3A_1193 = arith.mulf %add3A_1192, %sub3A_1186 : vector<16xf32>
        %add3A_1194 = arith.constant -0.254872978 : f32
        %add3A_1195 = vector.broadcast %add3A_1194 : f32 to vector<16xf32>
        %add3A_1196 = arith.addf %mul3A_1193, %add3A_1195 : vector<16xf32>
        %mul3A_1197 = arith.mulf %add3A_1196, %sub3A_1186 : vector<16xf32>
        %add3A_1198 = arith.constant 0.33224234 : f32
        %add3A_1199 = vector.broadcast %add3A_1198 : f32 to vector<16xf32>
        %add3A_1200 = arith.addf %mul3A_1197, %add3A_1199 : vector<16xf32>
        %mul3A_1201 = arith.mulf %add3A_1200, %sub3A_1186 : vector<16xf32>
        %add3A_1202 = arith.constant -0.499844044 : f32
        %add3A_1203 = vector.broadcast %add3A_1202 : f32 to vector<16xf32>
        %add3A_1204 = arith.addf %mul3A_1201, %add3A_1203 : vector<16xf32>
        %mul3A_1205 = arith.mulf %add3A_1204, %sub3A_1186 : vector<16xf32>
        %add3A_1206 = arith.constant 1.00001442 : f32
        %add3A_1207 = vector.broadcast %add3A_1206 : f32 to vector<16xf32>
        %add3A_1208 = arith.addf %mul3A_1205, %add3A_1207 : vector<16xf32>
        %mul3A_1209 = arith.mulf %add3A_1208, %sub3A_1186 : vector<16xf32>
        %add3A_1210 = arith.constant -5.35274805E-15 : f32
        %add3A_1211 = vector.broadcast %add3A_1210 : f32 to vector<16xf32>
        %add3A_1212 = arith.addf %mul3A_1209, %add3A_1211 : vector<16xf32>
        %convert_element_type3A_1213 = arith.sitofp %shift_right_arithmetic3A_1179 : vector<16xi32> to vector<16xf32>
        %mul3A_1214 = arith.constant 0.693147182 : f32
        %mul3A_1215 = vector.broadcast %mul3A_1214 : f32 to vector<16xf32>
        %mul3A_1216 = arith.mulf %convert_element_type3A_1213, %mul3A_1215 : vector<16xf32>
        %add3A_1217 = arith.addf %mul3A_1216, %add3A_1212 : vector<16xf32>
        %mul3A_1218 = arith.constant 8 : i32
        %mul3A_1219 = arith.muli %scan3A_1157, %mul3A_1218 : i32
        %add3A_1220 = arith.constant 1 : i32
        %add3A_1221 = arith.addi %mul3A_1219, %add3A_1220 : i32
        %mul3A_1222 = arith.constant 16 : i32
        %mul3A_1223 = arith.muli %add3A_1221, %mul3A_1222 : i32
        %get3A_1224 = arith.constant 1 : i32
        %get3A_1225 = arith.index_cast %get3A_1224 : i32 to index
        %get3A_1226 = arith.index_cast %mul3A_1223 : i32 to index
        %get3A_1227 = tpu.vector_load %arg9[%get3A_1225, %get3A_1226] {strides = array<i32>} : memref<2x2560xi32, #tpu.memory_space<vmem>>, vector<16xi32>,
        %get3A_1228 = arith.index_cast %mul3A_1223 : i32 to index
        %get3A_1229 = tpu.vector_load %arg11[%get3A_1228] {strides = array<i32>} : memref<2560xf32, #tpu.memory_space<vmem>>, vector<16xf32>,
        %sub3A_1230 = arith.constant 1.000000e+00 : f32
        %sub3A_1231 = vector.broadcast %sub3A_1230 : f32 to vector<16xf32>
        %sub3A_1232 = arith.subf %sub3A_1231, %get3A_1229 : vector<16xf32>
        %add3A_1233 = arith.constant 9.99999997E-7 : f32
        %add3A_1234 = vector.broadcast %add3A_1233 : f32 to vector<16xf32>
        %add3A_1235 = arith.addf %sub3A_1232, %add3A_1234 : vector<16xf32>
        %bitcast3A_1236 = vector.bitcast %add3A_1235 : vector<16xf32> to vector<16xi32>
        %sub3A_1237 = arith.constant 1060439283 : i32
        %sub3A_1238 = vector.broadcast %sub3A_1237 : i32 to vector<16xi32>
        %sub3A_1239 = arith.subi %bitcast3A_1236, %sub3A_1238 : vector<16xi32>
        %shift_right_arithmetic3A_1240 = arith.constant 23 : i32
        %shift_right_arithmetic3A_1241 = vector.broadcast %shift_right_arithmetic3A_1240 : i32 to vector<16xi32>
        %shift_right_arithmetic3A_1242 = arith.shrsi %sub3A_1239, %shift_right_arithmetic3A_1241 : vector<16xi32>
        %shift_left3A_1243 = arith.constant 23 : i32
        %shift_left3A_1244 = vector.broadcast %shift_left3A_1243 : i32 to vector<16xi32>
        %shift_left3A_1245 = arith.shli %shift_right_arithmetic3A_1242, %shift_left3A_1244 : vector<16xi32>
        %sub3A_1246 = arith.subi %bitcast3A_1236, %shift_left3A_1245 : vector<16xi32>
        %bitcast3A_1247 = vector.bitcast %sub3A_1246 : vector<16xi32> to vector<16xf32>
        %sub3A_1248 = arith.constant 1.000000e+00 : f32
        %sub3A_1249 = vector.broadcast %sub3A_1248 : f32 to vector<16xf32>
        %sub3A_1250 = arith.subf %bitcast3A_1247, %sub3A_1249 : vector<16xf32>
        %broadcast_in_dim3A_1251 = arith.constant -0.142301932 : f32
        %broadcast_in_dim3A_1252 = vector.broadcast %broadcast_in_dim3A_1251 : f32 to vector<16xf32>
        %mul3A_1253 = arith.mulf %broadcast_in_dim3A_1252, %sub3A_1250 : vector<16xf32>
        %add3A_1254 = arith.constant 0.223252654 : f32
        %add3A_1255 = vector.broadcast %add3A_1254 : f32 to vector<16xf32>
        %add3A_1256 = arith.addf %mul3A_1253, %add3A_1255 : vector<16xf32>
        %mul3A_1257 = arith.mulf %add3A_1256, %sub3A_1250 : vector<16xf32>
        %add3A_1258 = arith.constant -0.254872978 : f32
        %add3A_1259 = vector.broadcast %add3A_1258 : f32 to vector<16xf32>
        %add3A_1260 = arith.addf %mul3A_1257, %add3A_1259 : vector<16xf32>
        %mul3A_1261 = arith.mulf %add3A_1260, %sub3A_1250 : vector<16xf32>
        %add3A_1262 = arith.constant 0.33224234 : f32
        %add3A_1263 = vector.broadcast %add3A_1262 : f32 to vector<16xf32>
        %add3A_1264 = arith.addf %mul3A_1261, %add3A_1263 : vector<16xf32>
        %mul3A_1265 = arith.mulf %add3A_1264, %sub3A_1250 : vector<16xf32>
        %add3A_1266 = arith.constant -0.499844044 : f32
        %add3A_1267 = vector.broadcast %add3A_1266 : f32 to vector<16xf32>
        %add3A_1268 = arith.addf %mul3A_1265, %add3A_1267 : vector<16xf32>
        %mul3A_1269 = arith.mulf %add3A_1268, %sub3A_1250 : vector<16xf32>
        %add3A_1270 = arith.constant 1.00001442 : f32
        %add3A_1271 = vector.broadcast %add3A_1270 : f32 to vector<16xf32>
        %add3A_1272 = arith.addf %mul3A_1269, %add3A_1271 : vector<16xf32>
        %mul3A_1273 = arith.mulf %add3A_1272, %sub3A_1250 : vector<16xf32>
        %add3A_1274 = arith.constant -5.35274805E-15 : f32
        %add3A_1275 = vector.broadcast %add3A_1274 : f32 to vector<16xf32>
        %add3A_1276 = arith.addf %mul3A_1273, %add3A_1275 : vector<16xf32>
        %convert_element_type3A_1277 = arith.sitofp %shift_right_arithmetic3A_1242 : vector<16xi32> to vector<16xf32>
        %mul3A_1278 = arith.constant 0.693147182 : f32
        %mul3A_1279 = vector.broadcast %mul3A_1278 : f32 to vector<16xf32>
        %mul3A_1280 = arith.mulf %convert_element_type3A_1277, %mul3A_1279 : vector<16xf32>
        %add3A_1281 = arith.addf %mul3A_1280, %add3A_1276 : vector<16xf32>
        %mul3A_1282 = arith.constant 8 : i32
        %mul3A_1283 = arith.muli %scan3A_1157, %mul3A_1282 : i32
        %add3A_1284 = arith.constant 2 : i32
        %add3A_1285 = arith.addi %mul3A_1283, %add3A_1284 : i32
        %mul3A_1286 = arith.constant 16 : i32
        %mul3A_1287 = arith.muli %add3A_1285, %mul3A_1286 : i32
        %get3A_1288 = arith.constant 1 : i32
        %get3A_1289 = arith.index_cast %get3A_1288 : i32 to index
        %get3A_1290 = arith.index_cast %mul3A_1287 : i32 to index
        %get3A_1291 = tpu.vector_load %arg9[%get3A_1289, %get3A_1290] {strides = array<i32>} : memref<2x2560xi32, #tpu.memory_space<vmem>>, vector<16xi32>,
        %get3A_1292 = arith.index_cast %mul3A_1287 : i32 to index
        %get3A_1293 = tpu.vector_load %arg11[%get3A_1292] {strides = array<i32>} : memref<2560xf32, #tpu.memory_space<vmem>>, vector<16xf32>,
        %sub3A_1294 = arith.constant 1.000000e+00 : f32
        %sub3A_1295 = vector.broadcast %sub3A_1294 : f32 to vector<16xf32>
        %sub3A_1296 = arith.subf %sub3A_1295, %get3A_1293 : vector<16xf32>
        %add3A_1297 = arith.constant 9.99999997E-7 : f32
        %add3A_1298 = vector.broadcast %add3A_1297 : f32 to vector<16xf32>
        %add3A_1299 = arith.addf %sub3A_1296, %add3A_1298 : vector<16xf32>
        %bitcast3A_1300 = vector.bitcast %add3A_1299 : vector<16xf32> to vector<16xi32>
        %sub3A_1301 = arith.constant 1060439283 : i32
        %sub3A_1302 = vector.broadcast %sub3A_1301 : i32 to vector<16xi32>
        %sub3A_1303 = arith.subi %bitcast3A_1300, %sub3A_1302 : vector<16xi32>
        %shift_right_arithmetic3A_1304 = arith.constant 23 : i32
        %shift_right_arithmetic3A_1305 = vector.broadcast %shift_right_arithmetic3A_1304 : i32 to vector<16xi32>
        %shift_right_arithmetic3A_1306 = arith.shrsi %sub3A_1303, %shift_right_arithmetic3A_1305 : vector<16xi32>
        %shift_left3A_1307 = arith.constant 23 : i32
        %shift_left3A_1308 = vector.broadcast %shift_left3A_1307 : i32 to vector<16xi32>
        %shift_left3A_1309 = arith.shli %shift_right_arithmetic3A_1306, %shift_left3A_1308 : vector<16xi32>
        %sub3A_1310 = arith.subi %bitcast3A_1300, %shift_left3A_1309 : vector<16xi32>
        %bitcast3A_1311 = vector.bitcast %sub3A_1310 : vector<16xi32> to vector<16xf32>
        %sub3A_1312 = arith.constant 1.000000e+00 : f32
        %sub3A_1313 = vector.broadcast %sub3A_1312 : f32 to vector<16xf32>
        %sub3A_1314 = arith.subf %bitcast3A_1311, %sub3A_1313 : vector<16xf32>
        %broadcast_in_dim3A_1315 = arith.constant -0.142301932 : f32
        %broadcast_in_dim3A_1316 = vector.broadcast %broadcast_in_dim3A_1315 : f32 to vector<16xf32>
        %mul3A_1317 = arith.mulf %broadcast_in_dim3A_1316, %sub3A_1314 : vector<16xf32>
        %add3A_1318 = arith.constant 0.223252654 : f32
        %add3A_1319 = vector.broadcast %add3A_1318 : f32 to vector<16xf32>
        %add3A_1320 = arith.addf %mul3A_1317, %add3A_1319 : vector<16xf32>
        %mul3A_1321 = arith.mulf %add3A_1320, %sub3A_1314 : vector<16xf32>
        %add3A_1322 = arith.constant -0.254872978 : f32
        %add3A_1323 = vector.broadcast %add3A_1322 : f32 to vector<16xf32>
        %add3A_1324 = arith.addf %mul3A_1321, %add3A_1323 : vector<16xf32>
        %mul3A_1325 = arith.mulf %add3A_1324, %sub3A_1314 : vector<16xf32>
        %add3A_1326 = arith.constant 0.33224234 : f32
        %add3A_1327 = vector.broadcast %add3A_1326 : f32 to vector<16xf32>
        %add3A_1328 = arith.addf %mul3A_1325, %add3A_1327 : vector<16xf32>
        %mul3A_1329 = arith.mulf %add3A_1328, %sub3A_1314 : vector<16xf32>
        %add3A_1330 = arith.constant -0.499844044 : f32
        %add3A_1331 = vector.broadcast %add3A_1330 : f32 to vector<16xf32>
        %add3A_1332 = arith.addf %mul3A_1329, %add3A_1331 : vector<16xf32>
        %mul3A_1333 = arith.mulf %add3A_1332, %sub3A_1314 : vector<16xf32>
        %add3A_1334 = arith.constant 1.00001442 : f32
        %add3A_1335 = vector.broadcast %add3A_1334 : f32 to vector<16xf32>
        %add3A_1336 = arith.addf %mul3A_1333, %add3A_1335 : vector<16xf32>
        %mul3A_1337 = arith.mulf %add3A_1336, %sub3A_1314 : vector<16xf32>
        %add3A_1338 = arith.constant -5.35274805E-15 : f32
        %add3A_1339 = vector.broadcast %add3A_1338 : f32 to vector<16xf32>
        %add3A_1340 = arith.addf %mul3A_1337, %add3A_1339 : vector<16xf32>
        %convert_element_type3A_1341 = arith.sitofp %shift_right_arithmetic3A_1306 : vector<16xi32> to vector<16xf32>
        %mul3A_1342 = arith.constant 0.693147182 : f32
        %mul3A_1343 = vector.broadcast %mul3A_1342 : f32 to vector<16xf32>
        %mul3A_1344 = arith.mulf %convert_element_type3A_1341, %mul3A_1343 : vector<16xf32>
        %add3A_1345 = arith.addf %mul3A_1344, %add3A_1340 : vector<16xf32>
        %mul3A_1346 = arith.constant 8 : i32
        %mul3A_1347 = arith.muli %scan3A_1157, %mul3A_1346 : i32
        %add3A_1348 = arith.constant 3 : i32
        %add3A_1349 = arith.addi %mul3A_1347, %add3A_1348 : i32
        %mul3A_1350 = arith.constant 16 : i32
        %mul3A_1351 = arith.muli %add3A_1349, %mul3A_1350 : i32
        %get3A_1352 = arith.constant 1 : i32
        %get3A_1353 = arith.index_cast %get3A_1352 : i32 to index
        %get3A_1354 = arith.index_cast %mul3A_1351 : i32 to index
        %get3A_1355 = tpu.vector_load %arg9[%get3A_1353, %get3A_1354] {strides = array<i32>} : memref<2x2560xi32, #tpu.memory_space<vmem>>, vector<16xi32>,
        %get3A_1356 = arith.index_cast %mul3A_1351 : i32 to index
        %get3A_1357 = tpu.vector_load %arg11[%get3A_1356] {strides = array<i32>} : memref<2560xf32, #tpu.memory_space<vmem>>, vector<16xf32>,
        %sub3A_1358 = arith.constant 1.000000e+00 : f32
        %sub3A_1359 = vector.broadcast %sub3A_1358 : f32 to vector<16xf32>
        %sub3A_1360 = arith.subf %sub3A_1359, %get3A_1357 : vector<16xf32>
        %add3A_1361 = arith.constant 9.99999997E-7 : f32
        %add3A_1362 = vector.broadcast %add3A_1361 : f32 to vector<16xf32>
        %add3A_1363 = arith.addf %sub3A_1360, %add3A_1362 : vector<16xf32>
        %bitcast3A_1364 = vector.bitcast %add3A_1363 : vector<16xf32> to vector<16xi32>
        %sub3A_1365 = arith.constant 1060439283 : i32
        %sub3A_1366 = vector.broadcast %sub3A_1365 : i32 to vector<16xi32>
        %sub3A_1367 = arith.subi %bitcast3A_1364, %sub3A_1366 : vector<16xi32>
        %shift_right_arithmetic3A_1368 = arith.constant 23 : i32
        %shift_right_arithmetic3A_1369 = vector.broadcast %shift_right_arithmetic3A_1368 : i32 to vector<16xi32>
        %shift_right_arithmetic3A_1370 = arith.shrsi %sub3A_1367, %shift_right_arithmetic3A_1369 : vector<16xi32>
        %shift_left3A_1371 = arith.constant 23 : i32
        %shift_left3A_1372 = vector.broadcast %shift_left3A_1371 : i32 to vector<16xi32>
        %shift_left3A_1373 = arith.shli %shift_right_arithmetic3A_1370, %shift_left3A_1372 : vector<16xi32>
        %sub3A_1374 = arith.subi %bitcast3A_1364, %shift_left3A_1373 : vector<16xi32>
        %bitcast3A_1375 = vector.bitcast %sub3A_1374 : vector<16xi32> to vector<16xf32>
        %sub3A_1376 = arith.constant 1.000000e+00 : f32
        %sub3A_1377 = vector.broadcast %sub3A_1376 : f32 to vector<16xf32>
        %sub3A_1378 = arith.subf %bitcast3A_1375, %sub3A_1377 : vector<16xf32>
        %broadcast_in_dim3A_1379 = arith.constant -0.142301932 : f32
        %broadcast_in_dim3A_1380 = vector.broadcast %broadcast_in_dim3A_1379 : f32 to vector<16xf32>
        %mul3A_1381 = arith.mulf %broadcast_in_dim3A_1380, %sub3A_1378 : vector<16xf32>
        %add3A_1382 = arith.constant 0.223252654 : f32
        %add3A_1383 = vector.broadcast %add3A_1382 : f32 to vector<16xf32>
        %add3A_1384 = arith.addf %mul3A_1381, %add3A_1383 : vector<16xf32>
        %mul3A_1385 = arith.mulf %add3A_1384, %sub3A_1378 : vector<16xf32>
        %add3A_1386 = arith.constant -0.254872978 : f32
        %add3A_1387 = vector.broadcast %add3A_1386 : f32 to vector<16xf32>
        %add3A_1388 = arith.addf %mul3A_1385, %add3A_1387 : vector<16xf32>
        %mul3A_1389 = arith.mulf %add3A_1388, %sub3A_1378 : vector<16xf32>
        %add3A_1390 = arith.constant 0.33224234 : f32
        %add3A_1391 = vector.broadcast %add3A_1390 : f32 to vector<16xf32>
        %add3A_1392 = arith.addf %mul3A_1389, %add3A_1391 : vector<16xf32>
        %mul3A_1393 = arith.mulf %add3A_1392, %sub3A_1378 : vector<16xf32>
        %add3A_1394 = arith.constant -0.499844044 : f32
        %add3A_1395 = vector.broadcast %add3A_1394 : f32 to vector<16xf32>
        %add3A_1396 = arith.addf %mul3A_1393, %add3A_1395 : vector<16xf32>
        %mul3A_1397 = arith.mulf %add3A_1396, %sub3A_1378 : vector<16xf32>
        %add3A_1398 = arith.constant 1.00001442 : f32
        %add3A_1399 = vector.broadcast %add3A_1398 : f32 to vector<16xf32>
        %add3A_1400 = arith.addf %mul3A_1397, %add3A_1399 : vector<16xf32>
        %mul3A_1401 = arith.mulf %add3A_1400, %sub3A_1378 : vector<16xf32>
        %add3A_1402 = arith.constant -5.35274805E-15 : f32
        %add3A_1403 = vector.broadcast %add3A_1402 : f32 to vector<16xf32>
        %add3A_1404 = arith.addf %mul3A_1401, %add3A_1403 : vector<16xf32>
        %convert_element_type3A_1405 = arith.sitofp %shift_right_arithmetic3A_1370 : vector<16xi32> to vector<16xf32>
        %mul3A_1406 = arith.constant 0.693147182 : f32
        %mul3A_1407 = vector.broadcast %mul3A_1406 : f32 to vector<16xf32>
        %mul3A_1408 = arith.mulf %convert_element_type3A_1405, %mul3A_1407 : vector<16xf32>
        %add3A_1409 = arith.addf %mul3A_1408, %add3A_1404 : vector<16xf32>
        %mul3A_1410 = arith.constant 8 : i32
        %mul3A_1411 = arith.muli %scan3A_1157, %mul3A_1410 : i32
        %add3A_1412 = arith.constant 4 : i32
        %add3A_1413 = arith.addi %mul3A_1411, %add3A_1412 : i32
        %mul3A_1414 = arith.constant 16 : i32
        %mul3A_1415 = arith.muli %add3A_1413, %mul3A_1414 : i32
        %get3A_1416 = arith.constant 1 : i32
        %get3A_1417 = arith.index_cast %get3A_1416 : i32 to index
        %get3A_1418 = arith.index_cast %mul3A_1415 : i32 to index
        %get3A_1419 = tpu.vector_load %arg9[%get3A_1417, %get3A_1418] {strides = array<i32>} : memref<2x2560xi32, #tpu.memory_space<vmem>>, vector<16xi32>,
        %get3A_1420 = arith.index_cast %mul3A_1415 : i32 to index
        %get3A_1421 = tpu.vector_load %arg11[%get3A_1420] {strides = array<i32>} : memref<2560xf32, #tpu.memory_space<vmem>>, vector<16xf32>,
        %sub3A_1422 = arith.constant 1.000000e+00 : f32
        %sub3A_1423 = vector.broadcast %sub3A_1422 : f32 to vector<16xf32>
        %sub3A_1424 = arith.subf %sub3A_1423, %get3A_1421 : vector<16xf32>
        %add3A_1425 = arith.constant 9.99999997E-7 : f32
        %add3A_1426 = vector.broadcast %add3A_1425 : f32 to vector<16xf32>
        %add3A_1427 = arith.addf %sub3A_1424, %add3A_1426 : vector<16xf32>
        %bitcast3A_1428 = vector.bitcast %add3A_1427 : vector<16xf32> to vector<16xi32>
        %sub3A_1429 = arith.constant 1060439283 : i32
        %sub3A_1430 = vector.broadcast %sub3A_1429 : i32 to vector<16xi32>
        %sub3A_1431 = arith.subi %bitcast3A_1428, %sub3A_1430 : vector<16xi32>
        %shift_right_arithmetic3A_1432 = arith.constant 23 : i32
        %shift_right_arithmetic3A_1433 = vector.broadcast %shift_right_arithmetic3A_1432 : i32 to vector<16xi32>
        %shift_right_arithmetic3A_1434 = arith.shrsi %sub3A_1431, %shift_right_arithmetic3A_1433 : vector<16xi32>
        %shift_left3A_1435 = arith.constant 23 : i32
        %shift_left3A_1436 = vector.broadcast %shift_left3A_1435 : i32 to vector<16xi32>
        %shift_left3A_1437 = arith.shli %shift_right_arithmetic3A_1434, %shift_left3A_1436 : vector<16xi32>
        %sub3A_1438 = arith.subi %bitcast3A_1428, %shift_left3A_1437 : vector<16xi32>
        %bitcast3A_1439 = vector.bitcast %sub3A_1438 : vector<16xi32> to vector<16xf32>
        %sub3A_1440 = arith.constant 1.000000e+00 : f32
        %sub3A_1441 = vector.broadcast %sub3A_1440 : f32 to vector<16xf32>
        %sub3A_1442 = arith.subf %bitcast3A_1439, %sub3A_1441 : vector<16xf32>
        %broadcast_in_dim3A_1443 = arith.constant -0.142301932 : f32
        %broadcast_in_dim3A_1444 = vector.broadcast %broadcast_in_dim3A_1443 : f32 to vector<16xf32>
        %mul3A_1445 = arith.mulf %broadcast_in_dim3A_1444, %sub3A_1442 : vector<16xf32>
        %add3A_1446 = arith.constant 0.223252654 : f32
        %add3A_1447 = vector.broadcast %add3A_1446 : f32 to vector<16xf32>
        %add3A_1448 = arith.addf %mul3A_1445, %add3A_1447 : vector<16xf32>
        %mul3A_1449 = arith.mulf %add3A_1448, %sub3A_1442 : vector<16xf32>
        %add3A_1450 = arith.constant -0.254872978 : f32
        %add3A_1451 = vector.broadcast %add3A_1450 : f32 to vector<16xf32>
        %add3A_1452 = arith.addf %mul3A_1449, %add3A_1451 : vector<16xf32>
        %mul3A_1453 = arith.mulf %add3A_1452, %sub3A_1442 : vector<16xf32>
        %add3A_1454 = arith.constant 0.33224234 : f32
        %add3A_1455 = vector.broadcast %add3A_1454 : f32 to vector<16xf32>
        %add3A_1456 = arith.addf %mul3A_1453, %add3A_1455 : vector<16xf32>
        %mul3A_1457 = arith.mulf %add3A_1456, %sub3A_1442 : vector<16xf32>
        %add3A_1458 = arith.constant -0.499844044 : f32
        %add3A_1459 = vector.broadcast %add3A_1458 : f32 to vector<16xf32>
        %add3A_1460 = arith.addf %mul3A_1457, %add3A_1459 : vector<16xf32>
        %mul3A_1461 = arith.mulf %add3A_1460, %sub3A_1442 : vector<16xf32>
        %add3A_1462 = arith.constant 1.00001442 : f32
        %add3A_1463 = vector.broadcast %add3A_1462 : f32 to vector<16xf32>
        %add3A_1464 = arith.addf %mul3A_1461, %add3A_1463 : vector<16xf32>
        %mul3A_1465 = arith.mulf %add3A_1464, %sub3A_1442 : vector<16xf32>
        %add3A_1466 = arith.constant -5.35274805E-15 : f32
        %add3A_1467 = vector.broadcast %add3A_1466 : f32 to vector<16xf32>
        %add3A_1468 = arith.addf %mul3A_1465, %add3A_1467 : vector<16xf32>
        %convert_element_type3A_1469 = arith.sitofp %shift_right_arithmetic3A_1434 : vector<16xi32> to vector<16xf32>
        %mul3A_1470 = arith.constant 0.693147182 : f32
        %mul3A_1471 = vector.broadcast %mul3A_1470 : f32 to vector<16xf32>
        %mul3A_1472 = arith.mulf %convert_element_type3A_1469, %mul3A_1471 : vector<16xf32>
        %add3A_1473 = arith.addf %mul3A_1472, %add3A_1468 : vector<16xf32>
        %mul3A_1474 = arith.constant 8 : i32
        %mul3A_1475 = arith.muli %scan3A_1157, %mul3A_1474 : i32
        %add3A_1476 = arith.constant 5 : i32
        %add3A_1477 = arith.addi %mul3A_1475, %add3A_1476 : i32
        %mul3A_1478 = arith.constant 16 : i32
        %mul3A_1479 = arith.muli %add3A_1477, %mul3A_1478 : i32
        %get3A_1480 = arith.constant 1 : i32
        %get3A_1481 = arith.index_cast %get3A_1480 : i32 to index
        %get3A_1482 = arith.index_cast %mul3A_1479 : i32 to index
        %get3A_1483 = tpu.vector_load %arg9[%get3A_1481, %get3A_1482] {strides = array<i32>} : memref<2x2560xi32, #tpu.memory_space<vmem>>, vector<16xi32>,
        %get3A_1484 = arith.index_cast %mul3A_1479 : i32 to index
        %get3A_1485 = tpu.vector_load %arg11[%get3A_1484] {strides = array<i32>} : memref<2560xf32, #tpu.memory_space<vmem>>, vector<16xf32>,
        %sub3A_1486 = arith.constant 1.000000e+00 : f32
        %sub3A_1487 = vector.broadcast %sub3A_1486 : f32 to vector<16xf32>
        %sub3A_1488 = arith.subf %sub3A_1487, %get3A_1485 : vector<16xf32>
        %add3A_1489 = arith.constant 9.99999997E-7 : f32
        %add3A_1490 = vector.broadcast %add3A_1489 : f32 to vector<16xf32>
        %add3A_1491 = arith.addf %sub3A_1488, %add3A_1490 : vector<16xf32>
        %bitcast3A_1492 = vector.bitcast %add3A_1491 : vector<16xf32> to vector<16xi32>
        %sub3A_1493 = arith.constant 1060439283 : i32
        %sub3A_1494 = vector.broadcast %sub3A_1493 : i32 to vector<16xi32>
        %sub3A_1495 = arith.subi %bitcast3A_1492, %sub3A_1494 : vector<16xi32>
        %shift_right_arithmetic3A_1496 = arith.constant 23 : i32
        %shift_right_arithmetic3A_1497 = vector.broadcast %shift_right_arithmetic3A_1496 : i32 to vector<16xi32>
        %shift_right_arithmetic3A_1498 = arith.shrsi %sub3A_1495, %shift_right_arithmetic3A_1497 : vector<16xi32>
        %shift_left3A_1499 = arith.constant 23 : i32
        %shift_left3A_1500 = vector.broadcast %shift_left3A_1499 : i32 to vector<16xi32>
        %shift_left3A_1501 = arith.shli %shift_right_arithmetic3A_1498, %shift_left3A_1500 : vector<16xi32>
        %sub3A_1502 = arith.subi %bitcast3A_1492, %shift_left3A_1501 : vector<16xi32>
        %bitcast3A_1503 = vector.bitcast %sub3A_1502 : vector<16xi32> to vector<16xf32>
        %sub3A_1504 = arith.constant 1.000000e+00 : f32
        %sub3A_1505 = vector.broadcast %sub3A_1504 : f32 to vector<16xf32>
        %sub3A_1506 = arith.subf %bitcast3A_1503, %sub3A_1505 : vector<16xf32>
        %broadcast_in_dim3A_1507 = arith.constant -0.142301932 : f32
        %broadcast_in_dim3A_1508 = vector.broadcast %broadcast_in_dim3A_1507 : f32 to vector<16xf32>
        %mul3A_1509 = arith.mulf %broadcast_in_dim3A_1508, %sub3A_1506 : vector<16xf32>
        %add3A_1510 = arith.constant 0.223252654 : f32
        %add3A_1511 = vector.broadcast %add3A_1510 : f32 to vector<16xf32>
        %add3A_1512 = arith.addf %mul3A_1509, %add3A_1511 : vector<16xf32>
        %mul3A_1513 = arith.mulf %add3A_1512, %sub3A_1506 : vector<16xf32>
        %add3A_1514 = arith.constant -0.254872978 : f32
        %add3A_1515 = vector.broadcast %add3A_1514 : f32 to vector<16xf32>
        %add3A_1516 = arith.addf %mul3A_1513, %add3A_1515 : vector<16xf32>
        %mul3A_1517 = arith.mulf %add3A_1516, %sub3A_1506 : vector<16xf32>
        %add3A_1518 = arith.constant 0.33224234 : f32
        %add3A_1519 = vector.broadcast %add3A_1518 : f32 to vector<16xf32>
        %add3A_1520 = arith.addf %mul3A_1517, %add3A_1519 : vector<16xf32>
        %mul3A_1521 = arith.mulf %add3A_1520, %sub3A_1506 : vector<16xf32>
        %add3A_1522 = arith.constant -0.499844044 : f32
        %add3A_1523 = vector.broadcast %add3A_1522 : f32 to vector<16xf32>
        %add3A_1524 = arith.addf %mul3A_1521, %add3A_1523 : vector<16xf32>
        %mul3A_1525 = arith.mulf %add3A_1524, %sub3A_1506 : vector<16xf32>
        %add3A_1526 = arith.constant 1.00001442 : f32
        %add3A_1527 = vector.broadcast %add3A_1526 : f32 to vector<16xf32>
        %add3A_1528 = arith.addf %mul3A_1525, %add3A_1527 : vector<16xf32>
        %mul3A_1529 = arith.mulf %add3A_1528, %sub3A_1506 : vector<16xf32>
        %add3A_1530 = arith.constant -5.35274805E-15 : f32
        %add3A_1531 = vector.broadcast %add3A_1530 : f32 to vector<16xf32>
        %add3A_1532 = arith.addf %mul3A_1529, %add3A_1531 : vector<16xf32>
        %convert_element_type3A_1533 = arith.sitofp %shift_right_arithmetic3A_1498 : vector<16xi32> to vector<16xf32>
        %mul3A_1534 = arith.constant 0.693147182 : f32
        %mul3A_1535 = vector.broadcast %mul3A_1534 : f32 to vector<16xf32>
        %mul3A_1536 = arith.mulf %convert_element_type3A_1533, %mul3A_1535 : vector<16xf32>
        %add3A_1537 = arith.addf %mul3A_1536, %add3A_1532 : vector<16xf32>
        %mul3A_1538 = arith.constant 8 : i32
        %mul3A_1539 = arith.muli %scan3A_1157, %mul3A_1538 : i32
        %add3A_1540 = arith.constant 6 : i32
        %add3A_1541 = arith.addi %mul3A_1539, %add3A_1540 : i32
        %mul3A_1542 = arith.constant 16 : i32
        %mul3A_1543 = arith.muli %add3A_1541, %mul3A_1542 : i32
        %get3A_1544 = arith.constant 1 : i32
        %get3A_1545 = arith.index_cast %get3A_1544 : i32 to index
        %get3A_1546 = arith.index_cast %mul3A_1543 : i32 to index
        %get3A_1547 = tpu.vector_load %arg9[%get3A_1545, %get3A_1546] {strides = array<i32>} : memref<2x2560xi32, #tpu.memory_space<vmem>>, vector<16xi32>,
        %get3A_1548 = arith.index_cast %mul3A_1543 : i32 to index
        %get3A_1549 = tpu.vector_load %arg11[%get3A_1548] {strides = array<i32>} : memref<2560xf32, #tpu.memory_space<vmem>>, vector<16xf32>,
        %sub3A_1550 = arith.constant 1.000000e+00 : f32
        %sub3A_1551 = vector.broadcast %sub3A_1550 : f32 to vector<16xf32>
        %sub3A_1552 = arith.subf %sub3A_1551, %get3A_1549 : vector<16xf32>
        %add3A_1553 = arith.constant 9.99999997E-7 : f32
        %add3A_1554 = vector.broadcast %add3A_1553 : f32 to vector<16xf32>
        %add3A_1555 = arith.addf %sub3A_1552, %add3A_1554 : vector<16xf32>
        %bitcast3A_1556 = vector.bitcast %add3A_1555 : vector<16xf32> to vector<16xi32>
        %sub3A_1557 = arith.constant 1060439283 : i32
        %sub3A_1558 = vector.broadcast %sub3A_1557 : i32 to vector<16xi32>
        %sub3A_1559 = arith.subi %bitcast3A_1556, %sub3A_1558 : vector<16xi32>
        %shift_right_arithmetic3A_1560 = arith.constant 23 : i32
        %shift_right_arithmetic3A_1561 = vector.broadcast %shift_right_arithmetic3A_1560 : i32 to vector<16xi32>
        %shift_right_arithmetic3A_1562 = arith.shrsi %sub3A_1559, %shift_right_arithmetic3A_1561 : vector<16xi32>
        %shift_left3A_1563 = arith.constant 23 : i32
        %shift_left3A_1564 = vector.broadcast %shift_left3A_1563 : i32 to vector<16xi32>
        %shift_left3A_1565 = arith.shli %shift_right_arithmetic3A_1562, %shift_left3A_1564 : vector<16xi32>
        %sub3A_1566 = arith.subi %bitcast3A_1556, %shift_left3A_1565 : vector<16xi32>
        %bitcast3A_1567 = vector.bitcast %sub3A_1566 : vector<16xi32> to vector<16xf32>
        %sub3A_1568 = arith.constant 1.000000e+00 : f32
        %sub3A_1569 = vector.broadcast %sub3A_1568 : f32 to vector<16xf32>
        %sub3A_1570 = arith.subf %bitcast3A_1567, %sub3A_1569 : vector<16xf32>
        %broadcast_in_dim3A_1571 = arith.constant -0.142301932 : f32
        %broadcast_in_dim3A_1572 = vector.broadcast %broadcast_in_dim3A_1571 : f32 to vector<16xf32>
        %mul3A_1573 = arith.mulf %broadcast_in_dim3A_1572, %sub3A_1570 : vector<16xf32>
        %add3A_1574 = arith.constant 0.223252654 : f32
        %add3A_1575 = vector.broadcast %add3A_1574 : f32 to vector<16xf32>
        %add3A_1576 = arith.addf %mul3A_1573, %add3A_1575 : vector<16xf32>
        %mul3A_1577 = arith.mulf %add3A_1576, %sub3A_1570 : vector<16xf32>
        %add3A_1578 = arith.constant -0.254872978 : f32
        %add3A_1579 = vector.broadcast %add3A_1578 : f32 to vector<16xf32>
        %add3A_1580 = arith.addf %mul3A_1577, %add3A_1579 : vector<16xf32>
        %mul3A_1581 = arith.mulf %add3A_1580, %sub3A_1570 : vector<16xf32>
        %add3A_1582 = arith.constant 0.33224234 : f32
        %add3A_1583 = vector.broadcast %add3A_1582 : f32 to vector<16xf32>
        %add3A_1584 = arith.addf %mul3A_1581, %add3A_1583 : vector<16xf32>
        %mul3A_1585 = arith.mulf %add3A_1584, %sub3A_1570 : vector<16xf32>
        %add3A_1586 = arith.constant -0.499844044 : f32
        %add3A_1587 = vector.broadcast %add3A_1586 : f32 to vector<16xf32>
        %add3A_1588 = arith.addf %mul3A_1585, %add3A_1587 : vector<16xf32>
        %mul3A_1589 = arith.mulf %add3A_1588, %sub3A_1570 : vector<16xf32>
        %add3A_1590 = arith.constant 1.00001442 : f32
        %add3A_1591 = vector.broadcast %add3A_1590 : f32 to vector<16xf32>
        %add3A_1592 = arith.addf %mul3A_1589, %add3A_1591 : vector<16xf32>
        %mul3A_1593 = arith.mulf %add3A_1592, %sub3A_1570 : vector<16xf32>
        %add3A_1594 = arith.constant -5.35274805E-15 : f32
        %add3A_1595 = vector.broadcast %add3A_1594 : f32 to vector<16xf32>
        %add3A_1596 = arith.addf %mul3A_1593, %add3A_1595 : vector<16xf32>
        %convert_element_type3A_1597 = arith.sitofp %shift_right_arithmetic3A_1562 : vector<16xi32> to vector<16xf32>
        %mul3A_1598 = arith.constant 0.693147182 : f32
        %mul3A_1599 = vector.broadcast %mul3A_1598 : f32 to vector<16xf32>
        %mul3A_1600 = arith.mulf %convert_element_type3A_1597, %mul3A_1599 : vector<16xf32>
        %add3A_1601 = arith.addf %mul3A_1600, %add3A_1596 : vector<16xf32>
        %mul3A_1602 = arith.constant 8 : i32
        %mul3A_1603 = arith.muli %scan3A_1157, %mul3A_1602 : i32
        %add3A_1604 = arith.constant 7 : i32
        %add3A_1605 = arith.addi %mul3A_1603, %add3A_1604 : i32
        %mul3A_1606 = arith.constant 16 : i32
        %mul3A_1607 = arith.muli %add3A_1605, %mul3A_1606 : i32
        %get3A_1608 = arith.constant 1 : i32
        %get3A_1609 = arith.index_cast %get3A_1608 : i32 to index
        %get3A_1610 = arith.index_cast %mul3A_1607 : i32 to index
        %get3A_1611 = tpu.vector_load %arg9[%get3A_1609, %get3A_1610] {strides = array<i32>} : memref<2x2560xi32, #tpu.memory_space<vmem>>, vector<16xi32>,
        %get3A_1612 = arith.index_cast %mul3A_1607 : i32 to index
        %get3A_1613 = tpu.vector_load %arg11[%get3A_1612] {strides = array<i32>} : memref<2560xf32, #tpu.memory_space<vmem>>, vector<16xf32>,
        %sub3A_1614 = arith.constant 1.000000e+00 : f32
        %sub3A_1615 = vector.broadcast %sub3A_1614 : f32 to vector<16xf32>
        %sub3A_1616 = arith.subf %sub3A_1615, %get3A_1613 : vector<16xf32>
        %add3A_1617 = arith.constant 9.99999997E-7 : f32
        %add3A_1618 = vector.broadcast %add3A_1617 : f32 to vector<16xf32>
        %add3A_1619 = arith.addf %sub3A_1616, %add3A_1618 : vector<16xf32>
        %bitcast3A_1620 = vector.bitcast %add3A_1619 : vector<16xf32> to vector<16xi32>
        %sub3A_1621 = arith.constant 1060439283 : i32
        %sub3A_1622 = vector.broadcast %sub3A_1621 : i32 to vector<16xi32>
        %sub3A_1623 = arith.subi %bitcast3A_1620, %sub3A_1622 : vector<16xi32>
        %shift_right_arithmetic3A_1624 = arith.constant 23 : i32
        %shift_right_arithmetic3A_1625 = vector.broadcast %shift_right_arithmetic3A_1624 : i32 to vector<16xi32>
        %shift_right_arithmetic3A_1626 = arith.shrsi %sub3A_1623, %shift_right_arithmetic3A_1625 : vector<16xi32>
        %shift_left3A_1627 = arith.constant 23 : i32
        %shift_left3A_1628 = vector.broadcast %shift_left3A_1627 : i32 to vector<16xi32>
        %shift_left3A_1629 = arith.shli %shift_right_arithmetic3A_1626, %shift_left3A_1628 : vector<16xi32>
        %sub3A_1630 = arith.subi %bitcast3A_1620, %shift_left3A_1629 : vector<16xi32>
        %bitcast3A_1631 = vector.bitcast %sub3A_1630 : vector<16xi32> to vector<16xf32>
        %sub3A_1632 = arith.constant 1.000000e+00 : f32
        %sub3A_1633 = vector.broadcast %sub3A_1632 : f32 to vector<16xf32>
        %sub3A_1634 = arith.subf %bitcast3A_1631, %sub3A_1633 : vector<16xf32>
        %broadcast_in_dim3A_1635 = arith.constant -0.142301932 : f32
        %broadcast_in_dim3A_1636 = vector.broadcast %broadcast_in_dim3A_1635 : f32 to vector<16xf32>
        %mul3A_1637 = arith.mulf %broadcast_in_dim3A_1636, %sub3A_1634 : vector<16xf32>
        %add3A_1638 = arith.constant 0.223252654 : f32
        %add3A_1639 = vector.broadcast %add3A_1638 : f32 to vector<16xf32>
        %add3A_1640 = arith.addf %mul3A_1637, %add3A_1639 : vector<16xf32>
        %mul3A_1641 = arith.mulf %add3A_1640, %sub3A_1634 : vector<16xf32>
        %add3A_1642 = arith.constant -0.254872978 : f32
        %add3A_1643 = vector.broadcast %add3A_1642 : f32 to vector<16xf32>
        %add3A_1644 = arith.addf %mul3A_1641, %add3A_1643 : vector<16xf32>
        %mul3A_1645 = arith.mulf %add3A_1644, %sub3A_1634 : vector<16xf32>
        %add3A_1646 = arith.constant 0.33224234 : f32
        %add3A_1647 = vector.broadcast %add3A_1646 : f32 to vector<16xf32>
        %add3A_1648 = arith.addf %mul3A_1645, %add3A_1647 : vector<16xf32>
        %mul3A_1649 = arith.mulf %add3A_1648, %sub3A_1634 : vector<16xf32>
        %add3A_1650 = arith.constant -0.499844044 : f32
        %add3A_1651 = vector.broadcast %add3A_1650 : f32 to vector<16xf32>
        %add3A_1652 = arith.addf %mul3A_1649, %add3A_1651 : vector<16xf32>
        %mul3A_1653 = arith.mulf %add3A_1652, %sub3A_1634 : vector<16xf32>
        %add3A_1654 = arith.constant 1.00001442 : f32
        %add3A_1655 = vector.broadcast %add3A_1654 : f32 to vector<16xf32>
        %add3A_1656 = arith.addf %mul3A_1653, %add3A_1655 : vector<16xf32>
        %mul3A_1657 = arith.mulf %add3A_1656, %sub3A_1634 : vector<16xf32>
        %add3A_1658 = arith.constant -5.35274805E-15 : f32
        %add3A_1659 = vector.broadcast %add3A_1658 : f32 to vector<16xf32>
        %add3A_1660 = arith.addf %mul3A_1657, %add3A_1659 : vector<16xf32>
        %convert_element_type3A_1661 = arith.sitofp %shift_right_arithmetic3A_1626 : vector<16xi32> to vector<16xf32>
        %mul3A_1662 = arith.constant 0.693147182 : f32
        %mul3A_1663 = vector.broadcast %mul3A_1662 : f32 to vector<16xf32>
        %mul3A_1664 = arith.mulf %convert_element_type3A_1661, %mul3A_1663 : vector<16xf32>
        %add3A_1665 = arith.addf %mul3A_1664, %add3A_1660 : vector<16xf32>
        tpu.vector_store_idx %arg7[%get3A_1167], %add3A_1217 {add = true} : memref<100352xf32, #tpu.memory_space<vmem>>[vector<16xi32>], vector<16xf32>,
        tpu.vector_store_idx %arg7[%get3A_1227], %add3A_1281 {add = true} : memref<100352xf32, #tpu.memory_space<vmem>>[vector<16xi32>], vector<16xf32>,
        tpu.vector_store_idx %arg7[%get3A_1291], %add3A_1345 {add = true} : memref<100352xf32, #tpu.memory_space<vmem>>[vector<16xi32>], vector<16xf32>,
        tpu.vector_store_idx %arg7[%get3A_1355], %add3A_1409 {add = true} : memref<100352xf32, #tpu.memory_space<vmem>>[vector<16xi32>], vector<16xf32>,
        tpu.vector_store_idx %arg7[%get3A_1419], %add3A_1473 {add = true} : memref<100352xf32, #tpu.memory_space<vmem>>[vector<16xi32>], vector<16xf32>,
        tpu.vector_store_idx %arg7[%get3A_1483], %add3A_1537 {add = true} : memref<100352xf32, #tpu.memory_space<vmem>>[vector<16xi32>], vector<16xf32>,
        tpu.vector_store_idx %arg7[%get3A_1547], %add3A_1601 {add = true} : memref<100352xf32, #tpu.memory_space<vmem>>[vector<16xi32>], vector<16xf32>,
        tpu.vector_store_idx %arg7[%get3A_1611], %add3A_1665 {add = true} : memref<100352xf32, #tpu.memory_space<vmem>>[vector<16xi32>], vector<16xf32>,
      }
      %scan3A_1156 = arith.constant 20 : i32
    }
    %scan3A_1095 = arith.constant 39 : i32
    %convert_element_type3A_1096 = arith.extui %lt3A_1 : i1 to i32
    %cond3A_1097 = arith.constant 0 : i32
    %cond3A_1098 = arith.cmpi ne, %convert_element_type3A_1096, %cond3A_1097 : i32
    scf.if %cond3A_1098 {
      %dma_wait3A_1101 = arith.constant 0 : i32
      %dma_wait3A_1102 = arith.constant 0 : i32
      %dma_wait3A_1103 = tpu.memref_slice %arg2[%dma_wait3A_1101, %dma_wait3A_1102] : memref<2x6400000xi32, #tpu.memory_space<hbm>> -> memref<2x2560xi32, #tpu.memory_space<hbm>>
      %dma_wait3A_1104 = arith.constant 0 : i32
      %dma_wait3A_1105 = arith.constant 0 : i32
      %dma_wait3A_1106 = tpu.memref_slice %arg2[%dma_wait3A_1104, %dma_wait3A_1105] : memref<2x6400000xi32, #tpu.memory_space<hbm>> -> memref<2x2560xi32, #tpu.memory_space<hbm>>
      tpu.wait_dma2 semaphore(%arg14 : memref<!tpu.dma_semaphore, #tpu.memory_space<semaphore_mem>>) src(%dma_wait3A_1106 : memref<2x2560xi32, #tpu.memory_space<hbm>>) dst(%arg8 : memref<2x2560xi32, #tpu.memory_space<vmem>>)
      %dma_wait3A_1107 = arith.constant 0 : i32
      %dma_wait3A_1108 = tpu.memref_slice %arg3[%dma_wait3A_1107] : memref<6400000xf32, #tpu.memory_space<hbm>> -> memref<2560xf32, #tpu.memory_space<hbm>>
      %dma_wait3A_1109 = arith.constant 0 : i32
      %dma_wait3A_1110 = tpu.memref_slice %arg3[%dma_wait3A_1109] : memref<6400000xf32, #tpu.memory_space<hbm>> -> memref<2560xf32, #tpu.memory_space<hbm>>
      tpu.wait_dma2 semaphore(%arg14 : memref<!tpu.dma_semaphore, #tpu.memory_space<semaphore_mem>>) src(%dma_wait3A_1110 : memref<2560xf32, #tpu.memory_space<hbm>>) dst(%arg10 : memref<2560xf32, #tpu.memory_space<vmem>>)
      %scan3A_1111 = arith.constant 0 : i32
      %scan3A_1112 = arith.constant 0 : i32
      %scan3A_1113 = arith.constant 20 : i32
      %scan3A_1114 = arith.addi %scan3A_1112, %scan3A_1113 : i32
      %scan3A_1115 = arith.constant 1 : i32
      scf.for %scan3A_1117 = %scan3A_1112 to %scan3A_1114 step %scan3A_1115  : i32 {
        %mul3A_1118 = arith.constant 8 : i32
        %mul3A_1119 = arith.muli %scan3A_1117, %mul3A_1118 : i32
        %add3A_1120 = arith.constant 0 : i32
        %add3A_1121 = arith.addi %mul3A_1119, %add3A_1120 : i32
        %mul3A_1122 = arith.constant 16 : i32
        %mul3A_1123 = arith.muli %add3A_1121, %mul3A_1122 : i32
        %get3A_1124 = arith.constant 1 : i32
        %get3A_1125 = arith.index_cast %get3A_1124 : i32 to index
        %get3A_1126 = arith.index_cast %mul3A_1123 : i32 to index
        %get3A_1127 = tpu.vector_load %arg8[%get3A_1125, %get3A_1126] {strides = array<i32>} : memref<2x2560xi32, #tpu.memory_space<vmem>>, vector<16xi32>,
        %get3A_1128 = arith.index_cast %mul3A_1123 : i32 to index
        %get3A_1129 = tpu.vector_load %arg10[%get3A_1128] {strides = array<i32>} : memref<2560xf32, #tpu.memory_space<vmem>>, vector<16xf32>,
        %sub3A = arith.constant 1.000000e+00 : f32
        %sub3A_1130 = vector.broadcast %sub3A : f32 to vector<16xf32>
        %sub3A_1131 = arith.subf %sub3A_1130, %get3A_1129 : vector<16xf32>
        %add3A_1132 = arith.constant 9.99999997E-7 : f32
        %add3A_1133 = vector.broadcast %add3A_1132 : f32 to vector<16xf32>
        %add3A_1134 = arith.addf %sub3A_1131, %add3A_1133 : vector<16xf32>
        %bitcast3A = vector.bitcast %add3A_1134 : vector<16xf32> to vector<16xi32>
        %sub3A_1135 = arith.constant 1060439283 : i32
        %sub3A_1136 = vector.broadcast %sub3A_1135 : i32 to vector<16xi32>
        %sub3A_1137 = arith.subi %bitcast3A, %sub3A_1136 : vector<16xi32>
        %shift_right_arithmetic3A = arith.constant 23 : i32
        %shift_right_arithmetic3A_1138 = vector.broadcast %shift_right_arithmetic3A : i32 to vector<16xi32>
        %shift_right_arithmetic3A_1139 = arith.shrsi %sub3A_1137, %shift_right_arithmetic3A_1138 : vector<16xi32>
        %shift_left3A = arith.constant 23 : i32
        %shift_left3A_1140 = vector.broadcast %shift_left3A : i32 to vector<16xi32>
        %shift_left3A_1141 = arith.shli %shift_right_arithmetic3A_1139, %shift_left3A_1140 : vector<16xi32>
        %sub3A_1142 = arith.subi %bitcast3A, %shift_left3A_1141 : vector<16xi32>
        %bitcast3A_1143 = vector.bitcast %sub3A_1142 : vector<16xi32> to vector<16xf32>
        %sub3A_1144 = arith.constant 1.000000e+00 : f32
        %sub3A_1145 = vector.broadcast %sub3A_1144 : f32 to vector<16xf32>
        %sub3A_1146 = arith.subf %bitcast3A_1143, %sub3A_1145 : vector<16xf32>
        %broadcast_in_dim3A_1147 = arith.constant -0.142301932 : f32
        %broadcast_in_dim3A_1148 = vector.broadcast %broadcast_in_dim3A_1147 : f32 to vector<16xf32>
        %mul3A_1149 = arith.mulf %broadcast_in_dim3A_1148, %sub3A_1146 : vector<16xf32>
        %add3A_1150 = arith.constant 0.223252654 : f32
        %add3A_1151 = vector.broadcast %add3A_1150 : f32 to vector<16xf32>
        %add3A_1152 = arith.addf %mul3A_1149, %add3A_1151 : vector<16xf32>
        %mul3A_1153 = arith.mulf %add3A_1152, %sub3A_1146 : vector<16xf32>
        %add3A_1154 = arith.constant -0.254872978 : f32
        %add3A_1155 = vector.broadcast %add3A_1154 : f32 to vector<16xf32>
        %add3A_1156 = arith.addf %mul3A_1153, %add3A_1155 : vector<16xf32>
        %mul3A_1157 = arith.mulf %add3A_1156, %sub3A_1146 : vector<16xf32>
        %add3A_1158 = arith.constant 0.33224234 : f32
        %add3A_1159 = vector.broadcast %add3A_1158 : f32 to vector<16xf32>
        %add3A_1160 = arith.addf %mul3A_1157, %add3A_1159 : vector<16xf32>
        %mul3A_1161 = arith.mulf %add3A_1160, %sub3A_1146 : vector<16xf32>
        %add3A_1162 = arith.constant -0.499844044 : f32
        %add3A_1163 = vector.broadcast %add3A_1162 : f32 to vector<16xf32>
        %add3A_1164 = arith.addf %mul3A_1161, %add3A_1163 : vector<16xf32>
        %mul3A_1165 = arith.mulf %add3A_1164, %sub3A_1146 : vector<16xf32>
        %add3A_1166 = arith.constant 1.00001442 : f32
        %add3A_1167 = vector.broadcast %add3A_1166 : f32 to vector<16xf32>
        %add3A_1168 = arith.addf %mul3A_1165, %add3A_1167 : vector<16xf32>
        %mul3A_1169 = arith.mulf %add3A_1168, %sub3A_1146 : vector<16xf32>
        %add3A_1170 = arith.constant -5.35274805E-15 : f32
        %add3A_1171 = vector.broadcast %add3A_1170 : f32 to vector<16xf32>
        %add3A_1172 = arith.addf %mul3A_1169, %add3A_1171 : vector<16xf32>
        %convert_element_type3A_1173 = arith.sitofp %shift_right_arithmetic3A_1139 : vector<16xi32> to vector<16xf32>
        %mul3A_1174 = arith.constant 0.693147182 : f32
        %mul3A_1175 = vector.broadcast %mul3A_1174 : f32 to vector<16xf32>
        %mul3A_1176 = arith.mulf %convert_element_type3A_1173, %mul3A_1175 : vector<16xf32>
        %add3A_1177 = arith.addf %mul3A_1176, %add3A_1172 : vector<16xf32>
        %mul3A_1178 = arith.constant 8 : i32
        %mul3A_1179 = arith.muli %scan3A_1117, %mul3A_1178 : i32
        %add3A_1180 = arith.constant 1 : i32
        %add3A_1181 = arith.addi %mul3A_1179, %add3A_1180 : i32
        %mul3A_1182 = arith.constant 16 : i32
        %mul3A_1183 = arith.muli %add3A_1181, %mul3A_1182 : i32
        %get3A_1184 = arith.constant 1 : i32
        %get3A_1185 = arith.index_cast %get3A_1184 : i32 to index
        %get3A_1186 = arith.index_cast %mul3A_1183 : i32 to index
        %get3A_1187 = tpu.vector_load %arg8[%get3A_1185, %get3A_1186] {strides = array<i32>} : memref<2x2560xi32, #tpu.memory_space<vmem>>, vector<16xi32>,
        %get3A_1188 = arith.index_cast %mul3A_1183 : i32 to index
        %get3A_1189 = tpu.vector_load %arg10[%get3A_1188] {strides = array<i32>} : memref<2560xf32, #tpu.memory_space<vmem>>, vector<16xf32>,
        %sub3A_1190 = arith.constant 1.000000e+00 : f32
        %sub3A_1191 = vector.broadcast %sub3A_1190 : f32 to vector<16xf32>
        %sub3A_1192 = arith.subf %sub3A_1191, %get3A_1189 : vector<16xf32>
        %add3A_1193 = arith.constant 9.99999997E-7 : f32
        %add3A_1194 = vector.broadcast %add3A_1193 : f32 to vector<16xf32>
        %add3A_1195 = arith.addf %sub3A_1192, %add3A_1194 : vector<16xf32>
        %bitcast3A_1196 = vector.bitcast %add3A_1195 : vector<16xf32> to vector<16xi32>
        %sub3A_1197 = arith.constant 1060439283 : i32
        %sub3A_1198 = vector.broadcast %sub3A_1197 : i32 to vector<16xi32>
        %sub3A_1199 = arith.subi %bitcast3A_1196, %sub3A_1198 : vector<16xi32>
        %shift_right_arithmetic3A_1200 = arith.constant 23 : i32
        %shift_right_arithmetic3A_1201 = vector.broadcast %shift_right_arithmetic3A_1200 : i32 to vector<16xi32>
        %shift_right_arithmetic3A_1202 = arith.shrsi %sub3A_1199, %shift_right_arithmetic3A_1201 : vector<16xi32>
        %shift_left3A_1203 = arith.constant 23 : i32
        %shift_left3A_1204 = vector.broadcast %shift_left3A_1203 : i32 to vector<16xi32>
        %shift_left3A_1205 = arith.shli %shift_right_arithmetic3A_1202, %shift_left3A_1204 : vector<16xi32>
        %sub3A_1206 = arith.subi %bitcast3A_1196, %shift_left3A_1205 : vector<16xi32>
        %bitcast3A_1207 = vector.bitcast %sub3A_1206 : vector<16xi32> to vector<16xf32>
        %sub3A_1208 = arith.constant 1.000000e+00 : f32
        %sub3A_1209 = vector.broadcast %sub3A_1208 : f32 to vector<16xf32>
        %sub3A_1210 = arith.subf %bitcast3A_1207, %sub3A_1209 : vector<16xf32>
        %broadcast_in_dim3A_1211 = arith.constant -0.142301932 : f32
        %broadcast_in_dim3A_1212 = vector.broadcast %broadcast_in_dim3A_1211 : f32 to vector<16xf32>
        %mul3A_1213 = arith.mulf %broadcast_in_dim3A_1212, %sub3A_1210 : vector<16xf32>
        %add3A_1214 = arith.constant 0.223252654 : f32
        %add3A_1215 = vector.broadcast %add3A_1214 : f32 to vector<16xf32>
        %add3A_1216 = arith.addf %mul3A_1213, %add3A_1215 : vector<16xf32>
        %mul3A_1217 = arith.mulf %add3A_1216, %sub3A_1210 : vector<16xf32>
        %add3A_1218 = arith.constant -0.254872978 : f32
        %add3A_1219 = vector.broadcast %add3A_1218 : f32 to vector<16xf32>
        %add3A_1220 = arith.addf %mul3A_1217, %add3A_1219 : vector<16xf32>
        %mul3A_1221 = arith.mulf %add3A_1220, %sub3A_1210 : vector<16xf32>
        %add3A_1222 = arith.constant 0.33224234 : f32
        %add3A_1223 = vector.broadcast %add3A_1222 : f32 to vector<16xf32>
        %add3A_1224 = arith.addf %mul3A_1221, %add3A_1223 : vector<16xf32>
        %mul3A_1225 = arith.mulf %add3A_1224, %sub3A_1210 : vector<16xf32>
        %add3A_1226 = arith.constant -0.499844044 : f32
        %add3A_1227 = vector.broadcast %add3A_1226 : f32 to vector<16xf32>
        %add3A_1228 = arith.addf %mul3A_1225, %add3A_1227 : vector<16xf32>
        %mul3A_1229 = arith.mulf %add3A_1228, %sub3A_1210 : vector<16xf32>
        %add3A_1230 = arith.constant 1.00001442 : f32
        %add3A_1231 = vector.broadcast %add3A_1230 : f32 to vector<16xf32>
        %add3A_1232 = arith.addf %mul3A_1229, %add3A_1231 : vector<16xf32>
        %mul3A_1233 = arith.mulf %add3A_1232, %sub3A_1210 : vector<16xf32>
        %add3A_1234 = arith.constant -5.35274805E-15 : f32
        %add3A_1235 = vector.broadcast %add3A_1234 : f32 to vector<16xf32>
        %add3A_1236 = arith.addf %mul3A_1233, %add3A_1235 : vector<16xf32>
        %convert_element_type3A_1237 = arith.sitofp %shift_right_arithmetic3A_1202 : vector<16xi32> to vector<16xf32>
        %mul3A_1238 = arith.constant 0.693147182 : f32
        %mul3A_1239 = vector.broadcast %mul3A_1238 : f32 to vector<16xf32>
        %mul3A_1240 = arith.mulf %convert_element_type3A_1237, %mul3A_1239 : vector<16xf32>
        %add3A_1241 = arith.addf %mul3A_1240, %add3A_1236 : vector<16xf32>
        %mul3A_1242 = arith.constant 8 : i32
        %mul3A_1243 = arith.muli %scan3A_1117, %mul3A_1242 : i32
        %add3A_1244 = arith.constant 2 : i32
        %add3A_1245 = arith.addi %mul3A_1243, %add3A_1244 : i32
        %mul3A_1246 = arith.constant 16 : i32
        %mul3A_1247 = arith.muli %add3A_1245, %mul3A_1246 : i32
        %get3A_1248 = arith.constant 1 : i32
        %get3A_1249 = arith.index_cast %get3A_1248 : i32 to index
        %get3A_1250 = arith.index_cast %mul3A_1247 : i32 to index
        %get3A_1251 = tpu.vector_load %arg8[%get3A_1249, %get3A_1250] {strides = array<i32>} : memref<2x2560xi32, #tpu.memory_space<vmem>>, vector<16xi32>,
        %get3A_1252 = arith.index_cast %mul3A_1247 : i32 to index
        %get3A_1253 = tpu.vector_load %arg10[%get3A_1252] {strides = array<i32>} : memref<2560xf32, #tpu.memory_space<vmem>>, vector<16xf32>,
        %sub3A_1254 = arith.constant 1.000000e+00 : f32
        %sub3A_1255 = vector.broadcast %sub3A_1254 : f32 to vector<16xf32>
        %sub3A_1256 = arith.subf %sub3A_1255, %get3A_1253 : vector<16xf32>
        %add3A_1257 = arith.constant 9.99999997E-7 : f32
        %add3A_1258 = vector.broadcast %add3A_1257 : f32 to vector<16xf32>
        %add3A_1259 = arith.addf %sub3A_1256, %add3A_1258 : vector<16xf32>
        %bitcast3A_1260 = vector.bitcast %add3A_1259 : vector<16xf32> to vector<16xi32>
        %sub3A_1261 = arith.constant 1060439283 : i32
        %sub3A_1262 = vector.broadcast %sub3A_1261 : i32 to vector<16xi32>
        %sub3A_1263 = arith.subi %bitcast3A_1260, %sub3A_1262 : vector<16xi32>
        %shift_right_arithmetic3A_1264 = arith.constant 23 : i32
        %shift_right_arithmetic3A_1265 = vector.broadcast %shift_right_arithmetic3A_1264 : i32 to vector<16xi32>
        %shift_right_arithmetic3A_1266 = arith.shrsi %sub3A_1263, %shift_right_arithmetic3A_1265 : vector<16xi32>
        %shift_left3A_1267 = arith.constant 23 : i32
        %shift_left3A_1268 = vector.broadcast %shift_left3A_1267 : i32 to vector<16xi32>
        %shift_left3A_1269 = arith.shli %shift_right_arithmetic3A_1266, %shift_left3A_1268 : vector<16xi32>
        %sub3A_1270 = arith.subi %bitcast3A_1260, %shift_left3A_1269 : vector<16xi32>
        %bitcast3A_1271 = vector.bitcast %sub3A_1270 : vector<16xi32> to vector<16xf32>
        %sub3A_1272 = arith.constant 1.000000e+00 : f32
        %sub3A_1273 = vector.broadcast %sub3A_1272 : f32 to vector<16xf32>
        %sub3A_1274 = arith.subf %bitcast3A_1271, %sub3A_1273 : vector<16xf32>
        %broadcast_in_dim3A_1275 = arith.constant -0.142301932 : f32
        %broadcast_in_dim3A_1276 = vector.broadcast %broadcast_in_dim3A_1275 : f32 to vector<16xf32>
        %mul3A_1277 = arith.mulf %broadcast_in_dim3A_1276, %sub3A_1274 : vector<16xf32>
        %add3A_1278 = arith.constant 0.223252654 : f32
        %add3A_1279 = vector.broadcast %add3A_1278 : f32 to vector<16xf32>
        %add3A_1280 = arith.addf %mul3A_1277, %add3A_1279 : vector<16xf32>
        %mul3A_1281 = arith.mulf %add3A_1280, %sub3A_1274 : vector<16xf32>
        %add3A_1282 = arith.constant -0.254872978 : f32
        %add3A_1283 = vector.broadcast %add3A_1282 : f32 to vector<16xf32>
        %add3A_1284 = arith.addf %mul3A_1281, %add3A_1283 : vector<16xf32>
        %mul3A_1285 = arith.mulf %add3A_1284, %sub3A_1274 : vector<16xf32>
        %add3A_1286 = arith.constant 0.33224234 : f32
        %add3A_1287 = vector.broadcast %add3A_1286 : f32 to vector<16xf32>
        %add3A_1288 = arith.addf %mul3A_1285, %add3A_1287 : vector<16xf32>
        %mul3A_1289 = arith.mulf %add3A_1288, %sub3A_1274 : vector<16xf32>
        %add3A_1290 = arith.constant -0.499844044 : f32
        %add3A_1291 = vector.broadcast %add3A_1290 : f32 to vector<16xf32>
        %add3A_1292 = arith.addf %mul3A_1289, %add3A_1291 : vector<16xf32>
        %mul3A_1293 = arith.mulf %add3A_1292, %sub3A_1274 : vector<16xf32>
        %add3A_1294 = arith.constant 1.00001442 : f32
        %add3A_1295 = vector.broadcast %add3A_1294 : f32 to vector<16xf32>
        %add3A_1296 = arith.addf %mul3A_1293, %add3A_1295 : vector<16xf32>
        %mul3A_1297 = arith.mulf %add3A_1296, %sub3A_1274 : vector<16xf32>
        %add3A_1298 = arith.constant -5.35274805E-15 : f32
        %add3A_1299 = vector.broadcast %add3A_1298 : f32 to vector<16xf32>
        %add3A_1300 = arith.addf %mul3A_1297, %add3A_1299 : vector<16xf32>
        %convert_element_type3A_1301 = arith.sitofp %shift_right_arithmetic3A_1266 : vector<16xi32> to vector<16xf32>
        %mul3A_1302 = arith.constant 0.693147182 : f32
        %mul3A_1303 = vector.broadcast %mul3A_1302 : f32 to vector<16xf32>
        %mul3A_1304 = arith.mulf %convert_element_type3A_1301, %mul3A_1303 : vector<16xf32>
        %add3A_1305 = arith.addf %mul3A_1304, %add3A_1300 : vector<16xf32>
        %mul3A_1306 = arith.constant 8 : i32
        %mul3A_1307 = arith.muli %scan3A_1117, %mul3A_1306 : i32
        %add3A_1308 = arith.constant 3 : i32
        %add3A_1309 = arith.addi %mul3A_1307, %add3A_1308 : i32
        %mul3A_1310 = arith.constant 16 : i32
        %mul3A_1311 = arith.muli %add3A_1309, %mul3A_1310 : i32
        %get3A_1312 = arith.constant 1 : i32
        %get3A_1313 = arith.index_cast %get3A_1312 : i32 to index
        %get3A_1314 = arith.index_cast %mul3A_1311 : i32 to index
        %get3A_1315 = tpu.vector_load %arg8[%get3A_1313, %get3A_1314] {strides = array<i32>} : memref<2x2560xi32, #tpu.memory_space<vmem>>, vector<16xi32>,
        %get3A_1316 = arith.index_cast %mul3A_1311 : i32 to index
        %get3A_1317 = tpu.vector_load %arg10[%get3A_1316] {strides = array<i32>} : memref<2560xf32, #tpu.memory_space<vmem>>, vector<16xf32>,
        %sub3A_1318 = arith.constant 1.000000e+00 : f32
        %sub3A_1319 = vector.broadcast %sub3A_1318 : f32 to vector<16xf32>
        %sub3A_1320 = arith.subf %sub3A_1319, %get3A_1317 : vector<16xf32>
        %add3A_1321 = arith.constant 9.99999997E-7 : f32
        %add3A_1322 = vector.broadcast %add3A_1321 : f32 to vector<16xf32>
        %add3A_1323 = arith.addf %sub3A_1320, %add3A_1322 : vector<16xf32>
        %bitcast3A_1324 = vector.bitcast %add3A_1323 : vector<16xf32> to vector<16xi32>
        %sub3A_1325 = arith.constant 1060439283 : i32
        %sub3A_1326 = vector.broadcast %sub3A_1325 : i32 to vector<16xi32>
        %sub3A_1327 = arith.subi %bitcast3A_1324, %sub3A_1326 : vector<16xi32>
        %shift_right_arithmetic3A_1328 = arith.constant 23 : i32
        %shift_right_arithmetic3A_1329 = vector.broadcast %shift_right_arithmetic3A_1328 : i32 to vector<16xi32>
        %shift_right_arithmetic3A_1330 = arith.shrsi %sub3A_1327, %shift_right_arithmetic3A_1329 : vector<16xi32>
        %shift_left3A_1331 = arith.constant 23 : i32
        %shift_left3A_1332 = vector.broadcast %shift_left3A_1331 : i32 to vector<16xi32>
        %shift_left3A_1333 = arith.shli %shift_right_arithmetic3A_1330, %shift_left3A_1332 : vector<16xi32>
        %sub3A_1334 = arith.subi %bitcast3A_1324, %shift_left3A_1333 : vector<16xi32>
        %bitcast3A_1335 = vector.bitcast %sub3A_1334 : vector<16xi32> to vector<16xf32>
        %sub3A_1336 = arith.constant 1.000000e+00 : f32
        %sub3A_1337 = vector.broadcast %sub3A_1336 : f32 to vector<16xf32>
        %sub3A_1338 = arith.subf %bitcast3A_1335, %sub3A_1337 : vector<16xf32>
        %broadcast_in_dim3A_1339 = arith.constant -0.142301932 : f32
        %broadcast_in_dim3A_1340 = vector.broadcast %broadcast_in_dim3A_1339 : f32 to vector<16xf32>
        %mul3A_1341 = arith.mulf %broadcast_in_dim3A_1340, %sub3A_1338 : vector<16xf32>
        %add3A_1342 = arith.constant 0.223252654 : f32
        %add3A_1343 = vector.broadcast %add3A_1342 : f32 to vector<16xf32>
        %add3A_1344 = arith.addf %mul3A_1341, %add3A_1343 : vector<16xf32>
        %mul3A_1345 = arith.mulf %add3A_1344, %sub3A_1338 : vector<16xf32>
        %add3A_1346 = arith.constant -0.254872978 : f32
        %add3A_1347 = vector.broadcast %add3A_1346 : f32 to vector<16xf32>
        %add3A_1348 = arith.addf %mul3A_1345, %add3A_1347 : vector<16xf32>
        %mul3A_1349 = arith.mulf %add3A_1348, %sub3A_1338 : vector<16xf32>
        %add3A_1350 = arith.constant 0.33224234 : f32
        %add3A_1351 = vector.broadcast %add3A_1350 : f32 to vector<16xf32>
        %add3A_1352 = arith.addf %mul3A_1349, %add3A_1351 : vector<16xf32>
        %mul3A_1353 = arith.mulf %add3A_1352, %sub3A_1338 : vector<16xf32>
        %add3A_1354 = arith.constant -0.499844044 : f32
        %add3A_1355 = vector.broadcast %add3A_1354 : f32 to vector<16xf32>
        %add3A_1356 = arith.addf %mul3A_1353, %add3A_1355 : vector<16xf32>
        %mul3A_1357 = arith.mulf %add3A_1356, %sub3A_1338 : vector<16xf32>
        %add3A_1358 = arith.constant 1.00001442 : f32
        %add3A_1359 = vector.broadcast %add3A_1358 : f32 to vector<16xf32>
        %add3A_1360 = arith.addf %mul3A_1357, %add3A_1359 : vector<16xf32>
        %mul3A_1361 = arith.mulf %add3A_1360, %sub3A_1338 : vector<16xf32>
        %add3A_1362 = arith.constant -5.35274805E-15 : f32
        %add3A_1363 = vector.broadcast %add3A_1362 : f32 to vector<16xf32>
        %add3A_1364 = arith.addf %mul3A_1361, %add3A_1363 : vector<16xf32>
        %convert_element_type3A_1365 = arith.sitofp %shift_right_arithmetic3A_1330 : vector<16xi32> to vector<16xf32>
        %mul3A_1366 = arith.constant 0.693147182 : f32
        %mul3A_1367 = vector.broadcast %mul3A_1366 : f32 to vector<16xf32>
        %mul3A_1368 = arith.mulf %convert_element_type3A_1365, %mul3A_1367 : vector<16xf32>
        %add3A_1369 = arith.addf %mul3A_1368, %add3A_1364 : vector<16xf32>
        %mul3A_1370 = arith.constant 8 : i32
        %mul3A_1371 = arith.muli %scan3A_1117, %mul3A_1370 : i32
        %add3A_1372 = arith.constant 4 : i32
        %add3A_1373 = arith.addi %mul3A_1371, %add3A_1372 : i32
        %mul3A_1374 = arith.constant 16 : i32
        %mul3A_1375 = arith.muli %add3A_1373, %mul3A_1374 : i32
        %get3A_1376 = arith.constant 1 : i32
        %get3A_1377 = arith.index_cast %get3A_1376 : i32 to index
        %get3A_1378 = arith.index_cast %mul3A_1375 : i32 to index
        %get3A_1379 = tpu.vector_load %arg8[%get3A_1377, %get3A_1378] {strides = array<i32>} : memref<2x2560xi32, #tpu.memory_space<vmem>>, vector<16xi32>,
        %get3A_1380 = arith.index_cast %mul3A_1375 : i32 to index
        %get3A_1381 = tpu.vector_load %arg10[%get3A_1380] {strides = array<i32>} : memref<2560xf32, #tpu.memory_space<vmem>>, vector<16xf32>,
        %sub3A_1382 = arith.constant 1.000000e+00 : f32
        %sub3A_1383 = vector.broadcast %sub3A_1382 : f32 to vector<16xf32>
        %sub3A_1384 = arith.subf %sub3A_1383, %get3A_1381 : vector<16xf32>
        %add3A_1385 = arith.constant 9.99999997E-7 : f32
        %add3A_1386 = vector.broadcast %add3A_1385 : f32 to vector<16xf32>
        %add3A_1387 = arith.addf %sub3A_1384, %add3A_1386 : vector<16xf32>
        %bitcast3A_1388 = vector.bitcast %add3A_1387 : vector<16xf32> to vector<16xi32>
        %sub3A_1389 = arith.constant 1060439283 : i32
        %sub3A_1390 = vector.broadcast %sub3A_1389 : i32 to vector<16xi32>
        %sub3A_1391 = arith.subi %bitcast3A_1388, %sub3A_1390 : vector<16xi32>
        %shift_right_arithmetic3A_1392 = arith.constant 23 : i32
        %shift_right_arithmetic3A_1393 = vector.broadcast %shift_right_arithmetic3A_1392 : i32 to vector<16xi32>
        %shift_right_arithmetic3A_1394 = arith.shrsi %sub3A_1391, %shift_right_arithmetic3A_1393 : vector<16xi32>
        %shift_left3A_1395 = arith.constant 23 : i32
        %shift_left3A_1396 = vector.broadcast %shift_left3A_1395 : i32 to vector<16xi32>
        %shift_left3A_1397 = arith.shli %shift_right_arithmetic3A_1394, %shift_left3A_1396 : vector<16xi32>
        %sub3A_1398 = arith.subi %bitcast3A_1388, %shift_left3A_1397 : vector<16xi32>
        %bitcast3A_1399 = vector.bitcast %sub3A_1398 : vector<16xi32> to vector<16xf32>
        %sub3A_1400 = arith.constant 1.000000e+00 : f32
        %sub3A_1401 = vector.broadcast %sub3A_1400 : f32 to vector<16xf32>
        %sub3A_1402 = arith.subf %bitcast3A_1399, %sub3A_1401 : vector<16xf32>
        %broadcast_in_dim3A_1403 = arith.constant -0.142301932 : f32
        %broadcast_in_dim3A_1404 = vector.broadcast %broadcast_in_dim3A_1403 : f32 to vector<16xf32>
        %mul3A_1405 = arith.mulf %broadcast_in_dim3A_1404, %sub3A_1402 : vector<16xf32>
        %add3A_1406 = arith.constant 0.223252654 : f32
        %add3A_1407 = vector.broadcast %add3A_1406 : f32 to vector<16xf32>
        %add3A_1408 = arith.addf %mul3A_1405, %add3A_1407 : vector<16xf32>
        %mul3A_1409 = arith.mulf %add3A_1408, %sub3A_1402 : vector<16xf32>
        %add3A_1410 = arith.constant -0.254872978 : f32
        %add3A_1411 = vector.broadcast %add3A_1410 : f32 to vector<16xf32>
        %add3A_1412 = arith.addf %mul3A_1409, %add3A_1411 : vector<16xf32>
        %mul3A_1413 = arith.mulf %add3A_1412, %sub3A_1402 : vector<16xf32>
        %add3A_1414 = arith.constant 0.33224234 : f32
        %add3A_1415 = vector.broadcast %add3A_1414 : f32 to vector<16xf32>
        %add3A_1416 = arith.addf %mul3A_1413, %add3A_1415 : vector<16xf32>
        %mul3A_1417 = arith.mulf %add3A_1416, %sub3A_1402 : vector<16xf32>
        %add3A_1418 = arith.constant -0.499844044 : f32
        %add3A_1419 = vector.broadcast %add3A_1418 : f32 to vector<16xf32>
        %add3A_1420 = arith.addf %mul3A_1417, %add3A_1419 : vector<16xf32>
        %mul3A_1421 = arith.mulf %add3A_1420, %sub3A_1402 : vector<16xf32>
        %add3A_1422 = arith.constant 1.00001442 : f32
        %add3A_1423 = vector.broadcast %add3A_1422 : f32 to vector<16xf32>
        %add3A_1424 = arith.addf %mul3A_1421, %add3A_1423 : vector<16xf32>
        %mul3A_1425 = arith.mulf %add3A_1424, %sub3A_1402 : vector<16xf32>
        %add3A_1426 = arith.constant -5.35274805E-15 : f32
        %add3A_1427 = vector.broadcast %add3A_1426 : f32 to vector<16xf32>
        %add3A_1428 = arith.addf %mul3A_1425, %add3A_1427 : vector<16xf32>
        %convert_element_type3A_1429 = arith.sitofp %shift_right_arithmetic3A_1394 : vector<16xi32> to vector<16xf32>
        %mul3A_1430 = arith.constant 0.693147182 : f32
        %mul3A_1431 = vector.broadcast %mul3A_1430 : f32 to vector<16xf32>
        %mul3A_1432 = arith.mulf %convert_element_type3A_1429, %mul3A_1431 : vector<16xf32>
        %add3A_1433 = arith.addf %mul3A_1432, %add3A_1428 : vector<16xf32>
        %mul3A_1434 = arith.constant 8 : i32
        %mul3A_1435 = arith.muli %scan3A_1117, %mul3A_1434 : i32
        %add3A_1436 = arith.constant 5 : i32
        %add3A_1437 = arith.addi %mul3A_1435, %add3A_1436 : i32
        %mul3A_1438 = arith.constant 16 : i32
        %mul3A_1439 = arith.muli %add3A_1437, %mul3A_1438 : i32
        %get3A_1440 = arith.constant 1 : i32
        %get3A_1441 = arith.index_cast %get3A_1440 : i32 to index
        %get3A_1442 = arith.index_cast %mul3A_1439 : i32 to index
        %get3A_1443 = tpu.vector_load %arg8[%get3A_1441, %get3A_1442] {strides = array<i32>} : memref<2x2560xi32, #tpu.memory_space<vmem>>, vector<16xi32>,
        %get3A_1444 = arith.index_cast %mul3A_1439 : i32 to index
        %get3A_1445 = tpu.vector_load %arg10[%get3A_1444] {strides = array<i32>} : memref<2560xf32, #tpu.memory_space<vmem>>, vector<16xf32>,
        %sub3A_1446 = arith.constant 1.000000e+00 : f32
        %sub3A_1447 = vector.broadcast %sub3A_1446 : f32 to vector<16xf32>
        %sub3A_1448 = arith.subf %sub3A_1447, %get3A_1445 : vector<16xf32>
        %add3A_1449 = arith.constant 9.99999997E-7 : f32
        %add3A_1450 = vector.broadcast %add3A_1449 : f32 to vector<16xf32>
        %add3A_1451 = arith.addf %sub3A_1448, %add3A_1450 : vector<16xf32>
        %bitcast3A_1452 = vector.bitcast %add3A_1451 : vector<16xf32> to vector<16xi32>
        %sub3A_1453 = arith.constant 1060439283 : i32
        %sub3A_1454 = vector.broadcast %sub3A_1453 : i32 to vector<16xi32>
        %sub3A_1455 = arith.subi %bitcast3A_1452, %sub3A_1454 : vector<16xi32>
        %shift_right_arithmetic3A_1456 = arith.constant 23 : i32
        %shift_right_arithmetic3A_1457 = vector.broadcast %shift_right_arithmetic3A_1456 : i32 to vector<16xi32>
        %shift_right_arithmetic3A_1458 = arith.shrsi %sub3A_1455, %shift_right_arithmetic3A_1457 : vector<16xi32>
        %shift_left3A_1459 = arith.constant 23 : i32
        %shift_left3A_1460 = vector.broadcast %shift_left3A_1459 : i32 to vector<16xi32>
        %shift_left3A_1461 = arith.shli %shift_right_arithmetic3A_1458, %shift_left3A_1460 : vector<16xi32>
        %sub3A_1462 = arith.subi %bitcast3A_1452, %shift_left3A_1461 : vector<16xi32>
        %bitcast3A_1463 = vector.bitcast %sub3A_1462 : vector<16xi32> to vector<16xf32>
        %sub3A_1464 = arith.constant 1.000000e+00 : f32
        %sub3A_1465 = vector.broadcast %sub3A_1464 : f32 to vector<16xf32>
        %sub3A_1466 = arith.subf %bitcast3A_1463, %sub3A_1465 : vector<16xf32>
        %broadcast_in_dim3A_1467 = arith.constant -0.142301932 : f32
        %broadcast_in_dim3A_1468 = vector.broadcast %broadcast_in_dim3A_1467 : f32 to vector<16xf32>
        %mul3A_1469 = arith.mulf %broadcast_in_dim3A_1468, %sub3A_1466 : vector<16xf32>
        %add3A_1470 = arith.constant 0.223252654 : f32
        %add3A_1471 = vector.broadcast %add3A_1470 : f32 to vector<16xf32>
        %add3A_1472 = arith.addf %mul3A_1469, %add3A_1471 : vector<16xf32>
        %mul3A_1473 = arith.mulf %add3A_1472, %sub3A_1466 : vector<16xf32>
        %add3A_1474 = arith.constant -0.254872978 : f32
        %add3A_1475 = vector.broadcast %add3A_1474 : f32 to vector<16xf32>
        %add3A_1476 = arith.addf %mul3A_1473, %add3A_1475 : vector<16xf32>
        %mul3A_1477 = arith.mulf %add3A_1476, %sub3A_1466 : vector<16xf32>
        %add3A_1478 = arith.constant 0.33224234 : f32
        %add3A_1479 = vector.broadcast %add3A_1478 : f32 to vector<16xf32>
        %add3A_1480 = arith.addf %mul3A_1477, %add3A_1479 : vector<16xf32>
        %mul3A_1481 = arith.mulf %add3A_1480, %sub3A_1466 : vector<16xf32>
        %add3A_1482 = arith.constant -0.499844044 : f32
        %add3A_1483 = vector.broadcast %add3A_1482 : f32 to vector<16xf32>
        %add3A_1484 = arith.addf %mul3A_1481, %add3A_1483 : vector<16xf32>
        %mul3A_1485 = arith.mulf %add3A_1484, %sub3A_1466 : vector<16xf32>
        %add3A_1486 = arith.constant 1.00001442 : f32
        %add3A_1487 = vector.broadcast %add3A_1486 : f32 to vector<16xf32>
        %add3A_1488 = arith.addf %mul3A_1485, %add3A_1487 : vector<16xf32>
        %mul3A_1489 = arith.mulf %add3A_1488, %sub3A_1466 : vector<16xf32>
        %add3A_1490 = arith.constant -5.35274805E-15 : f32
        %add3A_1491 = vector.broadcast %add3A_1490 : f32 to vector<16xf32>
        %add3A_1492 = arith.addf %mul3A_1489, %add3A_1491 : vector<16xf32>
        %convert_element_type3A_1493 = arith.sitofp %shift_right_arithmetic3A_1458 : vector<16xi32> to vector<16xf32>
        %mul3A_1494 = arith.constant 0.693147182 : f32
        %mul3A_1495 = vector.broadcast %mul3A_1494 : f32 to vector<16xf32>
        %mul3A_1496 = arith.mulf %convert_element_type3A_1493, %mul3A_1495 : vector<16xf32>
        %add3A_1497 = arith.addf %mul3A_1496, %add3A_1492 : vector<16xf32>
        %mul3A_1498 = arith.constant 8 : i32
        %mul3A_1499 = arith.muli %scan3A_1117, %mul3A_1498 : i32
        %add3A_1500 = arith.constant 6 : i32
        %add3A_1501 = arith.addi %mul3A_1499, %add3A_1500 : i32
        %mul3A_1502 = arith.constant 16 : i32
        %mul3A_1503 = arith.muli %add3A_1501, %mul3A_1502 : i32
        %get3A_1504 = arith.constant 1 : i32
        %get3A_1505 = arith.index_cast %get3A_1504 : i32 to index
        %get3A_1506 = arith.index_cast %mul3A_1503 : i32 to index
        %get3A_1507 = tpu.vector_load %arg8[%get3A_1505, %get3A_1506] {strides = array<i32>} : memref<2x2560xi32, #tpu.memory_space<vmem>>, vector<16xi32>,
        %get3A_1508 = arith.index_cast %mul3A_1503 : i32 to index
        %get3A_1509 = tpu.vector_load %arg10[%get3A_1508] {strides = array<i32>} : memref<2560xf32, #tpu.memory_space<vmem>>, vector<16xf32>,
        %sub3A_1510 = arith.constant 1.000000e+00 : f32
        %sub3A_1511 = vector.broadcast %sub3A_1510 : f32 to vector<16xf32>
        %sub3A_1512 = arith.subf %sub3A_1511, %get3A_1509 : vector<16xf32>
        %add3A_1513 = arith.constant 9.99999997E-7 : f32
        %add3A_1514 = vector.broadcast %add3A_1513 : f32 to vector<16xf32>
        %add3A_1515 = arith.addf %sub3A_1512, %add3A_1514 : vector<16xf32>
        %bitcast3A_1516 = vector.bitcast %add3A_1515 : vector<16xf32> to vector<16xi32>
        %sub3A_1517 = arith.constant 1060439283 : i32
        %sub3A_1518 = vector.broadcast %sub3A_1517 : i32 to vector<16xi32>
        %sub3A_1519 = arith.subi %bitcast3A_1516, %sub3A_1518 : vector<16xi32>
        %shift_right_arithmetic3A_1520 = arith.constant 23 : i32
        %shift_right_arithmetic3A_1521 = vector.broadcast %shift_right_arithmetic3A_1520 : i32 to vector<16xi32>
        %shift_right_arithmetic3A_1522 = arith.shrsi %sub3A_1519, %shift_right_arithmetic3A_1521 : vector<16xi32>
        %shift_left3A_1523 = arith.constant 23 : i32
        %shift_left3A_1524 = vector.broadcast %shift_left3A_1523 : i32 to vector<16xi32>
        %shift_left3A_1525 = arith.shli %shift_right_arithmetic3A_1522, %shift_left3A_1524 : vector<16xi32>
        %sub3A_1526 = arith.subi %bitcast3A_1516, %shift_left3A_1525 : vector<16xi32>
        %bitcast3A_1527 = vector.bitcast %sub3A_1526 : vector<16xi32> to vector<16xf32>
        %sub3A_1528 = arith.constant 1.000000e+00 : f32
        %sub3A_1529 = vector.broadcast %sub3A_1528 : f32 to vector<16xf32>
        %sub3A_1530 = arith.subf %bitcast3A_1527, %sub3A_1529 : vector<16xf32>
        %broadcast_in_dim3A_1531 = arith.constant -0.142301932 : f32
        %broadcast_in_dim3A_1532 = vector.broadcast %broadcast_in_dim3A_1531 : f32 to vector<16xf32>
        %mul3A_1533 = arith.mulf %broadcast_in_dim3A_1532, %sub3A_1530 : vector<16xf32>
        %add3A_1534 = arith.constant 0.223252654 : f32
        %add3A_1535 = vector.broadcast %add3A_1534 : f32 to vector<16xf32>
        %add3A_1536 = arith.addf %mul3A_1533, %add3A_1535 : vector<16xf32>
        %mul3A_1537 = arith.mulf %add3A_1536, %sub3A_1530 : vector<16xf32>
        %add3A_1538 = arith.constant -0.254872978 : f32
        %add3A_1539 = vector.broadcast %add3A_1538 : f32 to vector<16xf32>
        %add3A_1540 = arith.addf %mul3A_1537, %add3A_1539 : vector<16xf32>
        %mul3A_1541 = arith.mulf %add3A_1540, %sub3A_1530 : vector<16xf32>
        %add3A_1542 = arith.constant 0.33224234 : f32
        %add3A_1543 = vector.broadcast %add3A_1542 : f32 to vector<16xf32>
        %add3A_1544 = arith.addf %mul3A_1541, %add3A_1543 : vector<16xf32>
        %mul3A_1545 = arith.mulf %add3A_1544, %sub3A_1530 : vector<16xf32>
        %add3A_1546 = arith.constant -0.499844044 : f32
        %add3A_1547 = vector.broadcast %add3A_1546 : f32 to vector<16xf32>
        %add3A_1548 = arith.addf %mul3A_1545, %add3A_1547 : vector<16xf32>
        %mul3A_1549 = arith.mulf %add3A_1548, %sub3A_1530 : vector<16xf32>
        %add3A_1550 = arith.constant 1.00001442 : f32
        %add3A_1551 = vector.broadcast %add3A_1550 : f32 to vector<16xf32>
        %add3A_1552 = arith.addf %mul3A_1549, %add3A_1551 : vector<16xf32>
        %mul3A_1553 = arith.mulf %add3A_1552, %sub3A_1530 : vector<16xf32>
        %add3A_1554 = arith.constant -5.35274805E-15 : f32
        %add3A_1555 = vector.broadcast %add3A_1554 : f32 to vector<16xf32>
        %add3A_1556 = arith.addf %mul3A_1553, %add3A_1555 : vector<16xf32>
        %convert_element_type3A_1557 = arith.sitofp %shift_right_arithmetic3A_1522 : vector<16xi32> to vector<16xf32>
        %mul3A_1558 = arith.constant 0.693147182 : f32
        %mul3A_1559 = vector.broadcast %mul3A_1558 : f32 to vector<16xf32>
        %mul3A_1560 = arith.mulf %convert_element_type3A_1557, %mul3A_1559 : vector<16xf32>
        %add3A_1561 = arith.addf %mul3A_1560, %add3A_1556 : vector<16xf32>
        %mul3A_1562 = arith.constant 8 : i32
        %mul3A_1563 = arith.muli %scan3A_1117, %mul3A_1562 : i32
        %add3A_1564 = arith.constant 7 : i32
        %add3A_1565 = arith.addi %mul3A_1563, %add3A_1564 : i32
        %mul3A_1566 = arith.constant 16 : i32
        %mul3A_1567 = arith.muli %add3A_1565, %mul3A_1566 : i32
        %get3A_1568 = arith.constant 1 : i32
        %get3A_1569 = arith.index_cast %get3A_1568 : i32 to index
        %get3A_1570 = arith.index_cast %mul3A_1567 : i32 to index
        %get3A_1571 = tpu.vector_load %arg8[%get3A_1569, %get3A_1570] {strides = array<i32>} : memref<2x2560xi32, #tpu.memory_space<vmem>>, vector<16xi32>,
        %get3A_1572 = arith.index_cast %mul3A_1567 : i32 to index
        %get3A_1573 = tpu.vector_load %arg10[%get3A_1572] {strides = array<i32>} : memref<2560xf32, #tpu.memory_space<vmem>>, vector<16xf32>,
        %sub3A_1574 = arith.constant 1.000000e+00 : f32
        %sub3A_1575 = vector.broadcast %sub3A_1574 : f32 to vector<16xf32>
        %sub3A_1576 = arith.subf %sub3A_1575, %get3A_1573 : vector<16xf32>
        %add3A_1577 = arith.constant 9.99999997E-7 : f32
        %add3A_1578 = vector.broadcast %add3A_1577 : f32 to vector<16xf32>
        %add3A_1579 = arith.addf %sub3A_1576, %add3A_1578 : vector<16xf32>
        %bitcast3A_1580 = vector.bitcast %add3A_1579 : vector<16xf32> to vector<16xi32>
        %sub3A_1581 = arith.constant 1060439283 : i32
        %sub3A_1582 = vector.broadcast %sub3A_1581 : i32 to vector<16xi32>
        %sub3A_1583 = arith.subi %bitcast3A_1580, %sub3A_1582 : vector<16xi32>
        %shift_right_arithmetic3A_1584 = arith.constant 23 : i32
        %shift_right_arithmetic3A_1585 = vector.broadcast %shift_right_arithmetic3A_1584 : i32 to vector<16xi32>
        %shift_right_arithmetic3A_1586 = arith.shrsi %sub3A_1583, %shift_right_arithmetic3A_1585 : vector<16xi32>
        %shift_left3A_1587 = arith.constant 23 : i32
        %shift_left3A_1588 = vector.broadcast %shift_left3A_1587 : i32 to vector<16xi32>
        %shift_left3A_1589 = arith.shli %shift_right_arithmetic3A_1586, %shift_left3A_1588 : vector<16xi32>
        %sub3A_1590 = arith.subi %bitcast3A_1580, %shift_left3A_1589 : vector<16xi32>
        %bitcast3A_1591 = vector.bitcast %sub3A_1590 : vector<16xi32> to vector<16xf32>
        %sub3A_1592 = arith.constant 1.000000e+00 : f32
        %sub3A_1593 = vector.broadcast %sub3A_1592 : f32 to vector<16xf32>
        %sub3A_1594 = arith.subf %bitcast3A_1591, %sub3A_1593 : vector<16xf32>
        %broadcast_in_dim3A_1595 = arith.constant -0.142301932 : f32
        %broadcast_in_dim3A_1596 = vector.broadcast %broadcast_in_dim3A_1595 : f32 to vector<16xf32>
        %mul3A_1597 = arith.mulf %broadcast_in_dim3A_1596, %sub3A_1594 : vector<16xf32>
        %add3A_1598 = arith.constant 0.223252654 : f32
        %add3A_1599 = vector.broadcast %add3A_1598 : f32 to vector<16xf32>
        %add3A_1600 = arith.addf %mul3A_1597, %add3A_1599 : vector<16xf32>
        %mul3A_1601 = arith.mulf %add3A_1600, %sub3A_1594 : vector<16xf32>
        %add3A_1602 = arith.constant -0.254872978 : f32
        %add3A_1603 = vector.broadcast %add3A_1602 : f32 to vector<16xf32>
        %add3A_1604 = arith.addf %mul3A_1601, %add3A_1603 : vector<16xf32>
        %mul3A_1605 = arith.mulf %add3A_1604, %sub3A_1594 : vector<16xf32>
        %add3A_1606 = arith.constant 0.33224234 : f32
        %add3A_1607 = vector.broadcast %add3A_1606 : f32 to vector<16xf32>
        %add3A_1608 = arith.addf %mul3A_1605, %add3A_1607 : vector<16xf32>
        %mul3A_1609 = arith.mulf %add3A_1608, %sub3A_1594 : vector<16xf32>
        %add3A_1610 = arith.constant -0.499844044 : f32
        %add3A_1611 = vector.broadcast %add3A_1610 : f32 to vector<16xf32>
        %add3A_1612 = arith.addf %mul3A_1609, %add3A_1611 : vector<16xf32>
        %mul3A_1613 = arith.mulf %add3A_1612, %sub3A_1594 : vector<16xf32>
        %add3A_1614 = arith.constant 1.00001442 : f32
        %add3A_1615 = vector.broadcast %add3A_1614 : f32 to vector<16xf32>
        %add3A_1616 = arith.addf %mul3A_1613, %add3A_1615 : vector<16xf32>
        %mul3A_1617 = arith.mulf %add3A_1616, %sub3A_1594 : vector<16xf32>
        %add3A_1618 = arith.constant -5.35274805E-15 : f32
        %add3A_1619 = vector.broadcast %add3A_1618 : f32 to vector<16xf32>
        %add3A_1620 = arith.addf %mul3A_1617, %add3A_1619 : vector<16xf32>
        %convert_element_type3A_1621 = arith.sitofp %shift_right_arithmetic3A_1586 : vector<16xi32> to vector<16xf32>
        %mul3A_1622 = arith.constant 0.693147182 : f32
        %mul3A_1623 = vector.broadcast %mul3A_1622 : f32 to vector<16xf32>
        %mul3A_1624 = arith.mulf %convert_element_type3A_1621, %mul3A_1623 : vector<16xf32>
        %add3A_1625 = arith.addf %mul3A_1624, %add3A_1620 : vector<16xf32>
        tpu.vector_store_idx %arg7[%get3A_1127], %add3A_1177 {add = true} : memref<100352xf32, #tpu.memory_space<vmem>>[vector<16xi32>], vector<16xf32>,
        tpu.vector_store_idx %arg7[%get3A_1187], %add3A_1241 {add = true} : memref<100352xf32, #tpu.memory_space<vmem>>[vector<16xi32>], vector<16xf32>,
        tpu.vector_store_idx %arg7[%get3A_1251], %add3A_1305 {add = true} : memref<100352xf32, #tpu.memory_space<vmem>>[vector<16xi32>], vector<16xf32>,
        tpu.vector_store_idx %arg7[%get3A_1315], %add3A_1369 {add = true} : memref<100352xf32, #tpu.memory_space<vmem>>[vector<16xi32>], vector<16xf32>,
        tpu.vector_store_idx %arg7[%get3A_1379], %add3A_1433 {add = true} : memref<100352xf32, #tpu.memory_space<vmem>>[vector<16xi32>], vector<16xf32>,
        tpu.vector_store_idx %arg7[%get3A_1443], %add3A_1497 {add = true} : memref<100352xf32, #tpu.memory_space<vmem>>[vector<16xi32>], vector<16xf32>,
        tpu.vector_store_idx %arg7[%get3A_1507], %add3A_1561 {add = true} : memref<100352xf32, #tpu.memory_space<vmem>>[vector<16xi32>], vector<16xf32>,
        tpu.vector_store_idx %arg7[%get3A_1571], %add3A_1625 {add = true} : memref<100352xf32, #tpu.memory_space<vmem>>[vector<16xi32>], vector<16xf32>,
      }
      %scan3A_1116 = arith.constant 20 : i32
    } else {
    }
    %mul3A_1099 = arith.constant 100352 : i32
    %mul3A_1100 = arith.muli %add3A, %mul3A_1099 : i32
    "tpu.region"() ({
      %run_scoped3A = tpu.sem_alloc : memref<!tpu.dma_semaphore, #tpu.memory_space<semaphore_mem>>
      %dma_start3A_1101 = tpu.memref_slice %arg5[%mul3A_1100] : memref<3211264xf32, #tpu.memory_space<hbm>> -> memref<100352xf32, #tpu.memory_space<hbm>>
      %dma_start3A_1102 = tpu.memref_slice %arg5[%mul3A_1100] : memref<3211264xf32, #tpu.memory_space<hbm>> -> memref<100352xf32, #tpu.memory_space<hbm>>
      tpu.enqueue_dma source(%arg7 : memref<100352xf32, #tpu.memory_space<vmem>>) target(%dma_start3A_1102 : memref<100352xf32, #tpu.memory_space<hbm>>) target_semaphore(%run_scoped3A : memref<!tpu.dma_semaphore, #tpu.memory_space<semaphore_mem>>)
      %dma_wait3A_1103 = tpu.memref_slice %arg5[%mul3A_1100] : memref<3211264xf32, #tpu.memory_space<hbm>> -> memref<100352xf32, #tpu.memory_space<hbm>>
      %dma_wait3A_1104 = tpu.memref_slice %arg5[%mul3A_1100] : memref<3211264xf32, #tpu.memory_space<hbm>> -> memref<100352xf32, #tpu.memory_space<hbm>>
      tpu.wait_dma2 semaphore(%run_scoped3A : memref<!tpu.dma_semaphore, #tpu.memory_space<semaphore_mem>>) src(%arg7 : memref<100352xf32, #tpu.memory_space<vmem>>) dst(%dma_wait3A_1104 : memref<100352xf32, #tpu.memory_space<hbm>>)
      tpu.yield
    }) : () -> ()
    return
  }
}

module attributes {stable_mosaic.version = 14 : i64} {
  func.func @body(%arg0: memref<3211264xf32, #tpu.memory_space<vmem>>, %arg1: memref<512xf32, #tpu.memory_space<vmem>>, %arg2: memref<1x1xf32, #tpu.memory_space<vmem>>) attributes {dimension_semantics = [], scalar_prefetch = 0 : i64, scratch_operands = 0 : i64, tpu.core_type = #tpu.core_type<tc>} {
    %get3A = arith.constant 0 : index
    %get3A_0 = vector.load %arg0[%get3A] : memref<3211264xf32, #tpu.memory_space<vmem>>, vector<100352xf32>
    %get3A_1 = arith.constant 100352 : index
    %get3A_2 = vector.load %arg0[%get3A_1] : memref<3211264xf32, #tpu.memory_space<vmem>>, vector<100352xf32>
    %add3A = arith.addf %get3A_0, %get3A_2 : vector<100352xf32>
    %get3A_3 = arith.constant 200704 : index
    %get3A_4 = vector.load %arg0[%get3A_3] : memref<3211264xf32, #tpu.memory_space<vmem>>, vector<100352xf32>
    %add3A_5 = arith.addf %add3A, %get3A_4 : vector<100352xf32>
    %get3A_6 = arith.constant 301056 : index
    %get3A_7 = vector.load %arg0[%get3A_6] : memref<3211264xf32, #tpu.memory_space<vmem>>, vector<100352xf32>
    %add3A_8 = arith.addf %add3A_5, %get3A_7 : vector<100352xf32>
    %get3A_9 = arith.constant 401408 : index
    %get3A_10 = vector.load %arg0[%get3A_9] : memref<3211264xf32, #tpu.memory_space<vmem>>, vector<100352xf32>
    %add3A_11 = arith.addf %add3A_8, %get3A_10 : vector<100352xf32>
    %get3A_12 = arith.constant 501760 : index
    %get3A_13 = vector.load %arg0[%get3A_12] : memref<3211264xf32, #tpu.memory_space<vmem>>, vector<100352xf32>
    %add3A_14 = arith.addf %add3A_11, %get3A_13 : vector<100352xf32>
    %get3A_15 = arith.constant 602112 : index
    %get3A_16 = vector.load %arg0[%get3A_15] : memref<3211264xf32, #tpu.memory_space<vmem>>, vector<100352xf32>
    %add3A_17 = arith.addf %add3A_14, %get3A_16 : vector<100352xf32>
    %get3A_18 = arith.constant 702464 : index
    %get3A_19 = vector.load %arg0[%get3A_18] : memref<3211264xf32, #tpu.memory_space<vmem>>, vector<100352xf32>
    %add3A_20 = arith.addf %add3A_17, %get3A_19 : vector<100352xf32>
    %get3A_21 = arith.constant 802816 : index
    %get3A_22 = vector.load %arg0[%get3A_21] : memref<3211264xf32, #tpu.memory_space<vmem>>, vector<100352xf32>
    %add3A_23 = arith.addf %add3A_20, %get3A_22 : vector<100352xf32>
    %get3A_24 = arith.constant 903168 : index
    %get3A_25 = vector.load %arg0[%get3A_24] : memref<3211264xf32, #tpu.memory_space<vmem>>, vector<100352xf32>
    %add3A_26 = arith.addf %add3A_23, %get3A_25 : vector<100352xf32>
    %get3A_27 = arith.constant 1003520 : index
    %get3A_28 = vector.load %arg0[%get3A_27] : memref<3211264xf32, #tpu.memory_space<vmem>>, vector<100352xf32>
    %add3A_29 = arith.addf %add3A_26, %get3A_28 : vector<100352xf32>
    %get3A_30 = arith.constant 1103872 : index
    %get3A_31 = vector.load %arg0[%get3A_30] : memref<3211264xf32, #tpu.memory_space<vmem>>, vector<100352xf32>
    %add3A_32 = arith.addf %add3A_29, %get3A_31 : vector<100352xf32>
    %get3A_33 = arith.constant 1204224 : index
    %get3A_34 = vector.load %arg0[%get3A_33] : memref<3211264xf32, #tpu.memory_space<vmem>>, vector<100352xf32>
    %add3A_35 = arith.addf %add3A_32, %get3A_34 : vector<100352xf32>
    %get3A_36 = arith.constant 1304576 : index
    %get3A_37 = vector.load %arg0[%get3A_36] : memref<3211264xf32, #tpu.memory_space<vmem>>, vector<100352xf32>
    %add3A_38 = arith.addf %add3A_35, %get3A_37 : vector<100352xf32>
    %get3A_39 = arith.constant 1404928 : index
    %get3A_40 = vector.load %arg0[%get3A_39] : memref<3211264xf32, #tpu.memory_space<vmem>>, vector<100352xf32>
    %add3A_41 = arith.addf %add3A_38, %get3A_40 : vector<100352xf32>
    %get3A_42 = arith.constant 1505280 : index
    %get3A_43 = vector.load %arg0[%get3A_42] : memref<3211264xf32, #tpu.memory_space<vmem>>, vector<100352xf32>
    %add3A_44 = arith.addf %add3A_41, %get3A_43 : vector<100352xf32>
    %get3A_45 = arith.constant 1605632 : index
    %get3A_46 = vector.load %arg0[%get3A_45] : memref<3211264xf32, #tpu.memory_space<vmem>>, vector<100352xf32>
    %add3A_47 = arith.addf %add3A_44, %get3A_46 : vector<100352xf32>
    %get3A_48 = arith.constant 1705984 : index
    %get3A_49 = vector.load %arg0[%get3A_48] : memref<3211264xf32, #tpu.memory_space<vmem>>, vector<100352xf32>
    %add3A_50 = arith.addf %add3A_47, %get3A_49 : vector<100352xf32>
    %get3A_51 = arith.constant 1806336 : index
    %get3A_52 = vector.load %arg0[%get3A_51] : memref<3211264xf32, #tpu.memory_space<vmem>>, vector<100352xf32>
    %add3A_53 = arith.addf %add3A_50, %get3A_52 : vector<100352xf32>
    %get3A_54 = arith.constant 1906688 : index
    %get3A_55 = vector.load %arg0[%get3A_54] : memref<3211264xf32, #tpu.memory_space<vmem>>, vector<100352xf32>
    %add3A_56 = arith.addf %add3A_53, %get3A_55 : vector<100352xf32>
    %get3A_57 = arith.constant 2007040 : index
    %get3A_58 = vector.load %arg0[%get3A_57] : memref<3211264xf32, #tpu.memory_space<vmem>>, vector<100352xf32>
    %add3A_59 = arith.addf %add3A_56, %get3A_58 : vector<100352xf32>
    %get3A_60 = arith.constant 2107392 : index
    %get3A_61 = vector.load %arg0[%get3A_60] : memref<3211264xf32, #tpu.memory_space<vmem>>, vector<100352xf32>
    %add3A_62 = arith.addf %add3A_59, %get3A_61 : vector<100352xf32>
    %get3A_63 = arith.constant 2207744 : index
    %get3A_64 = vector.load %arg0[%get3A_63] : memref<3211264xf32, #tpu.memory_space<vmem>>, vector<100352xf32>
    %add3A_65 = arith.addf %add3A_62, %get3A_64 : vector<100352xf32>
    %get3A_66 = arith.constant 2308096 : index
    %get3A_67 = vector.load %arg0[%get3A_66] : memref<3211264xf32, #tpu.memory_space<vmem>>, vector<100352xf32>
    %add3A_68 = arith.addf %add3A_65, %get3A_67 : vector<100352xf32>
    %get3A_69 = arith.constant 2408448 : index
    %get3A_70 = vector.load %arg0[%get3A_69] : memref<3211264xf32, #tpu.memory_space<vmem>>, vector<100352xf32>
    %add3A_71 = arith.addf %add3A_68, %get3A_70 : vector<100352xf32>
    %get3A_72 = arith.constant 2508800 : index
    %get3A_73 = vector.load %arg0[%get3A_72] : memref<3211264xf32, #tpu.memory_space<vmem>>, vector<100352xf32>
    %add3A_74 = arith.addf %add3A_71, %get3A_73 : vector<100352xf32>
    %get3A_75 = arith.constant 2609152 : index
    %get3A_76 = vector.load %arg0[%get3A_75] : memref<3211264xf32, #tpu.memory_space<vmem>>, vector<100352xf32>
    %add3A_77 = arith.addf %add3A_74, %get3A_76 : vector<100352xf32>
    %get3A_78 = arith.constant 2709504 : index
    %get3A_79 = vector.load %arg0[%get3A_78] : memref<3211264xf32, #tpu.memory_space<vmem>>, vector<100352xf32>
    %add3A_80 = arith.addf %add3A_77, %get3A_79 : vector<100352xf32>
    %get3A_81 = arith.constant 2809856 : index
    %get3A_82 = vector.load %arg0[%get3A_81] : memref<3211264xf32, #tpu.memory_space<vmem>>, vector<100352xf32>
    %add3A_83 = arith.addf %add3A_80, %get3A_82 : vector<100352xf32>
    %get3A_84 = arith.constant 2910208 : index
    %get3A_85 = vector.load %arg0[%get3A_84] : memref<3211264xf32, #tpu.memory_space<vmem>>, vector<100352xf32>
    %add3A_86 = arith.addf %add3A_83, %get3A_85 : vector<100352xf32>
    %get3A_87 = arith.constant 3010560 : index
    %get3A_88 = vector.load %arg0[%get3A_87] : memref<3211264xf32, #tpu.memory_space<vmem>>, vector<100352xf32>
    %add3A_89 = arith.addf %add3A_86, %get3A_88 : vector<100352xf32>
    %get3A_90 = arith.constant 3110912 : index
    %get3A_91 = vector.load %arg0[%get3A_90] : memref<3211264xf32, #tpu.memory_space<vmem>>, vector<100352xf32>
    %add3A_92 = arith.addf %add3A_89, %get3A_91 : vector<100352xf32>
    %iota3A = tpu.iota {dimensions = array<i32: 1>} : vector<1x100352xi32>
    %iota3A_93 = vector.shape_cast %iota3A : vector<1x100352xi32> to vector<100352xi32>
    %lt3A = arith.constant 100000 : i32
    %lt3A_94 = vector.broadcast %lt3A : i32 to vector<100352xi32>
    %lt3A_95 = arith.cmpi slt, %iota3A_93, %lt3A_94 : vector<100352xi32>
    %exp3A = math.exp %add3A_92 : vector<100352xf32>
    %jit3A = arith.constant 0.000000e+00 : f32
    %broadcast_in_dim3A = vector.broadcast %jit3A : f32 to vector<100352xf32>
    %select_n3A = arith.select %lt3A_95, %exp3A, %broadcast_in_dim3A : vector<100352xi1>, vector<100352xf32>
    %reduce_sum3A = vector.shape_cast %select_n3A : vector<100352xf32> to vector<1x100352xf32>
    %reduce_sum3A_96 = arith.constant dense<0.000000e+00> : vector<1xf32>
    %reduce_sum3A_97 = vector.multi_reduction <add>, %reduce_sum3A, %reduce_sum3A_96 [1] : vector<1x100352xf32> to vector<1xf32>
    %reduce_sum3A_98 = vector.shape_cast %reduce_sum3A_97 : vector<1xf32> to vector<1x1xf32>
    %reduce_sum3A_99 = vector.extract %reduce_sum3A_98[0, 0] : f32 from vector<1x1xf32>
    %get3A_100 = arith.constant 0 : index
    %get3A_101 = vector.load %arg1[%get3A_100] : memref<512xf32, #tpu.memory_space<vmem>>, vector<512xf32>
    %reduce_sum3A_102 = vector.shape_cast %get3A_101 : vector<512xf32> to vector<1x512xf32>
    %reduce_sum3A_103 = arith.constant dense<0.000000e+00> : vector<1xf32>
    %reduce_sum3A_104 = vector.multi_reduction <add>, %reduce_sum3A_102, %reduce_sum3A_103 [1] : vector<1x512xf32> to vector<1xf32>
    %reduce_sum3A_105 = vector.shape_cast %reduce_sum3A_104 : vector<1xf32> to vector<1x1xf32>
    %reduce_sum3A_106 = vector.extract %reduce_sum3A_105[0, 0] : f32 from vector<1x1xf32>
    %mul3A = arith.constant 9.600000e+03 : f32
    %mul3A_107 = arith.mulf %mul3A, %reduce_sum3A_99 : f32
    %sub3A = arith.subf %mul3A_107, %reduce_sum3A_106 : f32
    %div3A = arith.constant 1.000000e+05 : f32
    %div3A_108 = arith.divf %sub3A, %div3A : f32
    %reshape3A = vector.broadcast %div3A_108 : f32 to vector<1x1xf32>
    %swap3A = arith.constant 0 : index
    %swap3A_109 = arith.constant 0 : index
    %swap3A_110 = vector.load %arg2[%swap3A, %swap3A_109] : memref<1x1xf32, #tpu.memory_space<vmem>>, vector<1x1xf32>
    tpu.vector_store %arg2[%swap3A, %swap3A_109], %reshape3A {strides = array<i32>} : memref<1x1xf32, #tpu.memory_space<vmem>>, vector<1x1xf32>,
    return
  }
}

</mosaic_0001>

<sc_bundles>
// kernel: kernel.4.cloned.1.call-start
scs
__scs_entry_jumppad:
0x0: {  	(pc) =	sbr.rel $0x88, $3  }
0x1: {  	(tag) =	ssettag $0x0;
	lr =	simm.s32 $0x1  }
0x2: {  	[smem:$0x3F9E] =	sst lr;
	_ =	strace $0xD0000000  }
0x3: {  	_ = 	snop  }
0x4: {  	_ = 	snop  }
0x5: {  	_ = 	snop  }
0x6: {  	_ = 	snop  }
0x7: {  	_ = 	snop  }
__scs_overlays_trampoline_lowered:
0x8: {  	[smem:$0x3FAD] =	sst s0  }
0x9: {  	[smem:$0x3FAE] =	sst s1  }
0xa: {  	[smem:$0x3FAF] =	sst s2  }
0xb: {  	[smem:$0x3FB0] =	sst s3  }
0xc: {  	[smem:$0x3FB1] =	sst s4  }
0xd: {  	[smem:$0x3FB2] =	sst s5  }
0xe: {  	[smem:$0x3FB3] =	sst s6  }
0xf: {  	[smem:$0x3FB4] =	sst s7  }
0x10: {  	[smem:$0x3FB5] =	sst s8  }
0x11: {  	[smem:$0x3FB6] =	sst s9;
	s0 =	simm.s32 @!p0 $0x0  }
0x12: {  	s1 =	sld [smem:$0x3F9C];
	s0 =	simm.s32 @p0 $0x1  }
0x13: {  	[smem:$0x3FB7] =	sst s0;
	s0 =	simm.s32 @!p1 $0x0  }
0x14: {  	s2 =	sld [smem:$0x3F9B];
	s0 =	simm.s32 @p1 $0x1  }
0x15: {  	[smem:$0x3FB8] =	sst s0;
	s0 =	simm.s32 @!p2 $0x0  }
0x16: {  	s3 =	sld [smem:$0x3FDB];
	s0 =	simm.s32 @p2 $0x1  }
0x17: {  	s4 =	simm.s32 $0x1BF5;
	[smem:$0x3FBA] =	sst s0  }
0x18: {  	s0 =	sld [smem:$0x3F9D];
	_ =	swait.ge [sflag:s4], $0x0  }
0x19: {  	s7 =	sld [smem:$0x3F9E]  }
0x1a: {  	s8 =	sadd.s32 $0xFFFFE003, lr  }
0x1b: {  	s9 =	sadd.s32 $0xFFFFFEF7, lr;
	s5 =	simm.s32 $0xFFFFFFFF;
	p2 =	slt.u32 s8, $0xFFFFF086  }
0x1c: {  	p1 =	slt.u32 s9, $0xF7A;
	s5 =	simm.s32 @!p2 $0x0  }
0x1d: {  	s5 =	simm.s32 @p1 $0x1;
	p0 =	seq.s32 s7, s2  }
0x1e: {  	s7 =	smul.u32 @!p0 $0xF7A, s2;
	p2 =	seq.s32 @!p0 s5, $0x0  }
0x1f: {  	s9 =	smul.u32 $0xF7A, s1;
	s8 =	simm.s32 @!p0 $0x1BF5;
	p2 =	por !p2, p0  }
0x20: {  	[sflag:s8] =	ssyncset.s32 @!p0 $0xFFFFF086;
	s6 =	sadd.s32 @!p0 s3, s7;
	s7 =	simm.s32 @!p0 $0x108  }
0x21: {  	s3 =	sadd.s32 s3, s9;
	s6 =	sadd.s32 @!p0 $0x88, s6;
	s7 =	simm.s32 @p2 $0x1082  }
0x22: {  	[simem:s7], [sflag:s8] =	dma.local @!p0 [hbm:s6], $0xF7A  }
0x23: {  	s9 =	sor.u32 $0xD0000000, s2;
	s6 =	simm.s32 $0x108;
	_ =	swait.ge @!p0 [sflag:s8], $0x0  }
0x24: {  	s3 =	sadd.s32 $0x88, s3;
	s6 =	simm.s32 @!p1 $0x1082;
	[sflag:s4] =	ssyncset.s32 $0xFFFFF086  }
0x25: {  	[simem:s6], [sflag:s4] =	dma.local [hbm:s3], $0xF7A  }
0x26: {  	[smem:$0x3F9E] =	sst s1;
	(tag) =	ssettag s2;
	_ =	strace s9  }
0x27: {  	s1 =	sld [smem:$0x3FAE]  }
0x28: {  	s2 =	sld [smem:$0x3FAF]  }
0x29: {  	s4 =	sld [smem:$0x3FB1]  }
0x2a: {  	p0 =	seq.s32 s5, $0x0;
	s5 =	sld [smem:$0x3FB2]  }
0x2b: {  	s6 =	sld [smem:$0x3FB3]  }
0x2c: {  	s7 =	sld [smem:$0x3FB4]  }
0x2d: {  	s3 =	simm.s32 $0x108;
	s8 =	sld [smem:$0x3FB5]  }
0x2e: {  	s3 =	simm.s32 @!p0 $0x1082;
	s9 =	sld [smem:$0x3FB6]  }
0x2f: {  	lr =	sadd.s32 s0, s3;
	s0 =	sld [smem:$0x3FAD]  }
0x30: {  	s3 =	sld [smem:$0x3FB0]  }
0x31: {  	[smem:$0x3FB9] =	sst s10  }
0x32: {  	s10 =	sld [smem:$0x3FB7];
	_ =	sdelay $0x3  }
0x33: {  	p0 =	seq.s32 s10, $0x1;
	s10 =	sld [smem:$0x3FB9];
	_ =	sdelay $0x3  }
0x34: {  	[smem:$0x3FB9] =	sst s10  }
0x35: {  	s10 =	sld [smem:$0x3FB8];
	_ =	sdelay $0x3  }
0x36: {  	p1 =	seq.s32 s10, $0x1;
	s10 =	sld [smem:$0x3FB9];
	_ =	sdelay $0x3  }
0x37: {  	[smem:$0x3FB9] =	sst s10  }
0x38: {  	s10 =	sld [smem:$0x3FBA]  }
0x39: {  	_ = 	snop;
	(pc) =	sbr.ind lr, $3  }
0x3a: {  	_ = 	snop  }
0x3b: {  	_ = 	snop  }
0x3c: {  	p2 =	seq.s32 s10, $0x1;
	s10 =	sld [smem:$0x3FB9]  }
0x3d: {  	_ =	shalt  }
0x3e: {  	_ =	shalt  }
0x3f: {  	_ =	shalt  }
0x40: {  	_ =	shalt  }
0x41: {  	_ =	shalt  }
0x42: {  	_ =	shalt  }
0x43: {  	_ =	shalt  }
0x44: {  	_ =	shalt  }
0x45: {  	_ =	shalt  }
0x46: {  	_ =	shalt  }
0x47: {  	_ =	shalt  }
0x48: {  	_ =	shalt  }
0x49: {  	_ =	shalt  }
0x4a: {  	_ =	shalt  }
0x4b: {  	_ =	shalt  }
0x4c: {  	_ =	shalt  }
0x4d: {  	_ =	shalt  }
0x4e: {  	_ =	shalt  }
0x4f: {  	_ =	shalt  }
0x50: {  	_ =	shalt  }
0x51: {  	_ =	shalt  }
0x52: {  	_ =	shalt  }
0x53: {  	_ =	shalt  }
0x54: {  	_ =	shalt  }
0x55: {  	_ =	shalt  }
0x56: {  	_ =	shalt  }
0x57: {  	_ =	shalt  }
0x58: {  	_ =	shalt  }
0x59: {  	_ =	shalt  }
0x5a: {  	_ =	shalt  }
0x5b: {  	_ =	shalt  }
0x5c: {  	_ =	shalt  }
0x5d: {  	_ =	shalt  }
0x5e: {  	_ =	shalt  }
0x5f: {  	_ =	shalt  }
0x60: {  	_ =	shalt  }
0x61: {  	_ =	shalt  }
0x62: {  	_ =	shalt  }
0x63: {  	_ =	shalt  }
0x64: {  	_ =	shalt  }
0x65: {  	_ =	shalt  }
0x66: {  	_ =	shalt  }
0x67: {  	_ =	shalt  }
0x68: {  	_ =	shalt  }
0x69: {  	_ =	shalt  }
0x6a: {  	_ =	shalt  }
0x6b: {  	_ =	shalt  }
0x6c: {  	_ =	shalt  }
0x6d: {  	_ =	shalt  }
0x6e: {  	_ =	shalt  }
0x6f: {  	_ =	shalt  }
0x70: {  	_ =	shalt  }
0x71: {  	_ =	shalt  }
0x72: {  	_ =	shalt  }
0x73: {  	_ =	shalt  }
0x74: {  	_ =	shalt  }
0x75: {  	_ =	shalt  }
0x76: {  	_ =	shalt  }
0x77: {  	_ =	shalt  }
0x78: {  	_ =	shalt  }
0x79: {  	_ =	shalt  }
0x7a: {  	_ =	shalt  }
0x7b: {  	_ =	shalt  }
0x7c: {  	_ =	shalt  }
0x7d: {  	_ =	shalt  }
0x7e: {  	_ =	shalt  }
0x7f: {  	_ =	shalt  }
0x80: {  	_ =	shalt  }
0x81: {  	_ =	shalt  }
0x82: {  	_ =	shalt  }
0x83: {  	_ =	shalt  }
0x84: {  	_ =	shalt  }
0x85: {  	_ =	shalt  }
0x86: {  	_ =	shalt  }
0x87: {  	_ =	shalt  }
.Lfunc_end0:
.L_simem_size_0:
called_computation_lowered:
.L_overlay_start_0:
0x88: {  	s2 =	sld [smem:$0x3FD9]  }
0x89: {  	s3 =	sld [smem:$0x3FFE];
	_ =	sdelay $0x1  }
0x8a: {  	s1 =	srdreg.scid  }
0x8b: {  	s0 =	sand.u32 $0x1, s1  }
0x8c: {  	s17 =	sshll.u32 s0, $0xA;
	s2 =	sadd.s32 s3, s2  }
0x8d: {  	s2 =	sadd.s32 s2, s17  }
0x8e: {  	[smem:$0x3FC5] =	sst s2  }
0x8f: {  	_ = 	snop  }
0x90: {  	s2 =	sld [smem:$0x3FC8]  }
0x91: {  	s18 =	sld [smem:$0x3FC7];
	(tm) =	ssettm $0x1  }
0x92: {  	s4 =	sld [smem:$0x3FFB];
	_ =	sdelay $0x3  }
0x93: {  	_ =	strace s4  }
0x94: {  	s4 =	sld [smem:$0x3FFC];
	_ =	sdelay $0x3  }
0x95: {  	_ =	strace s4  }
0x96: {  	s4 =	sld [smem:$0x3FFD];
	_ =	sdelay $0x3  }
0x97: {  	_ =	strace s4  }
0x98: {  	_ =	strace $0x8FFFFFFF  }
0x99: {  	s19 =	sld [smem:$0x3FDB];
	_ =	sdelay $0x1  }
0x9a: {  	s5 =	simm.s32 $_scs_section_size  }
0x9b: {  	s6 =	simm.s32 $_size__tile_overlayer_lowered;
	s7 =	simm.s32 $_tile_overlayer_lowered  }
0x9c: {  	s22 =	simm.s32 $0x1BFF;
	s21 =	sshll.u32 s7, $0x1;
	s4 =	sadd.s32 s5, s19  }
0x9d: {  	s8 =	simm.s32 $0x0;
	s20 =	sshll.u32 s6, $0x1;
	s6 =	sadd.s32 s21, s4  }
0x9e: {  	[timem:s8], [sflag:s22] =	dma.local [hbm:s6], s20  }
0x9f: {  	_ =	swait.ge [sflag:s22], s20  }
0xa0: {  	s5 =	ssub.s32 $0x0, s20;
	[sflag:s22] =	ssyncset.done $0x0  }
0xa1: {  	[sflag:s22] =	ssyncadd.s32 s5;
	_ =	sdelay $0x1  }
0xa2: {  	s23 =	simm.s32 $0x1B8B  }
0xa3: {  	_ =	swait.ge [sflag:s23], $0x1  }
0xa4: {  	[sflag:s23] =	ssyncset.done $0x0  }
0xa5: {  	s25 =	simm.s32 $0x1B8E;
	s24 =	sld [smem:$0x3FFE];
	[sflag:s23] =	ssyncadd.s32 $0xFFFFFFFF  }
0xa6: {  	s26 =	simm.s32 $execute0_lowered;
	[smem:$0x3FD2] =	sst s25  }
0xa7: {  	s6 =	sshll.u32 s26, $0x1;
	_ =	strace $0x80000046;
	[dreg:$0x1] =	wrdreg $0xFFFFFFFF  }
0xa8: {  	s28 =	simm.s32 $_size_execute0_lowered;
	s4 =	sadd.s32 s4, s6;
	[dreg:$0x0] =	wrdreg $0x0  }
0xa9: {  	s6 =	sshll.u32 s28, $0x1;
	[dreg:$0x2] =	wrdreg s4  }
0xaa: {  	[dreg:$0x3] =	wrdreg s6  }
0xab: {  	[dreg:$0x4] =	wrdreg $0xC0  }
0xac: {  	_ =	task [dreg:s8], $0x5FFFF  }
0xad: {  	[dreg:$0x1] =	wrdreg $0xFFFFFFFF  }
0xae: {  	[dreg:$0x0] =	wrdreg $0x60  }
0xaf: {  	[dreg:$0x2] =	wrdreg s2  }
0xb0: {  	[dreg:$0x3] =	wrdreg s18  }
0xb1: {  	[dreg:$0x4] =	wrdreg s24  }
0xb2: {  	[dreg:$0x5] =	wrdreg $0x9  }
0xb3: {  	_ =	task.clear_ibuf [dreg:s8], $0x6FFFF;
	_ =	strace $0x90000046  }
0xb4: {  	s29 =	simm.s32 $0x9;
	_ =	strace $0x80000048  }
0xb5: {  	_ =	swait.ge [sflag:s29], $0x1  }
0xb6: {  	[sflag:s29] =	ssyncadd.s32 $0xFFFFFFFF  }
0xb7: {  	_ =	strace $0x90000048  }
0xb8: {  	_ =	sfence  }
0xb9: {  	s30 =	sld [smem:$0x0];
	_ =	sdelay $0x2  }
0xba: {  	s31 =	sshll.u32 s1, $0xD;
	s1 =	sshrl.u32 s1, $0x2  }
0xbb: {  	s3 =	sand.u32 $0x4000, s31;
	s1 =	sadd.s32 s1, s30  }
0xbc: {  	s0 =	sor.u32 s3, s0;
	s1 =	sshll.u32 s1, $0x11  }
0xbd: {  	s0 =	sor.u32 s1, s0  }
0xbe: {  	s0 =	sadd.s32 $0x8F2B, s0  }
0xbf: {  	[sflag:s0] =	ssyncadd.remote.s32 $0x1  }
0xc0: {  	_ =	sfence.sel $0xFFFF  }
0xc1: {  	[dreg:$0x0] =	wrdreg $0xFFFFFFFF;
	(pc) =	sbr.abs _section_cstart, $3  }
0xc2: {  	[dreg:$0x1] =	wrdreg $0xFFFFFFFF  }
0xc3: {  	_ =	task.clear_ibuf [dreg:s8], $0x2FFFF;
	_ =	strace $0x9FFFFFFF  }
0xc4: {  	(tm) =	ssettm $0x7FFFFFFF  }
0xc5: {  	_ =	shalt  }
tec
execute0_lowered:
.L_overlay_start_1:
0x0: {  	(tag) =	ssettag $0x1  }
0x1: {  	s0 =	srdreg.scid  }
0x2: {  	s20 =	stileid.u32;
	s3 =	rddreg [dreg:$0x2];
	s1 =	simm.s32 $0x0  }
0x3: {  	s31 =	simm.s32 $0x18800;
	s2 =	sand.u32 $0x1, s0;
	s21 =	sshll.u32 s20, $0x1  }
0x4: {  	[smem:$0x7FF] =	sst s1;
	s9 =	sadd.s32 $0xC00, s3;
	p0 =	slt.u32 s20, $0x2  }
0x5: {  	p1 =	sgt.u32 s20, $0x1;
	s20 =	simm.s32 $0x19C00;
	s0 =	sor.u32 s2, s21  }
0x6: {  	s2 =	ssub.s32 $0x2, s2;
	s4 =	smul.u32 $0x3100, s0;
	s5 =	sshll.u32 s0, $0x1  }
0x7: {  	s22 =	sadd.s32 $0x1, s0;
	s23 =	smul.u32 $0xC40, s0;
	s24 =	sadd.s32 $0x2, s0  }
0x8: {  	s26 =	sshrl.u32 s2, $0x1;
	s8 =	sadd.s32 $0x4, s0;
	s15 =	sadd.s32 $0x5, s0  }
0x9: {  	s18 =	sadd.s32 $0x6, s0;
	s30 =	sor.u32 $0x40, s0;
	s29 =	sor.u32 $0x20, s0  }
0xa: {  	s12 =	sadd.s32 s5, s3;
	s25 =	sand.u32 $0x1F, s24;
	s13 =	ssub.s32 s2, s26  }
0xb: {  	s14 =	sand.u32 $0x1F, s8;
	s17 =	sand.u32 $0x1F, s15;
	s21 =	sand.u32 $0x1F, s18  }
0xc: {  	s11 =	sadd.s32 s4, s3;
	s5 =	sshrl.u32 s23, $0x3;
	s16 =	smul.u32 $0xC40, s14  }
0xd: {  	[dreg:$0x4] =	wrdreg s23;
	s19 =	smul.u32 $0xC40, s17;
	s28 =	sadd.s32 s9, s5  }
0xe: {  	s3 =	sand.u32 $0x1F, s22;
	s23 =	smul.u32 $0xC40, s21;
	[dreg:$0x7] =	wrdreg s28  }
0xf: {  	s24 =	sadd.s32 $0x7, s0;
	s6 =	smul.u32 $0xC40, s3;
	[dreg:$0xb] =	wrdreg s16  }
0x10: {  	s3 =	smul.u32 $0xC40, s25;
	s22 =	sshrl.u32 s16, $0x3;
	[dreg:$0xc] =	wrdreg s19  }
0x11: {  	s25 =	sshrl.u32 s19, $0x3;
	[dreg:$0xd] =	wrdreg s23;
	s26 =	sshrl.u32 s23, $0x3  }
0x12: {  	s16 =	sadd.s32 $0xA, s0;
	[dreg:$0x5] =	wrdreg s6;
	s4 =	sshrl.u32 s6, $0x3  }
0x13: {  	[dreg:$0x6] =	wrdreg s3;
	s5 =	sshrl.u32 s3, $0x3;
	s3 =	sadd.s32 s9, s22  }
0x14: {  	s19 =	sadd.s32 $0xB, s0;
	s2 =	sadd.s32 s9, s4;
	[dreg:$0xf] =	wrdreg s3  }
0x15: {  	s6 =	sadd.s32 $0x3, s0;
	s3 =	sadd.s32 s9, s25;
	[dreg:$0x8] =	wrdreg s2  }
0x16: {  	s7 =	sand.u32 $0x1F, s6;
	s6 =	sadd.s32 s9, s26;
	[dreg:$0x11] =	wrdreg s3  }
0x17: {  	s2 =	sadd.s32 s9, s5;
	s10 =	smul.u32 $0xC40, s7;
	[dreg:$0x12] =	wrdreg s6  }
0x18: {  	s18 =	sand.u32 $0x1F, s16;
	s21 =	sand.u32 $0x1F, s19;
	[dreg:$0x9] =	wrdreg s2  }
0x19: {  	s7 =	sadd.s32 $0x8, s0;
	s2 =	sand.u32 $0x1F, s24;
	[dreg:$0xa] =	wrdreg s10  }
0x1a: {  	s4 =	sshrl.u32 s10, $0x3;
	s28 =	smul.u32 $0xC40, s2;
	s2 =	sand.u32 $0x1F, s7  }
0x1b: {  	s10 =	sadd.s32 $0x9, s0;
	s7 =	smul.u32 $0xC40, s18;
	s4 =	sadd.s32 s9, s4  }
0x1c: {  	s14 =	smul.u32 $0xC40, s2;
	s15 =	sand.u32 $0x1F, s10;
	[dreg:$0xe] =	wrdreg s4  }
0x1d: {  	s19 =	sxor.u32 $0x10, s0;
	[dreg:$0x10] =	wrdreg s28;
	s17 =	smul.u32 $0xC40, s15  }
0x1e: {  	s8 =	sshrl.u32 s28, $0x3;
	s4 =	smul.u32 $0xC40, s21;
	[dreg:$0x16] =	wrdreg s7  }
0x1f: {  	s25 =	sshrl.u32 s7, $0x3;
	s28 =	sadd.s32 $0xC, s0;
	s7 =	sadd.s32 $0xE, s0  }
0x20: {  	s21 =	smul.u32 $0xC40, s19;
	s3 =	sadd.s32 s9, s8;
	[dreg:$0x13] =	wrdreg s14  }
0x21: {  	s22 =	sshrl.u32 s14, $0x3;
	s10 =	sand.u32 $0x1F, s7;
	[dreg:$0x15] =	wrdreg s3  }
0x22: {  	s14 =	sadd.s32 $0xF, s0;
	[dreg:$0x14] =	wrdreg s17;
	s23 =	sshrl.u32 s17, $0x3  }
0x23: {  	s2 =	sadd.s32 s9, s22;
	[dreg:$0x17] =	wrdreg s4;
	s26 =	sshrl.u32 s4, $0x3  }
0x24: {  	s3 =	sand.u32 $0x1F, s28;
	s4 =	sadd.s32 $0xD, s0;
	s15 =	smul.u32 $0xC40, s10  }
0x25: {  	s16 =	sand.u32 $0x1F, s14;
	[smem:$0x7E3] =	sst s21;
	s28 =	sadd.s32 $0x11, s0  }
0x26: {  	[dreg:$0x18] =	wrdreg s2;
	s24 =	sadd.s32 s9, s23;
	s2 =	sadd.s32 s9, s25  }
0x27: {  	s5 =	smul.u32 $0xC40, s3;
	s6 =	sand.u32 $0x1F, s4;
	[dreg:$0x19] =	wrdreg s24  }
0x28: {  	s18 =	smul.u32 $0xC40, s16;
	s4 =	sand.u32 $0x1F, s28;
	[dreg:$0x1a] =	wrdreg s2  }
0x29: {  	s2 =	sadd.s32 s9, s26;
	s8 =	smul.u32 $0xC40, s6;
	[dreg:$0x1e] =	wrdreg s15  }
0x2a: {  	s23 =	sshrl.u32 s15, $0x3;
	s26 =	sshrl.u32 s21, $0x3;
	s6 =	smul.u32 $0xC40, s4  }
0x2b: {  	s15 =	sadd.s32 $0x14, s0;
	s21 =	sadd.s32 $0x15, s0;
	[dreg:$0x1b] =	wrdreg s2  }
0x2c: {  	[dreg:$0x1c] =	wrdreg s5;
	s17 =	sshrl.u32 s5, $0x3;
	s24 =	sadd.s32 s9, s23  }
0x2d: {  	[smem:$0x7E1] =	sst s18;
	s25 =	sshrl.u32 s18, $0x3;
	s5 =	sadd.s32 $0x12, s0  }
0x2e: {  	s23 =	sadd.s32 $0x16, s0;
	s3 =	sadd.s32 s9, s17;
	[dreg:$0x1d] =	wrdreg s8  }
0x2f: {  	s22 =	sshrl.u32 s8, $0x3;
	[smem:$0x7E0] =	sst s24;
	s7 =	sand.u32 $0x1F, s5  }
0x30: {  	s8 =	sadd.s32 $0x13, s0;
	s17 =	sand.u32 $0x1F, s15;
	[smem:$0x7E5] =	sst s6  }
0x31: {  	s18 =	sshrl.u32 s6, $0x3;
	s15 =	sadd.s32 $0x18, s0;
	[dreg:$0x1f] =	wrdreg s3  }
0x32: {  	s2 =	sadd.s32 s9, s22;
	s10 =	smul.u32 $0xC40, s7;
	s14 =	sand.u32 $0x1F, s8  }
0x33: {  	s3 =	sadd.s32 s9, s18;
	s19 =	smul.u32 $0xC40, s17;
	[smem:$0x7DF] =	sst s2  }
0x34: {  	s17 =	sand.u32 $0x1F, s15;
	s2 =	sadd.s32 s9, s25;
	[smem:$0x7E6] =	sst s3  }
0x35: {  	s18 =	sadd.s32 $0x19, s0;
	s16 =	smul.u32 $0xC40, s14;
	[smem:$0x7E2] =	sst s2  }
0x36: {  	s25 =	sand.u32 $0x1F, s23;
	s2 =	sadd.s32 s9, s26;
	[smem:$0x7E7] =	sst s10  }
0x37: {  	s22 =	sshrl.u32 s10, $0x3;
	s4 =	smul.u32 $0xC40, s25;
	[smem:$0x7EA] =	sst s19  }
0x38: {  	s28 =	sshrl.u32 s19, $0x3;
	s10 =	sadd.s32 $0x17, s0;
	s19 =	sand.u32 $0x1F, s18  }
0x39: {  	s18 =	sadd.s32 $0x1E, s0;
	[smem:$0x7E4] =	sst s2;
	s2 =	sand.u32 $0x1F, s21  }
0x3a: {  	s3 =	sadd.s32 s9, s22;
	[smem:$0x7E9] =	sst s16;
	s26 =	sshrl.u32 s16, $0x3  }
0x3b: {  	s6 =	sadd.s32 s9, s28;
	s14 =	sand.u32 $0x1F, s10;
	[smem:$0x7E8] =	sst s3  }
0x3c: {  	s21 =	sadd.s32 $0x1A, s0;
	s24 =	smul.u32 $0xC40, s2;
	[smem:$0x7EC] =	sst s6  }
0x3d: {  	s2 =	sadd.s32 s9, s26;
	[smem:$0x7EF] =	sst s4;
	s16 =	smul.u32 $0xC40, s14  }
0x3e: {  	s8 =	sshrl.u32 s4, $0x3;
	s4 =	smul.u32 $0xC40, s19;
	s22 =	sand.u32 $0x1F, s21  }
0x3f: {  	s26 =	sadd.s32 $0x1C, s0;
	s21 =	sadd.s32 $0xFFFFFFFF, s0;
	[smem:$0x7EB] =	sst s2  }
0x40: {  	s28 =	sand.u32 $0x1F, s26;
	[smem:$0x7ED] =	sst s24;
	s7 =	sshrl.u32 s24, $0x3  }
0x41: {  	[smem:$0x7F1] =	sst s16;
	s23 =	sshrl.u32 s16, $0x3;
	s24 =	sadd.s32 $0x1B, s0  }
0x42: {  	s10 =	smul.u32 $0xC40, s28;
	s16 =	sadd.s32 $0x1D, s0;
	s28 =	smax.u32 s13, $0x1  }
0x43: {  	s13 =	simm.s32 $0x1BA00;
	s2 =	sadd.s32 s9, s7;
	s7 =	smul.u32 $0xC40, s17  }
0x44: {  	s3 =	sadd.s32 s9, s23;
	s17 =	sand.u32 $0x1F, s16;
	s23 =	smul.u32 $0x280, s0  }
0x45: {  	s16 =	smul.u32 $0x140, s0;
	s0 =	simm.s32 $0x1B000;
	[smem:$0x7EE] =	sst s2  }
0x46: {  	s2 =	sadd.s32 s9, s8;
	[smem:$0x7F2] =	sst s3;
	s8 =	smul.u32 $0xC40, s22  }
0x47: {  	s15 =	sshrl.u32 s10, $0x3;
	[smem:$0x7F0] =	sst s2;
	s2 =	sand.u32 $0x1F, s24  }
0x48: {  	s25 =	sshrl.u32 s7, $0x3;
	s24 =	sadd.s32 $0x65E00, s12;
	s12 =	simm.s32 $0x4  }
0x49: {  	s3 =	sadd.s32 s9, s25;
	s19 =	smul.u32 $0xC40, s2;
	s5 =	sshrl.u32 s8, $0x3  }
0x4a: {  	[smem:$0x7F3] =	sst s3;
	s3 =	sshrl.u32 s4, $0x3;
	s6 =	sadd.s32 s9, s5  }
0x4b: {  	s2 =	sadd.s32 s9, s3;
	[smem:$0x7F5] =	sst s6;
	s14 =	sshrl.u32 s19, $0x3  }
0x4c: {  	s3 =	sand.u32 $0x1F, s18;
	[smem:$0x7F4] =	sst s2;
	s2 =	sadd.s32 s9, s14  }
0x4d: {  	s5 =	smul.u32 $0xC40, s3;
	[smem:$0x7F6] =	sst s2;
	s2 =	sadd.s32 s9, s15  }
0x4e: {  	s6 =	sand.u32 $0x1F, s21;
	[smem:$0x7F7] =	sst s2;
	s2 =	smul.u32 $0xC40, s17  }
0x4f: {  	s18 =	rddreg [dreg:$0x1];
	s17 =	smul.u32 $0xC40, s6;
	s14 =	sshrl.u32 s5, $0x3  }
0x50: {  	s3 =	rddreg [dreg:$0x0];
	s14 =	sadd.s32 s9, s14;
	s22 =	sshrl.u32 s2, $0x3  }
0x51: {  	s15 =	sshrl.u32 s17, $0x3;
	[smem:$0x7F9] =	sst s14;
	s6 =	sadd.s32 s9, s22  }
.Ltmp0:
0x52: {  	s9 =	sadd.s32 s9, s15;
	[smem:$0x7F8] =	sst s6;
	(pc) =	sbr.rel .LBB2_1-.Ltmp0, $4  }
0x53: {  	s25 =	sadd.s32 $0x3E00, s11;
	s21 =	simm.s32 $0x3;
	[smem:$0x7FA] =	sst s9  }
0x54: {  	s26 =	sadd.s32 s18, s16;
	_ =	strace $0x80000047;
	[smem:$0x7FB] =	sst s24  }
0x55: {  	s16 =	simm.s32 $0x0;
	s14 =	simm.s32 $0x1;
	[smem:$0x7FC] =	sst s25  }
0x56: {  	v0 =	vimm.f32 $0.0e+00;
	s15 =	simm.s32 $0x2;
	s9 =	sadd.s32 s3, s23;
	[smem:$0x7FD] =	sst s28  }
.LBB2_23:
0x57: {  	s6 =	sld [smem:$0x7FC];
	_ =	sdelay $0x2  }
0x58: {  	[hbm4b:s6+s1] =	stream.linear.scatter [tilespmem:s1], [sflag:$0x4], $0x18800, $0x38;
	[tilespmem:$0x1C480] =	vst v63  }
0x59: {  	_ =	swait.ge [sflag:s12], $0x18800  }
0x5a: {  	s28 =	sld [smem:$0x7FD];
	_ =	sdelay $0x1  }
0x5b: {  	s16 =	sadd.s32 $0x1, s16  }
0x5c: {  	p2 =	sne.s32 s16, s28  }
.Ltmp1:
0x5d: {  	_ = 	snop;
	(pc) =	sbr.rel @!p2 .LBB2_24-.Ltmp1, $3  }
0x5e: {  	_ =	sdelay $0x1  }
0x5f: {  	[sflag:s12] =	ssyncset.done $0x0  }
0x60: {  	[sflag:s12] =	ssyncadd.s32 $0xFFFE7800  }
.LBB2_1:
0x61: {  	s6 =	rddreg [dreg:$0x4]  }
0x62: {  	s11 =	rddreg [dreg:$0x7]  }
0x63: {  	s22 =	rddreg [dreg:$0x8]  }
0x64: {  	s23 =	rddreg [dreg:$0x6]  }
0x65: {  	s24 =	rddreg [dreg:$0x9]  }
0x66: {  	s25 =	rddreg [dreg:$0xa]  }
0x67: {  	[tilespmem:$0x1C400] =	vst v0;
	s28 =	rddreg [dreg:$0xe]  }
0x68: {  	[tilespmem:s6], [sflag:$0x1] =	stream.linear.gather [hbm4b:s11+s1], $0xC40, $0x38;
	[tilespmem:$0x1C480] =	vst v63  }
0x69: {  	s11 =	rddreg [dreg:$0x5]  }
0x6a: {  	[tilespmem:s11], [sflag:$0x1] =	stream.linear.gather [hbm4b:s22+s1], $0xC40, $0x38;
	[tilespmem:$0x1C480] =	vst v63  }
0x6b: {  	s11 =	rddreg [dreg:$0xb]  }
0x6c: {  	s22 =	rddreg [dreg:$0xf]  }
0x6d: {  	[tilespmem:s23], [sflag:$0x1] =	stream.linear.gather [hbm4b:s24+s1], $0xC40, $0x38;
	[tilespmem:$0x1C480] =	vst v63  }
0x6e: {  	s23 =	rddreg [dreg:$0xc]  }
0x6f: {  	s24 =	rddreg [dreg:$0x11]  }
0x70: {  	[tilespmem:s25], [sflag:$0x1] =	stream.linear.gather [hbm4b:s28+s1], $0xC40, $0x38;
	[tilespmem:$0x1C480] =	vst v63  }
0x71: {  	s25 =	rddreg [dreg:$0xd]  }
0x72: {  	s28 =	rddreg [dreg:$0x12]  }
0x73: {  	[tilespmem:s11], [sflag:$0x1] =	stream.linear.gather [hbm4b:s22+s1], $0xC40, $0x38;
	[tilespmem:$0x1C480] =	vst v63  }
0x74: {  	s11 =	rddreg [dreg:$0x10]  }
0x75: {  	s22 =	rddreg [dreg:$0x15]  }
0x76: {  	[tilespmem:s23], [sflag:$0x1] =	stream.linear.gather [hbm4b:s24+s1], $0xC40, $0x38;
	[tilespmem:$0x1C480] =	vst v63  }
0x77: {  	s23 =	rddreg [dreg:$0x13]  }
0x78: {  	s24 =	rddreg [dreg:$0x18]  }
0x79: {  	[tilespmem:s25], [sflag:$0x1] =	stream.linear.gather [hbm4b:s28+s1], $0xC40, $0x38;
	[tilespmem:$0x1C480] =	vst v63  }
0x7a: {  	s25 =	rddreg [dreg:$0x14]  }
0x7b: {  	s28 =	rddreg [dreg:$0x19]  }
0x7c: {  	[tilespmem:s11], [sflag:$0x1] =	stream.linear.gather [hbm4b:s22+s1], $0xC40, $0x38;
	[tilespmem:$0x1C480] =	vst v63  }
0x7d: {  	s11 =	rddreg [dreg:$0x16]  }
0x7e: {  	s22 =	rddreg [dreg:$0x1a]  }
0x7f: {  	[tilespmem:s23], [sflag:$0x1] =	stream.linear.gather [hbm4b:s24+s1], $0xC40, $0x38;
	[tilespmem:$0x1C480] =	vst v63  }
0x80: {  	s23 =	rddreg [dreg:$0x17]  }
0x81: {  	s24 =	rddreg [dreg:$0x1b]  }
0x82: {  	[tilespmem:s25], [sflag:$0x1] =	stream.linear.gather [hbm4b:s28+s1], $0xC40, $0x38;
	[tilespmem:$0x1C480] =	vst v63  }
0x83: {  	s25 =	rddreg [dreg:$0x1c]  }
0x84: {  	s28 =	rddreg [dreg:$0x1f]  }
0x85: {  	[tilespmem:s11], [sflag:$0x1] =	stream.linear.gather [hbm4b:s22+s1], $0xC40, $0x38;
	[tilespmem:$0x1C480] =	vst v63  }
0x86: {  	s11 =	rddreg [dreg:$0x1d]  }
0x87: {  	s22 =	sld [smem:$0x7DF]  }
0x88: {  	[tilespmem:s23], [sflag:$0x1] =	stream.linear.gather [hbm4b:s24+s1], $0xC40, $0x38;
	[tilespmem:$0x1C480] =	vst v63  }
0x89: {  	s23 =	rddreg [dreg:$0x1e]  }
0x8a: {  	s24 =	sld [smem:$0x7E0]  }
0x8b: {  	[tilespmem:s25], [sflag:$0x1] =	stream.linear.gather [hbm4b:s28+s1], $0xC40, $0x38;
	[tilespmem:$0x1C480] =	vst v63  }
0x8c: {  	s25 =	sld [smem:$0x7E1]  }
0x8d: {  	s28 =	sld [smem:$0x7E2]  }
0x8e: {  	[tilespmem:s11], [sflag:$0x1] =	stream.linear.gather [hbm4b:s22+s1], $0xC40, $0x38;
	[tilespmem:$0x1C480] =	vst v63  }
0x8f: {  	s11 =	sld [smem:$0x7E3]  }
0x90: {  	s22 =	sld [smem:$0x7E4]  }
0x91: {  	[tilespmem:s23], [sflag:$0x1] =	stream.linear.gather [hbm4b:s24+s1], $0xC40, $0x38;
	[tilespmem:$0x1C480] =	vst v63  }
0x92: {  	s23 =	sld [smem:$0x7E5]  }
0x93: {  	s24 =	sld [smem:$0x7E6]  }
0x94: {  	[tilespmem:s25], [sflag:$0x1] =	stream.linear.gather [hbm4b:s28+s1], $0xC40, $0x38;
	[tilespmem:$0x1C480] =	vst v63  }
0x95: {  	s25 =	sld [smem:$0x7E7]  }
0x96: {  	s28 =	sld [smem:$0x7E8]  }
0x97: {  	[tilespmem:s11], [sflag:$0x1] =	stream.linear.gather [hbm4b:s22+s1], $0xC40, $0x38;
	[tilespmem:$0x1C480] =	vst v63  }
0x98: {  	s11 =	sld [smem:$0x7E9]  }
0x99: {  	s22 =	sld [smem:$0x7EB]  }
0x9a: {  	[tilespmem:s23], [sflag:$0x1] =	stream.linear.gather [hbm4b:s24+s1], $0xC40, $0x38;
	[tilespmem:$0x1C480] =	vst v63  }
0x9b: {  	s23 =	sld [smem:$0x7EA]  }
0x9c: {  	s24 =	sld [smem:$0x7EC]  }
0x9d: {  	[tilespmem:s25], [sflag:$0x1] =	stream.linear.gather [hbm4b:s28+s1], $0xC40, $0x38;
	[tilespmem:$0x1C480] =	vst v63  }
0x9e: {  	s25 =	sld [smem:$0x7ED]  }
0x9f: {  	s28 =	sld [smem:$0x7EE]  }
0xa0: {  	[tilespmem:s11], [sflag:$0x1] =	stream.linear.gather [hbm4b:s22+s1], $0xC40, $0x38;
	[tilespmem:$0x1C480] =	vst v63  }
0xa1: {  	s11 =	sld [smem:$0x7EF]  }
0xa2: {  	s22 =	sld [smem:$0x7F0]  }
0xa3: {  	[tilespmem:s23], [sflag:$0x1] =	stream.linear.gather [hbm4b:s24+s1], $0xC40, $0x38;
	[tilespmem:$0x1C480] =	vst v63  }
0xa4: {  	s23 =	sld [smem:$0x7F1]  }
0xa5: {  	[tilespmem:s25], [sflag:$0x1] =	stream.linear.gather [hbm4b:s28+s1], $0xC40, $0x38;
	[tilespmem:$0x1C480] =	vst v63  }
0xa6: {  	s24 =	sld [smem:$0x7F2]  }
0xa7: {  	[tilespmem:s11], [sflag:$0x1] =	stream.linear.gather [hbm4b:s22+s1], $0xC40, $0x38;
	[tilespmem:$0x1C480] =	vst v63  }
0xa8: {  	s25 =	sld [smem:$0x7F3]  }
0xa9: {  	[tilespmem:s23], [sflag:$0x1] =	stream.linear.gather [hbm4b:s24+s1], $0xC40, $0x38;
	[tilespmem:$0x1C480] =	vst v63  }
0xaa: {  	s28 =	sld [smem:$0x7F4]  }
0xab: {  	[tilespmem:s7], [sflag:$0x1] =	stream.linear.gather [hbm4b:s25+s1], $0xC40, $0x38;
	[tilespmem:$0x1C480] =	vst v63  }
0xac: {  	s11 =	sld [smem:$0x7F5]  }
0xad: {  	[tilespmem:s4], [sflag:$0x1] =	stream.linear.gather [hbm4b:s28+s1], $0xC40, $0x38;
	[tilespmem:$0x1C480] =	vst v63  }
0xae: {  	s22 =	sld [smem:$0x7F6]  }
0xaf: {  	[tilespmem:s8], [sflag:$0x1] =	stream.linear.gather [hbm4b:s11+s1], $0xC40, $0x38;
	[tilespmem:$0x1C480] =	vst v63  }
0xb0: {  	s23 =	sld [smem:$0x7F7]  }
0xb1: {  	[tilespmem:s19], [sflag:$0x1] =	stream.linear.gather [hbm4b:s22+s1], $0xC40, $0x38;
	[tilespmem:$0x1C480] =	vst v63  }
0xb2: {  	s24 =	sld [smem:$0x7F8]  }
0xb3: {  	[tilespmem:s10], [sflag:$0x1] =	stream.linear.gather [hbm4b:s23+s1], $0xC40, $0x38;
	[tilespmem:$0x1C480] =	vst v63  }
0xb4: {  	s25 =	sld [smem:$0x7F9]  }
0xb5: {  	[tilespmem:s2], [sflag:$0x1] =	stream.linear.gather [hbm4b:s24+s1], $0xC40, $0x38;
	[tilespmem:$0x1C480] =	vst v63  }
0xb6: {  	s28 =	sld [smem:$0x7FA]  }
0xb7: {  	[tilespmem:s5], [sflag:$0x1] =	stream.linear.gather [hbm4b:s25+s1], $0xC40, $0x38;
	[tilespmem:$0x1C480] =	vst v63  }
0xb8: {  	_ = 	snop  }
0xb9: {  	[tilespmem:s17], [sflag:$0x1] =	stream.linear.gather [hbm4b:s28+s1], $0xC40, $0x38;
	[tilespmem:$0x1C480] =	vst v63  }
0xba: {  	_ =	swait.ge [sflag:s14], $0xC40  }
0xbb: {  	[sflag:s14] =	ssyncset.done $0x0  }
0xbc: {  	[sflag:s14] =	ssyncadd.s32 $0xFFFFF3C0  }
0xbd: {  	_ =	swait.ge [sflag:s14], $0xC40  }
0xbe: {  	[sflag:s14] =	ssyncset.done $0x0  }
0xbf: {  	[sflag:s14] =	ssyncadd.s32 $0xFFFFF3C0  }
0xc0: {  	_ =	swait.ge [sflag:s14], $0xC40  }
0xc1: {  	[sflag:s14] =	ssyncset.done $0x0  }
0xc2: {  	[sflag:s14] =	ssyncadd.s32 $0xFFFFF3C0  }
0xc3: {  	_ =	swait.ge [sflag:s14], $0xC40  }
0xc4: {  	[sflag:s14] =	ssyncset.done $0x0  }
0xc5: {  	[sflag:s14] =	ssyncadd.s32 $0xFFFFF3C0  }
0xc6: {  	_ =	swait.ge [sflag:s14], $0xC40  }
0xc7: {  	[sflag:s14] =	ssyncset.done $0x0  }
0xc8: {  	[sflag:s14] =	ssyncadd.s32 $0xFFFFF3C0  }
0xc9: {  	_ =	swait.ge [sflag:s14], $0xC40  }
0xca: {  	[sflag:s14] =	ssyncset.done $0x0  }
0xcb: {  	[sflag:s14] =	ssyncadd.s32 $0xFFFFF3C0  }
0xcc: {  	_ =	swait.ge [sflag:s14], $0xC40  }
0xcd: {  	[sflag:s14] =	ssyncset.done $0x0  }
0xce: {  	[sflag:s14] =	ssyncadd.s32 $0xFFFFF3C0  }
0xcf: {  	_ =	swait.ge [sflag:s14], $0xC40  }
0xd0: {  	[sflag:s14] =	ssyncset.done $0x0  }
0xd1: {  	[sflag:s14] =	ssyncadd.s32 $0xFFFFF3C0  }
0xd2: {  	_ =	swait.ge [sflag:s14], $0xC40  }
0xd3: {  	[sflag:s14] =	ssyncset.done $0x0  }
0xd4: {  	[sflag:s14] =	ssyncadd.s32 $0xFFFFF3C0  }
0xd5: {  	_ =	swait.ge [sflag:s14], $0xC40  }
0xd6: {  	[sflag:s14] =	ssyncset.done $0x0  }
0xd7: {  	[sflag:s14] =	ssyncadd.s32 $0xFFFFF3C0  }
0xd8: {  	_ =	swait.ge [sflag:s14], $0xC40  }
0xd9: {  	[sflag:s14] =	ssyncset.done $0x0  }
0xda: {  	[sflag:s14] =	ssyncadd.s32 $0xFFFFF3C0  }
0xdb: {  	_ =	swait.ge [sflag:s14], $0xC40  }
0xdc: {  	[sflag:s14] =	ssyncset.done $0x0  }
0xdd: {  	[sflag:s14] =	ssyncadd.s32 $0xFFFFF3C0  }
0xde: {  	_ =	swait.ge [sflag:s14], $0xC40  }
0xdf: {  	[sflag:s14] =	ssyncset.done $0x0  }
0xe0: {  	[sflag:s14] =	ssyncadd.s32 $0xFFFFF3C0  }
0xe1: {  	_ =	swait.ge [sflag:s14], $0xC40  }
0xe2: {  	[sflag:s14] =	ssyncset.done $0x0  }
0xe3: {  	[sflag:s14] =	ssyncadd.s32 $0xFFFFF3C0  }
0xe4: {  	_ =	swait.ge [sflag:s14], $0xC40  }
0xe5: {  	[sflag:s14] =	ssyncset.done $0x0  }
0xe6: {  	[sflag:s14] =	ssyncadd.s32 $0xFFFFF3C0  }
0xe7: {  	_ =	swait.ge [sflag:s14], $0xC40  }
0xe8: {  	[sflag:s14] =	ssyncset.done $0x0  }
0xe9: {  	[sflag:s14] =	ssyncadd.s32 $0xFFFFF3C0  }
0xea: {  	_ =	swait.ge [sflag:s14], $0xC40  }
0xeb: {  	[sflag:s14] =	ssyncset.done $0x0  }
0xec: {  	[sflag:s14] =	ssyncadd.s32 $0xFFFFF3C0  }
0xed: {  	_ =	swait.ge [sflag:s14], $0xC40  }
0xee: {  	[sflag:s14] =	ssyncset.done $0x0  }
0xef: {  	[sflag:s14] =	ssyncadd.s32 $0xFFFFF3C0  }
0xf0: {  	_ =	swait.ge [sflag:s14], $0xC40  }
0xf1: {  	[sflag:s14] =	ssyncset.done $0x0  }
0xf2: {  	[sflag:s14] =	ssyncadd.s32 $0xFFFFF3C0  }
0xf3: {  	_ =	swait.ge [sflag:s14], $0xC40  }
0xf4: {  	[sflag:s14] =	ssyncset.done $0x0  }
0xf5: {  	[sflag:s14] =	ssyncadd.s32 $0xFFFFF3C0  }
0xf6: {  	_ =	swait.ge [sflag:s14], $0xC40  }
0xf7: {  	[sflag:s14] =	ssyncset.done $0x0  }
0xf8: {  	[sflag:s14] =	ssyncadd.s32 $0xFFFFF3C0  }
0xf9: {  	_ =	swait.ge [sflag:s14], $0xC40  }
0xfa: {  	[sflag:s14] =	ssyncset.done $0x0  }
0xfb: {  	[sflag:s14] =	ssyncadd.s32 $0xFFFFF3C0  }
0xfc: {  	_ =	swait.ge [sflag:s14], $0xC40  }
0xfd: {  	[sflag:s14] =	ssyncset.done $0x0  }
0xfe: {  	[sflag:s14] =	ssyncadd.s32 $0xFFFFF3C0  }
0xff: {  	_ =	swait.ge [sflag:s14], $0xC40  }
0x100: {  	[sflag:s14] =	ssyncset.done $0x0  }
0x101: {  	[sflag:s14] =	ssyncadd.s32 $0xFFFFF3C0  }
0x102: {  	_ =	swait.ge [sflag:s14], $0xC40  }
0x103: {  	[sflag:s14] =	ssyncset.done $0x0  }
0x104: {  	[sflag:s14] =	ssyncadd.s32 $0xFFFFF3C0  }
0x105: {  	_ =	swait.ge [sflag:s14], $0xC40  }
0x106: {  	[sflag:s14] =	ssyncset.done $0x0  }
0x107: {  	[sflag:s14] =	ssyncadd.s32 $0xFFFFF3C0  }
0x108: {  	_ =	swait.ge [sflag:s14], $0xC40  }
0x109: {  	[sflag:s14] =	ssyncset.done $0x0  }
0x10a: {  	[sflag:s14] =	ssyncadd.s32 $0xFFFFF3C0  }
0x10b: {  	_ =	swait.ge [sflag:s14], $0xC40  }
0x10c: {  	[sflag:s14] =	ssyncset.done $0x0  }
0x10d: {  	[sflag:s14] =	ssyncadd.s32 $0xFFFFF3C0  }
0x10e: {  	_ =	swait.ge [sflag:s14], $0xC40  }
0x10f: {  	[sflag:s14] =	ssyncset.done $0x0  }
0x110: {  	[sflag:s14] =	ssyncadd.s32 $0xFFFFF3C0  }
0x111: {  	_ =	swait.ge [sflag:s14], $0xC40  }
0x112: {  	[sflag:s14] =	ssyncset.done $0x0  }
0x113: {  	[sflag:s14] =	ssyncadd.s32 $0xFFFFF3C0  }
0x114: {  	_ =	swait.ge [sflag:s14], $0xC40  }
0x115: {  	[sflag:s14] =	ssyncset.done $0x0  }
0x116: {  	[sflag:s14] =	ssyncadd.s32 $0xFFFFF3C0  }
0x117: {  	_ =	swait.ge [sflag:s14], $0xC40  }
0x118: {  	[sflag:s14] =	ssyncset.done $0x0  }
0x119: {  	[sflag:s14] =	ssyncadd.s32 $0xFFFFF3C0  }
0x11a: {  	[tilespmem:s31], [sflag:$0x2] =	stream.linear.gather [hbm4b:s9+s1], $0x1400, $0x38;
	[tilespmem:$0x1C480] =	vst v63  }
0x11b: {  	s11 =	simm.s32 $0x0  }
0x11c: {  	[tilespmem:s0], [sflag:$0x2] =	stream.linear.gather [hbm4b:s26+s1], $0xA00, $0x38;
	[tilespmem:$0x1C480] =	vst v63  }
.LBB2_2:
0x11d: {  	s22 =	sshll.u32 s11, $0x6  }
0x11e: {  	s6 =	sor.u32 s29, s22  }
0x11f: {  	s23 =	smul.u32 $0x280, s6;
	_ =	sdelay $0x1  }
0x120: {  	s24 =	simm.s32 $0x0;
	s6 =	smul.u32 $0x140, s6;
	s23 =	sadd.s32 s3, s23  }
0x121: {  	[tilespmem:s20], [sflag:$0x3] =	stream.linear.gather [hbm4b:s23+s24], $0x1400, $0x38;
	[tilespmem:$0x1C480] =	vst v63  }
0x122: {  	s6 =	sadd.s32 s18, s6  }
0x123: {  	[tilespmem:s13], [sflag:$0x3] =	stream.linear.gather [hbm4b:s6+s24], $0xA00, $0x38;
	[tilespmem:$0x1C480] =	vst v63  }
0x124: {  	_ =	swait.ge [sflag:s15], $0x1400  }
0x125: {  	[sflag:s15] =	ssyncset.done $0x0  }
0x126: {  	[sflag:s15] =	ssyncadd.s32 $0xFFFFEC00  }
0x127: {  	_ =	swait.ge [sflag:s15], $0xA00  }
0x128: {  	[sflag:s15] =	ssyncset.done $0x0  }
0x129: {  	s23 =	simm.s32 $0x0;
	[sflag:s15] =	ssyncadd.s32 $0xFFFFF600  }
0x12a: {  	v2 =	vld [tilespmem:s23+$0x1B050]  }
0x12b: {  	v1 =	vld [tilespmem:s23+$0x1B040]  }
0x12c: {  	v3 =	vld [tilespmem:s23+$0x1B030]  }
0x12d: {  	s24 =	simm.s32 $0x18880;
	v5 =	vld [tilespmem:s23+$0x1B020]  }
0x12e: {  	v6 =	vld [tilespmem:s24+$0xFFFFFFF0]  }
0x12f: {  	v4 =	vld [tilespmem:s24+$0x70]  }
0x130: {  	v9 =	vld [tilespmem:s23+$0x1B010]  }
0x131: {  	v8 =	vld [tilespmem:s24+$0xFFFFFFE0]  }
0x132: {  	v7 =	vld [tilespmem:s24+$0x60]  }
0x133: {  	v13 =	vld [tilespmem:s23+$0x1B000]  }
0x134: {  	v12 =	vld [tilespmem:s24+$0xFFFFFFD0]  }
0x135: {  	v10 =	vld [tilespmem:s24+$0x50]  }
0x136: {  	v15 =	vld [tilespmem:s24+$0xFFFFFFC0]  }
0x137: {  	v14 =	vld [tilespmem:s24+$0x40]  }
0x138: {  	v16 =	vld [tilespmem:s24+$0xFFFFFF80]  }
0x139: {  	v11 =	vimm.f32 $0.0e+00;
	s25 =	simm.s32 $0x200;
	v17 =	vld [tilespmem:s24+$0x0]  }
.LBB2_3:
0x13a: {  	p2 =	sne.s32 s25, $0x2600;
	v18 =	vld [tilespmem:s24+$0xFFFFFF90]  }
0x13b: {  	v19 =	vld [tilespmem:s24+$0x10]  }
0x13c: {  	v20 =	vld [tilespmem:s24+$0xFFFFFFA0]  }
0x13d: {  	v21 =	vld [tilespmem:s24+$0x20]  }
0x13e: {  	v22 =	vld [tilespmem:s24+$0xFFFFFFB0]  }
0x13f: {  	v23 =	vld [tilespmem:s24+$0x30]  }
0x140: {  	v16 =	vld.idx.msk [tilespmem:v16+s1+$0x0], $0xffff  }
0x141: {  	v17 =	vld.idx.msk [tilespmem:v17+s1+$0x0], $0xffff  }
0x142: {  	v18 =	vld.idx.msk [tilespmem:v18+s1+$0x0], $0xffff  }
0x143: {  	v19 =	vld.idx.msk [tilespmem:v19+s1+$0x0], $0xffff  }
0x144: {  	v20 =	vld.idx.msk [tilespmem:v20+s1+$0x0], $0xffff  }
0x145: {  	v21 =	vld.idx.msk [tilespmem:v21+s1+$0x0], $0xffff  }
0x146: {  	v22 =	vld.idx.msk [tilespmem:v22+s1+$0x0], $0xffff  }
0x147: {  	v16 =	vmul.f32 v17, v16;
	v17 =	vld.idx.msk [tilespmem:v23+s1+$0x0], $0xffff  }
0x148: {  	v15 =	vld.idx.msk [tilespmem:v15+s1+$0x0], $0xffff  }
0x149: {  	v13 =	vmul.f32 v13, v16;
	v16 =	vmul.f32 v19, v18;
	v14 =	vld.idx.msk [tilespmem:v14+s1+$0x0], $0xffff  }
0x14a: {  	v12 =	vld.idx.msk [tilespmem:v12+s1+$0x0], $0xffff  }
0x14b: {  	v11 =	vadd.f32 v13, v11;
	v9 =	vmul.f32 v9, v16;
	v13 =	vmul.f32 v21, v20;
	v10 =	vld.idx.msk [tilespmem:v10+s1+$0x0], $0xffff  }
0x14c: {  	v8 =	vld.idx.msk [tilespmem:v8+s1+$0x0], $0xffff  }
0x14d: {  	v9 =	vadd.f32 v9, v11;
	v5 =	vmul.f32 v5, v13;
	v11 =	vmul.f32 v17, v22;
	v7 =	vld.idx.msk [tilespmem:v7+s1+$0x0], $0xffff  }
0x14e: {  	v6 =	vld.idx.msk [tilespmem:v6+s1+$0x0], $0xffff  }
0x14f: {  	v5 =	vadd.f32 v5, v9;
	v3 =	vmul.f32 v3, v11;
	v9 =	vmul.f32 v14, v15;
	v4 =	vld.idx.msk [tilespmem:v4+s1+$0x0], $0xffff  }
0x150: {  	v11 =	vld [tilespmem:s23+$0x1B060]  }
0x151: {  	v3 =	vadd.f32 v3, v5;
	v5 =	vmul.f32 v1, v9;
	v9 =	vmul.f32 v10, v12;
	v10 =	vld [tilespmem:s23+$0x1B070];
	s23 =	sshra.s32 s25, $0x2  }
0x152: {  	v12 =	vld [tilespmem:s23+$0x1B050]  }
0x153: {  	v13 =	vadd.f32 v5, v3;
	v2 =	vmul.f32 v2, v9;
	v7 =	vmul.f32 v7, v8;
	v1 =	vld [tilespmem:s23+$0x1B040]  }
0x154: {  	v3 =	vld [tilespmem:s23+$0x1B030]  }
0x155: {  	s24 =	sadd.s32 $0x100, s24;
	v9 =	vadd.f32 v2, v13;
	v8 =	vmul.f32 v4, v6;
	v5 =	vld [tilespmem:s23+$0x1B020];
	v7 =	vmul.f32 v11, v7  }
0x156: {  	v6 =	vld [tilespmem:s24+$0xFFFFFFF0]  }
0x157: {  	v10 =	vmul.f32 v10, v8;
	v4 =	vld [tilespmem:s24+$0x70];
	v7 =	vadd.f32 v7, v9;
	v2 =	vmov v12  }
0x158: {  	v9 =	vld [tilespmem:s23+$0x1B010]  }
0x159: {  	v8 =	vld [tilespmem:s24+$0xFFFFFFE0];
	v11 =	vadd.f32 v10, v7  }
0x15a: {  	v7 =	vld [tilespmem:s24+$0x60]  }
0x15b: {  	v13 =	vld [tilespmem:s23+$0x1B000]  }
0x15c: {  	v12 =	vld [tilespmem:s24+$0xFFFFFFD0]  }
.Ltmp2:
0x15d: {  	v10 =	vld [tilespmem:s24+$0x50];
	(pc) =	sbr.rel @p2 .LBB2_3-.Ltmp2, $4  }
0x15e: {  	v15 =	vld [tilespmem:s24+$0xFFFFFFC0]  }
0x15f: {  	v14 =	vld [tilespmem:s24+$0x40]  }
0x160: {  	v16 =	vld [tilespmem:s24+$0xFFFFFF80]  }
0x161: {  	s25 =	sadd.s32 $0x200, s25;
	v17 =	vld [tilespmem:s24+$0x0]  }
0x162: {  	v18 =	vld [tilespmem:s24+$0xFFFFFF90]  }
0x163: {  	v19 =	vld [tilespmem:s24+$0x10]  }
0x164: {  	v20 =	vld [tilespmem:s24+$0xFFFFFFA0]  }
0x165: {  	v21 =	vld [tilespmem:s24+$0x20]  }
0x166: {  	v22 =	vld [tilespmem:s24+$0xFFFFFFB0]  }
0x167: {  	v23 =	vld [tilespmem:s24+$0x30]  }
0x168: {  	v12 =	vld.idx.msk [tilespmem:v12+s1+$0x0], $0xffff  }
0x169: {  	v16 =	vld.idx.msk [tilespmem:v16+s1+$0x0], $0xffff  }
0x16a: {  	v17 =	vld.idx.msk [tilespmem:v17+s1+$0x0], $0xffff  }
0x16b: {  	v18 =	vld.idx.msk [tilespmem:v18+s1+$0x0], $0xffff  }
0x16c: {  	v19 =	vld.idx.msk [tilespmem:v19+s1+$0x0], $0xffff  }
0x16d: {  	v20 =	vld.idx.msk [tilespmem:v20+s1+$0x0], $0xffff  }
0x16e: {  	v21 =	vld.idx.msk [tilespmem:v21+s1+$0x0], $0xffff  }
0x16f: {  	v22 =	vld.idx.msk [tilespmem:v22+s1+$0x0], $0xffff;
	v16 =	vmul.f32 v17, v16  }
0x170: {  	v17 =	vld.idx.msk [tilespmem:v23+s1+$0x0], $0xffff  }
0x171: {  	v15 =	vld.idx.msk [tilespmem:v15+s1+$0x0], $0xffff;
	v13 =	vmul.f32 v13, v16;
	v16 =	vmul.f32 v19, v18  }
0x172: {  	v14 =	vld.idx.msk [tilespmem:v14+s1+$0x0], $0xffff  }
0x173: {  	v10 =	vld.idx.msk [tilespmem:v10+s1+$0x0], $0xffff;
	v11 =	vadd.f32 v13, v11;
	v13 =	vmul.f32 v21, v20;
	v9 =	vmul.f32 v9, v16  }
0x174: {  	v8 =	vld.idx.msk [tilespmem:v8+s1+$0x0], $0xffff  }
0x175: {  	v7 =	vld.idx.msk [tilespmem:v7+s1+$0x0], $0xffff;
	v5 =	vmul.f32 v5, v13;
	v9 =	vadd.f32 v9, v11;
	v11 =	vmul.f32 v17, v22  }
0x176: {  	v6 =	vld.idx.msk [tilespmem:v6+s1+$0x0], $0xffff  }
0x177: {  	v4 =	vld.idx.msk [tilespmem:v4+s1+$0x0], $0xffff;
	v5 =	vadd.f32 v5, v9;
	v3 =	vmul.f32 v3, v11;
	v9 =	vmul.f32 v14, v15  }
0x178: {  	v11 =	vld [tilespmem:s23+$0x1B060]  }
0x179: {  	v3 =	vadd.f32 v3, v5;
	v1 =	vmul.f32 v1, v9;
	v5 =	vmul.f32 v10, v12  }
0x17a: {  	v9 =	vld [tilespmem:s23+$0x1B070]  }
0x17b: {  	v1 =	vadd.f32 v1, v3;
	v2 =	vmul.f32 v2, v5;
	v3 =	vmul.f32 v7, v8;
	_ =	sdelay $0x1  }
0x17c: {  	v1 =	vadd.f32 v2, v1;
	v2 =	vmul.f32 v11, v3;
	v3 =	vmul.f32 v4, v6  }
0x17d: {  	v4 =	vld [tilespmem:$0x1C400]  }
0x17e: {  	v1 =	vadd.f32 v2, v1;
	v2 =	vmul.f32 v9, v3  }
0x17f: {  	p2 =	seq.s32 @!p0 s11, $0x26  }
0x180: {  	p2 =	por p0, !p2;
	v1 =	vadd.f32 v2, v1  }
0x181: {  	s6 =	sadd.s32 @p2 s30, s22  }
0x182: {  	s22 =	smul.u32 @p2 $0x280, s6;
	v1 =	vadd.f32 v4, v1;
	_ =	sdelay $0x1  }
0x183: {  	s6 =	smul.u32 @p2 $0x140, s6;
	s22 =	sadd.s32 @p2 s3, s22;
	[tilespmem:$0x1C400] =	vst v1  }
0x184: {  	[tilespmem:s31], [sflag:$0x2] =	stream.linear.gather @p2 [hbm4b:s22+s1], $0x1400, $0x38;
	[tilespmem:$0x1C480] =	vst v63  }
0x185: {  	s6 =	sadd.s32 @p2 s18, s6  }
0x186: {  	[tilespmem:s0], [sflag:$0x2] =	stream.linear.gather @p2 [hbm4b:s6+s1], $0xA00, $0x38;
	[tilespmem:$0x1C480] =	vst v63  }
0x187: {  	_ =	swait.ge [sflag:s21], $0x1400  }
0x188: {  	[sflag:s21] =	ssyncset.done $0x0  }
0x189: {  	[sflag:s21] =	ssyncadd.s32 $0xFFFFEC00  }
0x18a: {  	_ =	swait.ge [sflag:s21], $0xA00  }
0x18b: {  	[sflag:s21] =	ssyncset.done $0x0  }
0x18c: {  	s22 =	simm.s32 $0x0;
	[sflag:s21] =	ssyncadd.s32 $0xFFFFF600  }
0x18d: {  	v2 =	vld [tilespmem:s22+$0x1BA50]  }
0x18e: {  	v1 =	vld [tilespmem:s22+$0x1BA40]  }
0x18f: {  	v3 =	vld [tilespmem:s22+$0x1BA30]  }
0x190: {  	s23 =	simm.s32 $0x19C80;
	v5 =	vld [tilespmem:s22+$0x1BA20]  }
0x191: {  	v6 =	vld [tilespmem:s23+$0xFFFFFFF0]  }
0x192: {  	v4 =	vld [tilespmem:s23+$0x70]  }
0x193: {  	v9 =	vld [tilespmem:s22+$0x1BA10]  }
0x194: {  	v8 =	vld [tilespmem:s23+$0xFFFFFFE0]  }
0x195: {  	v7 =	vld [tilespmem:s23+$0x60]  }
0x196: {  	v13 =	vld [tilespmem:s22+$0x1BA00]  }
0x197: {  	v12 =	vld [tilespmem:s23+$0xFFFFFFD0]  }
0x198: {  	v10 =	vld [tilespmem:s23+$0x50]  }
0x199: {  	v15 =	vld [tilespmem:s23+$0xFFFFFFC0]  }
0x19a: {  	v14 =	vld [tilespmem:s23+$0x40]  }
0x19b: {  	v16 =	vld [tilespmem:s23+$0xFFFFFF80]  }
0x19c: {  	s24 =	simm.s32 $0x200;
	v11 =	vimm.f32 $0.0e+00;
	v17 =	vld [tilespmem:s23+$0x0]  }
.LBB2_5:
0x19d: {  	p2 =	sne.s32 s24, $0x2600;
	v18 =	vld [tilespmem:s23+$0xFFFFFF90]  }
0x19e: {  	v19 =	vld [tilespmem:s23+$0x10]  }
0x19f: {  	v20 =	vld [tilespmem:s23+$0xFFFFFFA0]  }
0x1a0: {  	v21 =	vld [tilespmem:s23+$0x20]  }
0x1a1: {  	v22 =	vld [tilespmem:s23+$0xFFFFFFB0]  }
0x1a2: {  	v23 =	vld [tilespmem:s23+$0x30]  }
0x1a3: {  	v16 =	vld.idx.msk [tilespmem:v16+s1+$0x0], $0xffff  }
0x1a4: {  	v17 =	vld.idx.msk [tilespmem:v17+s1+$0x0], $0xffff  }
0x1a5: {  	v18 =	vld.idx.msk [tilespmem:v18+s1+$0x0], $0xffff  }
0x1a6: {  	v19 =	vld.idx.msk [tilespmem:v19+s1+$0x0], $0xffff  }
0x1a7: {  	v20 =	vld.idx.msk [tilespmem:v20+s1+$0x0], $0xffff  }
0x1a8: {  	v21 =	vld.idx.msk [tilespmem:v21+s1+$0x0], $0xffff  }
0x1a9: {  	v22 =	vld.idx.msk [tilespmem:v22+s1+$0x0], $0xffff  }
0x1aa: {  	v16 =	vmul.f32 v17, v16;
	v17 =	vld.idx.msk [tilespmem:v23+s1+$0x0], $0xffff  }
0x1ab: {  	v15 =	vld.idx.msk [tilespmem:v15+s1+$0x0], $0xffff  }
0x1ac: {  	v13 =	vmul.f32 v13, v16;
	v16 =	vmul.f32 v19, v18;
	v14 =	vld.idx.msk [tilespmem:v14+s1+$0x0], $0xffff  }
0x1ad: {  	v12 =	vld.idx.msk [tilespmem:v12+s1+$0x0], $0xffff  }
0x1ae: {  	v11 =	vadd.f32 v13, v11;
	v9 =	vmul.f32 v9, v16;
	v13 =	vmul.f32 v21, v20;
	v10 =	vld.idx.msk [tilespmem:v10+s1+$0x0], $0xffff  }
0x1af: {  	v8 =	vld.idx.msk [tilespmem:v8+s1+$0x0], $0xffff  }
0x1b0: {  	v9 =	vadd.f32 v9, v11;
	v5 =	vmul.f32 v5, v13;
	v11 =	vmul.f32 v17, v22;
	v7 =	vld.idx.msk [tilespmem:v7+s1+$0x0], $0xffff  }
0x1b1: {  	v6 =	vld.idx.msk [tilespmem:v6+s1+$0x0], $0xffff  }
0x1b2: {  	v5 =	vadd.f32 v5, v9;
	v3 =	vmul.f32 v3, v11;
	v9 =	vmul.f32 v14, v15;
	v4 =	vld.idx.msk [tilespmem:v4+s1+$0x0], $0xffff  }
0x1b3: {  	v11 =	vld [tilespmem:s22+$0x1BA60]  }
0x1b4: {  	v3 =	vadd.f32 v3, v5;
	v5 =	vmul.f32 v1, v9;
	v9 =	vmul.f32 v10, v12;
	v10 =	vld [tilespmem:s22+$0x1BA70];
	s22 =	sshra.s32 s24, $0x2  }
0x1b5: {  	v12 =	vld [tilespmem:s22+$0x1BA50]  }
0x1b6: {  	v13 =	vadd.f32 v5, v3;
	v2 =	vmul.f32 v2, v9;
	v7 =	vmul.f32 v7, v8;
	v1 =	vld [tilespmem:s22+$0x1BA40]  }
0x1b7: {  	v3 =	vld [tilespmem:s22+$0x1BA30]  }
0x1b8: {  	s23 =	sadd.s32 $0x100, s23;
	v9 =	vadd.f32 v2, v13;
	v8 =	vmul.f32 v4, v6;
	v5 =	vld [tilespmem:s22+$0x1BA20];
	v7 =	vmul.f32 v11, v7  }
0x1b9: {  	v6 =	vld [tilespmem:s23+$0xFFFFFFF0]  }
0x1ba: {  	v10 =	vmul.f32 v10, v8;
	v4 =	vld [tilespmem:s23+$0x70];
	v7 =	vadd.f32 v7, v9;
	v2 =	vmov v12  }
0x1bb: {  	v9 =	vld [tilespmem:s22+$0x1BA10]  }
0x1bc: {  	v8 =	vld [tilespmem:s23+$0xFFFFFFE0];
	v11 =	vadd.f32 v10, v7  }
0x1bd: {  	v7 =	vld [tilespmem:s23+$0x60]  }
0x1be: {  	v13 =	vld [tilespmem:s22+$0x1BA00]  }
0x1bf: {  	v12 =	vld [tilespmem:s23+$0xFFFFFFD0]  }
.Ltmp3:
0x1c0: {  	v10 =	vld [tilespmem:s23+$0x50];
	(pc) =	sbr.rel @p2 .LBB2_5-.Ltmp3, $4  }
0x1c1: {  	v15 =	vld [tilespmem:s23+$0xFFFFFFC0]  }
0x1c2: {  	v14 =	vld [tilespmem:s23+$0x40]  }
0x1c3: {  	v16 =	vld [tilespmem:s23+$0xFFFFFF80]  }
0x1c4: {  	s24 =	sadd.s32 $0x200, s24;
	v17 =	vld [tilespmem:s23+$0x0]  }
0x1c5: {  	v18 =	vld [tilespmem:s23+$0xFFFFFF90]  }
0x1c6: {  	v19 =	vld [tilespmem:s23+$0x10]  }
0x1c7: {  	v20 =	vld [tilespmem:s23+$0xFFFFFFA0]  }
0x1c8: {  	v21 =	vld [tilespmem:s23+$0x20]  }
0x1c9: {  	v22 =	vld [tilespmem:s23+$0xFFFFFFB0]  }
0x1ca: {  	v23 =	vld [tilespmem:s23+$0x30]  }
0x1cb: {  	v12 =	vld.idx.msk [tilespmem:v12+s1+$0x0], $0xffff  }
0x1cc: {  	v16 =	vld.idx.msk [tilespmem:v16+s1+$0x0], $0xffff  }
0x1cd: {  	v17 =	vld.idx.msk [tilespmem:v17+s1+$0x0], $0xffff  }
0x1ce: {  	v18 =	vld.idx.msk [tilespmem:v18+s1+$0x0], $0xffff  }
0x1cf: {  	v19 =	vld.idx.msk [tilespmem:v19+s1+$0x0], $0xffff  }
0x1d0: {  	v20 =	vld.idx.msk [tilespmem:v20+s1+$0x0], $0xffff  }
0x1d1: {  	v21 =	vld.idx.msk [tilespmem:v21+s1+$0x0], $0xffff  }
0x1d2: {  	v22 =	vld.idx.msk [tilespmem:v22+s1+$0x0], $0xffff;
	v16 =	vmul.f32 v17, v16  }
0x1d3: {  	v55 =	vld.idx.msk [tilespmem:v23+s1+$0x0], $0xffff  }
0x1d4: {  	v15 =	vld.idx.msk [tilespmem:v15+s1+$0x0], $0xffff;
	v13 =	vmul.f32 v13, v16;
	v56 =	vmul.f32 v19, v18  }
0x1d5: {  	v14 =	vld.idx.msk [tilespmem:v14+s1+$0x0], $0xffff  }
0x1d6: {  	v10 =	vld.idx.msk [tilespmem:v10+s1+$0x0], $0xffff;
	v11 =	vadd.f32 v13, v11;
	v57 =	vmul.f32 v21, v20;
	v9 =	vmul.f32 v9, v56  }
0x1d7: {  	v8 =	vld.idx.msk [tilespmem:v8+s1+$0x0], $0xffff  }
0x1d8: {  	v7 =	vld.idx.msk [tilespmem:v7+s1+$0x0], $0xffff;
	v58 =	vmul.f32 v55, v22;
	v5 =	vmul.f32 v5, v57;
	v9 =	vadd.f32 v9, v11  }
0x1d9: {  	v6 =	vld.idx.msk [tilespmem:v6+s1+$0x0], $0xffff  }
0x1da: {  	v4 =	vld.idx.msk [tilespmem:v4+s1+$0x0], $0xffff;
	v59 =	vmul.f32 v14, v15;
	v3 =	vmul.f32 v3, v58;
	v5 =	vadd.f32 v5, v9  }
0x1db: {  	v60 =	vld [tilespmem:s22+$0x1BA60]  }
0x1dc: {  	v61 =	vmul.f32 v10, v12;
	v1 =	vmul.f32 v1, v59;
	v3 =	vadd.f32 v3, v5  }
0x1dd: {  	v62 =	vld [tilespmem:s22+$0x1BA70]  }
0x1de: {  	v2 =	vmul.f32 v2, v61;
	v1 =	vadd.f32 v1, v3;
	v3 =	vmul.f32 v7, v8;
	_ =	sdelay $0x1  }
0x1df: {  	v1 =	vadd.f32 v2, v1;
	v2 =	vmul.f32 v60, v3;
	v3 =	vmul.f32 v4, v6  }
0x1e0: {  	v63 =	vld [tilespmem:$0x1C400]  }
0x1e1: {  	s11 =	sadd.s32 $0x1, s11;
	v1 =	vadd.f32 v2, v1;
	v2 =	vmul.f32 v62, v3  }
0x1e2: {  	p2 =	sne.s32 s11, $0x27  }
.Ltmp4:
0x1e3: {  	v1 =	vadd.f32 v2, v1;
	(pc) =	sbr.rel @p2 .LBB2_2-.Ltmp4, $3  }
0x1e4: {  	_ = 	snop  }
0x1e5: {  	v1 =	vadd.f32 v63, v1;
	_ =	sdelay $0x1  }
0x1e6: {  	[tilespmem:$0x1C400] =	vst v1  }
.Ltmp5:
0x1e7: {  	(pc) =	sbr.rel @p1 .LBB2_11-.Ltmp5, $1  }
0x1e8: {  	_ =	sdelay $0x3  }
0x1e9: {  	_ =	swait.ge [sflag:s15], $0x1400  }
0x1ea: {  	[sflag:s15] =	ssyncset.done $0x0  }
0x1eb: {  	[sflag:s15] =	ssyncadd.s32 $0xFFFFEC00  }
0x1ec: {  	_ =	swait.ge [sflag:s15], $0xA00  }
0x1ed: {  	[sflag:s15] =	ssyncset.done $0x0  }
0x1ee: {  	s11 =	simm.s32 $0x0;
	[sflag:s15] =	ssyncadd.s32 $0xFFFFF600  }
0x1ef: {  	v3 =	vld [tilespmem:s11+$0x1B050]  }
0x1f0: {  	v2 =	vld [tilespmem:s11+$0x1B040]  }
0x1f1: {  	v4 =	vld [tilespmem:s11+$0x1B030]  }
0x1f2: {  	s22 =	simm.s32 $0x18880;
	v6 =	vld [tilespmem:s11+$0x1B020]  }
0x1f3: {  	v7 =	vld [tilespmem:s22+$0xFFFFFFF0]  }
0x1f4: {  	v5 =	vld [tilespmem:s22+$0x70]  }
0x1f5: {  	v10 =	vld [tilespmem:s11+$0x1B010]  }
0x1f6: {  	v9 =	vld [tilespmem:s22+$0xFFFFFFE0]  }
0x1f7: {  	v8 =	vld [tilespmem:s22+$0x60]  }
0x1f8: {  	v14 =	vld [tilespmem:s11+$0x1B000]  }
0x1f9: {  	v13 =	vld [tilespmem:s22+$0xFFFFFFD0]  }
0x1fa: {  	v11 =	vld [tilespmem:s22+$0x50]  }
0x1fb: {  	v16 =	vld [tilespmem:s22+$0xFFFFFFC0]  }
0x1fc: {  	v15 =	vld [tilespmem:s22+$0x40]  }
0x1fd: {  	v17 =	vld [tilespmem:s22+$0xFFFFFF80]  }
0x1fe: {  	v12 =	vimm.f32 $0.0e+00;
	s23 =	simm.s32 $0x200;
	v18 =	vld [tilespmem:s22+$0x0]  }
.LBB2_9:
0x1ff: {  	p2 =	sne.s32 s23, $0x2600;
	v19 =	vld [tilespmem:s22+$0xFFFFFF90]  }
0x200: {  	v20 =	vld [tilespmem:s22+$0x10]  }
0x201: {  	v21 =	vld [tilespmem:s22+$0xFFFFFFA0]  }
0x202: {  	v22 =	vld [tilespmem:s22+$0x20]  }
0x203: {  	v23 =	vld [tilespmem:s22+$0xFFFFFFB0]  }
0x204: {  	v24 =	vld [tilespmem:s22+$0x30]  }
0x205: {  	v17 =	vld.idx.msk [tilespmem:v17+s1+$0x0], $0xffff  }
0x206: {  	v18 =	vld.idx.msk [tilespmem:v18+s1+$0x0], $0xffff  }
0x207: {  	v19 =	vld.idx.msk [tilespmem:v19+s1+$0x0], $0xffff  }
0x208: {  	v20 =	vld.idx.msk [tilespmem:v20+s1+$0x0], $0xffff  }
0x209: {  	v21 =	vld.idx.msk [tilespmem:v21+s1+$0x0], $0xffff  }
0x20a: {  	v22 =	vld.idx.msk [tilespmem:v22+s1+$0x0], $0xffff  }
0x20b: {  	v23 =	vld.idx.msk [tilespmem:v23+s1+$0x0], $0xffff  }
0x20c: {  	v17 =	vmul.f32 v18, v17;
	v18 =	vld.idx.msk [tilespmem:v24+s1+$0x0], $0xffff  }
0x20d: {  	v16 =	vld.idx.msk [tilespmem:v16+s1+$0x0], $0xffff  }
0x20e: {  	v14 =	vmul.f32 v14, v17;
	v17 =	vmul.f32 v20, v19;
	v15 =	vld.idx.msk [tilespmem:v15+s1+$0x0], $0xffff  }
0x20f: {  	v13 =	vld.idx.msk [tilespmem:v13+s1+$0x0], $0xffff  }
0x210: {  	v12 =	vadd.f32 v14, v12;
	v10 =	vmul.f32 v10, v17;
	v14 =	vmul.f32 v22, v21;
	v11 =	vld.idx.msk [tilespmem:v11+s1+$0x0], $0xffff  }
0x211: {  	v9 =	vld.idx.msk [tilespmem:v9+s1+$0x0], $0xffff  }
0x212: {  	v10 =	vadd.f32 v10, v12;
	v6 =	vmul.f32 v6, v14;
	v12 =	vmul.f32 v18, v23;
	v8 =	vld.idx.msk [tilespmem:v8+s1+$0x0], $0xffff  }
0x213: {  	v7 =	vld.idx.msk [tilespmem:v7+s1+$0x0], $0xffff  }
0x214: {  	v6 =	vadd.f32 v6, v10;
	v4 =	vmul.f32 v4, v12;
	v10 =	vmul.f32 v15, v16;
	v5 =	vld.idx.msk [tilespmem:v5+s1+$0x0], $0xffff  }
0x215: {  	v12 =	vld [tilespmem:s11+$0x1B060]  }
0x216: {  	v4 =	vadd.f32 v4, v6;
	v6 =	vmul.f32 v2, v10;
	v10 =	vmul.f32 v11, v13;
	v11 =	vld [tilespmem:s11+$0x1B070];
	s11 =	sshra.s32 s23, $0x2  }
0x217: {  	v13 =	vld [tilespmem:s11+$0x1B050]  }
0x218: {  	v14 =	vadd.f32 v6, v4;
	v3 =	vmul.f32 v3, v10;
	v8 =	vmul.f32 v8, v9;
	v2 =	vld [tilespmem:s11+$0x1B040]  }
0x219: {  	v4 =	vld [tilespmem:s11+$0x1B030]  }
0x21a: {  	s22 =	sadd.s32 $0x100, s22;
	v10 =	vadd.f32 v3, v14;
	v9 =	vmul.f32 v5, v7;
	v6 =	vld [tilespmem:s11+$0x1B020];
	v8 =	vmul.f32 v12, v8  }
0x21b: {  	v7 =	vld [tilespmem:s22+$0xFFFFFFF0]  }
0x21c: {  	v11 =	vmul.f32 v11, v9;
	v5 =	vld [tilespmem:s22+$0x70];
	v8 =	vadd.f32 v8, v10;
	v3 =	vmov v13  }
0x21d: {  	v10 =	vld [tilespmem:s11+$0x1B010]  }
0x21e: {  	v9 =	vld [tilespmem:s22+$0xFFFFFFE0];
	v12 =	vadd.f32 v11, v8  }
0x21f: {  	v8 =	vld [tilespmem:s22+$0x60]  }
0x220: {  	v14 =	vld [tilespmem:s11+$0x1B000]  }
0x221: {  	v13 =	vld [tilespmem:s22+$0xFFFFFFD0]  }
.Ltmp6:
0x222: {  	v11 =	vld [tilespmem:s22+$0x50];
	(pc) =	sbr.rel @p2 .LBB2_9-.Ltmp6, $4  }
0x223: {  	v16 =	vld [tilespmem:s22+$0xFFFFFFC0]  }
0x224: {  	v15 =	vld [tilespmem:s22+$0x40]  }
0x225: {  	v17 =	vld [tilespmem:s22+$0xFFFFFF80]  }
0x226: {  	s23 =	sadd.s32 $0x200, s23;
	v18 =	vld [tilespmem:s22+$0x0]  }
0x227: {  	v19 =	vld [tilespmem:s22+$0xFFFFFF90]  }
0x228: {  	v20 =	vld [tilespmem:s22+$0x10]  }
0x229: {  	v21 =	vld [tilespmem:s22+$0xFFFFFFA0]  }
0x22a: {  	v22 =	vld [tilespmem:s22+$0x20]  }
0x22b: {  	v23 =	vld [tilespmem:s22+$0xFFFFFFB0]  }
0x22c: {  	v24 =	vld [tilespmem:s22+$0x30]  }
0x22d: {  	v13 =	vld.idx.msk [tilespmem:v13+s1+$0x0], $0xffff  }
0x22e: {  	v17 =	vld.idx.msk [tilespmem:v17+s1+$0x0], $0xffff  }
0x22f: {  	v18 =	vld.idx.msk [tilespmem:v18+s1+$0x0], $0xffff  }
0x230: {  	v19 =	vld.idx.msk [tilespmem:v19+s1+$0x0], $0xffff  }
0x231: {  	v20 =	vld.idx.msk [tilespmem:v20+s1+$0x0], $0xffff  }
0x232: {  	v21 =	vld.idx.msk [tilespmem:v21+s1+$0x0], $0xffff  }
0x233: {  	v22 =	vld.idx.msk [tilespmem:v22+s1+$0x0], $0xffff  }
0x234: {  	v23 =	vld.idx.msk [tilespmem:v23+s1+$0x0], $0xffff;
	v17 =	vmul.f32 v18, v17  }
0x235: {  	v54 =	vld.idx.msk [tilespmem:v24+s1+$0x0], $0xffff  }
0x236: {  	v16 =	vld.idx.msk [tilespmem:v16+s1+$0x0], $0xffff;
	v14 =	vmul.f32 v14, v17;
	v55 =	vmul.f32 v20, v19  }
0x237: {  	v15 =	vld.idx.msk [tilespmem:v15+s1+$0x0], $0xffff  }
0x238: {  	v11 =	vld.idx.msk [tilespmem:v11+s1+$0x0], $0xffff;
	v12 =	vadd.f32 v14, v12;
	v56 =	vmul.f32 v22, v21;
	v10 =	vmul.f32 v10, v55  }
0x239: {  	v9 =	vld.idx.msk [tilespmem:v9+s1+$0x0], $0xffff  }
0x23a: {  	v8 =	vld.idx.msk [tilespmem:v8+s1+$0x0], $0xffff;
	v57 =	vmul.f32 v54, v23;
	v6 =	vmul.f32 v6, v56;
	v10 =	vadd.f32 v10, v12  }
0x23b: {  	v7 =	vld.idx.msk [tilespmem:v7+s1+$0x0], $0xffff  }
0x23c: {  	v5 =	vld.idx.msk [tilespmem:v5+s1+$0x0], $0xffff;
	v58 =	vmul.f32 v15, v16;
	v4 =	vmul.f32 v4, v57;
	v6 =	vadd.f32 v6, v10  }
0x23d: {  	v59 =	vld [tilespmem:s11+$0x1B060]  }
0x23e: {  	v60 =	vmul.f32 v11, v13;
	v2 =	vmul.f32 v2, v58;
	v4 =	vadd.f32 v4, v6  }
0x23f: {  	v61 =	vld [tilespmem:s11+$0x1B070]  }
0x240: {  	v62 =	vmul.f32 v8, v9;
	v3 =	vmul.f32 v3, v60;
	v2 =	vadd.f32 v2, v4;
	_ =	sdelay $0x1  }
0x241: {  	v63 =	vmul.f32 v5, v7;
	v2 =	vadd.f32 v3, v2;
	v3 =	vmul.f32 v59, v62;
	_ =	sdelay $0x1  }
0x242: {  	v2 =	vadd.f32 v3, v2;
	v3 =	vmul.f32 v61, v63;
	_ =	sdelay $0x1  }
0x243: {  	v2 =	vadd.f32 v3, v2;
	_ =	sdelay $0x1  }
0x244: {  	v1 =	vadd.f32 v1, v2;
	_ =	sdelay $0x1  }
0x245: {  	[tilespmem:$0x1C400] =	vst v1  }
.LBB2_11:
0x246: {  	s11 =	sld [smem:$0x7FB];
	_ =	sdelay $0x1  }
0x247: {  	[tilespmem:$0x1B000] =	vst v1;
	s6 =	simm.s32 $0x0  }
0x248: {  	[hbm4b:s11+s6] =	stream.linear.scatter [tilespmem:s0], [sflag:$0x4], $0x10, $0x38;
	[tilespmem:$0x1C480] =	vst v63  }
0x249: {  	_ =	swait.ge [sflag:s12], $0x10  }
0x24a: {  	[sflag:s12] =	ssyncset.done $0x0  }
0x24b: {  	s6 =	simm.s32 $0x0;
	s11 =	simm.s32 $0x400;
	[sflag:s12] =	ssyncadd.s32 $0xFFFFFFF0  }
.LBB2_12:
0x24c: {  	p2 =	sne.s32 s11, $0x61C00;
	[tilespmem:s6+$0xF0] =	vst v0  }
0x24d: {  	[tilespmem:s6+$0x0] =	vst v0  }
0x24e: {  	[tilespmem:s6+$0x10] =	vst v0  }
0x24f: {  	[tilespmem:s6+$0x20] =	vst v0  }
0x250: {  	[tilespmem:s6+$0x30] =	vst v0  }
0x251: {  	[tilespmem:s6+$0x40] =	vst v0  }
0x252: {  	[tilespmem:s6+$0x50] =	vst v0  }
0x253: {  	[tilespmem:s6+$0x60] =	vst v0  }
0x254: {  	[tilespmem:s6+$0x70] =	vst v0  }
0x255: {  	[tilespmem:s6+$0x80] =	vst v0  }
0x256: {  	[tilespmem:s6+$0x90] =	vst v0  }
.Ltmp7:
0x257: {  	[tilespmem:s6+$0xA0] =	vst v0;
	(pc) =	sbr.rel @p2 .LBB2_12-.Ltmp7, $4  }
0x258: {  	[tilespmem:s6+$0xB0] =	vst v0  }
0x259: {  	[tilespmem:s6+$0xC0] =	vst v0  }
0x25a: {  	[tilespmem:s6+$0xD0] =	vst v0  }
0x25b: {  	[tilespmem:s6+$0xE0] =	vst v0;
	s6 =	sshra.s32 s11, $0x2;
	s11 =	sadd.s32 $0x400, s11  }
0x25c: {  	[tilespmem:s6+$0xF0] =	vst v0  }
0x25d: {  	[tilespmem:s6+$0x0] =	vst v0  }
0x25e: {  	[tilespmem:s6+$0x10] =	vst v0  }
0x25f: {  	[tilespmem:s6+$0x20] =	vst v0  }
0x260: {  	[tilespmem:s6+$0x30] =	vst v0  }
0x261: {  	[tilespmem:s6+$0x40] =	vst v0  }
0x262: {  	[tilespmem:s6+$0x50] =	vst v0  }
0x263: {  	[tilespmem:s6+$0x60] =	vst v0  }
0x264: {  	[tilespmem:s6+$0x70] =	vst v0  }
0x265: {  	[tilespmem:s6+$0x80] =	vst v0  }
0x266: {  	[tilespmem:s6+$0x90] =	vst v0  }
0x267: {  	[tilespmem:s6+$0xA0] =	vst v0  }
0x268: {  	[tilespmem:s6+$0xB0] =	vst v0  }
0x269: {  	[tilespmem:s6+$0xC0] =	vst v0  }
0x26a: {  	[tilespmem:s6+$0xD0] =	vst v0  }
0x26b: {  	[tilespmem:s6+$0xE0] =	vst v0;
	s11 =	simm.s32 $0x0  }
0x26c: {  	[tilespmem:s31], [sflag:$0x2] =	stream.linear.gather [hbm4b:s9+s11], $0x1400, $0x38;
	[tilespmem:$0x1C480] =	vst v63  }
0x26d: {  	s28 =	simm.s32 $0x0  }
0x26e: {  	[tilespmem:s0], [sflag:$0x2] =	stream.linear.gather [hbm4b:s26+s11], $0xA00, $0x38;
	[tilespmem:$0x1C480] =	vst v63  }
.LBB2_14:
0x26f: {  	s22 =	sshll.u32 s28, $0x6  }
0x270: {  	s6 =	sor.u32 s29, s22  }
0x271: {  	s23 =	smul.u32 $0x280, s6;
	_ =	sdelay $0x1  }
0x272: {  	s6 =	smul.u32 $0x140, s6;
	s23 =	sadd.s32 s3, s23  }
0x273: {  	[tilespmem:s20], [sflag:$0x3] =	stream.linear.gather [hbm4b:s23+s11], $0x1400, $0x38;
	[tilespmem:$0x1C480] =	vst v63  }
0x274: {  	s6 =	sadd.s32 s18, s6  }
0x275: {  	[tilespmem:s13], [sflag:$0x3] =	stream.linear.gather [hbm4b:s6+s11], $0xA00, $0x38;
	[tilespmem:$0x1C480] =	vst v63  }
0x276: {  	_ =	swait.ge [sflag:s15], $0x1400  }
0x277: {  	[sflag:s15] =	ssyncset.done $0x0  }
0x278: {  	[sflag:s15] =	ssyncadd.s32 $0xFFFFEC00  }
0x279: {  	_ =	swait.ge [sflag:s15], $0xA00  }
0x27a: {  	[sflag:s15] =	ssyncset.done $0x0  }
0x27b: {  	s25 =	simm.s32 $0x0;
	[sflag:s15] =	ssyncadd.s32 $0xFFFFF600  }
0x27c: {  	v1 =	vld [tilespmem:s25+$0x1B010]  }
0x27d: {  	v2 =	vld [tilespmem:s25+$0x1B000]  }
0x27e: {  	v3 =	vld [tilespmem:s25+$0x1B020]  }
0x27f: {  	v4 =	vld [tilespmem:s25+$0x1B030]  }
0x280: {  	v5 =	vld [tilespmem:s25+$0x1B040]  }
0x281: {  	v6 =	vld [tilespmem:s25+$0x1B050];
	_ =	sdelay $0x2  }
0x282: {  	v1 =	vsub.f32 $1.000000000e+00, v1;
	v2 =	vsub.f32 $1.000000000e+00, v2  }
0x283: {  	v3 =	vsub.f32 $1.000000000e+00, v3;
	v4 =	vsub.f32 $1.000000000e+00, v4  }
0x284: {  	v5 =	vsub.f32 $1.000000000e+00, v5;
	v6 =	vsub.f32 $1.000000000e+00, v6  }
0x285: {  	v1 =	vadd.f32 $9.999999970e-07, v1;
	v7 =	vadd.f32 $9.999999970e-07, v3  }
0x286: {  	v8 =	vadd.f32 $9.999999970e-07, v2;
	v4 =	vadd.f32 $9.999999970e-07, v4  }
0x287: {  	v11 =	vadd.f32 $9.999999970e-07, v5;
	v2 =	vadd.s32 $0xC0CAFB0D, v1;
	v10 =	vadd.s32 $0xC0CAFB0D, v7  }
0x288: {  	v3 =	vadd.s32 $0xC0CAFB0D, v8;
	v9 =	vshra.s32 v2, $0x17;
	v2 =	vand.u32 $0xFF800000, v2  }
0x289: {  	v22 =	vadd.s32 $0xC0CAFB0D, v4;
	v12 =	vand.u32 $0xFF800000, v3;
	v1 =	vsub.s32 v1, v2  }
0x28a: {  	v2 =	vand.u32 $0xFF800000, v10;
	v14 =	vadd.f32 $-1.000000000e+00, v1;
	v1 =	vcvt.s32.f32 v9  }
0x28b: {  	v13 =	vadd.s32 $0xC0CAFB0D, v11;
	v8 =	vsub.s32 v8, v12;
	v12 =	vld [tilespmem:s25+$0x1B060];
	v5 =	vsub.s32 v7, v2  }
0x28c: {  	v9 =	vand.u32 $0xFF800000, v22;
	v7 =	vmul.f32 $1.423019320e-01, v14;
	v2 =	vmul.f32 $6.931471820e-01, v1  }
0x28d: {  	v1 =	vadd.f32 $-1.000000000e+00, v5;
	v5 =	vshra.s32 v13, $0x17;
	v13 =	vand.u32 $0xFF800000, v13  }
0x28e: {  	v4 =	vsub.s32 v4, v9;
	v9 =	vsub.s32 v11, v13;
	v7 =	vsub.f32 $2.232526540e-01, v7  }
0x28f: {  	v15 =	vadd.f32 $-1.000000000e+00, v9;
	v9 =	vadd.f32 $9.999999970e-07, v6  }
0x290: {  	v6 =	vadd.f32 $-1.000000000e+00, v8;
	v12 =	vsub.f32 $1.000000000e+00, v12  }
0x291: {  	v8 =	vmul.f32 $1.423019320e-01, v1;
	v11 =	vmul.f32 v7, v14;
	v7 =	vadd.f32 $-1.000000000e+00, v4  }
0x292: {  	v13 =	vadd.s32 $0xC0CAFB0D, v9;
	v16 =	vmul.f32 $1.423019320e-01, v6;
	v20 =	vadd.f32 $9.999999970e-07, v12  }
0x293: {  	v18 =	vand.u32 $0xFF800000, v13;
	v4 =	vadd.f32 $-2.548729780e-01, v11;
	v11 =	vmul.f32 $1.423019320e-01, v15  }
0x294: {  	v8 =	vsub.f32 $2.232526540e-01, v8;
	v17 =	vmul.f32 $1.423019320e-01, v7;
	v9 =	vsub.s32 v9, v18  }
0x295: {  	v16 =	vsub.f32 $2.232526540e-01, v16;
	v12 =	vadd.s32 $0xC0CAFB0D, v20;
	v11 =	vsub.f32 $2.232526540e-01, v11  }
0x296: {  	v8 =	vmul.f32 v8, v1;
	v4 =	vmul.f32 v4, v14;
	v17 =	vsub.f32 $2.232526540e-01, v17  }
0x297: {  	v18 =	vshra.s32 v13, $0x17;
	v21 =	vand.u32 $0xFF800000, v12;
	v11 =	vmul.f32 v11, v15  }
0x298: {  	v8 =	vadd.f32 $-2.548729780e-01, v8;
	v13 =	vadd.f32 $3.322423400e-01, v4;
	v17 =	vmul.f32 v17, v7  }
0x299: {  	v16 =	vmul.f32 v16, v6;
	v4 =	vadd.f32 $-1.000000000e+00, v9;
	v9 =	vld [tilespmem:s25+$0x1B070];
	v11 =	vadd.f32 $-2.548729780e-01, v11  }
0x29a: {  	v20 =	vsub.s32 v20, v21;
	v13 =	vmul.f32 v13, v14;
	v17 =	vadd.f32 $-2.548729780e-01, v17  }
0x29b: {  	v16 =	vadd.f32 $-2.548729780e-01, v16;
	v19 =	vmul.f32 $1.423019320e-01, v4;
	v11 =	vmul.f32 v11, v15  }
0x29c: {  	v25 =	vmul.f32 v8, v1;
	v13 =	vadd.f32 $-4.998440440e-01, v13;
	v17 =	vmul.f32 v17, v7  }
0x29d: {  	v16 =	vmul.f32 v16, v6;
	v19 =	vsub.f32 $2.232526540e-01, v19;
	v11 =	vadd.f32 $3.322423400e-01, v11  }
0x29e: {  	v9 =	vsub.f32 $1.000000000e+00, v9;
	v13 =	vmul.f32 v13, v14;
	v17 =	vadd.f32 $3.322423400e-01, v17  }
0x29f: {  	v16 =	vadd.f32 $3.322423400e-01, v16;
	v19 =	vmul.f32 v19, v4;
	v11 =	vmul.f32 v11, v15  }
0x2a0: {  	v9 =	vadd.f32 $9.999999970e-07, v9;
	v23 =	vadd.f32 $1.000014420e+00, v13;
	v17 =	vmul.f32 v17, v7  }
0x2a1: {  	v13 =	vshra.s32 v10, $0x17;
	v10 =	vadd.f32 $-2.548729780e-01, v19;
	v11 =	vadd.f32 $-4.998440440e-01, v11  }
0x2a2: {  	v16 =	vmul.f32 v16, v6;
	v24 =	vadd.s32 $0xC0CAFB0D, v9;
	v17 =	vadd.f32 $-4.998440440e-01, v17  }
0x2a3: {  	v10 =	vmul.f32 v10, v4;
	v19 =	vand.u32 $0xFF800000, v24;
	v11 =	vmul.f32 v11, v15  }
0x2a4: {  	v21 =	vsub.s32 v9, v19;
	v9 =	vadd.f32 $-1.000000000e+00, v20;
	v8 =	vmul.f32 v17, v7  }
0x2a5: {  	v20 =	vadd.f32 $-4.998440440e-01, v16;
	v11 =	vadd.f32 $1.000014420e+00, v11  }
0x2a6: {  	v14 =	vmul.f32 v23, v14;
	v10 =	vadd.f32 $3.322423400e-01, v10;
	v19 =	vadd.f32 $1.000014420e+00, v8  }
0x2a7: {  	v8 =	vadd.f32 $-1.000000000e+00, v21;
	v17 =	vmul.f32 v11, v15;
	v11 =	vmul.f32 $1.423019320e-01, v9  }
0x2a8: {  	v16 =	vmul.f32 v10, v4;
	v15 =	vmul.f32 v20, v6;
	v20 =	vadd.f32 $3.322423400e-01, v25  }
0x2a9: {  	v10 =	vcvt.s32.f32 v18;
	v21 =	vmul.f32 $1.423019320e-01, v8;
	v11 =	vsub.f32 $2.232526540e-01, v11  }
0x2aa: {  	v18 =	vadd.f32 $1.000014420e+00, v15;
	v15 =	vadd.f32 $-5.352748050e-15, v14;
	v20 =	vmul.f32 v20, v1  }
0x2ab: {  	s24 =	simm.s32 $0x188F0;
	s23 =	simm.s32 $0x188F0;
	s25 =	simm.s32 $0x200;
	v14 =	vshra.s32 v22, $0x17;
	v22 =	vmul.f32 v11, v9;
	v11 =	vshra.s32 v24, $0x17  }
.LBB2_15:
0x2ac: {  	p2 =	sne.s32 s25, $0x2600  }
0x2ad: {  	v13 =	vcvt.s32.f32 v13;
	v12 =	vshra.s32 v12, $0x17;
	v21 =	vsub.f32 $2.232526540e-01, v21;
	s24 =	sadd.s32 $0x100, s24;
	s6 =	smov.u32 s25;
	s25 =	sadd.s32 $0x200, s25  }
0x2ae: {  	v7 =	vmul.f32 v19, v7;
	v17 =	vadd.f32 $-5.352748050e-15, v17;
	v19 =	vadd.f32 $-2.548729780e-01, v22  }
0x2af: {  	v3 =	vshra.s32 v3, $0x17;
	v13 =	vmul.f32 $6.931471820e-01, v13;
	v21 =	vmul.f32 v21, v8  }
0x2b0: {  	v20 =	vadd.f32 $-4.998440440e-01, v20;
	v16 =	vadd.f32 $-4.998440440e-01, v16;
	v19 =	vmul.f32 v19, v9  }
0x2b1: {  	v6 =	vmul.f32 v18, v6;
	v3 =	vcvt.s32.f32 v3;
	v22 =	vld [tilespmem:s23+$0xFFFFFF90];
	v18 =	vadd.f32 $-2.548729780e-01, v21  }
0x2b2: {  	v5 =	vcvt.s32.f32 v5;
	v20 =	vmul.f32 v20, v1;
	v19 =	vadd.f32 $3.322423400e-01, v19;
	v21 =	vld [tilespmem:s23+$0x0]  }
0x2b3: {  	v6 =	vadd.f32 $-5.352748050e-15, v6;
	v3 =	vmul.f32 $6.931471820e-01, v3;
	v23 =	vld [tilespmem:s23+$0xFFFFFFA0];
	v18 =	vmul.f32 v18, v8  }
0x2b4: {  	v2 =	vadd.f32 v15, v2;
	v20 =	vadd.f32 $1.000014420e+00, v20;
	v15 =	vld [tilespmem:s23+$0xFFFFFFB0];
	v19 =	vmul.f32 v19, v9  }
0x2b5: {  	v14 =	vcvt.s32.f32 v14;
	v16 =	vmul.f32 v16, v4;
	v24 =	vld [tilespmem:s23+$0xFFFFFFC0];
	v18 =	vadd.f32 $3.322423400e-01, v18  }
0x2b6: {  	v3 =	vadd.f32 v6, v3;
	v6 =	vadd.f32 $-5.352748050e-15, v7;
	v1 =	vmul.f32 v20, v1;
	v7 =	vld [tilespmem:s23+$0xFFFFFFD0]  }
0x2b7: {  	v16 =	vadd.f32 $1.000014420e+00, v16;
	v19 =	vadd.f32 $-4.998440440e-01, v19;
	v20 =	vld [tilespmem:s23+$0xFFFFFFF0];
	v18 =	vmul.f32 v18, v8  }
0x2b8: {  	v14 =	vmul.f32 $6.931471820e-01, v14;
	v5 =	vmul.f32 $6.931471820e-01, v5;
	v1 =	vadd.f32 $-5.352748050e-15, v1;
	v25 =	vld [tilespmem:s23+$0xFFFFFFE0];
	s23 =	smov.u32 s24  }
0x2b9: {  	v19 =	vmul.f32 v19, v9;
	v18 =	vadd.f32 $-4.998440440e-01, v18;
	[tilespmem:v22+s1+$0x0] =	vst.idx.add.f32.msk $0xffff, v3  }
0x2ba: {  	v4 =	vmul.f32 v16, v4;
	v1 =	vadd.f32 v1, v13;
	v3 =	vadd.f32 v17, v5  }
0x2bb: {  	v5 =	vadd.f32 v6, v14;
	v6 =	vadd.f32 $1.000014420e+00, v19;
	v13 =	vmul.f32 v18, v8;
	[tilespmem:v23+s1+$0x0] =	vst.idx.add.f32.msk $0xffff, v2  }
0x2bc: {  	v2 =	vadd.f32 $-5.352748050e-15, v4;
	v4 =	vmul.f32 $6.931471820e-01, v10;
	[tilespmem:v15+s1+$0x0] =	vst.idx.add.f32.msk $0xffff, v1  }
0x2bd: {  	v1 =	vmul.f32 v6, v9;
	v6 =	vcvt.s32.f32 v12;
	v9 =	vadd.f32 $1.000014420e+00, v13;
	[tilespmem:v24+s1+$0x0] =	vst.idx.add.f32.msk $0xffff, v5  }
0x2be: {  	v2 =	vadd.f32 v2, v4;
	v4 =	vcvt.s32.f32 v11;
	[tilespmem:v7+s1+$0x0] =	vst.idx.add.f32.msk $0xffff, v3  }
0x2bf: {  	v1 =	vadd.f32 $-5.352748050e-15, v1;
	v3 =	vmul.f32 $6.931471820e-01, v6;
	v5 =	vmul.f32 v9, v8  }
0x2c0: {  	v4 =	vmul.f32 $6.931471820e-01, v4;
	[tilespmem:v25+s1+$0x0] =	vst.idx.add.f32.msk $0xffff, v2  }
0x2c1: {  	v1 =	vadd.f32 v1, v3;
	v2 =	vadd.f32 $-5.352748050e-15, v5;
	_ =	sdelay $0x1  }
0x2c2: {  	v2 =	vadd.f32 v2, v4;
	[tilespmem:v20+s1+$0x0] =	vst.idx.add.f32.msk $0xffff, v1;
	_ =	sdelay $0x1  }
0x2c3: {  	s6 =	sshra.s32 s6, $0x2;
	[tilespmem:v21+s1+$0x0] =	vst.idx.add.f32.msk $0xffff, v2  }
0x2c4: {  	v1 =	vld [tilespmem:s6+$0x1B010]  }
0x2c5: {  	v2 =	vld [tilespmem:s6+$0x1B000]  }
0x2c6: {  	v3 =	vld [tilespmem:s6+$0x1B020]  }
0x2c7: {  	v4 =	vld [tilespmem:s6+$0x1B030]  }
0x2c8: {  	v5 =	vld [tilespmem:s6+$0x1B040];
	_ =	sdelay $0x1  }
0x2c9: {  	v1 =	vsub.f32 $1.000000000e+00, v1;
	v2 =	vsub.f32 $1.000000000e+00, v2  }
0x2ca: {  	v3 =	vsub.f32 $1.000000000e+00, v3  }
0x2cb: {  	v1 =	vadd.f32 $9.999999970e-07, v1;
	v4 =	vsub.f32 $1.000000000e+00, v4;
	v6 =	vld [tilespmem:s6+$0x1B050]  }
0x2cc: {  	v7 =	vadd.f32 $9.999999970e-07, v3;
	v5 =	vsub.f32 $1.000000000e+00, v5  }
0x2cd: {  	v8 =	vadd.f32 $9.999999970e-07, v2;
	v2 =	vadd.s32 $0xC0CAFB0D, v1;
	v4 =	vadd.f32 $9.999999970e-07, v4  }
0x2ce: {  	v9 =	vshra.s32 v2, $0x17;
	v2 =	vand.u32 $0xFF800000, v2;
	v10 =	vadd.s32 $0xC0CAFB0D, v7  }
0x2cf: {  	v3 =	vadd.s32 $0xC0CAFB0D, v8;
	v1 =	vsub.s32 v1, v2;
	v12 =	vadd.f32 $9.999999970e-07, v5  }
0x2d0: {  	v14 =	vadd.f32 $-1.000000000e+00, v1;
	v1 =	vcvt.s32.f32 v9;
	v2 =	vand.u32 $0xFF800000, v10  }
0x2d1: {  	v11 =	vadd.s32 $0xC0CAFB0D, v4;
	v5 =	vsub.s32 v7, v2;
	v6 =	vsub.f32 $1.000000000e+00, v6  }
0x2d2: {  	v9 =	vand.u32 $0xFF800000, v11;
	v7 =	vmul.f32 $1.423019320e-01, v14;
	v2 =	vmul.f32 $6.931471820e-01, v1;
	v13 =	vld [tilespmem:s6+$0x1B060]  }
0x2d3: {  	v15 =	vand.u32 $0xFF800000, v3;
	v16 =	vadd.s32 $0xC0CAFB0D, v12;
	v1 =	vadd.f32 $-1.000000000e+00, v5  }
0x2d4: {  	v5 =	vshra.s32 v16, $0x17;
	v16 =	vand.u32 $0xFF800000, v16;
	v7 =	vsub.f32 $2.232526540e-01, v7  }
0x2d5: {  	v8 =	vsub.s32 v8, v15;
	v4 =	vsub.s32 v4, v9;
	v9 =	vsub.s32 v12, v16  }
0x2d6: {  	v15 =	vadd.f32 $-1.000000000e+00, v9;
	v9 =	vadd.f32 $9.999999970e-07, v6;
	v12 =	vmul.f32 v7, v14  }
0x2d7: {  	v6 =	vadd.f32 $-1.000000000e+00, v8;
	v8 =	vmul.f32 $1.423019320e-01, v1;
	v7 =	vadd.f32 $-1.000000000e+00, v4  }
0x2d8: {  	v16 =	vadd.s32 $0xC0CAFB0D, v9;
	v4 =	vadd.f32 $-2.548729780e-01, v12;
	v12 =	vmul.f32 $1.423019320e-01, v15  }
0x2d9: {  	v17 =	vmul.f32 $1.423019320e-01, v6;
	v19 =	vand.u32 $0xFF800000, v16;
	v18 =	vmul.f32 $1.423019320e-01, v7  }
0x2da: {  	v9 =	vsub.s32 v9, v19;
	v4 =	vmul.f32 v4, v14;
	v12 =	vsub.f32 $2.232526540e-01, v12  }
0x2db: {  	v20 =	vshra.s32 v16, $0x17;
	v17 =	vsub.f32 $2.232526540e-01, v17;
	v18 =	vsub.f32 $2.232526540e-01, v18;
	v16 =	vld [tilespmem:s6+$0x1B070]  }
0x2dc: {  	v19 =	vadd.f32 $3.322423400e-01, v4;
	v12 =	vmul.f32 v12, v15;
	v4 =	vadd.f32 $-1.000000000e+00, v9  }
0x2dd: {  	v8 =	vsub.f32 $2.232526540e-01, v8;
	v13 =	vsub.f32 $1.000000000e+00, v13;
	v9 =	vmul.f32 v18, v7  }
0x2de: {  	v17 =	vmul.f32 v17, v6;
	v18 =	vmul.f32 v19, v14;
	v12 =	vadd.f32 $-2.548729780e-01, v12  }
0x2df: {  	v21 =	vadd.f32 $9.999999970e-07, v13;
	v9 =	vadd.f32 $-2.548729780e-01, v9;
	v19 =	vmul.f32 $1.423019320e-01, v4  }
0x2e0: {  	v13 =	vadd.f32 $-2.548729780e-01, v17;
	v17 =	vadd.f32 $-4.998440440e-01, v18;
	v18 =	vmul.f32 v12, v15  }
0x2e1: {  	v9 =	vmul.f32 v9, v7;
	v19 =	vsub.f32 $2.232526540e-01, v19;
	v12 =	vadd.s32 $0xC0CAFB0D, v21  }
0x2e2: {  	v16 =	vsub.f32 $1.000000000e+00, v16;
	v17 =	vmul.f32 v17, v14;
	v18 =	vadd.f32 $3.322423400e-01, v18  }
0x2e3: {  	v22 =	vand.u32 $0xFF800000, v12;
	v9 =	vadd.f32 $3.322423400e-01, v9;
	v19 =	vmul.f32 v19, v4  }
0x2e4: {  	v16 =	vadd.f32 $9.999999970e-07, v16;
	v23 =	vadd.f32 $1.000014420e+00, v17;
	v17 =	vmul.f32 v18, v15  }
0x2e5: {  	v18 =	vmul.f32 v13, v6;
	v13 =	vshra.s32 v10, $0x17;
	v10 =	vadd.f32 $-2.548729780e-01, v19  }
0x2e6: {  	v8 =	vmul.f32 v8, v1;
	v24 =	vadd.s32 $0xC0CAFB0D, v16;
	v17 =	vadd.f32 $-4.998440440e-01, v17  }
0x2e7: {  	v9 =	vmul.f32 v9, v7;
	v10 =	vmul.f32 v10, v4;
	v19 =	vand.u32 $0xFF800000, v24  }
0x2e8: {  	v8 =	vadd.f32 $-2.548729780e-01, v8;
	v18 =	vadd.f32 $3.322423400e-01, v18;
	v17 =	vmul.f32 v17, v15  }
0x2e9: {  	v21 =	vsub.s32 v21, v22;
	v9 =	vadd.f32 $-4.998440440e-01, v9;
	v10 =	vadd.f32 $3.322423400e-01, v10  }
0x2ea: {  	v22 =	vsub.s32 v16, v19;
	v18 =	vmul.f32 v18, v6;
	v17 =	vadd.f32 $1.000014420e+00, v17  }
0x2eb: {  	v25 =	vmul.f32 v8, v1;
	v8 =	vmul.f32 v9, v7;
	v9 =	vadd.f32 $-1.000000000e+00, v21  }
0x2ec: {  	v18 =	vadd.f32 $-4.998440440e-01, v18;
	v16 =	vmul.f32 v10, v4;
	v17 =	vmul.f32 v17, v15  }
.Ltmp8:
0x2ed: {  	v19 =	vadd.f32 $1.000014420e+00, v8;
	v8 =	vadd.f32 $-1.000000000e+00, v22;
	v15 =	vmul.f32 $1.423019320e-01, v9;
	(pc) =	sbr.rel @p2 .LBB2_15-.Ltmp8, $4  }
0x2ee: {  	v14 =	vmul.f32 v23, v14;
	v22 =	vadd.f32 $3.322423400e-01, v25;
	v18 =	vmul.f32 v18, v6  }
0x2ef: {  	v10 =	vcvt.s32.f32 v20;
	v21 =	vmul.f32 $1.423019320e-01, v8;
	v23 =	vsub.f32 $2.232526540e-01, v15  }
0x2f0: {  	v20 =	vmul.f32 v22, v1;
	v18 =	vadd.f32 $1.000014420e+00, v18;
	v15 =	vadd.f32 $-5.352748050e-15, v14  }
0x2f1: {  	v14 =	vshra.s32 v11, $0x17;
	v11 =	vshra.s32 v24, $0x17;
	v22 =	vmul.f32 v23, v9  }
0x2f2: {  	v21 =	vsub.f32 $2.232526540e-01, v21;
	_ =	sdelay $0x1  }
0x2f3: {  	v21 =	vmul.f32 v21, v8  }
0x2f4: {  	v13 =	vcvt.s32.f32 v13;
	v12 =	vshra.s32 v12, $0x17;
	v22 =	vadd.f32 $-2.548729780e-01, v22  }
0x2f5: {  	v7 =	vmul.f32 v19, v7;
	v17 =	vadd.f32 $-5.352748050e-15, v17;
	v19 =	vadd.f32 $-2.548729780e-01, v21  }
0x2f6: {  	v3 =	vshra.s32 v3, $0x17;
	v20 =	vadd.f32 $-4.998440440e-01, v20;
	v21 =	vmul.f32 v22, v9  }
0x2f7: {  	v16 =	vadd.f32 $-4.998440440e-01, v16;
	v6 =	vmul.f32 v18, v6;
	v19 =	vmul.f32 v19, v8  }
0x2f8: {  	v5 =	vcvt.s32.f32 v5;
	v18 =	vmul.f32 v20, v1;
	v20 =	vadd.f32 $3.322423400e-01, v21  }
0x2f9: {  	v2 =	vadd.f32 v15, v2;
	v3 =	vcvt.s32.f32 v3;
	v19 =	vadd.f32 $3.322423400e-01, v19  }
0x2fa: {  	v14 =	vcvt.s32.f32 v14;
	v18 =	vadd.f32 $1.000014420e+00, v18;
	v21 =	vld [tilespmem:s23+$0xFFFFFF90];
	v20 =	vmul.f32 v20, v9  }
0x2fb: {  	v6 =	vadd.f32 $-5.352748050e-15, v6;
	v3 =	vmul.f32 $6.931471820e-01, v3;
	v22 =	vld [tilespmem:s23+$0xFFFFFFA0];
	v15 =	vmul.f32 v19, v8  }
0x2fc: {  	v10 =	vmul.f32 $6.931471820e-01, v10;
	v1 =	vmul.f32 v18, v1;
	v19 =	vld [tilespmem:s23+$0xFFFFFFB0];
	v18 =	vadd.f32 $-4.998440440e-01, v20  }
0x2fd: {  	v16 =	vmul.f32 v16, v4;
	v3 =	vadd.f32 v6, v3;
	v20 =	vld [tilespmem:s23+$0xFFFFFFC0];
	v6 =	vadd.f32 $-4.998440440e-01, v15  }
0x2fe: {  	v13 =	vmul.f32 $6.931471820e-01, v13;
	v1 =	vadd.f32 $-5.352748050e-15, v1;
	v15 =	vld [tilespmem:s23+$0xFFFFFFD0];
	v18 =	vmul.f32 v18, v9  }
0x2ff: {  	v23 =	vld [tilespmem:s23+$0xFFFFFFE0];
	v7 =	vadd.f32 $-5.352748050e-15, v7;
	v16 =	vadd.f32 $1.000014420e+00, v16;
	v6 =	vmul.f32 v6, v8  }
0x300: {  	v24 =	vld [tilespmem:s23+$0xFFFFFFF0];
	v14 =	vmul.f32 $6.931471820e-01, v14;
	v1 =	vadd.f32 v1, v13;
	v13 =	vadd.f32 $1.000014420e+00, v18  }
0x301: {  	v5 =	vmul.f32 $6.931471820e-01, v5;
	v4 =	vmul.f32 v16, v4;
	v18 =	vld [tilespmem:s23+$0x0];
	v6 =	vadd.f32 $1.000014420e+00, v6  }
0x302: {  	[tilespmem:v21+s1+$0x0] =	vst.idx.add.f32.msk $0xffff, v3;
	v3 =	vadd.f32 v7, v14;
	v7 =	vmul.f32 v13, v9;
	v9 =	vcvt.s32.f32 v12  }
0x303: {  	[tilespmem:v22+s1+$0x0] =	vst.idx.add.f32.msk $0xffff, v2;
	v2 =	vadd.f32 $-5.352748050e-15, v4;
	v4 =	vcvt.s32.f32 v11;
	v6 =	vmul.f32 v6, v8  }
0x304: {  	p2 =	seq.s32 @!p0 s28, $0x26;
	v5 =	vadd.f32 v17, v5;
	[tilespmem:v19+s1+$0x0] =	vst.idx.add.f32.msk $0xffff, v1;
	v1 =	vadd.f32 $-5.352748050e-15, v7;
	v7 =	vmul.f32 $6.931471820e-01, v9  }
0x305: {  	p2 =	por p0, !p2;
	v2 =	vadd.f32 v2, v10;
	[tilespmem:v20+s1+$0x0] =	vst.idx.add.f32.msk $0xffff, v3;
	v3 =	vmul.f32 $6.931471820e-01, v4;
	v4 =	vadd.f32 $-5.352748050e-15, v6  }
0x306: {  	s6 =	sadd.s32 @p2 s30, s22;
	[tilespmem:v15+s1+$0x0] =	vst.idx.add.f32.msk $0xffff, v5;
	v1 =	vadd.f32 v1, v7  }
0x307: {  	s22 =	smul.u32 @p2 $0x280, s6;
	[tilespmem:v23+s1+$0x0] =	vst.idx.add.f32.msk $0xffff, v2;
	v2 =	vadd.f32 v4, v3  }
0x308: {  	[tilespmem:v24+s1+$0x0] =	vst.idx.add.f32.msk $0xffff, v1  }
0x309: {  	s6 =	smul.u32 @p2 $0x140, s6;
	s22 =	sadd.s32 @p2 s3, s22;
	[tilespmem:v18+s1+$0x0] =	vst.idx.add.f32.msk $0xffff, v2  }
0x30a: {  	[tilespmem:s31], [sflag:$0x2] =	stream.linear.gather @p2 [hbm4b:s22+s1], $0x1400, $0x38;
	[tilespmem:$0x1C480] =	vst v63  }
0x30b: {  	s6 =	sadd.s32 @p2 s18, s6  }
0x30c: {  	[tilespmem:s0], [sflag:$0x2] =	stream.linear.gather @p2 [hbm4b:s6+s1], $0xA00, $0x38;
	[tilespmem:$0x1C480] =	vst v63  }
0x30d: {  	_ =	swait.ge [sflag:s21], $0x1400  }
0x30e: {  	[sflag:s21] =	ssyncset.done $0x0  }
0x30f: {  	[sflag:s21] =	ssyncadd.s32 $0xFFFFEC00  }
0x310: {  	_ =	swait.ge [sflag:s21], $0xA00  }
0x311: {  	[sflag:s21] =	ssyncset.done $0x0  }
0x312: {  	s25 =	simm.s32 $0x0;
	[sflag:s21] =	ssyncadd.s32 $0xFFFFF600  }
0x313: {  	v1 =	vld [tilespmem:s25+$0x1BA10]  }
0x314: {  	v2 =	vld [tilespmem:s25+$0x1BA00]  }
0x315: {  	v3 =	vld [tilespmem:s25+$0x1BA20]  }
0x316: {  	v4 =	vld [tilespmem:s25+$0x1BA30]  }
0x317: {  	v5 =	vld [tilespmem:s25+$0x1BA40]  }
0x318: {  	v6 =	vld [tilespmem:s25+$0x1BA50];
	_ =	sdelay $0x2  }
0x319: {  	v1 =	vsub.f32 $1.000000000e+00, v1;
	v2 =	vsub.f32 $1.000000000e+00, v2  }
0x31a: {  	v3 =	vsub.f32 $1.000000000e+00, v3;
	v4 =	vsub.f32 $1.000000000e+00, v4  }
0x31b: {  	v5 =	vsub.f32 $1.000000000e+00, v5;
	v6 =	vsub.f32 $1.000000000e+00, v6  }
0x31c: {  	v1 =	vadd.f32 $9.999999970e-07, v1;
	v7 =	vadd.f32 $9.999999970e-07, v3  }
0x31d: {  	v8 =	vadd.f32 $9.999999970e-07, v2;
	v4 =	vadd.f32 $9.999999970e-07, v4  }
0x31e: {  	v11 =	vadd.f32 $9.999999970e-07, v5;
	v2 =	vadd.s32 $0xC0CAFB0D, v1;
	v10 =	vadd.s32 $0xC0CAFB0D, v7  }
0x31f: {  	v3 =	vadd.s32 $0xC0CAFB0D, v8;
	v9 =	vshra.s32 v2, $0x17;
	v2 =	vand.u32 $0xFF800000, v2  }
0x320: {  	v22 =	vadd.s32 $0xC0CAFB0D, v4;
	v12 =	vand.u32 $0xFF800000, v3;
	v1 =	vsub.s32 v1, v2  }
0x321: {  	v2 =	vand.u32 $0xFF800000, v10;
	v14 =	vadd.f32 $-1.000000000e+00, v1;
	v1 =	vcvt.s32.f32 v9  }
0x322: {  	v13 =	vadd.s32 $0xC0CAFB0D, v11;
	v8 =	vsub.s32 v8, v12;
	v12 =	vld [tilespmem:s25+$0x1BA60];
	v5 =	vsub.s32 v7, v2  }
0x323: {  	v9 =	vand.u32 $0xFF800000, v22;
	v7 =	vmul.f32 $1.423019320e-01, v14;
	v2 =	vmul.f32 $6.931471820e-01, v1  }
0x324: {  	v1 =	vadd.f32 $-1.000000000e+00, v5;
	v5 =	vshra.s32 v13, $0x17;
	v13 =	vand.u32 $0xFF800000, v13  }
0x325: {  	v4 =	vsub.s32 v4, v9;
	v9 =	vsub.s32 v11, v13;
	v7 =	vsub.f32 $2.232526540e-01, v7  }
0x326: {  	v15 =	vadd.f32 $-1.000000000e+00, v9;
	v9 =	vadd.f32 $9.999999970e-07, v6  }
0x327: {  	v6 =	vadd.f32 $-1.000000000e+00, v8;
	v12 =	vsub.f32 $1.000000000e+00, v12  }
0x328: {  	v8 =	vmul.f32 $1.423019320e-01, v1;
	v11 =	vmul.f32 v7, v14;
	v7 =	vadd.f32 $-1.000000000e+00, v4  }
0x329: {  	v13 =	vadd.s32 $0xC0CAFB0D, v9;
	v16 =	vmul.f32 $1.423019320e-01, v6;
	v20 =	vadd.f32 $9.999999970e-07, v12  }
0x32a: {  	v18 =	vand.u32 $0xFF800000, v13;
	v4 =	vadd.f32 $-2.548729780e-01, v11;
	v11 =	vmul.f32 $1.423019320e-01, v15  }
0x32b: {  	v8 =	vsub.f32 $2.232526540e-01, v8;
	v17 =	vmul.f32 $1.423019320e-01, v7;
	v9 =	vsub.s32 v9, v18  }
0x32c: {  	v16 =	vsub.f32 $2.232526540e-01, v16;
	v12 =	vadd.s32 $0xC0CAFB0D, v20;
	v11 =	vsub.f32 $2.232526540e-01, v11  }
0x32d: {  	v8 =	vmul.f32 v8, v1;
	v4 =	vmul.f32 v4, v14;
	v17 =	vsub.f32 $2.232526540e-01, v17  }
0x32e: {  	v18 =	vshra.s32 v13, $0x17;
	v21 =	vand.u32 $0xFF800000, v12;
	v11 =	vmul.f32 v11, v15  }
0x32f: {  	v8 =	vadd.f32 $-2.548729780e-01, v8;
	v13 =	vadd.f32 $3.322423400e-01, v4;
	v17 =	vmul.f32 v17, v7  }
0x330: {  	v16 =	vmul.f32 v16, v6;
	v4 =	vadd.f32 $-1.000000000e+00, v9;
	v9 =	vld [tilespmem:s25+$0x1BA70];
	v11 =	vadd.f32 $-2.548729780e-01, v11  }
0x331: {  	v20 =	vsub.s32 v20, v21;
	v13 =	vmul.f32 v13, v14;
	v17 =	vadd.f32 $-2.548729780e-01, v17  }
0x332: {  	v16 =	vadd.f32 $-2.548729780e-01, v16;
	v19 =	vmul.f32 $1.423019320e-01, v4;
	v11 =	vmul.f32 v11, v15  }
0x333: {  	v25 =	vmul.f32 v8, v1;
	v13 =	vadd.f32 $-4.998440440e-01, v13;
	v17 =	vmul.f32 v17, v7  }
0x334: {  	v16 =	vmul.f32 v16, v6;
	v19 =	vsub.f32 $2.232526540e-01, v19;
	v11 =	vadd.f32 $3.322423400e-01, v11  }
0x335: {  	v9 =	vsub.f32 $1.000000000e+00, v9;
	v13 =	vmul.f32 v13, v14;
	v17 =	vadd.f32 $3.322423400e-01, v17  }
0x336: {  	v16 =	vadd.f32 $3.322423400e-01, v16;
	v19 =	vmul.f32 v19, v4;
	v11 =	vmul.f32 v11, v15  }
0x337: {  	v9 =	vadd.f32 $9.999999970e-07, v9;
	v23 =	vadd.f32 $1.000014420e+00, v13;
	v17 =	vmul.f32 v17, v7  }
0x338: {  	v13 =	vshra.s32 v10, $0x17;
	v10 =	vadd.f32 $-2.548729780e-01, v19;
	v11 =	vadd.f32 $-4.998440440e-01, v11  }
0x339: {  	v16 =	vmul.f32 v16, v6;
	v63 =	vadd.s32 $0xC0CAFB0D, v9;
	v17 =	vadd.f32 $-4.998440440e-01, v17  }
0x33a: {  	v10 =	vmul.f32 v10, v4;
	v19 =	vand.u32 $0xFF800000, v63;
	v11 =	vmul.f32 v11, v15  }
0x33b: {  	v21 =	vsub.s32 v9, v19;
	v9 =	vadd.f32 $-1.000000000e+00, v20;
	v8 =	vmul.f32 v17, v7  }
0x33c: {  	v20 =	vadd.f32 $-4.998440440e-01, v16;
	v11 =	vadd.f32 $1.000014420e+00, v11  }
0x33d: {  	v14 =	vmul.f32 v23, v14;
	v10 =	vadd.f32 $3.322423400e-01, v10;
	v19 =	vadd.f32 $1.000014420e+00, v8  }
0x33e: {  	v8 =	vadd.f32 $-1.000000000e+00, v21;
	v17 =	vmul.f32 v11, v15;
	v11 =	vmul.f32 $1.423019320e-01, v9  }
0x33f: {  	v16 =	vmul.f32 v10, v4;
	v15 =	vmul.f32 v20, v6;
	v20 =	vadd.f32 $3.322423400e-01, v25  }
0x340: {  	v10 =	vcvt.s32.f32 v18;
	v21 =	vmul.f32 $1.423019320e-01, v8;
	v11 =	vsub.f32 $2.232526540e-01, v11  }
0x341: {  	v18 =	vadd.f32 $1.000014420e+00, v15;
	v15 =	vadd.f32 $-5.352748050e-15, v14;
	v20 =	vmul.f32 v20, v1  }
0x342: {  	s24 =	simm.s32 $0x200;
	s23 =	simm.s32 $0x19CF0;
	s22 =	simm.s32 $0x19CF0;
	v14 =	vshra.s32 v22, $0x17;
	v22 =	vmul.f32 v11, v9;
	v11 =	vshra.s32 v63, $0x17  }
.LBB2_17:
0x343: {  	p2 =	sne.s32 s24, $0x2600  }
0x344: {  	v13 =	vcvt.s32.f32 v13;
	v12 =	vshra.s32 v12, $0x17;
	v21 =	vsub.f32 $2.232526540e-01, v21;
	s23 =	sadd.s32 $0x100, s23;
	s6 =	smov.u32 s24;
	s24 =	sadd.s32 $0x200, s24  }
0x345: {  	v7 =	vmul.f32 v19, v7;
	v17 =	vadd.f32 $-5.352748050e-15, v17;
	v19 =	vadd.f32 $-2.548729780e-01, v22  }
0x346: {  	v3 =	vshra.s32 v3, $0x17;
	v13 =	vmul.f32 $6.931471820e-01, v13;
	v21 =	vmul.f32 v21, v8  }
0x347: {  	v20 =	vadd.f32 $-4.998440440e-01, v20;
	v16 =	vadd.f32 $-4.998440440e-01, v16;
	v19 =	vmul.f32 v19, v9  }
0x348: {  	v6 =	vmul.f32 v18, v6;
	v3 =	vcvt.s32.f32 v3;
	v22 =	vld [tilespmem:s22+$0xFFFFFF90];
	v18 =	vadd.f32 $-2.548729780e-01, v21  }
0x349: {  	v5 =	vcvt.s32.f32 v5;
	v20 =	vmul.f32 v20, v1;
	v19 =	vadd.f32 $3.322423400e-01, v19;
	v21 =	vld [tilespmem:s22+$0x0]  }
0x34a: {  	v6 =	vadd.f32 $-5.352748050e-15, v6;
	v3 =	vmul.f32 $6.931471820e-01, v3;
	v23 =	vld [tilespmem:s22+$0xFFFFFFA0];
	v18 =	vmul.f32 v18, v8  }
0x34b: {  	v2 =	vadd.f32 v15, v2;
	v20 =	vadd.f32 $1.000014420e+00, v20;
	v15 =	vld [tilespmem:s22+$0xFFFFFFB0];
	v19 =	vmul.f32 v19, v9  }
0x34c: {  	v14 =	vcvt.s32.f32 v14;
	v16 =	vmul.f32 v16, v4;
	v24 =	vld [tilespmem:s22+$0xFFFFFFC0];
	v18 =	vadd.f32 $3.322423400e-01, v18  }
0x34d: {  	v3 =	vadd.f32 v6, v3;
	v6 =	vadd.f32 $-5.352748050e-15, v7;
	v1 =	vmul.f32 v20, v1;
	v7 =	vld [tilespmem:s22+$0xFFFFFFD0]  }
0x34e: {  	v16 =	vadd.f32 $1.000014420e+00, v16;
	v19 =	vadd.f32 $-4.998440440e-01, v19;
	v20 =	vld [tilespmem:s22+$0xFFFFFFF0];
	v18 =	vmul.f32 v18, v8  }
0x34f: {  	v14 =	vmul.f32 $6.931471820e-01, v14;
	v5 =	vmul.f32 $6.931471820e-01, v5;
	v1 =	vadd.f32 $-5.352748050e-15, v1;
	v25 =	vld [tilespmem:s22+$0xFFFFFFE0];
	s22 =	smov.u32 s23  }
0x350: {  	v19 =	vmul.f32 v19, v9;
	v18 =	vadd.f32 $-4.998440440e-01, v18;
	[tilespmem:v22+s1+$0x0] =	vst.idx.add.f32.msk $0xffff, v3  }
0x351: {  	v4 =	vmul.f32 v16, v4;
	v1 =	vadd.f32 v1, v13;
	v3 =	vadd.f32 v17, v5  }
0x352: {  	v5 =	vadd.f32 v6, v14;
	v6 =	vadd.f32 $1.000014420e+00, v19;
	v13 =	vmul.f32 v18, v8;
	[tilespmem:v23+s1+$0x0] =	vst.idx.add.f32.msk $0xffff, v2  }
0x353: {  	v2 =	vadd.f32 $-5.352748050e-15, v4;
	v4 =	vmul.f32 $6.931471820e-01, v10;
	[tilespmem:v15+s1+$0x0] =	vst.idx.add.f32.msk $0xffff, v1  }
0x354: {  	v1 =	vmul.f32 v6, v9;
	v6 =	vcvt.s32.f32 v12;
	v9 =	vadd.f32 $1.000014420e+00, v13;
	[tilespmem:v24+s1+$0x0] =	vst.idx.add.f32.msk $0xffff, v5  }
0x355: {  	v2 =	vadd.f32 v2, v4;
	v4 =	vcvt.s32.f32 v11;
	[tilespmem:v7+s1+$0x0] =	vst.idx.add.f32.msk $0xffff, v3  }
0x356: {  	v1 =	vadd.f32 $-5.352748050e-15, v1;
	v3 =	vmul.f32 $6.931471820e-01, v6;
	v5 =	vmul.f32 v9, v8  }
0x357: {  	v4 =	vmul.f32 $6.931471820e-01, v4;
	[tilespmem:v25+s1+$0x0] =	vst.idx.add.f32.msk $0xffff, v2  }
0x358: {  	v1 =	vadd.f32 v1, v3;
	v2 =	vadd.f32 $-5.352748050e-15, v5;
	_ =	sdelay $0x1  }
0x359: {  	v2 =	vadd.f32 v2, v4;
	[tilespmem:v20+s1+$0x0] =	vst.idx.add.f32.msk $0xffff, v1;
	_ =	sdelay $0x1  }
0x35a: {  	s6 =	sshra.s32 s6, $0x2;
	[tilespmem:v21+s1+$0x0] =	vst.idx.add.f32.msk $0xffff, v2  }
0x35b: {  	v1 =	vld [tilespmem:s6+$0x1BA10]  }
0x35c: {  	v2 =	vld [tilespmem:s6+$0x1BA00]  }
0x35d: {  	v3 =	vld [tilespmem:s6+$0x1BA20]  }
0x35e: {  	v4 =	vld [tilespmem:s6+$0x1BA30]  }
0x35f: {  	v5 =	vld [tilespmem:s6+$0x1BA40];
	_ =	sdelay $0x1  }
0x360: {  	v1 =	vsub.f32 $1.000000000e+00, v1;
	v2 =	vsub.f32 $1.000000000e+00, v2  }
0x361: {  	v3 =	vsub.f32 $1.000000000e+00, v3  }
0x362: {  	v1 =	vadd.f32 $9.999999970e-07, v1;
	v4 =	vsub.f32 $1.000000000e+00, v4;
	v6 =	vld [tilespmem:s6+$0x1BA50]  }
0x363: {  	v7 =	vadd.f32 $9.999999970e-07, v3;
	v5 =	vsub.f32 $1.000000000e+00, v5  }
0x364: {  	v8 =	vadd.f32 $9.999999970e-07, v2;
	v2 =	vadd.s32 $0xC0CAFB0D, v1;
	v4 =	vadd.f32 $9.999999970e-07, v4  }
0x365: {  	v9 =	vshra.s32 v2, $0x17;
	v2 =	vand.u32 $0xFF800000, v2;
	v10 =	vadd.s32 $0xC0CAFB0D, v7  }
0x366: {  	v3 =	vadd.s32 $0xC0CAFB0D, v8;
	v1 =	vsub.s32 v1, v2;
	v12 =	vadd.f32 $9.999999970e-07, v5  }
0x367: {  	v14 =	vadd.f32 $-1.000000000e+00, v1;
	v1 =	vcvt.s32.f32 v9;
	v2 =	vand.u32 $0xFF800000, v10  }
0x368: {  	v11 =	vadd.s32 $0xC0CAFB0D, v4;
	v5 =	vsub.s32 v7, v2;
	v6 =	vsub.f32 $1.000000000e+00, v6  }
0x369: {  	v9 =	vand.u32 $0xFF800000, v11;
	v7 =	vmul.f32 $1.423019320e-01, v14;
	v2 =	vmul.f32 $6.931471820e-01, v1;
	v13 =	vld [tilespmem:s6+$0x1BA60]  }
0x36a: {  	v15 =	vand.u32 $0xFF800000, v3;
	v16 =	vadd.s32 $0xC0CAFB0D, v12;
	v1 =	vadd.f32 $-1.000000000e+00, v5  }
0x36b: {  	v5 =	vshra.s32 v16, $0x17;
	v16 =	vand.u32 $0xFF800000, v16;
	v7 =	vsub.f32 $2.232526540e-01, v7  }
0x36c: {  	v8 =	vsub.s32 v8, v15;
	v4 =	vsub.s32 v4, v9;
	v9 =	vsub.s32 v12, v16  }
0x36d: {  	v15 =	vadd.f32 $-1.000000000e+00, v9;
	v9 =	vadd.f32 $9.999999970e-07, v6;
	v12 =	vmul.f32 v7, v14  }
0x36e: {  	v6 =	vadd.f32 $-1.000000000e+00, v8;
	v8 =	vmul.f32 $1.423019320e-01, v1;
	v7 =	vadd.f32 $-1.000000000e+00, v4  }
0x36f: {  	v16 =	vadd.s32 $0xC0CAFB0D, v9;
	v4 =	vadd.f32 $-2.548729780e-01, v12;
	v12 =	vmul.f32 $1.423019320e-01, v15  }
0x370: {  	v17 =	vmul.f32 $1.423019320e-01, v6;
	v19 =	vand.u32 $0xFF800000, v16;
	v18 =	vmul.f32 $1.423019320e-01, v7  }
0x371: {  	v9 =	vsub.s32 v9, v19;
	v4 =	vmul.f32 v4, v14;
	v12 =	vsub.f32 $2.232526540e-01, v12  }
0x372: {  	v20 =	vshra.s32 v16, $0x17;
	v17 =	vsub.f32 $2.232526540e-01, v17;
	v18 =	vsub.f32 $2.232526540e-01, v18;
	v16 =	vld [tilespmem:s6+$0x1BA70]  }
0x373: {  	v19 =	vadd.f32 $3.322423400e-01, v4;
	v12 =	vmul.f32 v12, v15;
	v4 =	vadd.f32 $-1.000000000e+00, v9  }
0x374: {  	v8 =	vsub.f32 $2.232526540e-01, v8;
	v13 =	vsub.f32 $1.000000000e+00, v13;
	v9 =	vmul.f32 v18, v7  }
0x375: {  	v17 =	vmul.f32 v17, v6;
	v18 =	vmul.f32 v19, v14;
	v12 =	vadd.f32 $-2.548729780e-01, v12  }
0x376: {  	v21 =	vadd.f32 $9.999999970e-07, v13;
	v9 =	vadd.f32 $-2.548729780e-01, v9;
	v19 =	vmul.f32 $1.423019320e-01, v4  }
0x377: {  	v13 =	vadd.f32 $-2.548729780e-01, v17;
	v17 =	vadd.f32 $-4.998440440e-01, v18;
	v18 =	vmul.f32 v12, v15  }
0x378: {  	v9 =	vmul.f32 v9, v7;
	v19 =	vsub.f32 $2.232526540e-01, v19;
	v12 =	vadd.s32 $0xC0CAFB0D, v21  }
0x379: {  	v16 =	vsub.f32 $1.000000000e+00, v16;
	v17 =	vmul.f32 v17, v14;
	v18 =	vadd.f32 $3.322423400e-01, v18  }
0x37a: {  	v22 =	vand.u32 $0xFF800000, v12;
	v9 =	vadd.f32 $3.322423400e-01, v9;
	v19 =	vmul.f32 v19, v4  }
0x37b: {  	v16 =	vadd.f32 $9.999999970e-07, v16;
	v23 =	vadd.f32 $1.000014420e+00, v17;
	v17 =	vmul.f32 v18, v15  }
0x37c: {  	v18 =	vmul.f32 v13, v6;
	v13 =	vshra.s32 v10, $0x17;
	v10 =	vadd.f32 $-2.548729780e-01, v19  }
0x37d: {  	v8 =	vmul.f32 v8, v1;
	v24 =	vadd.s32 $0xC0CAFB0D, v16;
	v17 =	vadd.f32 $-4.998440440e-01, v17  }
0x37e: {  	v9 =	vmul.f32 v9, v7;
	v10 =	vmul.f32 v10, v4;
	v19 =	vand.u32 $0xFF800000, v24  }
0x37f: {  	v8 =	vadd.f32 $-2.548729780e-01, v8;
	v18 =	vadd.f32 $3.322423400e-01, v18;
	v17 =	vmul.f32 v17, v15  }
0x380: {  	v21 =	vsub.s32 v21, v22;
	v9 =	vadd.f32 $-4.998440440e-01, v9;
	v10 =	vadd.f32 $3.322423400e-01, v10  }
0x381: {  	v22 =	vsub.s32 v16, v19;
	v18 =	vmul.f32 v18, v6;
	v17 =	vadd.f32 $1.000014420e+00, v17  }
0x382: {  	v25 =	vmul.f32 v8, v1;
	v8 =	vmul.f32 v9, v7;
	v9 =	vadd.f32 $-1.000000000e+00, v21  }
0x383: {  	v18 =	vadd.f32 $-4.998440440e-01, v18;
	v16 =	vmul.f32 v10, v4;
	v17 =	vmul.f32 v17, v15  }
.Ltmp9:
0x384: {  	v19 =	vadd.f32 $1.000014420e+00, v8;
	v8 =	vadd.f32 $-1.000000000e+00, v22;
	v15 =	vmul.f32 $1.423019320e-01, v9;
	(pc) =	sbr.rel @p2 .LBB2_17-.Ltmp9, $4  }
0x385: {  	v14 =	vmul.f32 v23, v14;
	v22 =	vadd.f32 $3.322423400e-01, v25;
	v18 =	vmul.f32 v18, v6  }
0x386: {  	v10 =	vcvt.s32.f32 v20;
	v21 =	vmul.f32 $1.423019320e-01, v8;
	v23 =	vsub.f32 $2.232526540e-01, v15  }
0x387: {  	v20 =	vmul.f32 v22, v1;
	v18 =	vadd.f32 $1.000014420e+00, v18;
	v15 =	vadd.f32 $-5.352748050e-15, v14  }
0x388: {  	v14 =	vshra.s32 v11, $0x17;
	v11 =	vshra.s32 v24, $0x17;
	v22 =	vmul.f32 v23, v9  }
0x389: {  	v21 =	vsub.f32 $2.232526540e-01, v21;
	_ =	sdelay $0x1  }
0x38a: {  	v21 =	vmul.f32 v21, v8  }
0x38b: {  	v13 =	vcvt.s32.f32 v13;
	v12 =	vshra.s32 v12, $0x17;
	v22 =	vadd.f32 $-2.548729780e-01, v22  }
0x38c: {  	v7 =	vmul.f32 v19, v7;
	v17 =	vadd.f32 $-5.352748050e-15, v17;
	v44 =	vadd.f32 $-2.548729780e-01, v21  }
0x38d: {  	v3 =	vshra.s32 v3, $0x17;
	v20 =	vadd.f32 $-4.998440440e-01, v20;
	v45 =	vmul.f32 v22, v9  }
0x38e: {  	v16 =	vadd.f32 $-4.998440440e-01, v16;
	v6 =	vmul.f32 v18, v6;
	v19 =	vmul.f32 v44, v8  }
0x38f: {  	v5 =	vcvt.s32.f32 v5;
	v14 =	vcvt.s32.f32 v14;
	v47 =	vadd.f32 $3.322423400e-01, v45  }
0x390: {  	v48 =	vld [tilespmem:s22+$0xFFFFFF90];
	v10 =	vmul.f32 $6.931471820e-01, v10;
	v61 =	vcvt.s32.f32 v11;
	v19 =	vadd.f32 $3.322423400e-01, v19  }
0x391: {  	v49 =	vld [tilespmem:s22+$0xFFFFFFA0];
	v2 =	vadd.f32 v15, v2;
	v46 =	vmul.f32 v20, v1;
	v20 =	vmul.f32 v47, v9  }
0x392: {  	v51 =	vld [tilespmem:s22+$0xFFFFFFB0];
	v3 =	vcvt.s32.f32 v3;
	v6 =	vadd.f32 $-5.352748050e-15, v6;
	v50 =	vmul.f32 v19, v8  }
0x393: {  	v53 =	vld [tilespmem:s22+$0xFFFFFFC0];
	v60 =	vcvt.s32.f32 v12;
	v18 =	vadd.f32 $1.000014420e+00, v46;
	v52 =	vadd.f32 $-4.998440440e-01, v20  }
0x394: {  	v55 =	vld [tilespmem:s22+$0xFFFFFFD0];
	v16 =	vmul.f32 v16, v4;
	v3 =	vmul.f32 $6.931471820e-01, v3;
	v54 =	vadd.f32 $-4.998440440e-01, v50  }
0x395: {  	v23 =	vld [tilespmem:s22+$0xFFFFFFE0];
	v7 =	vadd.f32 $-5.352748050e-15, v7;
	v1 =	vmul.f32 v18, v1;
	v18 =	vmul.f32 v52, v9  }
0x396: {  	v24 =	vld [tilespmem:s22+$0xFFFFFFF0];
	v16 =	vadd.f32 $1.000014420e+00, v16;
	v3 =	vadd.f32 v6, v3;
	v6 =	vmul.f32 v54, v8  }
0x397: {  	v13 =	vmul.f32 $6.931471820e-01, v13;
	v1 =	vadd.f32 $-5.352748050e-15, v1;
	v56 =	vadd.f32 $1.000014420e+00, v18  }
0x398: {  	v57 =	vld [tilespmem:s22+$0x0];
	v14 =	vmul.f32 $6.931471820e-01, v14;
	v58 =	vmul.f32 v16, v4;
	v6 =	vadd.f32 $1.000014420e+00, v6  }
0x399: {  	v5 =	vmul.f32 $6.931471820e-01, v5;
	[tilespmem:v48+s1+$0x0] =	vst.idx.add.f32.msk $0xffff, v3;
	v1 =	vadd.f32 v1, v13;
	v59 =	vmul.f32 v56, v9  }
0x39a: {  	s28 =	sadd.s32 $0x1, s28;
	v3 =	vadd.f32 v7, v14;
	[tilespmem:v49+s1+$0x0] =	vst.idx.add.f32.msk $0xffff, v2;
	v2 =	vadd.f32 $-5.352748050e-15, v58;
	v6 =	vmul.f32 v6, v8  }
0x39b: {  	p2 =	sne.s32 s28, $0x27;
	v62 =	vmul.f32 $6.931471820e-01, v60;
	v5 =	vadd.f32 v17, v5;
	[tilespmem:v51+s1+$0x0] =	vst.idx.add.f32.msk $0xffff, v1;
	v1 =	vadd.f32 $-5.352748050e-15, v59  }
.Ltmp10:
0x39c: {  	v2 =	vadd.f32 v2, v10;
	[tilespmem:v53+s1+$0x0] =	vst.idx.add.f32.msk $0xffff, v3;
	v3 =	vmul.f32 $6.931471820e-01, v61;
	v63 =	vadd.f32 $-5.352748050e-15, v6;
	(pc) =	sbr.rel @p2 .LBB2_14-.Ltmp10, $4  }
0x39d: {  	[tilespmem:v55+s1+$0x0] =	vst.idx.add.f32.msk $0xffff, v5;
	v1 =	vadd.f32 v1, v62  }
0x39e: {  	[tilespmem:v23+s1+$0x0] =	vst.idx.add.f32.msk $0xffff, v2;
	v2 =	vadd.f32 v63, v3  }
0x39f: {  	[tilespmem:v24+s1+$0x0] =	vst.idx.add.f32.msk $0xffff, v1  }
0x3a0: {  	[tilespmem:v57+s1+$0x0] =	vst.idx.add.f32.msk $0xffff, v2  }
.Ltmp11:
0x3a1: {  	(pc) =	sbr.rel @p1 .LBB2_23-.Ltmp11, $1  }
0x3a2: {  	_ =	sdelay $0x3  }
0x3a3: {  	_ =	swait.ge [sflag:s15], $0x1400  }
0x3a4: {  	[sflag:s15] =	ssyncset.done $0x0  }
0x3a5: {  	[sflag:s15] =	ssyncadd.s32 $0xFFFFEC00  }
0x3a6: {  	_ =	swait.ge [sflag:s15], $0xA00  }
0x3a7: {  	[sflag:s15] =	ssyncset.done $0x0  }
0x3a8: {  	s6 =	simm.s32 $0x0;
	[sflag:s15] =	ssyncadd.s32 $0xFFFFF600  }
0x3a9: {  	v1 =	vld [tilespmem:s6+$0x1B010]  }
0x3aa: {  	v2 =	vld [tilespmem:s6+$0x1B000]  }
0x3ab: {  	v3 =	vld [tilespmem:s6+$0x1B020]  }
0x3ac: {  	v4 =	vld [tilespmem:s6+$0x1B030]  }
0x3ad: {  	v5 =	vld [tilespmem:s6+$0x1B040]  }
0x3ae: {  	v6 =	vld [tilespmem:s6+$0x1B050];
	_ =	sdelay $0x2  }
0x3af: {  	v1 =	vsub.f32 $1.000000000e+00, v1;
	v2 =	vsub.f32 $1.000000000e+00, v2  }
0x3b0: {  	v3 =	vsub.f32 $1.000000000e+00, v3;
	v4 =	vsub.f32 $1.000000000e+00, v4  }
0x3b1: {  	v5 =	vsub.f32 $1.000000000e+00, v5;
	v6 =	vsub.f32 $1.000000000e+00, v6  }
0x3b2: {  	v1 =	vadd.f32 $9.999999970e-07, v1;
	v7 =	vadd.f32 $9.999999970e-07, v3  }
0x3b3: {  	v8 =	vadd.f32 $9.999999970e-07, v2;
	v4 =	vadd.f32 $9.999999970e-07, v4  }
0x3b4: {  	v11 =	vadd.f32 $9.999999970e-07, v5;
	v2 =	vadd.s32 $0xC0CAFB0D, v1;
	v10 =	vadd.s32 $0xC0CAFB0D, v7  }
0x3b5: {  	v3 =	vadd.s32 $0xC0CAFB0D, v8;
	v9 =	vshra.s32 v2, $0x17;
	v2 =	vand.u32 $0xFF800000, v2  }
0x3b6: {  	v22 =	vadd.s32 $0xC0CAFB0D, v4;
	v12 =	vand.u32 $0xFF800000, v3;
	v1 =	vsub.s32 v1, v2  }
0x3b7: {  	v2 =	vand.u32 $0xFF800000, v10;
	v14 =	vadd.f32 $-1.000000000e+00, v1;
	v1 =	vcvt.s32.f32 v9  }
0x3b8: {  	v13 =	vadd.s32 $0xC0CAFB0D, v11;
	v8 =	vsub.s32 v8, v12;
	v12 =	vld [tilespmem:s6+$0x1B060];
	v5 =	vsub.s32 v7, v2  }
0x3b9: {  	v9 =	vand.u32 $0xFF800000, v22;
	v7 =	vmul.f32 $1.423019320e-01, v14;
	v2 =	vmul.f32 $6.931471820e-01, v1  }
0x3ba: {  	v1 =	vadd.f32 $-1.000000000e+00, v5;
	v5 =	vshra.s32 v13, $0x17;
	v13 =	vand.u32 $0xFF800000, v13  }
0x3bb: {  	v4 =	vsub.s32 v4, v9;
	v9 =	vsub.s32 v11, v13;
	v7 =	vsub.f32 $2.232526540e-01, v7  }
0x3bc: {  	v15 =	vadd.f32 $-1.000000000e+00, v9;
	v9 =	vadd.f32 $9.999999970e-07, v6  }
0x3bd: {  	v6 =	vadd.f32 $-1.000000000e+00, v8;
	v12 =	vsub.f32 $1.000000000e+00, v12  }
0x3be: {  	v8 =	vmul.f32 $1.423019320e-01, v1;
	v11 =	vmul.f32 v7, v14;
	v7 =	vadd.f32 $-1.000000000e+00, v4  }
0x3bf: {  	v13 =	vadd.s32 $0xC0CAFB0D, v9;
	v16 =	vmul.f32 $1.423019320e-01, v6;
	v20 =	vadd.f32 $9.999999970e-07, v12  }
0x3c0: {  	v18 =	vand.u32 $0xFF800000, v13;
	v4 =	vadd.f32 $-2.548729780e-01, v11;
	v11 =	vmul.f32 $1.423019320e-01, v15  }
0x3c1: {  	v8 =	vsub.f32 $2.232526540e-01, v8;
	v17 =	vmul.f32 $1.423019320e-01, v7;
	v9 =	vsub.s32 v9, v18  }
0x3c2: {  	v16 =	vsub.f32 $2.232526540e-01, v16;
	v12 =	vadd.s32 $0xC0CAFB0D, v20;
	v11 =	vsub.f32 $2.232526540e-01, v11  }
0x3c3: {  	v8 =	vmul.f32 v8, v1;
	v4 =	vmul.f32 v4, v14;
	v17 =	vsub.f32 $2.232526540e-01, v17  }
0x3c4: {  	v18 =	vshra.s32 v13, $0x17;
	v21 =	vand.u32 $0xFF800000, v12;
	v11 =	vmul.f32 v11, v15  }
0x3c5: {  	v8 =	vadd.f32 $-2.548729780e-01, v8;
	v13 =	vadd.f32 $3.322423400e-01, v4;
	v17 =	vmul.f32 v17, v7  }
0x3c6: {  	v16 =	vmul.f32 v16, v6;
	v4 =	vadd.f32 $-1.000000000e+00, v9;
	v9 =	vld [tilespmem:s6+$0x1B070];
	v11 =	vadd.f32 $-2.548729780e-01, v11  }
0x3c7: {  	v20 =	vsub.s32 v20, v21;
	v13 =	vmul.f32 v13, v14;
	v17 =	vadd.f32 $-2.548729780e-01, v17  }
0x3c8: {  	v16 =	vadd.f32 $-2.548729780e-01, v16;
	v19 =	vmul.f32 $1.423019320e-01, v4;
	v11 =	vmul.f32 v11, v15  }
0x3c9: {  	v25 =	vmul.f32 v8, v1;
	v13 =	vadd.f32 $-4.998440440e-01, v13;
	v17 =	vmul.f32 v17, v7  }
0x3ca: {  	v16 =	vmul.f32 v16, v6;
	v19 =	vsub.f32 $2.232526540e-01, v19;
	v11 =	vadd.f32 $3.322423400e-01, v11  }
0x3cb: {  	v9 =	vsub.f32 $1.000000000e+00, v9;
	v13 =	vmul.f32 v13, v14;
	v17 =	vadd.f32 $3.322423400e-01, v17  }
0x3cc: {  	v16 =	vadd.f32 $3.322423400e-01, v16;
	v19 =	vmul.f32 v19, v4;
	v11 =	vmul.f32 v11, v15  }
0x3cd: {  	v9 =	vadd.f32 $9.999999970e-07, v9;
	v23 =	vadd.f32 $1.000014420e+00, v13;
	v17 =	vmul.f32 v17, v7  }
0x3ce: {  	v13 =	vshra.s32 v10, $0x17;
	v10 =	vadd.f32 $-2.548729780e-01, v19;
	v11 =	vadd.f32 $-4.998440440e-01, v11  }
0x3cf: {  	v16 =	vmul.f32 v16, v6;
	v24 =	vadd.s32 $0xC0CAFB0D, v9;
	v17 =	vadd.f32 $-4.998440440e-01, v17  }
0x3d0: {  	v10 =	vmul.f32 v10, v4;
	v19 =	vand.u32 $0xFF800000, v24;
	v11 =	vmul.f32 v11, v15  }
0x3d1: {  	v21 =	vsub.s32 v9, v19;
	v9 =	vadd.f32 $-1.000000000e+00, v20;
	v8 =	vmul.f32 v17, v7  }
0x3d2: {  	v20 =	vadd.f32 $-4.998440440e-01, v16;
	v11 =	vadd.f32 $1.000014420e+00, v11  }
0x3d3: {  	v14 =	vmul.f32 v23, v14;
	v10 =	vadd.f32 $3.322423400e-01, v10;
	v19 =	vadd.f32 $1.000014420e+00, v8  }
0x3d4: {  	v8 =	vadd.f32 $-1.000000000e+00, v21;
	v17 =	vmul.f32 v11, v15;
	v11 =	vmul.f32 $1.423019320e-01, v9  }
0x3d5: {  	v16 =	vmul.f32 v10, v4;
	v15 =	vmul.f32 v20, v6;
	v20 =	vadd.f32 $3.322423400e-01, v25  }
0x3d6: {  	v10 =	vcvt.s32.f32 v18;
	v21 =	vmul.f32 $1.423019320e-01, v8;
	v11 =	vsub.f32 $2.232526540e-01, v11  }
0x3d7: {  	v18 =	vadd.f32 $1.000014420e+00, v15;
	v15 =	vadd.f32 $-5.352748050e-15, v14;
	v20 =	vmul.f32 v20, v1  }
0x3d8: {  	s22 =	simm.s32 $0x188F0;
	s23 =	simm.s32 $0x200;
	s11 =	simm.s32 $0x188F0;
	v14 =	vshra.s32 v22, $0x17;
	v22 =	vmul.f32 v11, v9;
	v11 =	vshra.s32 v24, $0x17  }
.LBB2_21:
0x3d9: {  	p2 =	sne.s32 s23, $0x2600  }
0x3da: {  	v13 =	vcvt.s32.f32 v13;
	v12 =	vshra.s32 v12, $0x17;
	v21 =	vsub.f32 $2.232526540e-01, v21;
	s22 =	sadd.s32 $0x100, s22;
	s6 =	smov.u32 s23;
	s23 =	sadd.s32 $0x200, s23  }
0x3db: {  	v7 =	vmul.f32 v19, v7;
	v17 =	vadd.f32 $-5.352748050e-15, v17;
	v19 =	vadd.f32 $-2.548729780e-01, v22  }
0x3dc: {  	v3 =	vshra.s32 v3, $0x17;
	v13 =	vmul.f32 $6.931471820e-01, v13;
	v21 =	vmul.f32 v21, v8  }
0x3dd: {  	v20 =	vadd.f32 $-4.998440440e-01, v20;
	v16 =	vadd.f32 $-4.998440440e-01, v16;
	v19 =	vmul.f32 v19, v9  }
0x3de: {  	v6 =	vmul.f32 v18, v6;
	v3 =	vcvt.s32.f32 v3;
	v22 =	vld [tilespmem:s11+$0xFFFFFF90];
	v18 =	vadd.f32 $-2.548729780e-01, v21  }
0x3df: {  	v5 =	vcvt.s32.f32 v5;
	v20 =	vmul.f32 v20, v1;
	v19 =	vadd.f32 $3.322423400e-01, v19;
	v21 =	vld [tilespmem:s11+$0x0]  }
0x3e0: {  	v6 =	vadd.f32 $-5.352748050e-15, v6;
	v3 =	vmul.f32 $6.931471820e-01, v3;
	v23 =	vld [tilespmem:s11+$0xFFFFFFA0];
	v18 =	vmul.f32 v18, v8  }
0x3e1: {  	v2 =	vadd.f32 v15, v2;
	v20 =	vadd.f32 $1.000014420e+00, v20;
	v15 =	vld [tilespmem:s11+$0xFFFFFFB0];
	v19 =	vmul.f32 v19, v9  }
0x3e2: {  	v14 =	vcvt.s32.f32 v14;
	v16 =	vmul.f32 v16, v4;
	v24 =	vld [tilespmem:s11+$0xFFFFFFC0];
	v18 =	vadd.f32 $3.322423400e-01, v18  }
0x3e3: {  	v3 =	vadd.f32 v6, v3;
	v6 =	vadd.f32 $-5.352748050e-15, v7;
	v1 =	vmul.f32 v20, v1;
	v7 =	vld [tilespmem:s11+$0xFFFFFFD0]  }
0x3e4: {  	v16 =	vadd.f32 $1.000014420e+00, v16;
	v19 =	vadd.f32 $-4.998440440e-01, v19;
	v20 =	vld [tilespmem:s11+$0xFFFFFFF0];
	v18 =	vmul.f32 v18, v8  }
0x3e5: {  	v14 =	vmul.f32 $6.931471820e-01, v14;
	v5 =	vmul.f32 $6.931471820e-01, v5;
	v1 =	vadd.f32 $-5.352748050e-15, v1;
	v25 =	vld [tilespmem:s11+$0xFFFFFFE0];
	s11 =	smov.u32 s22  }
0x3e6: {  	v19 =	vmul.f32 v19, v9;
	v18 =	vadd.f32 $-4.998440440e-01, v18;
	[tilespmem:v22+s1+$0x0] =	vst.idx.add.f32.msk $0xffff, v3  }
0x3e7: {  	v4 =	vmul.f32 v16, v4;
	v1 =	vadd.f32 v1, v13;
	v3 =	vadd.f32 v17, v5  }
0x3e8: {  	v5 =	vadd.f32 v6, v14;
	v6 =	vadd.f32 $1.000014420e+00, v19;
	v13 =	vmul.f32 v18, v8;
	[tilespmem:v23+s1+$0x0] =	vst.idx.add.f32.msk $0xffff, v2  }
0x3e9: {  	v2 =	vadd.f32 $-5.352748050e-15, v4;
	v4 =	vmul.f32 $6.931471820e-01, v10;
	[tilespmem:v15+s1+$0x0] =	vst.idx.add.f32.msk $0xffff, v1  }
0x3ea: {  	v1 =	vmul.f32 v6, v9;
	v6 =	vcvt.s32.f32 v12;
	v9 =	vadd.f32 $1.000014420e+00, v13;
	[tilespmem:v24+s1+$0x0] =	vst.idx.add.f32.msk $0xffff, v5  }
0x3eb: {  	v2 =	vadd.f32 v2, v4;
	v4 =	vcvt.s32.f32 v11;
	[tilespmem:v7+s1+$0x0] =	vst.idx.add.f32.msk $0xffff, v3  }
0x3ec: {  	v1 =	vadd.f32 $-5.352748050e-15, v1;
	v3 =	vmul.f32 $6.931471820e-01, v6;
	v5 =	vmul.f32 v9, v8  }
0x3ed: {  	v4 =	vmul.f32 $6.931471820e-01, v4;
	[tilespmem:v25+s1+$0x0] =	vst.idx.add.f32.msk $0xffff, v2  }
0x3ee: {  	v1 =	vadd.f32 v1, v3;
	v2 =	vadd.f32 $-5.352748050e-15, v5;
	_ =	sdelay $0x1  }
0x3ef: {  	v2 =	vadd.f32 v2, v4;
	[tilespmem:v20+s1+$0x0] =	vst.idx.add.f32.msk $0xffff, v1;
	_ =	sdelay $0x1  }
0x3f0: {  	s6 =	sshra.s32 s6, $0x2;
	[tilespmem:v21+s1+$0x0] =	vst.idx.add.f32.msk $0xffff, v2  }
0x3f1: {  	v1 =	vld [tilespmem:s6+$0x1B010]  }
0x3f2: {  	v2 =	vld [tilespmem:s6+$0x1B000]  }
0x3f3: {  	v3 =	vld [tilespmem:s6+$0x1B020]  }
0x3f4: {  	v4 =	vld [tilespmem:s6+$0x1B030]  }
0x3f5: {  	v5 =	vld [tilespmem:s6+$0x1B040];
	_ =	sdelay $0x1  }
0x3f6: {  	v1 =	vsub.f32 $1.000000000e+00, v1;
	v2 =	vsub.f32 $1.000000000e+00, v2  }
0x3f7: {  	v3 =	vsub.f32 $1.000000000e+00, v3  }
0x3f8: {  	v1 =	vadd.f32 $9.999999970e-07, v1;
	v4 =	vsub.f32 $1.000000000e+00, v4;
	v6 =	vld [tilespmem:s6+$0x1B050]  }
0x3f9: {  	v7 =	vadd.f32 $9.999999970e-07, v3;
	v5 =	vsub.f32 $1.000000000e+00, v5  }
0x3fa: {  	v8 =	vadd.f32 $9.999999970e-07, v2;
	v2 =	vadd.s32 $0xC0CAFB0D, v1;
	v4 =	vadd.f32 $9.999999970e-07, v4  }
0x3fb: {  	v9 =	vshra.s32 v2, $0x17;
	v2 =	vand.u32 $0xFF800000, v2;
	v10 =	vadd.s32 $0xC0CAFB0D, v7  }
0x3fc: {  	v3 =	vadd.s32 $0xC0CAFB0D, v8;
	v1 =	vsub.s32 v1, v2;
	v12 =	vadd.f32 $9.999999970e-07, v5  }
0x3fd: {  	v14 =	vadd.f32 $-1.000000000e+00, v1;
	v1 =	vcvt.s32.f32 v9;
	v2 =	vand.u32 $0xFF800000, v10  }
0x3fe: {  	v11 =	vadd.s32 $0xC0CAFB0D, v4;
	v5 =	vsub.s32 v7, v2;
	v6 =	vsub.f32 $1.000000000e+00, v6  }
0x3ff: {  	v9 =	vand.u32 $0xFF800000, v11;
	v7 =	vmul.f32 $1.423019320e-01, v14;
	v2 =	vmul.f32 $6.931471820e-01, v1;
	v13 =	vld [tilespmem:s6+$0x1B060]  }
0x400: {  	v15 =	vand.u32 $0xFF800000, v3;
	v16 =	vadd.s32 $0xC0CAFB0D, v12;
	v1 =	vadd.f32 $-1.000000000e+00, v5  }
0x401: {  	v5 =	vshra.s32 v16, $0x17;
	v16 =	vand.u32 $0xFF800000, v16;
	v7 =	vsub.f32 $2.232526540e-01, v7  }
0x402: {  	v8 =	vsub.s32 v8, v15;
	v4 =	vsub.s32 v4, v9;
	v9 =	vsub.s32 v12, v16  }
0x403: {  	v15 =	vadd.f32 $-1.000000000e+00, v9;
	v9 =	vadd.f32 $9.999999970e-07, v6;
	v12 =	vmul.f32 v7, v14  }
0x404: {  	v6 =	vadd.f32 $-1.000000000e+00, v8;
	v8 =	vmul.f32 $1.423019320e-01, v1;
	v7 =	vadd.f32 $-1.000000000e+00, v4  }
0x405: {  	v16 =	vadd.s32 $0xC0CAFB0D, v9;
	v4 =	vadd.f32 $-2.548729780e-01, v12;
	v12 =	vmul.f32 $1.423019320e-01, v15  }
0x406: {  	v17 =	vmul.f32 $1.423019320e-01, v6;
	v19 =	vand.u32 $0xFF800000, v16;
	v18 =	vmul.f32 $1.423019320e-01, v7  }
0x407: {  	v9 =	vsub.s32 v9, v19;
	v4 =	vmul.f32 v4, v14;
	v12 =	vsub.f32 $2.232526540e-01, v12  }
0x408: {  	v20 =	vshra.s32 v16, $0x17;
	v17 =	vsub.f32 $2.232526540e-01, v17;
	v18 =	vsub.f32 $2.232526540e-01, v18;
	v16 =	vld [tilespmem:s6+$0x1B070]  }
0x409: {  	v19 =	vadd.f32 $3.322423400e-01, v4;
	v12 =	vmul.f32 v12, v15;
	v4 =	vadd.f32 $-1.000000000e+00, v9  }
0x40a: {  	v8 =	vsub.f32 $2.232526540e-01, v8;
	v13 =	vsub.f32 $1.000000000e+00, v13;
	v9 =	vmul.f32 v18, v7  }
0x40b: {  	v17 =	vmul.f32 v17, v6;
	v18 =	vmul.f32 v19, v14;
	v12 =	vadd.f32 $-2.548729780e-01, v12  }
0x40c: {  	v21 =	vadd.f32 $9.999999970e-07, v13;
	v9 =	vadd.f32 $-2.548729780e-01, v9;
	v19 =	vmul.f32 $1.423019320e-01, v4  }
0x40d: {  	v13 =	vadd.f32 $-2.548729780e-01, v17;
	v17 =	vadd.f32 $-4.998440440e-01, v18;
	v18 =	vmul.f32 v12, v15  }
0x40e: {  	v9 =	vmul.f32 v9, v7;
	v19 =	vsub.f32 $2.232526540e-01, v19;
	v12 =	vadd.s32 $0xC0CAFB0D, v21  }
0x40f: {  	v16 =	vsub.f32 $1.000000000e+00, v16;
	v17 =	vmul.f32 v17, v14;
	v18 =	vadd.f32 $3.322423400e-01, v18  }
0x410: {  	v22 =	vand.u32 $0xFF800000, v12;
	v9 =	vadd.f32 $3.322423400e-01, v9;
	v19 =	vmul.f32 v19, v4  }
0x411: {  	v16 =	vadd.f32 $9.999999970e-07, v16;
	v23 =	vadd.f32 $1.000014420e+00, v17;
	v17 =	vmul.f32 v18, v15  }
0x412: {  	v18 =	vmul.f32 v13, v6;
	v13 =	vshra.s32 v10, $0x17;
	v10 =	vadd.f32 $-2.548729780e-01, v19  }
0x413: {  	v8 =	vmul.f32 v8, v1;
	v24 =	vadd.s32 $0xC0CAFB0D, v16;
	v17 =	vadd.f32 $-4.998440440e-01, v17  }
0x414: {  	v9 =	vmul.f32 v9, v7;
	v10 =	vmul.f32 v10, v4;
	v19 =	vand.u32 $0xFF800000, v24  }
0x415: {  	v8 =	vadd.f32 $-2.548729780e-01, v8;
	v18 =	vadd.f32 $3.322423400e-01, v18;
	v17 =	vmul.f32 v17, v15  }
0x416: {  	v21 =	vsub.s32 v21, v22;
	v9 =	vadd.f32 $-4.998440440e-01, v9;
	v10 =	vadd.f32 $3.322423400e-01, v10  }
0x417: {  	v22 =	vsub.s32 v16, v19;
	v18 =	vmul.f32 v18, v6;
	v17 =	vadd.f32 $1.000014420e+00, v17  }
0x418: {  	v25 =	vmul.f32 v8, v1;
	v8 =	vmul.f32 v9, v7;
	v9 =	vadd.f32 $-1.000000000e+00, v21  }
0x419: {  	v18 =	vadd.f32 $-4.998440440e-01, v18;
	v16 =	vmul.f32 v10, v4;
	v17 =	vmul.f32 v17, v15  }
.Ltmp12:
0x41a: {  	v19 =	vadd.f32 $1.000014420e+00, v8;
	v8 =	vadd.f32 $-1.000000000e+00, v22;
	v15 =	vmul.f32 $1.423019320e-01, v9;
	(pc) =	sbr.rel @p2 .LBB2_21-.Ltmp12, $4  }
0x41b: {  	v14 =	vmul.f32 v23, v14;
	v22 =	vadd.f32 $3.322423400e-01, v25;
	v18 =	vmul.f32 v18, v6  }
0x41c: {  	v10 =	vcvt.s32.f32 v20;
	v21 =	vmul.f32 $1.423019320e-01, v8;
	v23 =	vsub.f32 $2.232526540e-01, v15  }
0x41d: {  	v20 =	vmul.f32 v22, v1;
	v18 =	vadd.f32 $1.000014420e+00, v18;
	v15 =	vadd.f32 $-5.352748050e-15, v14  }
0x41e: {  	v14 =	vshra.s32 v11, $0x17;
	v11 =	vshra.s32 v24, $0x17;
	v22 =	vmul.f32 v23, v9  }
0x41f: {  	v21 =	vsub.f32 $2.232526540e-01, v21;
	_ =	sdelay $0x1  }
0x420: {  	v21 =	vmul.f32 v21, v8  }
0x421: {  	v13 =	vcvt.s32.f32 v13;
	v12 =	vshra.s32 v12, $0x17;
	v22 =	vadd.f32 $-2.548729780e-01, v22  }
0x422: {  	v7 =	vmul.f32 v19, v7;
	v17 =	vadd.f32 $-5.352748050e-15, v17;
	v44 =	vadd.f32 $-2.548729780e-01, v21  }
0x423: {  	v3 =	vshra.s32 v3, $0x17;
	v20 =	vadd.f32 $-4.998440440e-01, v20;
	v45 =	vmul.f32 v22, v9  }
0x424: {  	v16 =	vadd.f32 $-4.998440440e-01, v16;
	v6 =	vmul.f32 v18, v6;
	v19 =	vmul.f32 v44, v8  }
0x425: {  	v5 =	vcvt.s32.f32 v5;
	v14 =	vcvt.s32.f32 v14;
	v47 =	vadd.f32 $3.322423400e-01, v45  }
0x426: {  	v48 =	vld [tilespmem:s11+$0xFFFFFF90];
	v10 =	vmul.f32 $6.931471820e-01, v10;
	v61 =	vcvt.s32.f32 v11;
	v19 =	vadd.f32 $3.322423400e-01, v19  }
0x427: {  	v49 =	vld [tilespmem:s11+$0xFFFFFFA0];
	v2 =	vadd.f32 v15, v2;
	v46 =	vmul.f32 v20, v1;
	v20 =	vmul.f32 v47, v9  }
0x428: {  	v51 =	vld [tilespmem:s11+$0xFFFFFFB0];
	v3 =	vcvt.s32.f32 v3;
	v6 =	vadd.f32 $-5.352748050e-15, v6;
	v50 =	vmul.f32 v19, v8  }
0x429: {  	v53 =	vld [tilespmem:s11+$0xFFFFFFC0];
	v60 =	vcvt.s32.f32 v12;
	v18 =	vadd.f32 $1.000014420e+00, v46;
	v52 =	vadd.f32 $-4.998440440e-01, v20  }
0x42a: {  	v55 =	vld [tilespmem:s11+$0xFFFFFFD0];
	v16 =	vmul.f32 v16, v4;
	v3 =	vmul.f32 $6.931471820e-01, v3;
	v54 =	vadd.f32 $-4.998440440e-01, v50  }
0x42b: {  	v23 =	vld [tilespmem:s11+$0xFFFFFFE0];
	v7 =	vadd.f32 $-5.352748050e-15, v7;
	v1 =	vmul.f32 v18, v1;
	v18 =	vmul.f32 v52, v9  }
0x42c: {  	v24 =	vld [tilespmem:s11+$0xFFFFFFF0];
	v16 =	vadd.f32 $1.000014420e+00, v16;
	v3 =	vadd.f32 v6, v3;
	v6 =	vmul.f32 v54, v8  }
0x42d: {  	v13 =	vmul.f32 $6.931471820e-01, v13;
	v1 =	vadd.f32 $-5.352748050e-15, v1;
	v56 =	vadd.f32 $1.000014420e+00, v18  }
0x42e: {  	v57 =	vld [tilespmem:s11+$0x0];
	v14 =	vmul.f32 $6.931471820e-01, v14;
	v58 =	vmul.f32 v16, v4;
	v6 =	vadd.f32 $1.000014420e+00, v6  }
0x42f: {  	v5 =	vmul.f32 $6.931471820e-01, v5;
	[tilespmem:v48+s1+$0x0] =	vst.idx.add.f32.msk $0xffff, v3;
	v1 =	vadd.f32 v1, v13;
	v59 =	vmul.f32 v56, v9  }
0x430: {  	v3 =	vadd.f32 v7, v14;
	[tilespmem:v49+s1+$0x0] =	vst.idx.add.f32.msk $0xffff, v2;
	v2 =	vadd.f32 $-5.352748050e-15, v58;
	v6 =	vmul.f32 v6, v8  }
0x431: {  	v62 =	vmul.f32 $6.931471820e-01, v60;
	v5 =	vadd.f32 v17, v5;
	[tilespmem:v51+s1+$0x0] =	vst.idx.add.f32.msk $0xffff, v1;
	v1 =	vadd.f32 $-5.352748050e-15, v59  }
.Ltmp13:
0x432: {  	v2 =	vadd.f32 v2, v10;
	[tilespmem:v53+s1+$0x0] =	vst.idx.add.f32.msk $0xffff, v3;
	v3 =	vmul.f32 $6.931471820e-01, v61;
	v63 =	vadd.f32 $-5.352748050e-15, v6;
	(pc) =	sbr.rel .LBB2_23-.Ltmp13, $4  }
0x433: {  	[tilespmem:v55+s1+$0x0] =	vst.idx.add.f32.msk $0xffff, v5;
	v1 =	vadd.f32 v1, v62  }
0x434: {  	[tilespmem:v23+s1+$0x0] =	vst.idx.add.f32.msk $0xffff, v2;
	v2 =	vadd.f32 v63, v3  }
0x435: {  	[tilespmem:v24+s1+$0x0] =	vst.idx.add.f32.msk $0xffff, v1  }
0x436: {  	[tilespmem:v57+s1+$0x0] =	vst.idx.add.f32.msk $0xffff, v2  }
.LBB2_24:
0x437: {  	_ =	sfence.sel $0x180000  }
0x438: {  	[bflag:$0x0] =	sbarrier.arrive $0xFFFF  }
0x439: {  	_ =	strace $0x90000047  }
0x43a: {  	s0 =	stileid.u32;
	[bflag:$0x2] =	sbarrier.arrive $0xFFFF  }
0x43b: {  	p0 =	sne.s32 s0, $0x0;
	s0 =	rddreg [dreg:$0x3]  }
0x43c: {  	s0 =	sadd.s32 @!p0 $0x100000, s0  }
0x43d: {  	[sflag:s0] =	ssyncadd.tile.s32 @!p0 $0x1;
	_ =	shalt  }
.Lfunc_end2:
_tile_overlayer_lowered:
.L_overlay_start_2:
0x43e: {  	(tag) =	ssettag $0x2  }
0x43f: {  	s0 =	rddreg [dreg:$0x0];
	s2 =	stileid.u32  }
0x440: {  	s1 =	rddreg [dreg:$0x1];
	p0 =	sne.s32 s2, $0x0  }
0x441: {  	s3 =	rddreg [dreg:$0x2];
	[bflag:$0x3] =	sbarrier.arrive $0xFFFF;
	s2 =	simm.s32 @!p0 $0x1C04  }
0x442: {  	[timem:s3], [sflag:s2] =	dma.local @!p0 [hbm:s0], s1  }
0x443: {  	s0 =	simm.s32 @!p0 $0x4  }
0x444: {  	_ =	swait.ge @!p0 [sflag:s0], s1  }
0x445: {  	s1 =	ssub.s32 @!p0 $0x0, s1;
	[sflag:s0] =	ssyncset.done @!p0 $0x0  }
0x446: {  	[sflag:s0] =	ssyncadd.s32 @!p0 s1  }
0x447: {  	[bflag:$0x3] =	sbarrier.arrive $0xFFFF  }
0x448: {  	_ =	shalt  }

</sc_bundles>
